<compile_context>
chip_gen: v7x
topology: tpu7x:2x2x1
jax: 0.10.2.dev20260603
libtpu: 0.0.44.dev20260713+nightly
codegen_flags: <defaults>
</compile_context>

<pallas_src>
import functools

import jax
import jax.numpy as jnp
from jax import lax
from jax.experimental import pallas as pl
from jax.experimental.pallas import tpu as pltpu
from jax.experimental.pallas import tpu_sc as plsc

N = 10000
E = 320000
D_IN = 128
D_HID = 128
D_OUT = 64
DH = D_HID // 2

NC = 2
NS = 16
NW = NC * NS
K = 128
NCH = 80
E_PAD = NW * NCH * K
TCH = E_PAD // (NS * K)
CPP = 40
NPAD = N + 8
RPT = 624
REM = N - RPT * NS

_f32 = jnp.float32


def _zero_acc(s, zrow, acc):
  off = pl.multiple_of(s * RPT, 8)
  pltpu.sync_copy(zrow.at[pl.ds(off, RPT)], acc.at[pl.ds(off, RPT)])

  @pl.when(s == NS - 1)
  def _():
    pltpu.sync_copy(zrow.at[pl.ds(0, REM + 8)],
                    acc.at[pl.ds(RPT * NS, REM + 8)])

  return off


def _stage_table(s, zh, table):
  off = pl.multiple_of(s * RPT, 8)
  pltpu.sync_copy(zh.at[pl.ds(off, RPT)], table.at[pl.ds(off, RPT)])

  @pl.when(s == NS - 1)
  def _():
    pltpu.sync_copy(zh.at[pl.ds(RPT * NS, REM)],
                    table.at[pl.ds(RPT * NS, REM)])


def _copy_out(c, s, off, acc, out):
  pltpu.sync_copy(acc.at[pl.ds(off, RPT)], out.at[c, pl.ds(off, RPT)])

  @pl.when(s == NS - 1)
  def _():
    pltpu.sync_copy(acc.at[pl.ds(RPT * NS, REM)],
                    out.at[c, pl.ds(RPT * NS, REM)])


def _agg_loop(tables, acc, src_idx, dst_idx, srcv, dstv, rowsv, gsem,
              n_chunks, idx_row):
  for p in range(n_chunks // CPP):
    pltpu.sync_copy(src_idx.at[idx_row, pl.ds(p * CPP, CPP)], srcv)
    pltpu.sync_copy(dst_idx.at[idx_row, pl.ds(p * CPP, CPP)], dstv)
    pltpu.async_copy(tables[0].at[srcv.at[0]], rowsv.at[0], gsem[0])
    pltpu.async_copy(tables[1].at[srcv.at[1]], rowsv.at[1], gsem[1])

    def quad(j, carry):
      for b4 in range(4):
        i = j * 4 + b4
        b = b4 % 2
        pltpu.make_async_copy(tables[b4].at[srcv.at[i]], rowsv.at[b],
                              gsem[b]).wait()
        pltpu.sync_copy(rowsv.at[b], acc.at[dstv.at[i]], add=True)

        @pl.when(i + 2 < CPP)
        def _():
          pltpu.async_copy(tables[(b4 + 2) % 4].at[srcv.at[i + 2]],
                           rowsv.at[b], gsem[b])

      return carry

    lax.fori_loop(0, CPP // 4, quad, 0)


def _make_sc_agg_hbm128():
  mesh = plsc.VectorSubcoreMesh(core_axis_name="c", subcore_axis_name="s")
  out_type = [jax.ShapeDtypeStruct((NC, N, D_HID), _f32)]
  scratch = [
      pltpu.VMEM((CPP, K), jnp.int32),
      pltpu.VMEM((CPP, K), jnp.int32),
      pltpu.VMEM((2, K, D_HID), _f32),
      pltpu.VMEM_SHARED((NPAD, D_HID), _f32),
      pltpu.SemaphoreType.DMA,
      pltpu.SemaphoreType.DMA,
  ]

  def body(za, zb, zc, zd, src3, dst3, zrow, agg_out, srcv, dstv, rowsv,
           acc, g0, g1):
    c = lax.axis_index("c")
    s = lax.axis_index("s")
    wid = c * NS + s
    off = _zero_acc(s, zrow, acc)
    plsc.subcore_barrier()
    _agg_loop((za, zb, zc, zd), acc, src3, dst3, srcv, dstv, rowsv,
              (g0, g1), NCH, wid)
    plsc.subcore_barrier()
    _copy_out(c, s, off, acc, agg_out)

  return pl.kernel(body, mesh=mesh, out_type=out_type, scratch_types=scratch)


def _make_sc_agg_hbm64():
  mesh = plsc.VectorSubcoreMesh(core_axis_name="c", subcore_axis_name="s")
  out_type = [jax.ShapeDtypeStruct((NC, N, DH), _f32)]
  scratch = [
      pltpu.VMEM((CPP, K), jnp.int32),
      pltpu.VMEM((CPP, K), jnp.int32),
      pltpu.VMEM((2, K, DH), _f32),
      pltpu.VMEM_SHARED((NPAD, DH), _f32),
      pltpu.SemaphoreType.DMA,
      pltpu.SemaphoreType.DMA,
  ]

  def body(za, zb, zc, zd, src3, dst3, zrow, agg_out, srcv, dstv, rowsv,
           acc, g0, g1):
    c = lax.axis_index("c")
    s = lax.axis_index("s")
    wid = c * NS + s
    off = _zero_acc(s, zrow, acc)
    plsc.subcore_barrier()
    _agg_loop((za, zb, zc, zd), acc, src3, dst3, srcv, dstv, rowsv,
              (g0, g1), NCH, wid)
    plsc.subcore_barrier()
    _copy_out(c, s, off, acc, agg_out)

  return pl.kernel(
      body, mesh=mesh, out_type=out_type, scratch_types=scratch,
      compiler_params=pltpu.CompilerParams(use_tc_tiling_on_sc=False))


def _make_sc_cnt():
  mesh = plsc.VectorSubcoreMesh(core_axis_name="c", subcore_axis_name="s")
  out_type = [jax.ShapeDtypeStruct((NC, N, D_HID), _f32)]
  scratch = [
      pltpu.VMEM((NCH, K), jnp.int32),
      pltpu.VMEM((K, D_HID), _f32),
      pltpu.VMEM_SHARED((NPAD, D_HID), _f32),
  ]

  def body(dst3, zrow, one_tab, cnt_out, dstv, onesv, acc):
    c = lax.axis_index("c")
    s = lax.axis_index("s")
    wid = c * NS + s
    pltpu.sync_copy(dst3.at[wid], dstv)
    pltpu.sync_copy(one_tab, onesv)
    off = _zero_acc(s, zrow, acc)
    plsc.subcore_barrier()

    def chunk(i, carry):
      pltpu.sync_copy(onesv, acc.at[dstv.at[i]], add=True)
      return carry

    lax.fori_loop(0, NCH, chunk, 0)
    plsc.subcore_barrier()
    _copy_out(c, s, off, acc, cnt_out)

  return pl.kernel(body, mesh=mesh, out_type=out_type, scratch_types=scratch)


_sc_agg_hbm128 = functools.lru_cache(maxsize=None)(_make_sc_agg_hbm128)
_sc_agg_hbm64 = functools.lru_cache(maxsize=None)(_make_sc_agg_hbm64)
_sc_cnt = functools.lru_cache(maxsize=None)(_make_sc_cnt)


BN = 1000


def _row_spec(d):
  return pl.BlockSpec((BN, d), lambda i: (i, 0))


def _full_spec(shape):
  return pl.BlockSpec(shape, lambda i: (0, 0))


def _dot(a, b):
  return jnp.dot(a, b, preferred_element_type=_f32,
                 precision=lax.Precision.HIGHEST)


def _ln(pre, g, be):
  mu = jnp.mean(pre, axis=-1, keepdims=True)
  dv = pre - mu
  var = jnp.mean(dv * dv, axis=-1, keepdims=True)
  return dv / jnp.sqrt(var + 1e-5) * g + be


def _tc_pre(x, wl, wr, bl):
  d_in, d_out = wl.shape

  def body(x_r, wl_r, wr_r, bl_r, *outs):
    xv = x_r[...]
    z = _dot(xv, wl_r[...])
    for zo in outs[:4]:
      zo[...] = z
    outs[4][...] = _dot(xv, wr_r[...]) + bl_r[...]

  return pl.pallas_call(
      body,
      grid=(N // BN,),
      in_specs=[_row_spec(d_in), _full_spec(wl.shape), _full_spec(wr.shape),
                _full_spec((1, d_out))],
      out_specs=[_row_spec(d_out)] * 5,
      out_shape=[jax.ShapeDtypeStruct((N, d_out), _f32)] * 5,
  )(x, wl, wr, bl.reshape(1, -1))


def _tc_mid(aggA, aggB, cnta, cntb, r, g, be, wl, wr, bl):
  d = r.shape[1]
  da = aggA.shape[1]
  dz = wl.shape[1]
  dr = wr.shape[1]

  def body(aa_r, ab_r, ca_r, cb_r, r_r, g_r, be_r, wl_r, wr_r, bl_r,
           *outs):
    cnt = jnp.maximum(ca_r[...] + cb_r[...], 1.0)
    pre = (aa_r[...] + ab_r[...]) / cnt + r_r[...]
    h = jnp.maximum(_ln(pre, g_r[...], be_r[...]), 0.0)
    z = _dot(h, wl_r[...])
    for zo in outs[:4]:
      zo[...] = z
    outs[4][...] = _dot(h, wr_r[...]) + bl_r[...]

  return pl.pallas_call(
      body,
      grid=(N // BN,),
      in_specs=[_row_spec(da), _row_spec(da),
                pl.BlockSpec((BN, 1), lambda i: (i, 0)),
                pl.BlockSpec((BN, 1), lambda i: (i, 0)),
                _row_spec(d), _full_spec((1, d)), _full_spec((1, d)),
                _full_spec(wl.shape), _full_spec(wr.shape),
                _full_spec((1, dr))],
      out_specs=[_row_spec(dz)] * 4 + [_row_spec(dr)],
      out_shape=[jax.ShapeDtypeStruct((N, dz), _f32)] * 4
                + [jax.ShapeDtypeStruct((N, dr), _f32)],
  )(aggA, aggB, cnta, cntb, r, g.reshape(1, -1), be.reshape(1, -1),
    wl, wr, bl.reshape(1, -1))


def _tc_post(aggA, aggB, cnta, cntb, r, g, be):
  do = r.shape[1]

  def body(aa_r, ab_r, ca_r, cb_r, r_r, g_r, be_r, o_r):
    cnt = jnp.maximum(ca_r[...] + cb_r[...], 1.0)
    pre = (aa_r[...] + ab_r[...]) / cnt + r_r[...]
    h = _ln(pre, g_r[...], be_r[...])
    nrm = jnp.sqrt(jnp.sum(h * h, axis=-1, keepdims=True))
    o_r[...] = h / jnp.maximum(nrm, 1e-12)

  return pl.pallas_call(
      body,
      grid=(N // BN,),
      in_specs=[_row_spec(do), _row_spec(do),
                pl.BlockSpec((BN, 1), lambda i: (i, 0)),
                pl.BlockSpec((BN, 1), lambda i: (i, 0)),
                _row_spec(do), _full_spec((1, do)), _full_spec((1, do))],
      out_specs=_row_spec(do),
      out_shape=jax.ShapeDtypeStruct((N, do), _f32),
  )(aggA, aggB, cnta, cntb, r, g.reshape(1, -1), be.reshape(1, -1))


def kernel(x, edge_index, Wl0, bl0, Wr0, g0, be0, Wl1, bl1, Wr1, g1, be1,
           Wl2, bl2, Wr2, g2, be2):
  npad = E_PAD - E
  srcp = jnp.concatenate([edge_index[0], jnp.zeros((npad,), jnp.int32)])
  dstp = jnp.concatenate([edge_index[1], jnp.full((npad,), N, jnp.int32)])
  src3 = srcp.reshape(NW, NCH, K)
  dst3 = dstp.reshape(NW, NCH, K)
  ones_blk = jnp.ones((K, D_HID), _f32)

  (cntw,) = _sc_cnt()(dst3, jnp.zeros((N, D_HID), _f32), ones_blk)
  cnta = cntw[0, :, 0:1]
  cntb = cntw[1, :, 0:1]
  zrow128 = cntw[0] * 0.0
  zrow64 = zrow128[:, :DH]

  z0a, z0b, z0c, z0d, r0 = _tc_pre(x, Wl0, Wr0, bl0)
  (agg0,) = _sc_agg_hbm128()(z0a, z0b, z0c, z0d, src3, dst3, zrow128)
  z1a, z1b, z1c, z1d, r1 = _tc_mid(agg0[0], agg0[1], cnta, cntb, r0,
                                   g0, be0, Wl1, Wr1, bl1)

  (agg1,) = _sc_agg_hbm128()(z1a, z1b, z1c, z1d, src3, dst3, zrow128)
  z2a, z2b, z2c, z2d, r2 = _tc_mid(agg1[0], agg1[1], cnta, cntb, r1,
                                   g1, be1, Wl2, Wr2, bl2)

  (agg2,) = _sc_agg_hbm64()(z2a, z2b, z2c, z2d, src3, dst3, zrow64)
  return _tc_post(agg2[0], agg2[1], cnta, cntb, r2, g2, be2)

# --- scband reference (transcript-rebuilt; emitter-appended) ---
"""Pipeline reference for scband-product-space-gnn-19937238188301 (READ-ONLY COPY).

The authoritative reference and input builder live on the scoring server;
editing this copy changes nothing except your own understanding.
"""

import jax, jax.numpy as jnp
import numpy as np

N = 10000
E = 320000
D_IN = 128
D_HID = 128
D_OUT = 64


def setup_inputs(seed: int = 0):
    key = jax.random.key(seed)
    ks = jax.random.split(key, 20)
    x = jax.random.normal(ks[0], (N, D_IN), dtype=jnp.float32)
    edge_index = jax.random.randint(ks[1], (2, E), 0, N, dtype=jnp.int32)
    s = 1.0 / np.sqrt(D_IN)
    inp = {
        'x': x,
        'edge_index': edge_index,
        'Wl0': jax.random.uniform(ks[2], (D_IN, D_HID), jnp.float32, -s, s),
        'bl0': jax.random.uniform(ks[3], (D_HID,), jnp.float32, -s, s),
        'Wr0': jax.random.uniform(ks[4], (D_IN, D_HID), jnp.float32, -s, s),
        'g0': jnp.ones((D_HID,), jnp.float32),
        'be0': jnp.zeros((D_HID,), jnp.float32),
        'Wl1': jax.random.uniform(ks[5], (D_HID, D_HID), jnp.float32, -s, s),
        'bl1': jax.random.uniform(ks[6], (D_HID,), jnp.float32, -s, s),
        'Wr1': jax.random.uniform(ks[7], (D_HID, D_HID), jnp.float32, -s, s),
        'g1': jnp.ones((D_HID,), jnp.float32),
        'be1': jnp.zeros((D_HID,), jnp.float32),
        'Wl2': jax.random.uniform(ks[8], (D_HID, D_OUT), jnp.float32, -s, s),
        'bl2': jax.random.uniform(ks[9], (D_OUT,), jnp.float32, -s, s),
        'Wr2': jax.random.uniform(ks[10], (D_HID, D_OUT), jnp.float32, -s, s),
        'g2': jnp.ones((D_OUT,), jnp.float32),
        'be2': jnp.zeros((D_OUT,), jnp.float32),
    }
    return inp


def _sage(x, src, dst, Wl, bl, Wr):
    # PyG SAGEConv (mean aggr): out = lin_l(mean_j x_j) + lin_r(x_i)
    msg = jnp.take(x, src, axis=0)
    agg = jax.ops.segment_sum(msg, dst, num_segments=N)
    cnt = jax.ops.segment_sum(jnp.ones((src.shape[0],), x.dtype), dst, num_segments=N)
    agg = agg / jnp.maximum(cnt, 1.0)[:, None]
    return agg @ Wl + bl + x @ Wr


def _layer_norm(h, g, b, eps=1e-5):
    mu = jnp.mean(h, axis=-1, keepdims=True)
    var = jnp.mean((h - mu) ** 2, axis=-1, keepdims=True)
    return (h - mu) / jnp.sqrt(var + eps) * g + b


def reference(x, edge_index, Wl0, bl0, Wr0, g0, be0, Wl1, bl1, Wr1, g1, be1, Wl2, bl2, Wr2, g2, be2):
    src = edge_index[0]
    dst = edge_index[1]
    h = _sage(x, src, dst, Wl0, bl0, Wr0)
    h = _layer_norm(h, g0, be0)
    h = jax.nn.relu(h)  # dropout is identity in eval mode
    h = _sage(h, src, dst, Wl1, bl1, Wr1)
    h = _layer_norm(h, g1, be1)
    h = jax.nn.relu(h)
    h = _sage(h, src, dst, Wl2, bl2, Wr2)
    h = _layer_norm(h, g2, be2)
    nrm = jnp.sqrt(jnp.sum(h * h, axis=-1, keepdims=True))
    return h / jnp.maximum(nrm, 1e-12)

if __name__ == "__main__":
    import jax
    _d = setup_inputs()
    print(jax.jit(kernel)(*tuple(_d.values())))

</pallas_src>

<mosaic_0001>
#map = affine_map<(d0, d1) -> (0, 0, 0)>
#map1 = affine_map<(d0, d1) -> (0, 0)>
module attributes {stable_mosaic.version = 14 : i64} {
  func.func @body(%arg0: i32, %arg1: i32, %arg2: memref<32x80x128xi32, #tpu.memory_space<hbm>>, %arg3: memref<10000x128xf32, #tpu.memory_space<hbm>>, %arg4: memref<128x128xf32, #tpu.memory_space<hbm>>, %arg5: memref<2x10000x128xf32, #tpu.memory_space<hbm>>, %arg6: memref<80x128xi32, #tpu.memory_space<vmem>>, %arg7: memref<128x128xf32, #tpu.memory_space<vmem>>, %arg8: memref<10008x128xf32, #tpu.memory_space<vmem_shared>>) attributes {dimension_semantics = [#tpu.dimension_semantics<core_parallel>, #tpu.dimension_semantics<subcore_parallel>], iteration_bounds = array<i64: 2, 16>, scalar_prefetch = 0 : i64, scratch_operands = 3 : i64, tpu.core_type = #tpu.core_type<sc_vector_subcore>, window_params = [{transform_indices = #map}, {transform_indices = #map1}, {transform_indices = #map1}, {transform_indices = #map}]} {
    %mul3A = arith.constant 16 : i32
    %mul3A_0 = arith.muli %arg0, %mul3A : i32
    %add3A = arith.addi %mul3A_0, %arg1 : i32
    "tpu.region"() ({
      %run_scoped3A = tpu.sem_alloc : memref<!tpu.dma_semaphore, #tpu.memory_space<semaphore_mem>>
      %dma_start3A = arith.constant 0 : i32
      %dma_start3A_16 = arith.constant 0 : i32
      %dma_start3A_17 = tpu.memref_slice %arg2[%add3A, %dma_start3A, %dma_start3A_16] : memref<32x80x128xi32, #tpu.memory_space<hbm>> -> memref<1x80x128xi32, #tpu.memory_space<hbm>>
      %dma_start3A_18 = tpu.memref_squeeze %dma_start3A_17 : memref<1x80x128xi32, #tpu.memory_space<hbm>> -> memref<80x128xi32, #tpu.memory_space<hbm>>
      %dma_start3A_19 = arith.constant 0 : i32
      %dma_start3A_20 = arith.constant 0 : i32
      %dma_start3A_21 = tpu.memref_slice %arg2[%add3A, %dma_start3A_19, %dma_start3A_20] : memref<32x80x128xi32, #tpu.memory_space<hbm>> -> memref<1x80x128xi32, #tpu.memory_space<hbm>>
      %dma_start3A_22 = tpu.memref_squeeze %dma_start3A_21 : memref<1x80x128xi32, #tpu.memory_space<hbm>> -> memref<80x128xi32, #tpu.memory_space<hbm>>
      tpu.enqueue_dma source(%dma_start3A_22 : memref<80x128xi32, #tpu.memory_space<hbm>>) target(%arg6 : memref<80x128xi32, #tpu.memory_space<vmem>>) target_semaphore(%run_scoped3A : memref<!tpu.dma_semaphore, #tpu.memory_space<semaphore_mem>>)
      %dma_wait3A = arith.constant 0 : i32
      %dma_wait3A_23 = arith.constant 0 : i32
      %dma_wait3A_24 = tpu.memref_slice %arg2[%add3A, %dma_wait3A, %dma_wait3A_23] : memref<32x80x128xi32, #tpu.memory_space<hbm>> -> memref<1x80x128xi32, #tpu.memory_space<hbm>>
      %dma_wait3A_25 = tpu.memref_squeeze %dma_wait3A_24 : memref<1x80x128xi32, #tpu.memory_space<hbm>> -> memref<80x128xi32, #tpu.memory_space<hbm>>
      %dma_wait3A_26 = arith.constant 0 : i32
      %dma_wait3A_27 = arith.constant 0 : i32
      %dma_wait3A_28 = tpu.memref_slice %arg2[%add3A, %dma_wait3A_26, %dma_wait3A_27] : memref<32x80x128xi32, #tpu.memory_space<hbm>> -> memref<1x80x128xi32, #tpu.memory_space<hbm>>
      %dma_wait3A_29 = tpu.memref_squeeze %dma_wait3A_28 : memref<1x80x128xi32, #tpu.memory_space<hbm>> -> memref<80x128xi32, #tpu.memory_space<hbm>>
      tpu.wait_dma2 semaphore(%run_scoped3A : memref<!tpu.dma_semaphore, #tpu.memory_space<semaphore_mem>>) src(%dma_wait3A_29 : memref<80x128xi32, #tpu.memory_space<hbm>>) dst(%arg6 : memref<80x128xi32, #tpu.memory_space<vmem>>)
      tpu.yield
    }) : () -> ()
    "tpu.region"() ({
      %run_scoped3A = tpu.sem_alloc : memref<!tpu.dma_semaphore, #tpu.memory_space<semaphore_mem>>
      tpu.enqueue_dma source(%arg4 : memref<128x128xf32, #tpu.memory_space<hbm>>) target(%arg7 : memref<128x128xf32, #tpu.memory_space<vmem>>) target_semaphore(%run_scoped3A : memref<!tpu.dma_semaphore, #tpu.memory_space<semaphore_mem>>)
      tpu.wait_dma2 semaphore(%run_scoped3A : memref<!tpu.dma_semaphore, #tpu.memory_space<semaphore_mem>>) src(%arg4 : memref<128x128xf32, #tpu.memory_space<hbm>>) dst(%arg7 : memref<128x128xf32, #tpu.memory_space<vmem>>)
      tpu.yield
    }) : () -> ()
    %mul3A_1 = arith.constant 624 : i32
    %mul3A_2 = arith.muli %arg1, %mul3A_1 : i32
    %multiple_of3A = tpu.assume_multiple %mul3A_2, 8 : i32
    "tpu.region"() ({
      %run_scoped3A = tpu.sem_alloc : memref<!tpu.dma_semaphore, #tpu.memory_space<semaphore_mem>>
      %dma_start3A = arith.constant 0 : i32
      %dma_start3A_16 = tpu.memref_slice %arg8[%multiple_of3A, %dma_start3A] : memref<10008x128xf32, #tpu.memory_space<vmem_shared>> -> memref<624x128xf32, #tpu.memory_space<vmem_shared>>
      %dma_start3A_17 = arith.constant 0 : i32
      %dma_start3A_18 = tpu.memref_slice %arg3[%multiple_of3A, %dma_start3A_17] : memref<10000x128xf32, #tpu.memory_space<hbm>> -> memref<624x128xf32, #tpu.memory_space<hbm>>
      tpu.enqueue_dma source(%dma_start3A_18 : memref<624x128xf32, #tpu.memory_space<hbm>>) target(%dma_start3A_16 : memref<624x128xf32, #tpu.memory_space<vmem_shared>>) target_semaphore(%run_scoped3A : memref<!tpu.dma_semaphore, #tpu.memory_space<semaphore_mem>>)
      %dma_wait3A = arith.constant 0 : i32
      %dma_wait3A_19 = tpu.memref_slice %arg8[%multiple_of3A, %dma_wait3A] : memref<10008x128xf32, #tpu.memory_space<vmem_shared>> -> memref<624x128xf32, #tpu.memory_space<vmem_shared>>
      %dma_wait3A_20 = arith.constant 0 : i32
      %dma_wait3A_21 = tpu.memref_slice %arg3[%multiple_of3A, %dma_wait3A_20] : memref<10000x128xf32, #tpu.memory_space<hbm>> -> memref<624x128xf32, #tpu.memory_space<hbm>>
      tpu.wait_dma2 semaphore(%run_scoped3A : memref<!tpu.dma_semaphore, #tpu.memory_space<semaphore_mem>>) src(%dma_wait3A_21 : memref<624x128xf32, #tpu.memory_space<hbm>>) dst(%dma_wait3A_19 : memref<624x128xf32, #tpu.memory_space<vmem_shared>>)
      tpu.yield
    }) : () -> ()
    %eq3A = arith.constant 15 : i32
    %eq3A_3 = arith.cmpi eq, %arg1, %eq3A : i32
    %convert_element_type3A = arith.extui %eq3A_3 : i1 to i32
    %cond3A = arith.constant 0 : i32
    %cond3A_4 = arith.cmpi ne, %convert_element_type3A, %cond3A : i32
    scf.if %cond3A_4 {
      "tpu.region"() ({
        %run_scoped3A = tpu.sem_alloc : memref<!tpu.dma_semaphore, #tpu.memory_space<semaphore_mem>>
        %dma_start3A = arith.constant 9984 : i32
        %dma_start3A_16 = arith.constant 0 : i32
        %dma_start3A_17 = tpu.memref_slice %arg8[%dma_start3A, %dma_start3A_16] : memref<10008x128xf32, #tpu.memory_space<vmem_shared>> -> memref<24x128xf32, #tpu.memory_space<vmem_shared>>
        %dma_start3A_18 = arith.constant 0 : i32
        %dma_start3A_19 = arith.constant 0 : i32
        %dma_start3A_20 = tpu.memref_slice %arg3[%dma_start3A_18, %dma_start3A_19] : memref<10000x128xf32, #tpu.memory_space<hbm>> -> memref<24x128xf32, #tpu.memory_space<hbm>>
        tpu.enqueue_dma source(%dma_start3A_20 : memref<24x128xf32, #tpu.memory_space<hbm>>) target(%dma_start3A_17 : memref<24x128xf32, #tpu.memory_space<vmem_shared>>) target_semaphore(%run_scoped3A : memref<!tpu.dma_semaphore, #tpu.memory_space<semaphore_mem>>)
        %dma_wait3A = arith.constant 9984 : i32
        %dma_wait3A_21 = arith.constant 0 : i32
        %dma_wait3A_22 = tpu.memref_slice %arg8[%dma_wait3A, %dma_wait3A_21] : memref<10008x128xf32, #tpu.memory_space<vmem_shared>> -> memref<24x128xf32, #tpu.memory_space<vmem_shared>>
        %dma_wait3A_23 = arith.constant 0 : i32
        %dma_wait3A_24 = arith.constant 0 : i32
        %dma_wait3A_25 = tpu.memref_slice %arg3[%dma_wait3A_23, %dma_wait3A_24] : memref<10000x128xf32, #tpu.memory_space<hbm>> -> memref<24x128xf32, #tpu.memory_space<hbm>>
        tpu.wait_dma2 semaphore(%run_scoped3A : memref<!tpu.dma_semaphore, #tpu.memory_space<semaphore_mem>>) src(%dma_wait3A_25 : memref<24x128xf32, #tpu.memory_space<hbm>>) dst(%dma_wait3A_22 : memref<24x128xf32, #tpu.memory_space<vmem_shared>>)
        tpu.yield
      }) : () -> ()
    } else {
    }
    %barrier3A = arith.constant 0 : index
    tpu.barrier barrier_id(%barrier3A)
    %scan3A = arith.constant 0 : i32
    %scan3A_5 = arith.constant 0 : i32
    %scan3A_6 = arith.constant 80 : i32
    %scan3A_7 = arith.addi %scan3A_5, %scan3A_6 : i32
    %scan3A_8 = arith.constant 1 : i32
    scf.for %scan3A_16 = %scan3A_5 to %scan3A_7 step %scan3A_8  : i32 {
      "tpu.region"() ({
        %run_scoped3A = tpu.sem_alloc : memref<!tpu.dma_semaphore, #tpu.memory_space<semaphore_mem>>
        %dma_start3A = arith.constant 0 : i32
        %dma_start3A_17 = tpu.memref_slice %arg6[%scan3A_16, %dma_start3A] : memref<80x128xi32, #tpu.memory_space<vmem>> -> memref<1x128xi32, #tpu.memory_space<vmem>>
        %dma_start3A_18 = tpu.memref_squeeze %dma_start3A_17 : memref<1x128xi32, #tpu.memory_space<vmem>> -> memref<128xi32, #tpu.memory_space<vmem>>
        %dma_start3A_19 = arith.constant 0 : i32
        %dma_start3A_20 = arith.constant 0 : i32
        %dma_start3A_21 = tpu.memref_slice %arg8[%dma_start3A_19, %dma_start3A_20] : memref<10008x128xf32, #tpu.memory_space<vmem_shared>> -> memref<10008x128xf32, #tpu.memory_space<vmem_shared>>
        tpu.enqueue_indirect_dma source(%arg7 : memref<128x128xf32, #tpu.memory_space<vmem>>) target(%dma_start3A_21 : memref<10008x128xf32, #tpu.memory_space<vmem_shared>>) offsets(%dma_start3A_18 : memref<128xi32, #tpu.memory_space<vmem>>) semaphore(%run_scoped3A : memref<!tpu.dma_semaphore, #tpu.memory_space<semaphore_mem>>) {add = true}
        %dma_wait3A = arith.constant 0 : i32
        %dma_wait3A_22 = tpu.memref_slice %arg6[%scan3A_16, %dma_wait3A] : memref<80x128xi32, #tpu.memory_space<vmem>> -> memref<1x128xi32, #tpu.memory_space<vmem>>
        %dma_wait3A_23 = tpu.memref_squeeze %dma_wait3A_22 : memref<1x128xi32, #tpu.memory_space<vmem>> -> memref<128xi32, #tpu.memory_space<vmem>>
        %dma_wait3A_24 = arith.constant 0 : i32
        %dma_wait3A_25 = arith.constant 0 : i32
        %dma_wait3A_26 = tpu.memref_slice %arg8[%dma_wait3A_24, %dma_wait3A_25] : memref<10008x128xf32, #tpu.memory_space<vmem_shared>> -> memref<10008x128xf32, #tpu.memory_space<vmem_shared>>
        tpu.wait_indirect_dma semaphore(%run_scoped3A : memref<!tpu.dma_semaphore, #tpu.memory_space<semaphore_mem>>) src(%arg7 : memref<128x128xf32, #tpu.memory_space<vmem>>) dst(%dma_wait3A_26 : memref<10008x128xf32, #tpu.memory_space<vmem_shared>>)
        tpu.yield
      }) : () -> ()
    }
    %scan3A_9 = arith.constant 80 : i32
    %barrier3A_10 = arith.constant 0 : index
    tpu.barrier barrier_id(%barrier3A_10)
    "tpu.region"() ({
      %run_scoped3A = tpu.sem_alloc : memref<!tpu.dma_semaphore, #tpu.memory_space<semaphore_mem>>
      %dma_start3A = arith.constant 0 : i32
      %dma_start3A_16 = tpu.memref_slice %arg5[%arg0, %multiple_of3A, %dma_start3A] : memref<2x10000x128xf32, #tpu.memory_space<hbm>> -> memref<1x624x128xf32, #tpu.memory_space<hbm>>
      %dma_start3A_17 = tpu.memref_squeeze %dma_start3A_16 : memref<1x624x128xf32, #tpu.memory_space<hbm>> -> memref<624x128xf32, #tpu.memory_space<hbm>>
      %dma_start3A_18 = arith.constant 0 : i32
      %dma_start3A_19 = tpu.memref_slice %arg8[%multiple_of3A, %dma_start3A_18] : memref<10008x128xf32, #tpu.memory_space<vmem_shared>> -> memref<624x128xf32, #tpu.memory_space<vmem_shared>>
      tpu.enqueue_dma source(%dma_start3A_19 : memref<624x128xf32, #tpu.memory_space<vmem_shared>>) target(%dma_start3A_17 : memref<624x128xf32, #tpu.memory_space<hbm>>) target_semaphore(%run_scoped3A : memref<!tpu.dma_semaphore, #tpu.memory_space<semaphore_mem>>)
      %dma_wait3A = arith.constant 0 : i32
      %dma_wait3A_20 = tpu.memref_slice %arg5[%arg0, %multiple_of3A, %dma_wait3A] : memref<2x10000x128xf32, #tpu.memory_space<hbm>> -> memref<1x624x128xf32, #tpu.memory_space<hbm>>
      %dma_wait3A_21 = tpu.memref_squeeze %dma_wait3A_20 : memref<1x624x128xf32, #tpu.memory_space<hbm>> -> memref<624x128xf32, #tpu.memory_space<hbm>>
      %dma_wait3A_22 = arith.constant 0 : i32
      %dma_wait3A_23 = tpu.memref_slice %arg8[%multiple_of3A, %dma_wait3A_22] : memref<10008x128xf32, #tpu.memory_space<vmem_shared>> -> memref<624x128xf32, #tpu.memory_space<vmem_shared>>
      tpu.wait_dma2 semaphore(%run_scoped3A : memref<!tpu.dma_semaphore, #tpu.memory_space<semaphore_mem>>) src(%dma_wait3A_23 : memref<624x128xf32, #tpu.memory_space<vmem_shared>>) dst(%dma_wait3A_21 : memref<624x128xf32, #tpu.memory_space<hbm>>)
      tpu.yield
    }) : () -> ()
    %eq3A_11 = arith.constant 15 : i32
    %eq3A_12 = arith.cmpi eq, %arg1, %eq3A_11 : i32
    %convert_element_type3A_13 = arith.extui %eq3A_12 : i1 to i32
    %cond3A_14 = arith.constant 0 : i32
    %cond3A_15 = arith.cmpi ne, %convert_element_type3A_13, %cond3A_14 : i32
    scf.if %cond3A_15 {
      "tpu.region"() ({
        %run_scoped3A = tpu.sem_alloc : memref<!tpu.dma_semaphore, #tpu.memory_space<semaphore_mem>>
        %dma_start3A = arith.constant 9984 : i32
        %dma_start3A_16 = arith.constant 0 : i32
        %dma_start3A_17 = tpu.memref_slice %arg5[%arg0, %dma_start3A, %dma_start3A_16] : memref<2x10000x128xf32, #tpu.memory_space<hbm>> -> memref<1x16x128xf32, #tpu.memory_space<hbm>>
        %dma_start3A_18 = tpu.memref_squeeze %dma_start3A_17 : memref<1x16x128xf32, #tpu.memory_space<hbm>> -> memref<16x128xf32, #tpu.memory_space<hbm>>
        %dma_start3A_19 = arith.constant 9984 : i32
        %dma_start3A_20 = arith.constant 0 : i32
        %dma_start3A_21 = tpu.memref_slice %arg8[%dma_start3A_19, %dma_start3A_20] : memref<10008x128xf32, #tpu.memory_space<vmem_shared>> -> memref<16x128xf32, #tpu.memory_space<vmem_shared>>
        tpu.enqueue_dma source(%dma_start3A_21 : memref<16x128xf32, #tpu.memory_space<vmem_shared>>) target(%dma_start3A_18 : memref<16x128xf32, #tpu.memory_space<hbm>>) target_semaphore(%run_scoped3A : memref<!tpu.dma_semaphore, #tpu.memory_space<semaphore_mem>>)
        %dma_wait3A = arith.constant 9984 : i32
        %dma_wait3A_22 = arith.constant 0 : i32
        %dma_wait3A_23 = tpu.memref_slice %arg5[%arg0, %dma_wait3A, %dma_wait3A_22] : memref<2x10000x128xf32, #tpu.memory_space<hbm>> -> memref<1x16x128xf32, #tpu.memory_space<hbm>>
        %dma_wait3A_24 = tpu.memref_squeeze %dma_wait3A_23 : memref<1x16x128xf32, #tpu.memory_space<hbm>> -> memref<16x128xf32, #tpu.memory_space<hbm>>
        %dma_wait3A_25 = arith.constant 9984 : i32
        %dma_wait3A_26 = arith.constant 0 : i32
        %dma_wait3A_27 = tpu.memref_slice %arg8[%dma_wait3A_25, %dma_wait3A_26] : memref<10008x128xf32, #tpu.memory_space<vmem_shared>> -> memref<16x128xf32, #tpu.memory_space<vmem_shared>>
        tpu.wait_dma2 semaphore(%run_scoped3A : memref<!tpu.dma_semaphore, #tpu.memory_space<semaphore_mem>>) src(%dma_wait3A_27 : memref<16x128xf32, #tpu.memory_space<vmem_shared>>) dst(%dma_wait3A_24 : memref<16x128xf32, #tpu.memory_space<hbm>>)
        tpu.yield
      }) : () -> ()
    } else {
    }
    return
  }
}

#map = affine_map<(d0, d1) -> (0, 0)>
#map1 = affine_map<(d0, d1) -> (0, 0, 0)>
module attributes {stable_mosaic.version = 14 : i64} {
  func.func @body(%arg0: i32, %arg1: i32, %arg2: memref<10000x128xf32, #tpu.memory_space<hbm>>, %arg3: memref<10000x128xf32, #tpu.memory_space<hbm>>, %arg4: memref<10000x128xf32, #tpu.memory_space<hbm>>, %arg5: memref<10000x128xf32, #tpu.memory_space<hbm>>, %arg6: memref<32x80x128xi32, #tpu.memory_space<hbm>>, %arg7: memref<32x80x128xi32, #tpu.memory_space<hbm>>, %arg8: memref<10000x128xf32, #tpu.memory_space<hbm>>, %arg9: memref<2x10000x128xf32, #tpu.memory_space<hbm>>, %arg10: memref<40x128xi32, #tpu.memory_space<vmem>>, %arg11: memref<40x128xi32, #tpu.memory_space<vmem>>, %arg12: memref<2x128x128xf32, #tpu.memory_space<vmem>>, %arg13: memref<10008x128xf32, #tpu.memory_space<vmem_shared>>, %arg14: memref<!tpu.dma_semaphore, #tpu.memory_space<semaphore_mem>>, %arg15: memref<!tpu.dma_semaphore, #tpu.memory_space<semaphore_mem>>) attributes {dimension_semantics = [#tpu.dimension_semantics<core_parallel>, #tpu.dimension_semantics<subcore_parallel>], iteration_bounds = array<i64: 2, 16>, scalar_prefetch = 0 : i64, scratch_operands = 6 : i64, tpu.core_type = #tpu.core_type<sc_vector_subcore>, window_params = [{transform_indices = #map}, {transform_indices = #map}, {transform_indices = #map}, {transform_indices = #map}, {transform_indices = #map1}, {transform_indices = #map1}, {transform_indices = #map}, {transform_indices = #map1}]} {
    %mul3A = arith.constant 16 : i32
    %mul3A_0 = arith.muli %arg0, %mul3A : i32
    %add3A = arith.addi %mul3A_0, %arg1 : i32
    %mul3A_1 = arith.constant 624 : i32
    %mul3A_2 = arith.muli %arg1, %mul3A_1 : i32
    %multiple_of3A = tpu.assume_multiple %mul3A_2, 8 : i32
    "tpu.region"() ({
      %run_scoped3A = tpu.sem_alloc : memref<!tpu.dma_semaphore, #tpu.memory_space<semaphore_mem>>
      %dma_start3A_69 = arith.constant 0 : i32
      %dma_start3A_70 = tpu.memref_slice %arg13[%multiple_of3A, %dma_start3A_69] : memref<10008x128xf32, #tpu.memory_space<vmem_shared>> -> memref<624x128xf32, #tpu.memory_space<vmem_shared>>
      %dma_start3A_71 = arith.constant 0 : i32
      %dma_start3A_72 = tpu.memref_slice %arg8[%multiple_of3A, %dma_start3A_71] : memref<10000x128xf32, #tpu.memory_space<hbm>> -> memref<624x128xf32, #tpu.memory_space<hbm>>
      tpu.enqueue_dma source(%dma_start3A_72 : memref<624x128xf32, #tpu.memory_space<hbm>>) target(%dma_start3A_70 : memref<624x128xf32, #tpu.memory_space<vmem_shared>>) target_semaphore(%run_scoped3A : memref<!tpu.dma_semaphore, #tpu.memory_space<semaphore_mem>>)
      %dma_wait3A = arith.constant 0 : i32
      %dma_wait3A_73 = tpu.memref_slice %arg13[%multiple_of3A, %dma_wait3A] : memref<10008x128xf32, #tpu.memory_space<vmem_shared>> -> memref<624x128xf32, #tpu.memory_space<vmem_shared>>
      %dma_wait3A_74 = arith.constant 0 : i32
      %dma_wait3A_75 = tpu.memref_slice %arg8[%multiple_of3A, %dma_wait3A_74] : memref<10000x128xf32, #tpu.memory_space<hbm>> -> memref<624x128xf32, #tpu.memory_space<hbm>>
      tpu.wait_dma2 semaphore(%run_scoped3A : memref<!tpu.dma_semaphore, #tpu.memory_space<semaphore_mem>>) src(%dma_wait3A_75 : memref<624x128xf32, #tpu.memory_space<hbm>>) dst(%dma_wait3A_73 : memref<624x128xf32, #tpu.memory_space<vmem_shared>>)
      tpu.yield
    }) : () -> ()
    %eq3A = arith.constant 15 : i32
    %eq3A_3 = arith.cmpi eq, %arg1, %eq3A : i32
    %convert_element_type3A = arith.extui %eq3A_3 : i1 to i32
    %cond3A = arith.constant 0 : i32
    %cond3A_4 = arith.cmpi ne, %convert_element_type3A, %cond3A : i32
    scf.if %cond3A_4 {
      "tpu.region"() ({
        %run_scoped3A = tpu.sem_alloc : memref<!tpu.dma_semaphore, #tpu.memory_space<semaphore_mem>>
        %dma_start3A_69 = arith.constant 9984 : i32
        %dma_start3A_70 = arith.constant 0 : i32
        %dma_start3A_71 = tpu.memref_slice %arg13[%dma_start3A_69, %dma_start3A_70] : memref<10008x128xf32, #tpu.memory_space<vmem_shared>> -> memref<24x128xf32, #tpu.memory_space<vmem_shared>>
        %dma_start3A_72 = arith.constant 0 : i32
        %dma_start3A_73 = arith.constant 0 : i32
        %dma_start3A_74 = tpu.memref_slice %arg8[%dma_start3A_72, %dma_start3A_73] : memref<10000x128xf32, #tpu.memory_space<hbm>> -> memref<24x128xf32, #tpu.memory_space<hbm>>
        tpu.enqueue_dma source(%dma_start3A_74 : memref<24x128xf32, #tpu.memory_space<hbm>>) target(%dma_start3A_71 : memref<24x128xf32, #tpu.memory_space<vmem_shared>>) target_semaphore(%run_scoped3A : memref<!tpu.dma_semaphore, #tpu.memory_space<semaphore_mem>>)
        %dma_wait3A = arith.constant 9984 : i32
        %dma_wait3A_75 = arith.constant 0 : i32
        %dma_wait3A_76 = tpu.memref_slice %arg13[%dma_wait3A, %dma_wait3A_75] : memref<10008x128xf32, #tpu.memory_space<vmem_shared>> -> memref<24x128xf32, #tpu.memory_space<vmem_shared>>
        %dma_wait3A_77 = arith.constant 0 : i32
        %dma_wait3A_78 = arith.constant 0 : i32
        %dma_wait3A_79 = tpu.memref_slice %arg8[%dma_wait3A_77, %dma_wait3A_78] : memref<10000x128xf32, #tpu.memory_space<hbm>> -> memref<24x128xf32, #tpu.memory_space<hbm>>
        tpu.wait_dma2 semaphore(%run_scoped3A : memref<!tpu.dma_semaphore, #tpu.memory_space<semaphore_mem>>) src(%dma_wait3A_79 : memref<24x128xf32, #tpu.memory_space<hbm>>) dst(%dma_wait3A_76 : memref<24x128xf32, #tpu.memory_space<vmem_shared>>)
        tpu.yield
      }) : () -> ()
    } else {
    }
    %barrier3A = arith.constant 0 : index
    tpu.barrier barrier_id(%barrier3A)
    "tpu.region"() ({
      %run_scoped3A = tpu.sem_alloc : memref<!tpu.dma_semaphore, #tpu.memory_space<semaphore_mem>>
      %dma_start3A_69 = arith.constant 0 : i32
      %dma_start3A_70 = arith.constant 0 : i32
      %dma_start3A_71 = tpu.memref_slice %arg6[%add3A, %dma_start3A_69, %dma_start3A_70] : memref<32x80x128xi32, #tpu.memory_space<hbm>> -> memref<1x40x128xi32, #tpu.memory_space<hbm>>
      %dma_start3A_72 = tpu.memref_squeeze %dma_start3A_71 : memref<1x40x128xi32, #tpu.memory_space<hbm>> -> memref<40x128xi32, #tpu.memory_space<hbm>>
      %dma_start3A_73 = arith.constant 0 : i32
      %dma_start3A_74 = arith.constant 0 : i32
      %dma_start3A_75 = tpu.memref_slice %arg6[%add3A, %dma_start3A_73, %dma_start3A_74] : memref<32x80x128xi32, #tpu.memory_space<hbm>> -> memref<1x40x128xi32, #tpu.memory_space<hbm>>
      %dma_start3A_76 = tpu.memref_squeeze %dma_start3A_75 : memref<1x40x128xi32, #tpu.memory_space<hbm>> -> memref<40x128xi32, #tpu.memory_space<hbm>>
      tpu.enqueue_dma source(%dma_start3A_76 : memref<40x128xi32, #tpu.memory_space<hbm>>) target(%arg10 : memref<40x128xi32, #tpu.memory_space<vmem>>) target_semaphore(%run_scoped3A : memref<!tpu.dma_semaphore, #tpu.memory_space<semaphore_mem>>)
      %dma_wait3A = arith.constant 0 : i32
      %dma_wait3A_77 = arith.constant 0 : i32
      %dma_wait3A_78 = tpu.memref_slice %arg6[%add3A, %dma_wait3A, %dma_wait3A_77] : memref<32x80x128xi32, #tpu.memory_space<hbm>> -> memref<1x40x128xi32, #tpu.memory_space<hbm>>
      %dma_wait3A_79 = tpu.memref_squeeze %dma_wait3A_78 : memref<1x40x128xi32, #tpu.memory_space<hbm>> -> memref<40x128xi32, #tpu.memory_space<hbm>>
      %dma_wait3A_80 = arith.constant 0 : i32
      %dma_wait3A_81 = arith.constant 0 : i32
      %dma_wait3A_82 = tpu.memref_slice %arg6[%add3A, %dma_wait3A_80, %dma_wait3A_81] : memref<32x80x128xi32, #tpu.memory_space<hbm>> -> memref<1x40x128xi32, #tpu.memory_space<hbm>>
      %dma_wait3A_83 = tpu.memref_squeeze %dma_wait3A_82 : memref<1x40x128xi32, #tpu.memory_space<hbm>> -> memref<40x128xi32, #tpu.memory_space<hbm>>
      tpu.wait_dma2 semaphore(%run_scoped3A : memref<!tpu.dma_semaphore, #tpu.memory_space<semaphore_mem>>) src(%dma_wait3A_83 : memref<40x128xi32, #tpu.memory_space<hbm>>) dst(%arg10 : memref<40x128xi32, #tpu.memory_space<vmem>>)
      tpu.yield
    }) : () -> ()
    "tpu.region"() ({
      %run_scoped3A = tpu.sem_alloc : memref<!tpu.dma_semaphore, #tpu.memory_space<semaphore_mem>>
      %dma_start3A_69 = arith.constant 0 : i32
      %dma_start3A_70 = arith.constant 0 : i32
      %dma_start3A_71 = tpu.memref_slice %arg7[%add3A, %dma_start3A_69, %dma_start3A_70] : memref<32x80x128xi32, #tpu.memory_space<hbm>> -> memref<1x40x128xi32, #tpu.memory_space<hbm>>
      %dma_start3A_72 = tpu.memref_squeeze %dma_start3A_71 : memref<1x40x128xi32, #tpu.memory_space<hbm>> -> memref<40x128xi32, #tpu.memory_space<hbm>>
      %dma_start3A_73 = arith.constant 0 : i32
      %dma_start3A_74 = arith.constant 0 : i32
      %dma_start3A_75 = tpu.memref_slice %arg7[%add3A, %dma_start3A_73, %dma_start3A_74] : memref<32x80x128xi32, #tpu.memory_space<hbm>> -> memref<1x40x128xi32, #tpu.memory_space<hbm>>
      %dma_start3A_76 = tpu.memref_squeeze %dma_start3A_75 : memref<1x40x128xi32, #tpu.memory_space<hbm>> -> memref<40x128xi32, #tpu.memory_space<hbm>>
      tpu.enqueue_dma source(%dma_start3A_76 : memref<40x128xi32, #tpu.memory_space<hbm>>) target(%arg11 : memref<40x128xi32, #tpu.memory_space<vmem>>) target_semaphore(%run_scoped3A : memref<!tpu.dma_semaphore, #tpu.memory_space<semaphore_mem>>)
      %dma_wait3A = arith.constant 0 : i32
      %dma_wait3A_77 = arith.constant 0 : i32
      %dma_wait3A_78 = tpu.memref_slice %arg7[%add3A, %dma_wait3A, %dma_wait3A_77] : memref<32x80x128xi32, #tpu.memory_space<hbm>> -> memref<1x40x128xi32, #tpu.memory_space<hbm>>
      %dma_wait3A_79 = tpu.memref_squeeze %dma_wait3A_78 : memref<1x40x128xi32, #tpu.memory_space<hbm>> -> memref<40x128xi32, #tpu.memory_space<hbm>>
      %dma_wait3A_80 = arith.constant 0 : i32
      %dma_wait3A_81 = arith.constant 0 : i32
      %dma_wait3A_82 = tpu.memref_slice %arg7[%add3A, %dma_wait3A_80, %dma_wait3A_81] : memref<32x80x128xi32, #tpu.memory_space<hbm>> -> memref<1x40x128xi32, #tpu.memory_space<hbm>>
      %dma_wait3A_83 = tpu.memref_squeeze %dma_wait3A_82 : memref<1x40x128xi32, #tpu.memory_space<hbm>> -> memref<40x128xi32, #tpu.memory_space<hbm>>
      tpu.wait_dma2 semaphore(%run_scoped3A : memref<!tpu.dma_semaphore, #tpu.memory_space<semaphore_mem>>) src(%dma_wait3A_83 : memref<40x128xi32, #tpu.memory_space<hbm>>) dst(%arg11 : memref<40x128xi32, #tpu.memory_space<vmem>>)
      tpu.yield
    }) : () -> ()
    %dma_start3A = arith.constant 0 : i32
    %dma_start3A_5 = arith.constant 0 : i32
    %dma_start3A_6 = arith.constant 0 : i32
    %dma_start3A_7 = arith.constant 0 : i32
    %dma_start3A_8 = tpu.memref_slice %arg12[%dma_start3A_5, %dma_start3A_6, %dma_start3A_7] : memref<2x128x128xf32, #tpu.memory_space<vmem>> -> memref<1x128x128xf32, #tpu.memory_space<vmem>>
    %dma_start3A_9 = tpu.memref_squeeze %dma_start3A_8 : memref<1x128x128xf32, #tpu.memory_space<vmem>> -> memref<128x128xf32, #tpu.memory_space<vmem>>
    %dma_start3A_10 = arith.constant 0 : i32
    %dma_start3A_11 = tpu.memref_slice %arg10[%dma_start3A, %dma_start3A_10] : memref<40x128xi32, #tpu.memory_space<vmem>> -> memref<1x128xi32, #tpu.memory_space<vmem>>
    %dma_start3A_12 = tpu.memref_squeeze %dma_start3A_11 : memref<1x128xi32, #tpu.memory_space<vmem>> -> memref<128xi32, #tpu.memory_space<vmem>>
    %dma_start3A_13 = arith.constant 0 : i32
    %dma_start3A_14 = arith.constant 0 : i32
    %dma_start3A_15 = tpu.memref_slice %arg2[%dma_start3A_13, %dma_start3A_14] : memref<10000x128xf32, #tpu.memory_space<hbm>> -> memref<10000x128xf32, #tpu.memory_space<hbm>>
    tpu.enqueue_indirect_dma source(%dma_start3A_15 : memref<10000x128xf32, #tpu.memory_space<hbm>>) target(%dma_start3A_9 : memref<128x128xf32, #tpu.memory_space<vmem>>) offsets(%dma_start3A_12 : memref<128xi32, #tpu.memory_space<vmem>>) semaphore(%arg14 : memref<!tpu.dma_semaphore, #tpu.memory_space<semaphore_mem>>)
    %dma_start3A_16 = arith.constant 1 : i32
    %dma_start3A_17 = arith.constant 1 : i32
    %dma_start3A_18 = arith.constant 0 : i32
    %dma_start3A_19 = arith.constant 0 : i32
    %dma_start3A_20 = tpu.memref_slice %arg12[%dma_start3A_17, %dma_start3A_18, %dma_start3A_19] : memref<2x128x128xf32, #tpu.memory_space<vmem>> -> memref<1x128x128xf32, #tpu.memory_space<vmem>>
    %dma_start3A_21 = tpu.memref_squeeze %dma_start3A_20 : memref<1x128x128xf32, #tpu.memory_space<vmem>> -> memref<128x128xf32, #tpu.memory_space<vmem>>
    %dma_start3A_22 = arith.constant 0 : i32
    %dma_start3A_23 = tpu.memref_slice %arg10[%dma_start3A_16, %dma_start3A_22] : memref<40x128xi32, #tpu.memory_space<vmem>> -> memref<1x128xi32, #tpu.memory_space<vmem>>
    %dma_start3A_24 = tpu.memref_squeeze %dma_start3A_23 : memref<1x128xi32, #tpu.memory_space<vmem>> -> memref<128xi32, #tpu.memory_space<vmem>>
    %dma_start3A_25 = arith.constant 0 : i32
    %dma_start3A_26 = arith.constant 0 : i32
    %dma_start3A_27 = tpu.memref_slice %arg3[%dma_start3A_25, %dma_start3A_26] : memref<10000x128xf32, #tpu.memory_space<hbm>> -> memref<10000x128xf32, #tpu.memory_space<hbm>>
    tpu.enqueue_indirect_dma source(%dma_start3A_27 : memref<10000x128xf32, #tpu.memory_space<hbm>>) target(%dma_start3A_21 : memref<128x128xf32, #tpu.memory_space<vmem>>) offsets(%dma_start3A_24 : memref<128xi32, #tpu.memory_space<vmem>>) semaphore(%arg15 : memref<!tpu.dma_semaphore, #tpu.memory_space<semaphore_mem>>)
    %scan3A = arith.constant 0 : i32
    %scan3A_28 = arith.constant 0 : i32
    %scan3A_29 = arith.constant 10 : i32
    %scan3A_30 = arith.addi %scan3A_28, %scan3A_29 : i32
    %scan3A_31 = arith.constant 1 : i32
    scf.for %scan3A_69 = %scan3A_28 to %scan3A_30 step %scan3A_31  : i32 {
      %mul3A_70 = arith.constant 4 : i32
      %mul3A_71 = arith.muli %scan3A_69, %mul3A_70 : i32
      %add3A_72 = arith.constant 0 : i32
      %add3A_73 = arith.addi %mul3A_71, %add3A_72 : i32
      %dma_wait3A = arith.constant 0 : i32
      %dma_wait3A_74 = arith.constant 0 : i32
      %dma_wait3A_75 = arith.constant 0 : i32
      %dma_wait3A_76 = tpu.memref_slice %arg12[%dma_wait3A, %dma_wait3A_74, %dma_wait3A_75] : memref<2x128x128xf32, #tpu.memory_space<vmem>> -> memref<1x128x128xf32, #tpu.memory_space<vmem>>
      %dma_wait3A_77 = tpu.memref_squeeze %dma_wait3A_76 : memref<1x128x128xf32, #tpu.memory_space<vmem>> -> memref<128x128xf32, #tpu.memory_space<vmem>>
      %dma_wait3A_78 = arith.constant 0 : i32
      %dma_wait3A_79 = tpu.memref_slice %arg10[%add3A_73, %dma_wait3A_78] : memref<40x128xi32, #tpu.memory_space<vmem>> -> memref<1x128xi32, #tpu.memory_space<vmem>>
      %dma_wait3A_80 = tpu.memref_squeeze %dma_wait3A_79 : memref<1x128xi32, #tpu.memory_space<vmem>> -> memref<128xi32, #tpu.memory_space<vmem>>
      %dma_wait3A_81 = arith.constant 0 : i32
      %dma_wait3A_82 = arith.constant 0 : i32
      %dma_wait3A_83 = tpu.memref_slice %arg2[%dma_wait3A_81, %dma_wait3A_82] : memref<10000x128xf32, #tpu.memory_space<hbm>> -> memref<10000x128xf32, #tpu.memory_space<hbm>>
      tpu.wait_indirect_dma semaphore(%arg14 : memref<!tpu.dma_semaphore, #tpu.memory_space<semaphore_mem>>) src(%dma_wait3A_83 : memref<10000x128xf32, #tpu.memory_space<hbm>>) dst(%dma_wait3A_77 : memref<128x128xf32, #tpu.memory_space<vmem>>)
      %run_scoped3A = arith.constant 0 : i32
      "tpu.region"() ({
        %run_scoped3A_159 = tpu.sem_alloc : memref<!tpu.dma_semaphore, #tpu.memory_space<semaphore_mem>>
        %dma_start3A_160 = arith.constant 0 : i32
        %dma_start3A_161 = arith.constant 0 : i32
        %dma_start3A_162 = tpu.memref_slice %arg12[%run_scoped3A, %dma_start3A_160, %dma_start3A_161] : memref<2x128x128xf32, #tpu.memory_space<vmem>> -> memref<1x128x128xf32, #tpu.memory_space<vmem>>
        %dma_start3A_163 = tpu.memref_squeeze %dma_start3A_162 : memref<1x128x128xf32, #tpu.memory_space<vmem>> -> memref<128x128xf32, #tpu.memory_space<vmem>>
        %dma_start3A_164 = arith.constant 0 : i32
        %dma_start3A_165 = tpu.memref_slice %arg11[%add3A_73, %dma_start3A_164] : memref<40x128xi32, #tpu.memory_space<vmem>> -> memref<1x128xi32, #tpu.memory_space<vmem>>
        %dma_start3A_166 = tpu.memref_squeeze %dma_start3A_165 : memref<1x128xi32, #tpu.memory_space<vmem>> -> memref<128xi32, #tpu.memory_space<vmem>>
        %dma_start3A_167 = arith.constant 0 : i32
        %dma_start3A_168 = arith.constant 0 : i32
        %dma_start3A_169 = tpu.memref_slice %arg13[%dma_start3A_167, %dma_start3A_168] : memref<10008x128xf32, #tpu.memory_space<vmem_shared>> -> memref<10008x128xf32, #tpu.memory_space<vmem_shared>>
        tpu.enqueue_indirect_dma source(%dma_start3A_163 : memref<128x128xf32, #tpu.memory_space<vmem>>) target(%dma_start3A_169 : memref<10008x128xf32, #tpu.memory_space<vmem_shared>>) offsets(%dma_start3A_166 : memref<128xi32, #tpu.memory_space<vmem>>) semaphore(%run_scoped3A_159 : memref<!tpu.dma_semaphore, #tpu.memory_space<semaphore_mem>>) {add = true}
        %dma_wait3A_170 = arith.constant 0 : i32
        %dma_wait3A_171 = arith.constant 0 : i32
        %dma_wait3A_172 = tpu.memref_slice %arg12[%run_scoped3A, %dma_wait3A_170, %dma_wait3A_171] : memref<2x128x128xf32, #tpu.memory_space<vmem>> -> memref<1x128x128xf32, #tpu.memory_space<vmem>>
        %dma_wait3A_173 = tpu.memref_squeeze %dma_wait3A_172 : memref<1x128x128xf32, #tpu.memory_space<vmem>> -> memref<128x128xf32, #tpu.memory_space<vmem>>
        %dma_wait3A_174 = arith.constant 0 : i32
        %dma_wait3A_175 = tpu.memref_slice %arg11[%add3A_73, %dma_wait3A_174] : memref<40x128xi32, #tpu.memory_space<vmem>> -> memref<1x128xi32, #tpu.memory_space<vmem>>
        %dma_wait3A_176 = tpu.memref_squeeze %dma_wait3A_175 : memref<1x128xi32, #tpu.memory_space<vmem>> -> memref<128xi32, #tpu.memory_space<vmem>>
        %dma_wait3A_177 = arith.constant 0 : i32
        %dma_wait3A_178 = arith.constant 0 : i32
        %dma_wait3A_179 = tpu.memref_slice %arg13[%dma_wait3A_177, %dma_wait3A_178] : memref<10008x128xf32, #tpu.memory_space<vmem_shared>> -> memref<10008x128xf32, #tpu.memory_space<vmem_shared>>
        tpu.wait_indirect_dma semaphore(%run_scoped3A_159 : memref<!tpu.dma_semaphore, #tpu.memory_space<semaphore_mem>>) src(%dma_wait3A_173 : memref<128x128xf32, #tpu.memory_space<vmem>>) dst(%dma_wait3A_179 : memref<10008x128xf32, #tpu.memory_space<vmem_shared>>)
        tpu.yield
      }) : () -> ()
      %add3A_84 = arith.constant 2 : i32
      %add3A_85 = arith.addi %add3A_73, %add3A_84 : i32
      %lt3A = arith.constant 40 : i32
      %lt3A_86 = arith.cmpi slt, %add3A_85, %lt3A : i32
      %convert_element_type3A_87 = arith.extui %lt3A_86 : i1 to i32
      %cond3A_88 = arith.constant 0 : i32
      %cond3A_89 = arith.cmpi ne, %convert_element_type3A_87, %cond3A_88 : i32
      scf.if %cond3A_89 {
        %add3A_159 = arith.constant 2 : i32
        %add3A_160 = arith.addi %add3A_73, %add3A_159 : i32
        %dma_start3A_161 = arith.constant 0 : i32
        %dma_start3A_162 = arith.constant 0 : i32
        %dma_start3A_163 = arith.constant 0 : i32
        %dma_start3A_164 = tpu.memref_slice %arg12[%dma_start3A_161, %dma_start3A_162, %dma_start3A_163] : memref<2x128x128xf32, #tpu.memory_space<vmem>> -> memref<1x128x128xf32, #tpu.memory_space<vmem>>
        %dma_start3A_165 = tpu.memref_squeeze %dma_start3A_164 : memref<1x128x128xf32, #tpu.memory_space<vmem>> -> memref<128x128xf32, #tpu.memory_space<vmem>>
        %dma_start3A_166 = arith.constant 0 : i32
        %dma_start3A_167 = tpu.memref_slice %arg10[%add3A_160, %dma_start3A_166] : memref<40x128xi32, #tpu.memory_space<vmem>> -> memref<1x128xi32, #tpu.memory_space<vmem>>
        %dma_start3A_168 = tpu.memref_squeeze %dma_start3A_167 : memref<1x128xi32, #tpu.memory_space<vmem>> -> memref<128xi32, #tpu.memory_space<vmem>>
        %dma_start3A_169 = arith.constant 0 : i32
        %dma_start3A_170 = arith.constant 0 : i32
        %dma_start3A_171 = tpu.memref_slice %arg4[%dma_start3A_169, %dma_start3A_170] : memref<10000x128xf32, #tpu.memory_space<hbm>> -> memref<10000x128xf32, #tpu.memory_space<hbm>>
        tpu.enqueue_indirect_dma source(%dma_start3A_171 : memref<10000x128xf32, #tpu.memory_space<hbm>>) target(%dma_start3A_165 : memref<128x128xf32, #tpu.memory_space<vmem>>) offsets(%dma_start3A_168 : memref<128xi32, #tpu.memory_space<vmem>>) semaphore(%arg14 : memref<!tpu.dma_semaphore, #tpu.memory_space<semaphore_mem>>)
      } else {
      }
      %mul3A_90 = arith.constant 4 : i32
      %mul3A_91 = arith.muli %scan3A_69, %mul3A_90 : i32
      %add3A_92 = arith.constant 1 : i32
      %add3A_93 = arith.addi %mul3A_91, %add3A_92 : i32
      %dma_wait3A_94 = arith.constant 1 : i32
      %dma_wait3A_95 = arith.constant 0 : i32
      %dma_wait3A_96 = arith.constant 0 : i32
      %dma_wait3A_97 = tpu.memref_slice %arg12[%dma_wait3A_94, %dma_wait3A_95, %dma_wait3A_96] : memref<2x128x128xf32, #tpu.memory_space<vmem>> -> memref<1x128x128xf32, #tpu.memory_space<vmem>>
      %dma_wait3A_98 = tpu.memref_squeeze %dma_wait3A_97 : memref<1x128x128xf32, #tpu.memory_space<vmem>> -> memref<128x128xf32, #tpu.memory_space<vmem>>
      %dma_wait3A_99 = arith.constant 0 : i32
      %dma_wait3A_100 = tpu.memref_slice %arg10[%add3A_93, %dma_wait3A_99] : memref<40x128xi32, #tpu.memory_space<vmem>> -> memref<1x128xi32, #tpu.memory_space<vmem>>
      %dma_wait3A_101 = tpu.memref_squeeze %dma_wait3A_100 : memref<1x128xi32, #tpu.memory_space<vmem>> -> memref<128xi32, #tpu.memory_space<vmem>>
      %dma_wait3A_102 = arith.constant 0 : i32
      %dma_wait3A_103 = arith.constant 0 : i32
      %dma_wait3A_104 = tpu.memref_slice %arg3[%dma_wait3A_102, %dma_wait3A_103] : memref<10000x128xf32, #tpu.memory_space<hbm>> -> memref<10000x128xf32, #tpu.memory_space<hbm>>
      tpu.wait_indirect_dma semaphore(%arg15 : memref<!tpu.dma_semaphore, #tpu.memory_space<semaphore_mem>>) src(%dma_wait3A_104 : memref<10000x128xf32, #tpu.memory_space<hbm>>) dst(%dma_wait3A_98 : memref<128x128xf32, #tpu.memory_space<vmem>>)
      %run_scoped3A_105 = arith.constant 1 : i32
      "tpu.region"() ({
        %run_scoped3A_159 = tpu.sem_alloc : memref<!tpu.dma_semaphore, #tpu.memory_space<semaphore_mem>>
        %dma_start3A_160 = arith.constant 0 : i32
        %dma_start3A_161 = arith.constant 0 : i32
        %dma_start3A_162 = tpu.memref_slice %arg12[%run_scoped3A_105, %dma_start3A_160, %dma_start3A_161] : memref<2x128x128xf32, #tpu.memory_space<vmem>> -> memref<1x128x128xf32, #tpu.memory_space<vmem>>
        %dma_start3A_163 = tpu.memref_squeeze %dma_start3A_162 : memref<1x128x128xf32, #tpu.memory_space<vmem>> -> memref<128x128xf32, #tpu.memory_space<vmem>>
        %dma_start3A_164 = arith.constant 0 : i32
        %dma_start3A_165 = tpu.memref_slice %arg11[%add3A_93, %dma_start3A_164] : memref<40x128xi32, #tpu.memory_space<vmem>> -> memref<1x128xi32, #tpu.memory_space<vmem>>
        %dma_start3A_166 = tpu.memref_squeeze %dma_start3A_165 : memref<1x128xi32, #tpu.memory_space<vmem>> -> memref<128xi32, #tpu.memory_space<vmem>>
        %dma_start3A_167 = arith.constant 0 : i32
        %dma_start3A_168 = arith.constant 0 : i32
        %dma_start3A_169 = tpu.memref_slice %arg13[%dma_start3A_167, %dma_start3A_168] : memref<10008x128xf32, #tpu.memory_space<vmem_shared>> -> memref<10008x128xf32, #tpu.memory_space<vmem_shared>>
        tpu.enqueue_indirect_dma source(%dma_start3A_163 : memref<128x128xf32, #tpu.memory_space<vmem>>) target(%dma_start3A_169 : memref<10008x128xf32, #tpu.memory_space<vmem_shared>>) offsets(%dma_start3A_166 : memref<128xi32, #tpu.memory_space<vmem>>) semaphore(%run_scoped3A_159 : memref<!tpu.dma_semaphore, #tpu.memory_space<semaphore_mem>>) {add = true}
        %dma_wait3A_170 = arith.constant 0 : i32
        %dma_wait3A_171 = arith.constant 0 : i32
        %dma_wait3A_172 = tpu.memref_slice %arg12[%run_scoped3A_105, %dma_wait3A_170, %dma_wait3A_171] : memref<2x128x128xf32, #tpu.memory_space<vmem>> -> memref<1x128x128xf32, #tpu.memory_space<vmem>>
        %dma_wait3A_173 = tpu.memref_squeeze %dma_wait3A_172 : memref<1x128x128xf32, #tpu.memory_space<vmem>> -> memref<128x128xf32, #tpu.memory_space<vmem>>
        %dma_wait3A_174 = arith.constant 0 : i32
        %dma_wait3A_175 = tpu.memref_slice %arg11[%add3A_93, %dma_wait3A_174] : memref<40x128xi32, #tpu.memory_space<vmem>> -> memref<1x128xi32, #tpu.memory_space<vmem>>
        %dma_wait3A_176 = tpu.memref_squeeze %dma_wait3A_175 : memref<1x128xi32, #tpu.memory_space<vmem>> -> memref<128xi32, #tpu.memory_space<vmem>>
        %dma_wait3A_177 = arith.constant 0 : i32
        %dma_wait3A_178 = arith.constant 0 : i32
        %dma_wait3A_179 = tpu.memref_slice %arg13[%dma_wait3A_177, %dma_wait3A_178] : memref<10008x128xf32, #tpu.memory_space<vmem_shared>> -> memref<10008x128xf32, #tpu.memory_space<vmem_shared>>
        tpu.wait_indirect_dma semaphore(%run_scoped3A_159 : memref<!tpu.dma_semaphore, #tpu.memory_space<semaphore_mem>>) src(%dma_wait3A_173 : memref<128x128xf32, #tpu.memory_space<vmem>>) dst(%dma_wait3A_179 : memref<10008x128xf32, #tpu.memory_space<vmem_shared>>)
        tpu.yield
      }) : () -> ()
      %add3A_106 = arith.constant 2 : i32
      %add3A_107 = arith.addi %add3A_93, %add3A_106 : i32
      %lt3A_108 = arith.constant 40 : i32
      %lt3A_109 = arith.cmpi slt, %add3A_107, %lt3A_108 : i32
      %convert_element_type3A_110 = arith.extui %lt3A_109 : i1 to i32
      %cond3A_111 = arith.constant 0 : i32
      %cond3A_112 = arith.cmpi ne, %convert_element_type3A_110, %cond3A_111 : i32
      scf.if %cond3A_112 {
        %add3A_159 = arith.constant 2 : i32
        %add3A_160 = arith.addi %add3A_93, %add3A_159 : i32
        %dma_start3A_161 = arith.constant 1 : i32
        %dma_start3A_162 = arith.constant 0 : i32
        %dma_start3A_163 = arith.constant 0 : i32
        %dma_start3A_164 = tpu.memref_slice %arg12[%dma_start3A_161, %dma_start3A_162, %dma_start3A_163] : memref<2x128x128xf32, #tpu.memory_space<vmem>> -> memref<1x128x128xf32, #tpu.memory_space<vmem>>
        %dma_start3A_165 = tpu.memref_squeeze %dma_start3A_164 : memref<1x128x128xf32, #tpu.memory_space<vmem>> -> memref<128x128xf32, #tpu.memory_space<vmem>>
        %dma_start3A_166 = arith.constant 0 : i32
        %dma_start3A_167 = tpu.memref_slice %arg10[%add3A_160, %dma_start3A_166] : memref<40x128xi32, #tpu.memory_space<vmem>> -> memref<1x128xi32, #tpu.memory_space<vmem>>
        %dma_start3A_168 = tpu.memref_squeeze %dma_start3A_167 : memref<1x128xi32, #tpu.memory_space<vmem>> -> memref<128xi32, #tpu.memory_space<vmem>>
        %dma_start3A_169 = arith.constant 0 : i32
        %dma_start3A_170 = arith.constant 0 : i32
        %dma_start3A_171 = tpu.memref_slice %arg5[%dma_start3A_169, %dma_start3A_170] : memref<10000x128xf32, #tpu.memory_space<hbm>> -> memref<10000x128xf32, #tpu.memory_space<hbm>>
        tpu.enqueue_indirect_dma source(%dma_start3A_171 : memref<10000x128xf32, #tpu.memory_space<hbm>>) target(%dma_start3A_165 : memref<128x128xf32, #tpu.memory_space<vmem>>) offsets(%dma_start3A_168 : memref<128xi32, #tpu.memory_space<vmem>>) semaphore(%arg15 : memref<!tpu.dma_semaphore, #tpu.memory_space<semaphore_mem>>)
      } else {
      }
      %mul3A_113 = arith.constant 4 : i32
      %mul3A_114 = arith.muli %scan3A_69, %mul3A_113 : i32
      %add3A_115 = arith.constant 2 : i32
      %add3A_116 = arith.addi %mul3A_114, %add3A_115 : i32
      %dma_wait3A_117 = arith.constant 0 : i32
      %dma_wait3A_118 = arith.constant 0 : i32
      %dma_wait3A_119 = arith.constant 0 : i32
      %dma_wait3A_120 = tpu.memref_slice %arg12[%dma_wait3A_117, %dma_wait3A_118, %dma_wait3A_119] : memref<2x128x128xf32, #tpu.memory_space<vmem>> -> memref<1x128x128xf32, #tpu.memory_space<vmem>>
      %dma_wait3A_121 = tpu.memref_squeeze %dma_wait3A_120 : memref<1x128x128xf32, #tpu.memory_space<vmem>> -> memref<128x128xf32, #tpu.memory_space<vmem>>
      %dma_wait3A_122 = arith.constant 0 : i32
      %dma_wait3A_123 = tpu.memref_slice %arg10[%add3A_116, %dma_wait3A_122] : memref<40x128xi32, #tpu.memory_space<vmem>> -> memref<1x128xi32, #tpu.memory_space<vmem>>
      %dma_wait3A_124 = tpu.memref_squeeze %dma_wait3A_123 : memref<1x128xi32, #tpu.memory_space<vmem>> -> memref<128xi32, #tpu.memory_space<vmem>>
      %dma_wait3A_125 = arith.constant 0 : i32
      %dma_wait3A_126 = arith.constant 0 : i32
      %dma_wait3A_127 = tpu.memref_slice %arg4[%dma_wait3A_125, %dma_wait3A_126] : memref<10000x128xf32, #tpu.memory_space<hbm>> -> memref<10000x128xf32, #tpu.memory_space<hbm>>
      tpu.wait_indirect_dma semaphore(%arg14 : memref<!tpu.dma_semaphore, #tpu.memory_space<semaphore_mem>>) src(%dma_wait3A_127 : memref<10000x128xf32, #tpu.memory_space<hbm>>) dst(%dma_wait3A_121 : memref<128x128xf32, #tpu.memory_space<vmem>>)
      %run_scoped3A_128 = arith.constant 0 : i32
      "tpu.region"() ({
        %run_scoped3A_159 = tpu.sem_alloc : memref<!tpu.dma_semaphore, #tpu.memory_space<semaphore_mem>>
        %dma_start3A_160 = arith.constant 0 : i32
        %dma_start3A_161 = arith.constant 0 : i32
        %dma_start3A_162 = tpu.memref_slice %arg12[%run_scoped3A_128, %dma_start3A_160, %dma_start3A_161] : memref<2x128x128xf32, #tpu.memory_space<vmem>> -> memref<1x128x128xf32, #tpu.memory_space<vmem>>
        %dma_start3A_163 = tpu.memref_squeeze %dma_start3A_162 : memref<1x128x128xf32, #tpu.memory_space<vmem>> -> memref<128x128xf32, #tpu.memory_space<vmem>>
        %dma_start3A_164 = arith.constant 0 : i32
        %dma_start3A_165 = tpu.memref_slice %arg11[%add3A_116, %dma_start3A_164] : memref<40x128xi32, #tpu.memory_space<vmem>> -> memref<1x128xi32, #tpu.memory_space<vmem>>
        %dma_start3A_166 = tpu.memref_squeeze %dma_start3A_165 : memref<1x128xi32, #tpu.memory_space<vmem>> -> memref<128xi32, #tpu.memory_space<vmem>>
        %dma_start3A_167 = arith.constant 0 : i32
        %dma_start3A_168 = arith.constant 0 : i32
        %dma_start3A_169 = tpu.memref_slice %arg13[%dma_start3A_167, %dma_start3A_168] : memref<10008x128xf32, #tpu.memory_space<vmem_shared>> -> memref<10008x128xf32, #tpu.memory_space<vmem_shared>>
        tpu.enqueue_indirect_dma source(%dma_start3A_163 : memref<128x128xf32, #tpu.memory_space<vmem>>) target(%dma_start3A_169 : memref<10008x128xf32, #tpu.memory_space<vmem_shared>>) offsets(%dma_start3A_166 : memref<128xi32, #tpu.memory_space<vmem>>) semaphore(%run_scoped3A_159 : memref<!tpu.dma_semaphore, #tpu.memory_space<semaphore_mem>>) {add = true}
        %dma_wait3A_170 = arith.constant 0 : i32
        %dma_wait3A_171 = arith.constant 0 : i32
        %dma_wait3A_172 = tpu.memref_slice %arg12[%run_scoped3A_128, %dma_wait3A_170, %dma_wait3A_171] : memref<2x128x128xf32, #tpu.memory_space<vmem>> -> memref<1x128x128xf32, #tpu.memory_space<vmem>>
        %dma_wait3A_173 = tpu.memref_squeeze %dma_wait3A_172 : memref<1x128x128xf32, #tpu.memory_space<vmem>> -> memref<128x128xf32, #tpu.memory_space<vmem>>
        %dma_wait3A_174 = arith.constant 0 : i32
        %dma_wait3A_175 = tpu.memref_slice %arg11[%add3A_116, %dma_wait3A_174] : memref<40x128xi32, #tpu.memory_space<vmem>> -> memref<1x128xi32, #tpu.memory_space<vmem>>
        %dma_wait3A_176 = tpu.memref_squeeze %dma_wait3A_175 : memref<1x128xi32, #tpu.memory_space<vmem>> -> memref<128xi32, #tpu.memory_space<vmem>>
        %dma_wait3A_177 = arith.constant 0 : i32
        %dma_wait3A_178 = arith.constant 0 : i32
        %dma_wait3A_179 = tpu.memref_slice %arg13[%dma_wait3A_177, %dma_wait3A_178] : memref<10008x128xf32, #tpu.memory_space<vmem_shared>> -> memref<10008x128xf32, #tpu.memory_space<vmem_shared>>
        tpu.wait_indirect_dma semaphore(%run_scoped3A_159 : memref<!tpu.dma_semaphore, #tpu.memory_space<semaphore_mem>>) src(%dma_wait3A_173 : memref<128x128xf32, #tpu.memory_space<vmem>>) dst(%dma_wait3A_179 : memref<10008x128xf32, #tpu.memory_space<vmem_shared>>)
        tpu.yield
      }) : () -> ()
      %add3A_129 = arith.constant 2 : i32
      %add3A_130 = arith.addi %add3A_116, %add3A_129 : i32
      %lt3A_131 = arith.constant 40 : i32
      %lt3A_132 = arith.cmpi slt, %add3A_130, %lt3A_131 : i32
      %convert_element_type3A_133 = arith.extui %lt3A_132 : i1 to i32
      %cond3A_134 = arith.constant 0 : i32
      %cond3A_135 = arith.cmpi ne, %convert_element_type3A_133, %cond3A_134 : i32
      scf.if %cond3A_135 {
        %add3A_159 = arith.constant 2 : i32
        %add3A_160 = arith.addi %add3A_116, %add3A_159 : i32
        %dma_start3A_161 = arith.constant 0 : i32
        %dma_start3A_162 = arith.constant 0 : i32
        %dma_start3A_163 = arith.constant 0 : i32
        %dma_start3A_164 = tpu.memref_slice %arg12[%dma_start3A_161, %dma_start3A_162, %dma_start3A_163] : memref<2x128x128xf32, #tpu.memory_space<vmem>> -> memref<1x128x128xf32, #tpu.memory_space<vmem>>
        %dma_start3A_165 = tpu.memref_squeeze %dma_start3A_164 : memref<1x128x128xf32, #tpu.memory_space<vmem>> -> memref<128x128xf32, #tpu.memory_space<vmem>>
        %dma_start3A_166 = arith.constant 0 : i32
        %dma_start3A_167 = tpu.memref_slice %arg10[%add3A_160, %dma_start3A_166] : memref<40x128xi32, #tpu.memory_space<vmem>> -> memref<1x128xi32, #tpu.memory_space<vmem>>
        %dma_start3A_168 = tpu.memref_squeeze %dma_start3A_167 : memref<1x128xi32, #tpu.memory_space<vmem>> -> memref<128xi32, #tpu.memory_space<vmem>>
        %dma_start3A_169 = arith.constant 0 : i32
        %dma_start3A_170 = arith.constant 0 : i32
        %dma_start3A_171 = tpu.memref_slice %arg2[%dma_start3A_169, %dma_start3A_170] : memref<10000x128xf32, #tpu.memory_space<hbm>> -> memref<10000x128xf32, #tpu.memory_space<hbm>>
        tpu.enqueue_indirect_dma source(%dma_start3A_171 : memref<10000x128xf32, #tpu.memory_space<hbm>>) target(%dma_start3A_165 : memref<128x128xf32, #tpu.memory_space<vmem>>) offsets(%dma_start3A_168 : memref<128xi32, #tpu.memory_space<vmem>>) semaphore(%arg14 : memref<!tpu.dma_semaphore, #tpu.memory_space<semaphore_mem>>)
      } else {
      }
      %mul3A_136 = arith.constant 4 : i32
      %mul3A_137 = arith.muli %scan3A_69, %mul3A_136 : i32
      %add3A_138 = arith.constant 3 : i32
      %add3A_139 = arith.addi %mul3A_137, %add3A_138 : i32
      %dma_wait3A_140 = arith.constant 1 : i32
      %dma_wait3A_141 = arith.constant 0 : i32
      %dma_wait3A_142 = arith.constant 0 : i32
      %dma_wait3A_143 = tpu.memref_slice %arg12[%dma_wait3A_140, %dma_wait3A_141, %dma_wait3A_142] : memref<2x128x128xf32, #tpu.memory_space<vmem>> -> memref<1x128x128xf32, #tpu.memory_space<vmem>>
      %dma_wait3A_144 = tpu.memref_squeeze %dma_wait3A_143 : memref<1x128x128xf32, #tpu.memory_space<vmem>> -> memref<128x128xf32, #tpu.memory_space<vmem>>
      %dma_wait3A_145 = arith.constant 0 : i32
      %dma_wait3A_146 = tpu.memref_slice %arg10[%add3A_139, %dma_wait3A_145] : memref<40x128xi32, #tpu.memory_space<vmem>> -> memref<1x128xi32, #tpu.memory_space<vmem>>
      %dma_wait3A_147 = tpu.memref_squeeze %dma_wait3A_146 : memref<1x128xi32, #tpu.memory_space<vmem>> -> memref<128xi32, #tpu.memory_space<vmem>>
      %dma_wait3A_148 = arith.constant 0 : i32
      %dma_wait3A_149 = arith.constant 0 : i32
      %dma_wait3A_150 = tpu.memref_slice %arg5[%dma_wait3A_148, %dma_wait3A_149] : memref<10000x128xf32, #tpu.memory_space<hbm>> -> memref<10000x128xf32, #tpu.memory_space<hbm>>
      tpu.wait_indirect_dma semaphore(%arg15 : memref<!tpu.dma_semaphore, #tpu.memory_space<semaphore_mem>>) src(%dma_wait3A_150 : memref<10000x128xf32, #tpu.memory_space<hbm>>) dst(%dma_wait3A_144 : memref<128x128xf32, #tpu.memory_space<vmem>>)
      %run_scoped3A_151 = arith.constant 1 : i32
      "tpu.region"() ({
        %run_scoped3A_159 = tpu.sem_alloc : memref<!tpu.dma_semaphore, #tpu.memory_space<semaphore_mem>>
        %dma_start3A_160 = arith.constant 0 : i32
        %dma_start3A_161 = arith.constant 0 : i32
        %dma_start3A_162 = tpu.memref_slice %arg12[%run_scoped3A_151, %dma_start3A_160, %dma_start3A_161] : memref<2x128x128xf32, #tpu.memory_space<vmem>> -> memref<1x128x128xf32, #tpu.memory_space<vmem>>
        %dma_start3A_163 = tpu.memref_squeeze %dma_start3A_162 : memref<1x128x128xf32, #tpu.memory_space<vmem>> -> memref<128x128xf32, #tpu.memory_space<vmem>>
        %dma_start3A_164 = arith.constant 0 : i32
        %dma_start3A_165 = tpu.memref_slice %arg11[%add3A_139, %dma_start3A_164] : memref<40x128xi32, #tpu.memory_space<vmem>> -> memref<1x128xi32, #tpu.memory_space<vmem>>
        %dma_start3A_166 = tpu.memref_squeeze %dma_start3A_165 : memref<1x128xi32, #tpu.memory_space<vmem>> -> memref<128xi32, #tpu.memory_space<vmem>>
        %dma_start3A_167 = arith.constant 0 : i32
        %dma_start3A_168 = arith.constant 0 : i32
        %dma_start3A_169 = tpu.memref_slice %arg13[%dma_start3A_167, %dma_start3A_168] : memref<10008x128xf32, #tpu.memory_space<vmem_shared>> -> memref<10008x128xf32, #tpu.memory_space<vmem_shared>>
        tpu.enqueue_indirect_dma source(%dma_start3A_163 : memref<128x128xf32, #tpu.memory_space<vmem>>) target(%dma_start3A_169 : memref<10008x128xf32, #tpu.memory_space<vmem_shared>>) offsets(%dma_start3A_166 : memref<128xi32, #tpu.memory_space<vmem>>) semaphore(%run_scoped3A_159 : memref<!tpu.dma_semaphore, #tpu.memory_space<semaphore_mem>>) {add = true}
        %dma_wait3A_170 = arith.constant 0 : i32
        %dma_wait3A_171 = arith.constant 0 : i32
        %dma_wait3A_172 = tpu.memref_slice %arg12[%run_scoped3A_151, %dma_wait3A_170, %dma_wait3A_171] : memref<2x128x128xf32, #tpu.memory_space<vmem>> -> memref<1x128x128xf32, #tpu.memory_space<vmem>>
        %dma_wait3A_173 = tpu.memref_squeeze %dma_wait3A_172 : memref<1x128x128xf32, #tpu.memory_space<vmem>> -> memref<128x128xf32, #tpu.memory_space<vmem>>
        %dma_wait3A_174 = arith.constant 0 : i32
        %dma_wait3A_175 = tpu.memref_slice %arg11[%add3A_139, %dma_wait3A_174] : memref<40x128xi32, #tpu.memory_space<vmem>> -> memref<1x128xi32, #tpu.memory_space<vmem>>
        %dma_wait3A_176 = tpu.memref_squeeze %dma_wait3A_175 : memref<1x128xi32, #tpu.memory_space<vmem>> -> memref<128xi32, #tpu.memory_space<vmem>>
        %dma_wait3A_177 = arith.constant 0 : i32
        %dma_wait3A_178 = arith.constant 0 : i32
        %dma_wait3A_179 = tpu.memref_slice %arg13[%dma_wait3A_177, %dma_wait3A_178] : memref<10008x128xf32, #tpu.memory_space<vmem_shared>> -> memref<10008x128xf32, #tpu.memory_space<vmem_shared>>
        tpu.wait_indirect_dma semaphore(%run_scoped3A_159 : memref<!tpu.dma_semaphore, #tpu.memory_space<semaphore_mem>>) src(%dma_wait3A_173 : memref<128x128xf32, #tpu.memory_space<vmem>>) dst(%dma_wait3A_179 : memref<10008x128xf32, #tpu.memory_space<vmem_shared>>)
        tpu.yield
      }) : () -> ()
      %add3A_152 = arith.constant 2 : i32
      %add3A_153 = arith.addi %add3A_139, %add3A_152 : i32
      %lt3A_154 = arith.constant 40 : i32
      %lt3A_155 = arith.cmpi slt, %add3A_153, %lt3A_154 : i32
      %convert_element_type3A_156 = arith.extui %lt3A_155 : i1 to i32
      %cond3A_157 = arith.constant 0 : i32
      %cond3A_158 = arith.cmpi ne, %convert_element_type3A_156, %cond3A_157 : i32
      scf.if %cond3A_158 {
        %add3A_159 = arith.constant 2 : i32
        %add3A_160 = arith.addi %add3A_139, %add3A_159 : i32
        %dma_start3A_161 = arith.constant 1 : i32
        %dma_start3A_162 = arith.constant 0 : i32
        %dma_start3A_163 = arith.constant 0 : i32
        %dma_start3A_164 = tpu.memref_slice %arg12[%dma_start3A_161, %dma_start3A_162, %dma_start3A_163] : memref<2x128x128xf32, #tpu.memory_space<vmem>> -> memref<1x128x128xf32, #tpu.memory_space<vmem>>
        %dma_start3A_165 = tpu.memref_squeeze %dma_start3A_164 : memref<1x128x128xf32, #tpu.memory_space<vmem>> -> memref<128x128xf32, #tpu.memory_space<vmem>>
        %dma_start3A_166 = arith.constant 0 : i32
        %dma_start3A_167 = tpu.memref_slice %arg10[%add3A_160, %dma_start3A_166] : memref<40x128xi32, #tpu.memory_space<vmem>> -> memref<1x128xi32, #tpu.memory_space<vmem>>
        %dma_start3A_168 = tpu.memref_squeeze %dma_start3A_167 : memref<1x128xi32, #tpu.memory_space<vmem>> -> memref<128xi32, #tpu.memory_space<vmem>>
        %dma_start3A_169 = arith.constant 0 : i32
        %dma_start3A_170 = arith.constant 0 : i32
        %dma_start3A_171 = tpu.memref_slice %arg3[%dma_start3A_169, %dma_start3A_170] : memref<10000x128xf32, #tpu.memory_space<hbm>> -> memref<10000x128xf32, #tpu.memory_space<hbm>>
        tpu.enqueue_indirect_dma source(%dma_start3A_171 : memref<10000x128xf32, #tpu.memory_space<hbm>>) target(%dma_start3A_165 : memref<128x128xf32, #tpu.memory_space<vmem>>) offsets(%dma_start3A_168 : memref<128xi32, #tpu.memory_space<vmem>>) semaphore(%arg15 : memref<!tpu.dma_semaphore, #tpu.memory_space<semaphore_mem>>)
      } else {
      }
    }
    %scan3A_32 = arith.constant 10 : i32
    "tpu.region"() ({
      %run_scoped3A = tpu.sem_alloc : memref<!tpu.dma_semaphore, #tpu.memory_space<semaphore_mem>>
      %dma_start3A_69 = arith.constant 40 : i32
      %dma_start3A_70 = arith.constant 0 : i32
      %dma_start3A_71 = tpu.memref_slice %arg6[%add3A, %dma_start3A_69, %dma_start3A_70] : memref<32x80x128xi32, #tpu.memory_space<hbm>> -> memref<1x40x128xi32, #tpu.memory_space<hbm>>
      %dma_start3A_72 = tpu.memref_squeeze %dma_start3A_71 : memref<1x40x128xi32, #tpu.memory_space<hbm>> -> memref<40x128xi32, #tpu.memory_space<hbm>>
      %dma_start3A_73 = arith.constant 40 : i32
      %dma_start3A_74 = arith.constant 0 : i32
      %dma_start3A_75 = tpu.memref_slice %arg6[%add3A, %dma_start3A_73, %dma_start3A_74] : memref<32x80x128xi32, #tpu.memory_space<hbm>> -> memref<1x40x128xi32, #tpu.memory_space<hbm>>
      %dma_start3A_76 = tpu.memref_squeeze %dma_start3A_75 : memref<1x40x128xi32, #tpu.memory_space<hbm>> -> memref<40x128xi32, #tpu.memory_space<hbm>>
      tpu.enqueue_dma source(%dma_start3A_76 : memref<40x128xi32, #tpu.memory_space<hbm>>) target(%arg10 : memref<40x128xi32, #tpu.memory_space<vmem>>) target_semaphore(%run_scoped3A : memref<!tpu.dma_semaphore, #tpu.memory_space<semaphore_mem>>)
      %dma_wait3A = arith.constant 40 : i32
      %dma_wait3A_77 = arith.constant 0 : i32
      %dma_wait3A_78 = tpu.memref_slice %arg6[%add3A, %dma_wait3A, %dma_wait3A_77] : memref<32x80x128xi32, #tpu.memory_space<hbm>> -> memref<1x40x128xi32, #tpu.memory_space<hbm>>
      %dma_wait3A_79 = tpu.memref_squeeze %dma_wait3A_78 : memref<1x40x128xi32, #tpu.memory_space<hbm>> -> memref<40x128xi32, #tpu.memory_space<hbm>>
      %dma_wait3A_80 = arith.constant 40 : i32
      %dma_wait3A_81 = arith.constant 0 : i32
      %dma_wait3A_82 = tpu.memref_slice %arg6[%add3A, %dma_wait3A_80, %dma_wait3A_81] : memref<32x80x128xi32, #tpu.memory_space<hbm>> -> memref<1x40x128xi32, #tpu.memory_space<hbm>>
      %dma_wait3A_83 = tpu.memref_squeeze %dma_wait3A_82 : memref<1x40x128xi32, #tpu.memory_space<hbm>> -> memref<40x128xi32, #tpu.memory_space<hbm>>
      tpu.wait_dma2 semaphore(%run_scoped3A : memref<!tpu.dma_semaphore, #tpu.memory_space<semaphore_mem>>) src(%dma_wait3A_83 : memref<40x128xi32, #tpu.memory_space<hbm>>) dst(%arg10 : memref<40x128xi32, #tpu.memory_space<vmem>>)
      tpu.yield
    }) : () -> ()
    "tpu.region"() ({
      %run_scoped3A = tpu.sem_alloc : memref<!tpu.dma_semaphore, #tpu.memory_space<semaphore_mem>>
      %dma_start3A_69 = arith.constant 40 : i32
      %dma_start3A_70 = arith.constant 0 : i32
      %dma_start3A_71 = tpu.memref_slice %arg7[%add3A, %dma_start3A_69, %dma_start3A_70] : memref<32x80x128xi32, #tpu.memory_space<hbm>> -> memref<1x40x128xi32, #tpu.memory_space<hbm>>
      %dma_start3A_72 = tpu.memref_squeeze %dma_start3A_71 : memref<1x40x128xi32, #tpu.memory_space<hbm>> -> memref<40x128xi32, #tpu.memory_space<hbm>>
      %dma_start3A_73 = arith.constant 40 : i32
      %dma_start3A_74 = arith.constant 0 : i32
      %dma_start3A_75 = tpu.memref_slice %arg7[%add3A, %dma_start3A_73, %dma_start3A_74] : memref<32x80x128xi32, #tpu.memory_space<hbm>> -> memref<1x40x128xi32, #tpu.memory_space<hbm>>
      %dma_start3A_76 = tpu.memref_squeeze %dma_start3A_75 : memref<1x40x128xi32, #tpu.memory_space<hbm>> -> memref<40x128xi32, #tpu.memory_space<hbm>>
      tpu.enqueue_dma source(%dma_start3A_76 : memref<40x128xi32, #tpu.memory_space<hbm>>) target(%arg11 : memref<40x128xi32, #tpu.memory_space<vmem>>) target_semaphore(%run_scoped3A : memref<!tpu.dma_semaphore, #tpu.memory_space<semaphore_mem>>)
      %dma_wait3A = arith.constant 40 : i32
      %dma_wait3A_77 = arith.constant 0 : i32
      %dma_wait3A_78 = tpu.memref_slice %arg7[%add3A, %dma_wait3A, %dma_wait3A_77] : memref<32x80x128xi32, #tpu.memory_space<hbm>> -> memref<1x40x128xi32, #tpu.memory_space<hbm>>
      %dma_wait3A_79 = tpu.memref_squeeze %dma_wait3A_78 : memref<1x40x128xi32, #tpu.memory_space<hbm>> -> memref<40x128xi32, #tpu.memory_space<hbm>>
      %dma_wait3A_80 = arith.constant 40 : i32
      %dma_wait3A_81 = arith.constant 0 : i32
      %dma_wait3A_82 = tpu.memref_slice %arg7[%add3A, %dma_wait3A_80, %dma_wait3A_81] : memref<32x80x128xi32, #tpu.memory_space<hbm>> -> memref<1x40x128xi32, #tpu.memory_space<hbm>>
      %dma_wait3A_83 = tpu.memref_squeeze %dma_wait3A_82 : memref<1x40x128xi32, #tpu.memory_space<hbm>> -> memref<40x128xi32, #tpu.memory_space<hbm>>
      tpu.wait_dma2 semaphore(%run_scoped3A : memref<!tpu.dma_semaphore, #tpu.memory_space<semaphore_mem>>) src(%dma_wait3A_83 : memref<40x128xi32, #tpu.memory_space<hbm>>) dst(%arg11 : memref<40x128xi32, #tpu.memory_space<vmem>>)
      tpu.yield
    }) : () -> ()
    %dma_start3A_33 = arith.constant 0 : i32
    %dma_start3A_34 = arith.constant 0 : i32
    %dma_start3A_35 = arith.constant 0 : i32
    %dma_start3A_36 = arith.constant 0 : i32
    %dma_start3A_37 = tpu.memref_slice %arg12[%dma_start3A_34, %dma_start3A_35, %dma_start3A_36] : memref<2x128x128xf32, #tpu.memory_space<vmem>> -> memref<1x128x128xf32, #tpu.memory_space<vmem>>
    %dma_start3A_38 = tpu.memref_squeeze %dma_start3A_37 : memref<1x128x128xf32, #tpu.memory_space<vmem>> -> memref<128x128xf32, #tpu.memory_space<vmem>>
    %dma_start3A_39 = arith.constant 0 : i32
    %dma_start3A_40 = tpu.memref_slice %arg10[%dma_start3A_33, %dma_start3A_39] : memref<40x128xi32, #tpu.memory_space<vmem>> -> memref<1x128xi32, #tpu.memory_space<vmem>>
    %dma_start3A_41 = tpu.memref_squeeze %dma_start3A_40 : memref<1x128xi32, #tpu.memory_space<vmem>> -> memref<128xi32, #tpu.memory_space<vmem>>
    %dma_start3A_42 = arith.constant 0 : i32
    %dma_start3A_43 = arith.constant 0 : i32
    %dma_start3A_44 = tpu.memref_slice %arg2[%dma_start3A_42, %dma_start3A_43] : memref<10000x128xf32, #tpu.memory_space<hbm>> -> memref<10000x128xf32, #tpu.memory_space<hbm>>
    tpu.enqueue_indirect_dma source(%dma_start3A_44 : memref<10000x128xf32, #tpu.memory_space<hbm>>) target(%dma_start3A_38 : memref<128x128xf32, #tpu.memory_space<vmem>>) offsets(%dma_start3A_41 : memref<128xi32, #tpu.memory_space<vmem>>) semaphore(%arg14 : memref<!tpu.dma_semaphore, #tpu.memory_space<semaphore_mem>>)
    %dma_start3A_45 = arith.constant 1 : i32
    %dma_start3A_46 = arith.constant 1 : i32
    %dma_start3A_47 = arith.constant 0 : i32
    %dma_start3A_48 = arith.constant 0 : i32
    %dma_start3A_49 = tpu.memref_slice %arg12[%dma_start3A_46, %dma_start3A_47, %dma_start3A_48] : memref<2x128x128xf32, #tpu.memory_space<vmem>> -> memref<1x128x128xf32, #tpu.memory_space<vmem>>
    %dma_start3A_50 = tpu.memref_squeeze %dma_start3A_49 : memref<1x128x128xf32, #tpu.memory_space<vmem>> -> memref<128x128xf32, #tpu.memory_space<vmem>>
    %dma_start3A_51 = arith.constant 0 : i32
    %dma_start3A_52 = tpu.memref_slice %arg10[%dma_start3A_45, %dma_start3A_51] : memref<40x128xi32, #tpu.memory_space<vmem>> -> memref<1x128xi32, #tpu.memory_space<vmem>>
    %dma_start3A_53 = tpu.memref_squeeze %dma_start3A_52 : memref<1x128xi32, #tpu.memory_space<vmem>> -> memref<128xi32, #tpu.memory_space<vmem>>
    %dma_start3A_54 = arith.constant 0 : i32
    %dma_start3A_55 = arith.constant 0 : i32
    %dma_start3A_56 = tpu.memref_slice %arg3[%dma_start3A_54, %dma_start3A_55] : memref<10000x128xf32, #tpu.memory_space<hbm>> -> memref<10000x128xf32, #tpu.memory_space<hbm>>
    tpu.enqueue_indirect_dma source(%dma_start3A_56 : memref<10000x128xf32, #tpu.memory_space<hbm>>) target(%dma_start3A_50 : memref<128x128xf32, #tpu.memory_space<vmem>>) offsets(%dma_start3A_53 : memref<128xi32, #tpu.memory_space<vmem>>) semaphore(%arg15 : memref<!tpu.dma_semaphore, #tpu.memory_space<semaphore_mem>>)
    %scan3A_57 = arith.constant 0 : i32
    %scan3A_58 = arith.constant 0 : i32
    %scan3A_59 = arith.constant 10 : i32
    %scan3A_60 = arith.addi %scan3A_58, %scan3A_59 : i32
    %scan3A_61 = arith.constant 1 : i32
    scf.for %scan3A_69 = %scan3A_58 to %scan3A_60 step %scan3A_61  : i32 {
      %mul3A_70 = arith.constant 4 : i32
      %mul3A_71 = arith.muli %scan3A_69, %mul3A_70 : i32
      %add3A_72 = arith.constant 0 : i32
      %add3A_73 = arith.addi %mul3A_71, %add3A_72 : i32
      %dma_wait3A = arith.constant 0 : i32
      %dma_wait3A_74 = arith.constant 0 : i32
      %dma_wait3A_75 = arith.constant 0 : i32
      %dma_wait3A_76 = tpu.memref_slice %arg12[%dma_wait3A, %dma_wait3A_74, %dma_wait3A_75] : memref<2x128x128xf32, #tpu.memory_space<vmem>> -> memref<1x128x128xf32, #tpu.memory_space<vmem>>
      %dma_wait3A_77 = tpu.memref_squeeze %dma_wait3A_76 : memref<1x128x128xf32, #tpu.memory_space<vmem>> -> memref<128x128xf32, #tpu.memory_space<vmem>>
      %dma_wait3A_78 = arith.constant 0 : i32
      %dma_wait3A_79 = tpu.memref_slice %arg10[%add3A_73, %dma_wait3A_78] : memref<40x128xi32, #tpu.memory_space<vmem>> -> memref<1x128xi32, #tpu.memory_space<vmem>>
      %dma_wait3A_80 = tpu.memref_squeeze %dma_wait3A_79 : memref<1x128xi32, #tpu.memory_space<vmem>> -> memref<128xi32, #tpu.memory_space<vmem>>
      %dma_wait3A_81 = arith.constant 0 : i32
      %dma_wait3A_82 = arith.constant 0 : i32
      %dma_wait3A_83 = tpu.memref_slice %arg2[%dma_wait3A_81, %dma_wait3A_82] : memref<10000x128xf32, #tpu.memory_space<hbm>> -> memref<10000x128xf32, #tpu.memory_space<hbm>>
      tpu.wait_indirect_dma semaphore(%arg14 : memref<!tpu.dma_semaphore, #tpu.memory_space<semaphore_mem>>) src(%dma_wait3A_83 : memref<10000x128xf32, #tpu.memory_space<hbm>>) dst(%dma_wait3A_77 : memref<128x128xf32, #tpu.memory_space<vmem>>)
      %run_scoped3A = arith.constant 0 : i32
      "tpu.region"() ({
        %run_scoped3A_159 = tpu.sem_alloc : memref<!tpu.dma_semaphore, #tpu.memory_space<semaphore_mem>>
        %dma_start3A_160 = arith.constant 0 : i32
        %dma_start3A_161 = arith.constant 0 : i32
        %dma_start3A_162 = tpu.memref_slice %arg12[%run_scoped3A, %dma_start3A_160, %dma_start3A_161] : memref<2x128x128xf32, #tpu.memory_space<vmem>> -> memref<1x128x128xf32, #tpu.memory_space<vmem>>
        %dma_start3A_163 = tpu.memref_squeeze %dma_start3A_162 : memref<1x128x128xf32, #tpu.memory_space<vmem>> -> memref<128x128xf32, #tpu.memory_space<vmem>>
        %dma_start3A_164 = arith.constant 0 : i32
        %dma_start3A_165 = tpu.memref_slice %arg11[%add3A_73, %dma_start3A_164] : memref<40x128xi32, #tpu.memory_space<vmem>> -> memref<1x128xi32, #tpu.memory_space<vmem>>
        %dma_start3A_166 = tpu.memref_squeeze %dma_start3A_165 : memref<1x128xi32, #tpu.memory_space<vmem>> -> memref<128xi32, #tpu.memory_space<vmem>>
        %dma_start3A_167 = arith.constant 0 : i32
        %dma_start3A_168 = arith.constant 0 : i32
        %dma_start3A_169 = tpu.memref_slice %arg13[%dma_start3A_167, %dma_start3A_168] : memref<10008x128xf32, #tpu.memory_space<vmem_shared>> -> memref<10008x128xf32, #tpu.memory_space<vmem_shared>>
        tpu.enqueue_indirect_dma source(%dma_start3A_163 : memref<128x128xf32, #tpu.memory_space<vmem>>) target(%dma_start3A_169 : memref<10008x128xf32, #tpu.memory_space<vmem_shared>>) offsets(%dma_start3A_166 : memref<128xi32, #tpu.memory_space<vmem>>) semaphore(%run_scoped3A_159 : memref<!tpu.dma_semaphore, #tpu.memory_space<semaphore_mem>>) {add = true}
        %dma_wait3A_170 = arith.constant 0 : i32
        %dma_wait3A_171 = arith.constant 0 : i32
        %dma_wait3A_172 = tpu.memref_slice %arg12[%run_scoped3A, %dma_wait3A_170, %dma_wait3A_171] : memref<2x128x128xf32, #tpu.memory_space<vmem>> -> memref<1x128x128xf32, #tpu.memory_space<vmem>>
        %dma_wait3A_173 = tpu.memref_squeeze %dma_wait3A_172 : memref<1x128x128xf32, #tpu.memory_space<vmem>> -> memref<128x128xf32, #tpu.memory_space<vmem>>
        %dma_wait3A_174 = arith.constant 0 : i32
        %dma_wait3A_175 = tpu.memref_slice %arg11[%add3A_73, %dma_wait3A_174] : memref<40x128xi32, #tpu.memory_space<vmem>> -> memref<1x128xi32, #tpu.memory_space<vmem>>
        %dma_wait3A_176 = tpu.memref_squeeze %dma_wait3A_175 : memref<1x128xi32, #tpu.memory_space<vmem>> -> memref<128xi32, #tpu.memory_space<vmem>>
        %dma_wait3A_177 = arith.constant 0 : i32
        %dma_wait3A_178 = arith.constant 0 : i32
        %dma_wait3A_179 = tpu.memref_slice %arg13[%dma_wait3A_177, %dma_wait3A_178] : memref<10008x128xf32, #tpu.memory_space<vmem_shared>> -> memref<10008x128xf32, #tpu.memory_space<vmem_shared>>
        tpu.wait_indirect_dma semaphore(%run_scoped3A_159 : memref<!tpu.dma_semaphore, #tpu.memory_space<semaphore_mem>>) src(%dma_wait3A_173 : memref<128x128xf32, #tpu.memory_space<vmem>>) dst(%dma_wait3A_179 : memref<10008x128xf32, #tpu.memory_space<vmem_shared>>)
        tpu.yield
      }) : () -> ()
      %add3A_84 = arith.constant 2 : i32
      %add3A_85 = arith.addi %add3A_73, %add3A_84 : i32
      %lt3A = arith.constant 40 : i32
      %lt3A_86 = arith.cmpi slt, %add3A_85, %lt3A : i32
      %convert_element_type3A_87 = arith.extui %lt3A_86 : i1 to i32
      %cond3A_88 = arith.constant 0 : i32
      %cond3A_89 = arith.cmpi ne, %convert_element_type3A_87, %cond3A_88 : i32
      scf.if %cond3A_89 {
        %add3A_159 = arith.constant 2 : i32
        %add3A_160 = arith.addi %add3A_73, %add3A_159 : i32
        %dma_start3A_161 = arith.constant 0 : i32
        %dma_start3A_162 = arith.constant 0 : i32
        %dma_start3A_163 = arith.constant 0 : i32
        %dma_start3A_164 = tpu.memref_slice %arg12[%dma_start3A_161, %dma_start3A_162, %dma_start3A_163] : memref<2x128x128xf32, #tpu.memory_space<vmem>> -> memref<1x128x128xf32, #tpu.memory_space<vmem>>
        %dma_start3A_165 = tpu.memref_squeeze %dma_start3A_164 : memref<1x128x128xf32, #tpu.memory_space<vmem>> -> memref<128x128xf32, #tpu.memory_space<vmem>>
        %dma_start3A_166 = arith.constant 0 : i32
        %dma_start3A_167 = tpu.memref_slice %arg10[%add3A_160, %dma_start3A_166] : memref<40x128xi32, #tpu.memory_space<vmem>> -> memref<1x128xi32, #tpu.memory_space<vmem>>
        %dma_start3A_168 = tpu.memref_squeeze %dma_start3A_167 : memref<1x128xi32, #tpu.memory_space<vmem>> -> memref<128xi32, #tpu.memory_space<vmem>>
        %dma_start3A_169 = arith.constant 0 : i32
        %dma_start3A_170 = arith.constant 0 : i32
        %dma_start3A_171 = tpu.memref_slice %arg4[%dma_start3A_169, %dma_start3A_170] : memref<10000x128xf32, #tpu.memory_space<hbm>> -> memref<10000x128xf32, #tpu.memory_space<hbm>>
        tpu.enqueue_indirect_dma source(%dma_start3A_171 : memref<10000x128xf32, #tpu.memory_space<hbm>>) target(%dma_start3A_165 : memref<128x128xf32, #tpu.memory_space<vmem>>) offsets(%dma_start3A_168 : memref<128xi32, #tpu.memory_space<vmem>>) semaphore(%arg14 : memref<!tpu.dma_semaphore, #tpu.memory_space<semaphore_mem>>)
      } else {
      }
      %mul3A_90 = arith.constant 4 : i32
      %mul3A_91 = arith.muli %scan3A_69, %mul3A_90 : i32
      %add3A_92 = arith.constant 1 : i32
      %add3A_93 = arith.addi %mul3A_91, %add3A_92 : i32
      %dma_wait3A_94 = arith.constant 1 : i32
      %dma_wait3A_95 = arith.constant 0 : i32
      %dma_wait3A_96 = arith.constant 0 : i32
      %dma_wait3A_97 = tpu.memref_slice %arg12[%dma_wait3A_94, %dma_wait3A_95, %dma_wait3A_96] : memref<2x128x128xf32, #tpu.memory_space<vmem>> -> memref<1x128x128xf32, #tpu.memory_space<vmem>>
      %dma_wait3A_98 = tpu.memref_squeeze %dma_wait3A_97 : memref<1x128x128xf32, #tpu.memory_space<vmem>> -> memref<128x128xf32, #tpu.memory_space<vmem>>
      %dma_wait3A_99 = arith.constant 0 : i32
      %dma_wait3A_100 = tpu.memref_slice %arg10[%add3A_93, %dma_wait3A_99] : memref<40x128xi32, #tpu.memory_space<vmem>> -> memref<1x128xi32, #tpu.memory_space<vmem>>
      %dma_wait3A_101 = tpu.memref_squeeze %dma_wait3A_100 : memref<1x128xi32, #tpu.memory_space<vmem>> -> memref<128xi32, #tpu.memory_space<vmem>>
      %dma_wait3A_102 = arith.constant 0 : i32
      %dma_wait3A_103 = arith.constant 0 : i32
      %dma_wait3A_104 = tpu.memref_slice %arg3[%dma_wait3A_102, %dma_wait3A_103] : memref<10000x128xf32, #tpu.memory_space<hbm>> -> memref<10000x128xf32, #tpu.memory_space<hbm>>
      tpu.wait_indirect_dma semaphore(%arg15 : memref<!tpu.dma_semaphore, #tpu.memory_space<semaphore_mem>>) src(%dma_wait3A_104 : memref<10000x128xf32, #tpu.memory_space<hbm>>) dst(%dma_wait3A_98 : memref<128x128xf32, #tpu.memory_space<vmem>>)
      %run_scoped3A_105 = arith.constant 1 : i32
      "tpu.region"() ({
        %run_scoped3A_159 = tpu.sem_alloc : memref<!tpu.dma_semaphore, #tpu.memory_space<semaphore_mem>>
        %dma_start3A_160 = arith.constant 0 : i32
        %dma_start3A_161 = arith.constant 0 : i32
        %dma_start3A_162 = tpu.memref_slice %arg12[%run_scoped3A_105, %dma_start3A_160, %dma_start3A_161] : memref<2x128x128xf32, #tpu.memory_space<vmem>> -> memref<1x128x128xf32, #tpu.memory_space<vmem>>
        %dma_start3A_163 = tpu.memref_squeeze %dma_start3A_162 : memref<1x128x128xf32, #tpu.memory_space<vmem>> -> memref<128x128xf32, #tpu.memory_space<vmem>>
        %dma_start3A_164 = arith.constant 0 : i32
        %dma_start3A_165 = tpu.memref_slice %arg11[%add3A_93, %dma_start3A_164] : memref<40x128xi32, #tpu.memory_space<vmem>> -> memref<1x128xi32, #tpu.memory_space<vmem>>
        %dma_start3A_166 = tpu.memref_squeeze %dma_start3A_165 : memref<1x128xi32, #tpu.memory_space<vmem>> -> memref<128xi32, #tpu.memory_space<vmem>>
        %dma_start3A_167 = arith.constant 0 : i32
        %dma_start3A_168 = arith.constant 0 : i32
        %dma_start3A_169 = tpu.memref_slice %arg13[%dma_start3A_167, %dma_start3A_168] : memref<10008x128xf32, #tpu.memory_space<vmem_shared>> -> memref<10008x128xf32, #tpu.memory_space<vmem_shared>>
        tpu.enqueue_indirect_dma source(%dma_start3A_163 : memref<128x128xf32, #tpu.memory_space<vmem>>) target(%dma_start3A_169 : memref<10008x128xf32, #tpu.memory_space<vmem_shared>>) offsets(%dma_start3A_166 : memref<128xi32, #tpu.memory_space<vmem>>) semaphore(%run_scoped3A_159 : memref<!tpu.dma_semaphore, #tpu.memory_space<semaphore_mem>>) {add = true}
        %dma_wait3A_170 = arith.constant 0 : i32
        %dma_wait3A_171 = arith.constant 0 : i32
        %dma_wait3A_172 = tpu.memref_slice %arg12[%run_scoped3A_105, %dma_wait3A_170, %dma_wait3A_171] : memref<2x128x128xf32, #tpu.memory_space<vmem>> -> memref<1x128x128xf32, #tpu.memory_space<vmem>>
        %dma_wait3A_173 = tpu.memref_squeeze %dma_wait3A_172 : memref<1x128x128xf32, #tpu.memory_space<vmem>> -> memref<128x128xf32, #tpu.memory_space<vmem>>
        %dma_wait3A_174 = arith.constant 0 : i32
        %dma_wait3A_175 = tpu.memref_slice %arg11[%add3A_93, %dma_wait3A_174] : memref<40x128xi32, #tpu.memory_space<vmem>> -> memref<1x128xi32, #tpu.memory_space<vmem>>
        %dma_wait3A_176 = tpu.memref_squeeze %dma_wait3A_175 : memref<1x128xi32, #tpu.memory_space<vmem>> -> memref<128xi32, #tpu.memory_space<vmem>>
        %dma_wait3A_177 = arith.constant 0 : i32
        %dma_wait3A_178 = arith.constant 0 : i32
        %dma_wait3A_179 = tpu.memref_slice %arg13[%dma_wait3A_177, %dma_wait3A_178] : memref<10008x128xf32, #tpu.memory_space<vmem_shared>> -> memref<10008x128xf32, #tpu.memory_space<vmem_shared>>
        tpu.wait_indirect_dma semaphore(%run_scoped3A_159 : memref<!tpu.dma_semaphore, #tpu.memory_space<semaphore_mem>>) src(%dma_wait3A_173 : memref<128x128xf32, #tpu.memory_space<vmem>>) dst(%dma_wait3A_179 : memref<10008x128xf32, #tpu.memory_space<vmem_shared>>)
        tpu.yield
      }) : () -> ()
      %add3A_106 = arith.constant 2 : i32
      %add3A_107 = arith.addi %add3A_93, %add3A_106 : i32
      %lt3A_108 = arith.constant 40 : i32
      %lt3A_109 = arith.cmpi slt, %add3A_107, %lt3A_108 : i32
      %convert_element_type3A_110 = arith.extui %lt3A_109 : i1 to i32
      %cond3A_111 = arith.constant 0 : i32
      %cond3A_112 = arith.cmpi ne, %convert_element_type3A_110, %cond3A_111 : i32
      scf.if %cond3A_112 {
        %add3A_159 = arith.constant 2 : i32
        %add3A_160 = arith.addi %add3A_93, %add3A_159 : i32
        %dma_start3A_161 = arith.constant 1 : i32
        %dma_start3A_162 = arith.constant 0 : i32
        %dma_start3A_163 = arith.constant 0 : i32
        %dma_start3A_164 = tpu.memref_slice %arg12[%dma_start3A_161, %dma_start3A_162, %dma_start3A_163] : memref<2x128x128xf32, #tpu.memory_space<vmem>> -> memref<1x128x128xf32, #tpu.memory_space<vmem>>
        %dma_start3A_165 = tpu.memref_squeeze %dma_start3A_164 : memref<1x128x128xf32, #tpu.memory_space<vmem>> -> memref<128x128xf32, #tpu.memory_space<vmem>>
        %dma_start3A_166 = arith.constant 0 : i32
        %dma_start3A_167 = tpu.memref_slice %arg10[%add3A_160, %dma_start3A_166] : memref<40x128xi32, #tpu.memory_space<vmem>> -> memref<1x128xi32, #tpu.memory_space<vmem>>
        %dma_start3A_168 = tpu.memref_squeeze %dma_start3A_167 : memref<1x128xi32, #tpu.memory_space<vmem>> -> memref<128xi32, #tpu.memory_space<vmem>>
        %dma_start3A_169 = arith.constant 0 : i32
        %dma_start3A_170 = arith.constant 0 : i32
        %dma_start3A_171 = tpu.memref_slice %arg5[%dma_start3A_169, %dma_start3A_170] : memref<10000x128xf32, #tpu.memory_space<hbm>> -> memref<10000x128xf32, #tpu.memory_space<hbm>>
        tpu.enqueue_indirect_dma source(%dma_start3A_171 : memref<10000x128xf32, #tpu.memory_space<hbm>>) target(%dma_start3A_165 : memref<128x128xf32, #tpu.memory_space<vmem>>) offsets(%dma_start3A_168 : memref<128xi32, #tpu.memory_space<vmem>>) semaphore(%arg15 : memref<!tpu.dma_semaphore, #tpu.memory_space<semaphore_mem>>)
      } else {
      }
      %mul3A_113 = arith.constant 4 : i32
      %mul3A_114 = arith.muli %scan3A_69, %mul3A_113 : i32
      %add3A_115 = arith.constant 2 : i32
      %add3A_116 = arith.addi %mul3A_114, %add3A_115 : i32
      %dma_wait3A_117 = arith.constant 0 : i32
      %dma_wait3A_118 = arith.constant 0 : i32
      %dma_wait3A_119 = arith.constant 0 : i32
      %dma_wait3A_120 = tpu.memref_slice %arg12[%dma_wait3A_117, %dma_wait3A_118, %dma_wait3A_119] : memref<2x128x128xf32, #tpu.memory_space<vmem>> -> memref<1x128x128xf32, #tpu.memory_space<vmem>>
      %dma_wait3A_121 = tpu.memref_squeeze %dma_wait3A_120 : memref<1x128x128xf32, #tpu.memory_space<vmem>> -> memref<128x128xf32, #tpu.memory_space<vmem>>
      %dma_wait3A_122 = arith.constant 0 : i32
      %dma_wait3A_123 = tpu.memref_slice %arg10[%add3A_116, %dma_wait3A_122] : memref<40x128xi32, #tpu.memory_space<vmem>> -> memref<1x128xi32, #tpu.memory_space<vmem>>
      %dma_wait3A_124 = tpu.memref_squeeze %dma_wait3A_123 : memref<1x128xi32, #tpu.memory_space<vmem>> -> memref<128xi32, #tpu.memory_space<vmem>>
      %dma_wait3A_125 = arith.constant 0 : i32
      %dma_wait3A_126 = arith.constant 0 : i32
      %dma_wait3A_127 = tpu.memref_slice %arg4[%dma_wait3A_125, %dma_wait3A_126] : memref<10000x128xf32, #tpu.memory_space<hbm>> -> memref<10000x128xf32, #tpu.memory_space<hbm>>
      tpu.wait_indirect_dma semaphore(%arg14 : memref<!tpu.dma_semaphore, #tpu.memory_space<semaphore_mem>>) src(%dma_wait3A_127 : memref<10000x128xf32, #tpu.memory_space<hbm>>) dst(%dma_wait3A_121 : memref<128x128xf32, #tpu.memory_space<vmem>>)
      %run_scoped3A_128 = arith.constant 0 : i32
      "tpu.region"() ({
        %run_scoped3A_159 = tpu.sem_alloc : memref<!tpu.dma_semaphore, #tpu.memory_space<semaphore_mem>>
        %dma_start3A_160 = arith.constant 0 : i32
        %dma_start3A_161 = arith.constant 0 : i32
        %dma_start3A_162 = tpu.memref_slice %arg12[%run_scoped3A_128, %dma_start3A_160, %dma_start3A_161] : memref<2x128x128xf32, #tpu.memory_space<vmem>> -> memref<1x128x128xf32, #tpu.memory_space<vmem>>
        %dma_start3A_163 = tpu.memref_squeeze %dma_start3A_162 : memref<1x128x128xf32, #tpu.memory_space<vmem>> -> memref<128x128xf32, #tpu.memory_space<vmem>>
        %dma_start3A_164 = arith.constant 0 : i32
        %dma_start3A_165 = tpu.memref_slice %arg11[%add3A_116, %dma_start3A_164] : memref<40x128xi32, #tpu.memory_space<vmem>> -> memref<1x128xi32, #tpu.memory_space<vmem>>
        %dma_start3A_166 = tpu.memref_squeeze %dma_start3A_165 : memref<1x128xi32, #tpu.memory_space<vmem>> -> memref<128xi32, #tpu.memory_space<vmem>>
        %dma_start3A_167 = arith.constant 0 : i32
        %dma_start3A_168 = arith.constant 0 : i32
        %dma_start3A_169 = tpu.memref_slice %arg13[%dma_start3A_167, %dma_start3A_168] : memref<10008x128xf32, #tpu.memory_space<vmem_shared>> -> memref<10008x128xf32, #tpu.memory_space<vmem_shared>>
        tpu.enqueue_indirect_dma source(%dma_start3A_163 : memref<128x128xf32, #tpu.memory_space<vmem>>) target(%dma_start3A_169 : memref<10008x128xf32, #tpu.memory_space<vmem_shared>>) offsets(%dma_start3A_166 : memref<128xi32, #tpu.memory_space<vmem>>) semaphore(%run_scoped3A_159 : memref<!tpu.dma_semaphore, #tpu.memory_space<semaphore_mem>>) {add = true}
        %dma_wait3A_170 = arith.constant 0 : i32
        %dma_wait3A_171 = arith.constant 0 : i32
        %dma_wait3A_172 = tpu.memref_slice %arg12[%run_scoped3A_128, %dma_wait3A_170, %dma_wait3A_171] : memref<2x128x128xf32, #tpu.memory_space<vmem>> -> memref<1x128x128xf32, #tpu.memory_space<vmem>>
        %dma_wait3A_173 = tpu.memref_squeeze %dma_wait3A_172 : memref<1x128x128xf32, #tpu.memory_space<vmem>> -> memref<128x128xf32, #tpu.memory_space<vmem>>
        %dma_wait3A_174 = arith.constant 0 : i32
        %dma_wait3A_175 = tpu.memref_slice %arg11[%add3A_116, %dma_wait3A_174] : memref<40x128xi32, #tpu.memory_space<vmem>> -> memref<1x128xi32, #tpu.memory_space<vmem>>
        %dma_wait3A_176 = tpu.memref_squeeze %dma_wait3A_175 : memref<1x128xi32, #tpu.memory_space<vmem>> -> memref<128xi32, #tpu.memory_space<vmem>>
        %dma_wait3A_177 = arith.constant 0 : i32
        %dma_wait3A_178 = arith.constant 0 : i32
        %dma_wait3A_179 = tpu.memref_slice %arg13[%dma_wait3A_177, %dma_wait3A_178] : memref<10008x128xf32, #tpu.memory_space<vmem_shared>> -> memref<10008x128xf32, #tpu.memory_space<vmem_shared>>
        tpu.wait_indirect_dma semaphore(%run_scoped3A_159 : memref<!tpu.dma_semaphore, #tpu.memory_space<semaphore_mem>>) src(%dma_wait3A_173 : memref<128x128xf32, #tpu.memory_space<vmem>>) dst(%dma_wait3A_179 : memref<10008x128xf32, #tpu.memory_space<vmem_shared>>)
        tpu.yield
      }) : () -> ()
      %add3A_129 = arith.constant 2 : i32
      %add3A_130 = arith.addi %add3A_116, %add3A_129 : i32
      %lt3A_131 = arith.constant 40 : i32
      %lt3A_132 = arith.cmpi slt, %add3A_130, %lt3A_131 : i32
      %convert_element_type3A_133 = arith.extui %lt3A_132 : i1 to i32
      %cond3A_134 = arith.constant 0 : i32
      %cond3A_135 = arith.cmpi ne, %convert_element_type3A_133, %cond3A_134 : i32
      scf.if %cond3A_135 {
        %add3A_159 = arith.constant 2 : i32
        %add3A_160 = arith.addi %add3A_116, %add3A_159 : i32
        %dma_start3A_161 = arith.constant 0 : i32
        %dma_start3A_162 = arith.constant 0 : i32
        %dma_start3A_163 = arith.constant 0 : i32
        %dma_start3A_164 = tpu.memref_slice %arg12[%dma_start3A_161, %dma_start3A_162, %dma_start3A_163] : memref<2x128x128xf32, #tpu.memory_space<vmem>> -> memref<1x128x128xf32, #tpu.memory_space<vmem>>
        %dma_start3A_165 = tpu.memref_squeeze %dma_start3A_164 : memref<1x128x128xf32, #tpu.memory_space<vmem>> -> memref<128x128xf32, #tpu.memory_space<vmem>>
        %dma_start3A_166 = arith.constant 0 : i32
        %dma_start3A_167 = tpu.memref_slice %arg10[%add3A_160, %dma_start3A_166] : memref<40x128xi32, #tpu.memory_space<vmem>> -> memref<1x128xi32, #tpu.memory_space<vmem>>
        %dma_start3A_168 = tpu.memref_squeeze %dma_start3A_167 : memref<1x128xi32, #tpu.memory_space<vmem>> -> memref<128xi32, #tpu.memory_space<vmem>>
        %dma_start3A_169 = arith.constant 0 : i32
        %dma_start3A_170 = arith.constant 0 : i32
        %dma_start3A_171 = tpu.memref_slice %arg2[%dma_start3A_169, %dma_start3A_170] : memref<10000x128xf32, #tpu.memory_space<hbm>> -> memref<10000x128xf32, #tpu.memory_space<hbm>>
        tpu.enqueue_indirect_dma source(%dma_start3A_171 : memref<10000x128xf32, #tpu.memory_space<hbm>>) target(%dma_start3A_165 : memref<128x128xf32, #tpu.memory_space<vmem>>) offsets(%dma_start3A_168 : memref<128xi32, #tpu.memory_space<vmem>>) semaphore(%arg14 : memref<!tpu.dma_semaphore, #tpu.memory_space<semaphore_mem>>)
      } else {
      }
      %mul3A_136 = arith.constant 4 : i32
      %mul3A_137 = arith.muli %scan3A_69, %mul3A_136 : i32
      %add3A_138 = arith.constant 3 : i32
      %add3A_139 = arith.addi %mul3A_137, %add3A_138 : i32
      %dma_wait3A_140 = arith.constant 1 : i32
      %dma_wait3A_141 = arith.constant 0 : i32
      %dma_wait3A_142 = arith.constant 0 : i32
      %dma_wait3A_143 = tpu.memref_slice %arg12[%dma_wait3A_140, %dma_wait3A_141, %dma_wait3A_142] : memref<2x128x128xf32, #tpu.memory_space<vmem>> -> memref<1x128x128xf32, #tpu.memory_space<vmem>>
      %dma_wait3A_144 = tpu.memref_squeeze %dma_wait3A_143 : memref<1x128x128xf32, #tpu.memory_space<vmem>> -> memref<128x128xf32, #tpu.memory_space<vmem>>
      %dma_wait3A_145 = arith.constant 0 : i32
      %dma_wait3A_146 = tpu.memref_slice %arg10[%add3A_139, %dma_wait3A_145] : memref<40x128xi32, #tpu.memory_space<vmem>> -> memref<1x128xi32, #tpu.memory_space<vmem>>
      %dma_wait3A_147 = tpu.memref_squeeze %dma_wait3A_146 : memref<1x128xi32, #tpu.memory_space<vmem>> -> memref<128xi32, #tpu.memory_space<vmem>>
      %dma_wait3A_148 = arith.constant 0 : i32
      %dma_wait3A_149 = arith.constant 0 : i32
      %dma_wait3A_150 = tpu.memref_slice %arg5[%dma_wait3A_148, %dma_wait3A_149] : memref<10000x128xf32, #tpu.memory_space<hbm>> -> memref<10000x128xf32, #tpu.memory_space<hbm>>
      tpu.wait_indirect_dma semaphore(%arg15 : memref<!tpu.dma_semaphore, #tpu.memory_space<semaphore_mem>>) src(%dma_wait3A_150 : memref<10000x128xf32, #tpu.memory_space<hbm>>) dst(%dma_wait3A_144 : memref<128x128xf32, #tpu.memory_space<vmem>>)
      %run_scoped3A_151 = arith.constant 1 : i32
      "tpu.region"() ({
        %run_scoped3A_159 = tpu.sem_alloc : memref<!tpu.dma_semaphore, #tpu.memory_space<semaphore_mem>>
        %dma_start3A_160 = arith.constant 0 : i32
        %dma_start3A_161 = arith.constant 0 : i32
        %dma_start3A_162 = tpu.memref_slice %arg12[%run_scoped3A_151, %dma_start3A_160, %dma_start3A_161] : memref<2x128x128xf32, #tpu.memory_space<vmem>> -> memref<1x128x128xf32, #tpu.memory_space<vmem>>
        %dma_start3A_163 = tpu.memref_squeeze %dma_start3A_162 : memref<1x128x128xf32, #tpu.memory_space<vmem>> -> memref<128x128xf32, #tpu.memory_space<vmem>>
        %dma_start3A_164 = arith.constant 0 : i32
        %dma_start3A_165 = tpu.memref_slice %arg11[%add3A_139, %dma_start3A_164] : memref<40x128xi32, #tpu.memory_space<vmem>> -> memref<1x128xi32, #tpu.memory_space<vmem>>
        %dma_start3A_166 = tpu.memref_squeeze %dma_start3A_165 : memref<1x128xi32, #tpu.memory_space<vmem>> -> memref<128xi32, #tpu.memory_space<vmem>>
        %dma_start3A_167 = arith.constant 0 : i32
        %dma_start3A_168 = arith.constant 0 : i32
        %dma_start3A_169 = tpu.memref_slice %arg13[%dma_start3A_167, %dma_start3A_168] : memref<10008x128xf32, #tpu.memory_space<vmem_shared>> -> memref<10008x128xf32, #tpu.memory_space<vmem_shared>>
        tpu.enqueue_indirect_dma source(%dma_start3A_163 : memref<128x128xf32, #tpu.memory_space<vmem>>) target(%dma_start3A_169 : memref<10008x128xf32, #tpu.memory_space<vmem_shared>>) offsets(%dma_start3A_166 : memref<128xi32, #tpu.memory_space<vmem>>) semaphore(%run_scoped3A_159 : memref<!tpu.dma_semaphore, #tpu.memory_space<semaphore_mem>>) {add = true}
        %dma_wait3A_170 = arith.constant 0 : i32
        %dma_wait3A_171 = arith.constant 0 : i32
        %dma_wait3A_172 = tpu.memref_slice %arg12[%run_scoped3A_151, %dma_wait3A_170, %dma_wait3A_171] : memref<2x128x128xf32, #tpu.memory_space<vmem>> -> memref<1x128x128xf32, #tpu.memory_space<vmem>>
        %dma_wait3A_173 = tpu.memref_squeeze %dma_wait3A_172 : memref<1x128x128xf32, #tpu.memory_space<vmem>> -> memref<128x128xf32, #tpu.memory_space<vmem>>
        %dma_wait3A_174 = arith.constant 0 : i32
        %dma_wait3A_175 = tpu.memref_slice %arg11[%add3A_139, %dma_wait3A_174] : memref<40x128xi32, #tpu.memory_space<vmem>> -> memref<1x128xi32, #tpu.memory_space<vmem>>
        %dma_wait3A_176 = tpu.memref_squeeze %dma_wait3A_175 : memref<1x128xi32, #tpu.memory_space<vmem>> -> memref<128xi32, #tpu.memory_space<vmem>>
        %dma_wait3A_177 = arith.constant 0 : i32
        %dma_wait3A_178 = arith.constant 0 : i32
        %dma_wait3A_179 = tpu.memref_slice %arg13[%dma_wait3A_177, %dma_wait3A_178] : memref<10008x128xf32, #tpu.memory_space<vmem_shared>> -> memref<10008x128xf32, #tpu.memory_space<vmem_shared>>
        tpu.wait_indirect_dma semaphore(%run_scoped3A_159 : memref<!tpu.dma_semaphore, #tpu.memory_space<semaphore_mem>>) src(%dma_wait3A_173 : memref<128x128xf32, #tpu.memory_space<vmem>>) dst(%dma_wait3A_179 : memref<10008x128xf32, #tpu.memory_space<vmem_shared>>)
        tpu.yield
      }) : () -> ()
      %add3A_152 = arith.constant 2 : i32
      %add3A_153 = arith.addi %add3A_139, %add3A_152 : i32
      %lt3A_154 = arith.constant 40 : i32
      %lt3A_155 = arith.cmpi slt, %add3A_153, %lt3A_154 : i32
      %convert_element_type3A_156 = arith.extui %lt3A_155 : i1 to i32
      %cond3A_157 = arith.constant 0 : i32
      %cond3A_158 = arith.cmpi ne, %convert_element_type3A_156, %cond3A_157 : i32
      scf.if %cond3A_158 {
        %add3A_159 = arith.constant 2 : i32
        %add3A_160 = arith.addi %add3A_139, %add3A_159 : i32
        %dma_start3A_161 = arith.constant 1 : i32
        %dma_start3A_162 = arith.constant 0 : i32
        %dma_start3A_163 = arith.constant 0 : i32
        %dma_start3A_164 = tpu.memref_slice %arg12[%dma_start3A_161, %dma_start3A_162, %dma_start3A_163] : memref<2x128x128xf32, #tpu.memory_space<vmem>> -> memref<1x128x128xf32, #tpu.memory_space<vmem>>
        %dma_start3A_165 = tpu.memref_squeeze %dma_start3A_164 : memref<1x128x128xf32, #tpu.memory_space<vmem>> -> memref<128x128xf32, #tpu.memory_space<vmem>>
        %dma_start3A_166 = arith.constant 0 : i32
        %dma_start3A_167 = tpu.memref_slice %arg10[%add3A_160, %dma_start3A_166] : memref<40x128xi32, #tpu.memory_space<vmem>> -> memref<1x128xi32, #tpu.memory_space<vmem>>
        %dma_start3A_168 = tpu.memref_squeeze %dma_start3A_167 : memref<1x128xi32, #tpu.memory_space<vmem>> -> memref<128xi32, #tpu.memory_space<vmem>>
        %dma_start3A_169 = arith.constant 0 : i32
        %dma_start3A_170 = arith.constant 0 : i32
        %dma_start3A_171 = tpu.memref_slice %arg3[%dma_start3A_169, %dma_start3A_170] : memref<10000x128xf32, #tpu.memory_space<hbm>> -> memref<10000x128xf32, #tpu.memory_space<hbm>>
        tpu.enqueue_indirect_dma source(%dma_start3A_171 : memref<10000x128xf32, #tpu.memory_space<hbm>>) target(%dma_start3A_165 : memref<128x128xf32, #tpu.memory_space<vmem>>) offsets(%dma_start3A_168 : memref<128xi32, #tpu.memory_space<vmem>>) semaphore(%arg15 : memref<!tpu.dma_semaphore, #tpu.memory_space<semaphore_mem>>)
      } else {
      }
    }
    %scan3A_62 = arith.constant 10 : i32
    %barrier3A_63 = arith.constant 0 : index
    tpu.barrier barrier_id(%barrier3A_63)
    "tpu.region"() ({
      %run_scoped3A = tpu.sem_alloc : memref<!tpu.dma_semaphore, #tpu.memory_space<semaphore_mem>>
      %dma_start3A_69 = arith.constant 0 : i32
      %dma_start3A_70 = tpu.memref_slice %arg9[%arg0, %multiple_of3A, %dma_start3A_69] : memref<2x10000x128xf32, #tpu.memory_space<hbm>> -> memref<1x624x128xf32, #tpu.memory_space<hbm>>
      %dma_start3A_71 = tpu.memref_squeeze %dma_start3A_70 : memref<1x624x128xf32, #tpu.memory_space<hbm>> -> memref<624x128xf32, #tpu.memory_space<hbm>>
      %dma_start3A_72 = arith.constant 0 : i32
      %dma_start3A_73 = tpu.memref_slice %arg13[%multiple_of3A, %dma_start3A_72] : memref<10008x128xf32, #tpu.memory_space<vmem_shared>> -> memref<624x128xf32, #tpu.memory_space<vmem_shared>>
      tpu.enqueue_dma source(%dma_start3A_73 : memref<624x128xf32, #tpu.memory_space<vmem_shared>>) target(%dma_start3A_71 : memref<624x128xf32, #tpu.memory_space<hbm>>) target_semaphore(%run_scoped3A : memref<!tpu.dma_semaphore, #tpu.memory_space<semaphore_mem>>)
      %dma_wait3A = arith.constant 0 : i32
      %dma_wait3A_74 = tpu.memref_slice %arg9[%arg0, %multiple_of3A, %dma_wait3A] : memref<2x10000x128xf32, #tpu.memory_space<hbm>> -> memref<1x624x128xf32, #tpu.memory_space<hbm>>
      %dma_wait3A_75 = tpu.memref_squeeze %dma_wait3A_74 : memref<1x624x128xf32, #tpu.memory_space<hbm>> -> memref<624x128xf32, #tpu.memory_space<hbm>>
      %dma_wait3A_76 = arith.constant 0 : i32
      %dma_wait3A_77 = tpu.memref_slice %arg13[%multiple_of3A, %dma_wait3A_76] : memref<10008x128xf32, #tpu.memory_space<vmem_shared>> -> memref<624x128xf32, #tpu.memory_space<vmem_shared>>
      tpu.wait_dma2 semaphore(%run_scoped3A : memref<!tpu.dma_semaphore, #tpu.memory_space<semaphore_mem>>) src(%dma_wait3A_77 : memref<624x128xf32, #tpu.memory_space<vmem_shared>>) dst(%dma_wait3A_75 : memref<624x128xf32, #tpu.memory_space<hbm>>)
      tpu.yield
    }) : () -> ()
    %eq3A_64 = arith.constant 15 : i32
    %eq3A_65 = arith.cmpi eq, %arg1, %eq3A_64 : i32
    %convert_element_type3A_66 = arith.extui %eq3A_65 : i1 to i32
    %cond3A_67 = arith.constant 0 : i32
    %cond3A_68 = arith.cmpi ne, %convert_element_type3A_66, %cond3A_67 : i32
    scf.if %cond3A_68 {
      "tpu.region"() ({
        %run_scoped3A = tpu.sem_alloc : memref<!tpu.dma_semaphore, #tpu.memory_space<semaphore_mem>>
        %dma_start3A_69 = arith.constant 9984 : i32
        %dma_start3A_70 = arith.constant 0 : i32
        %dma_start3A_71 = tpu.memref_slice %arg9[%arg0, %dma_start3A_69, %dma_start3A_70] : memref<2x10000x128xf32, #tpu.memory_space<hbm>> -> memref<1x16x128xf32, #tpu.memory_space<hbm>>
        %dma_start3A_72 = tpu.memref_squeeze %dma_start3A_71 : memref<1x16x128xf32, #tpu.memory_space<hbm>> -> memref<16x128xf32, #tpu.memory_space<hbm>>
        %dma_start3A_73 = arith.constant 9984 : i32
        %dma_start3A_74 = arith.constant 0 : i32
        %dma_start3A_75 = tpu.memref_slice %arg13[%dma_start3A_73, %dma_start3A_74] : memref<10008x128xf32, #tpu.memory_space<vmem_shared>> -> memref<16x128xf32, #tpu.memory_space<vmem_shared>>
        tpu.enqueue_dma source(%dma_start3A_75 : memref<16x128xf32, #tpu.memory_space<vmem_shared>>) target(%dma_start3A_72 : memref<16x128xf32, #tpu.memory_space<hbm>>) target_semaphore(%run_scoped3A : memref<!tpu.dma_semaphore, #tpu.memory_space<semaphore_mem>>)
        %dma_wait3A = arith.constant 9984 : i32
        %dma_wait3A_76 = arith.constant 0 : i32
        %dma_wait3A_77 = tpu.memref_slice %arg9[%arg0, %dma_wait3A, %dma_wait3A_76] : memref<2x10000x128xf32, #tpu.memory_space<hbm>> -> memref<1x16x128xf32, #tpu.memory_space<hbm>>
        %dma_wait3A_78 = tpu.memref_squeeze %dma_wait3A_77 : memref<1x16x128xf32, #tpu.memory_space<hbm>> -> memref<16x128xf32, #tpu.memory_space<hbm>>
        %dma_wait3A_79 = arith.constant 9984 : i32
        %dma_wait3A_80 = arith.constant 0 : i32
        %dma_wait3A_81 = tpu.memref_slice %arg13[%dma_wait3A_79, %dma_wait3A_80] : memref<10008x128xf32, #tpu.memory_space<vmem_shared>> -> memref<16x128xf32, #tpu.memory_space<vmem_shared>>
        tpu.wait_dma2 semaphore(%run_scoped3A : memref<!tpu.dma_semaphore, #tpu.memory_space<semaphore_mem>>) src(%dma_wait3A_81 : memref<16x128xf32, #tpu.memory_space<vmem_shared>>) dst(%dma_wait3A_78 : memref<16x128xf32, #tpu.memory_space<hbm>>)
        tpu.yield
      }) : () -> ()
    } else {
    }
    return
  }
}

#map = affine_map<(d0, d1) -> (0, 0)>
#map1 = affine_map<(d0, d1) -> (0, 0, 0)>
module attributes {stable_mosaic.version = 14 : i64} {
  func.func @body(%arg0: i32, %arg1: i32, %arg2: memref<10000x64xf32, #tpu.memory_space<hbm>>, %arg3: memref<10000x64xf32, #tpu.memory_space<hbm>>, %arg4: memref<10000x64xf32, #tpu.memory_space<hbm>>, %arg5: memref<10000x64xf32, #tpu.memory_space<hbm>>, %arg6: memref<32x80x128xi32, #tpu.memory_space<hbm>>, %arg7: memref<32x80x128xi32, #tpu.memory_space<hbm>>, %arg8: memref<10000x64xf32, #tpu.memory_space<hbm>>, %arg9: memref<2x10000x64xf32, #tpu.memory_space<hbm>>, %arg10: memref<40x128xi32, #tpu.memory_space<vmem>>, %arg11: memref<40x128xi32, #tpu.memory_space<vmem>>, %arg12: memref<2x128x64xf32, #tpu.memory_space<vmem>>, %arg13: memref<10008x64xf32, #tpu.memory_space<vmem_shared>>, %arg14: memref<!tpu.dma_semaphore, #tpu.memory_space<semaphore_mem>>, %arg15: memref<!tpu.dma_semaphore, #tpu.memory_space<semaphore_mem>>) attributes {dimension_semantics = [#tpu.dimension_semantics<core_parallel>, #tpu.dimension_semantics<subcore_parallel>], iteration_bounds = array<i64: 2, 16>, scalar_prefetch = 0 : i64, scratch_operands = 6 : i64, tpu.core_type = #tpu.core_type<sc_vector_subcore>, window_params = [{transform_indices = #map}, {transform_indices = #map}, {transform_indices = #map}, {transform_indices = #map}, {transform_indices = #map1}, {transform_indices = #map1}, {transform_indices = #map}, {transform_indices = #map1}]} {
    %mul3A = arith.constant 16 : i32
    %mul3A_0 = arith.muli %arg0, %mul3A : i32
    %add3A = arith.addi %mul3A_0, %arg1 : i32
    %mul3A_1 = arith.constant 624 : i32
    %mul3A_2 = arith.muli %arg1, %mul3A_1 : i32
    %multiple_of3A = tpu.assume_multiple %mul3A_2, 8 : i32
    "tpu.region"() ({
      %run_scoped3A = tpu.sem_alloc : memref<!tpu.dma_semaphore, #tpu.memory_space<semaphore_mem>>
      %dma_start3A_69 = arith.constant 0 : i32
      %dma_start3A_70 = tpu.memref_slice %arg13[%multiple_of3A, %dma_start3A_69] : memref<10008x64xf32, #tpu.memory_space<vmem_shared>> -> memref<624x64xf32, #tpu.memory_space<vmem_shared>>
      %dma_start3A_71 = arith.constant 0 : i32
      %dma_start3A_72 = tpu.memref_slice %arg8[%multiple_of3A, %dma_start3A_71] : memref<10000x64xf32, #tpu.memory_space<hbm>> -> memref<624x64xf32, #tpu.memory_space<hbm>>
      tpu.enqueue_dma source(%dma_start3A_72 : memref<624x64xf32, #tpu.memory_space<hbm>>) target(%dma_start3A_70 : memref<624x64xf32, #tpu.memory_space<vmem_shared>>) target_semaphore(%run_scoped3A : memref<!tpu.dma_semaphore, #tpu.memory_space<semaphore_mem>>)
      %dma_wait3A = arith.constant 0 : i32
      %dma_wait3A_73 = tpu.memref_slice %arg13[%multiple_of3A, %dma_wait3A] : memref<10008x64xf32, #tpu.memory_space<vmem_shared>> -> memref<624x64xf32, #tpu.memory_space<vmem_shared>>
      %dma_wait3A_74 = arith.constant 0 : i32
      %dma_wait3A_75 = tpu.memref_slice %arg8[%multiple_of3A, %dma_wait3A_74] : memref<10000x64xf32, #tpu.memory_space<hbm>> -> memref<624x64xf32, #tpu.memory_space<hbm>>
      tpu.wait_dma2 semaphore(%run_scoped3A : memref<!tpu.dma_semaphore, #tpu.memory_space<semaphore_mem>>) src(%dma_wait3A_75 : memref<624x64xf32, #tpu.memory_space<hbm>>) dst(%dma_wait3A_73 : memref<624x64xf32, #tpu.memory_space<vmem_shared>>)
      tpu.yield
    }) : () -> ()
    %eq3A = arith.constant 15 : i32
    %eq3A_3 = arith.cmpi eq, %arg1, %eq3A : i32
    %convert_element_type3A = arith.extui %eq3A_3 : i1 to i32
    %cond3A = arith.constant 0 : i32
    %cond3A_4 = arith.cmpi ne, %convert_element_type3A, %cond3A : i32
    scf.if %cond3A_4 {
      "tpu.region"() ({
        %run_scoped3A = tpu.sem_alloc : memref<!tpu.dma_semaphore, #tpu.memory_space<semaphore_mem>>
        %dma_start3A_69 = arith.constant 9984 : i32
        %dma_start3A_70 = arith.constant 0 : i32
        %dma_start3A_71 = tpu.memref_slice %arg13[%dma_start3A_69, %dma_start3A_70] : memref<10008x64xf32, #tpu.memory_space<vmem_shared>> -> memref<24x64xf32, #tpu.memory_space<vmem_shared>>
        %dma_start3A_72 = arith.constant 0 : i32
        %dma_start3A_73 = arith.constant 0 : i32
        %dma_start3A_74 = tpu.memref_slice %arg8[%dma_start3A_72, %dma_start3A_73] : memref<10000x64xf32, #tpu.memory_space<hbm>> -> memref<24x64xf32, #tpu.memory_space<hbm>>
        tpu.enqueue_dma source(%dma_start3A_74 : memref<24x64xf32, #tpu.memory_space<hbm>>) target(%dma_start3A_71 : memref<24x64xf32, #tpu.memory_space<vmem_shared>>) target_semaphore(%run_scoped3A : memref<!tpu.dma_semaphore, #tpu.memory_space<semaphore_mem>>)
        %dma_wait3A = arith.constant 9984 : i32
        %dma_wait3A_75 = arith.constant 0 : i32
        %dma_wait3A_76 = tpu.memref_slice %arg13[%dma_wait3A, %dma_wait3A_75] : memref<10008x64xf32, #tpu.memory_space<vmem_shared>> -> memref<24x64xf32, #tpu.memory_space<vmem_shared>>
        %dma_wait3A_77 = arith.constant 0 : i32
        %dma_wait3A_78 = arith.constant 0 : i32
        %dma_wait3A_79 = tpu.memref_slice %arg8[%dma_wait3A_77, %dma_wait3A_78] : memref<10000x64xf32, #tpu.memory_space<hbm>> -> memref<24x64xf32, #tpu.memory_space<hbm>>
        tpu.wait_dma2 semaphore(%run_scoped3A : memref<!tpu.dma_semaphore, #tpu.memory_space<semaphore_mem>>) src(%dma_wait3A_79 : memref<24x64xf32, #tpu.memory_space<hbm>>) dst(%dma_wait3A_76 : memref<24x64xf32, #tpu.memory_space<vmem_shared>>)
        tpu.yield
      }) : () -> ()
    } else {
    }
    %barrier3A = arith.constant 0 : index
    tpu.barrier barrier_id(%barrier3A)
    "tpu.region"() ({
      %run_scoped3A = tpu.sem_alloc : memref<!tpu.dma_semaphore, #tpu.memory_space<semaphore_mem>>
      %dma_start3A_69 = arith.constant 0 : i32
      %dma_start3A_70 = arith.constant 0 : i32
      %dma_start3A_71 = tpu.memref_slice %arg6[%add3A, %dma_start3A_69, %dma_start3A_70] : memref<32x80x128xi32, #tpu.memory_space<hbm>> -> memref<1x40x128xi32, #tpu.memory_space<hbm>>
      %dma_start3A_72 = tpu.memref_squeeze %dma_start3A_71 : memref<1x40x128xi32, #tpu.memory_space<hbm>> -> memref<40x128xi32, #tpu.memory_space<hbm>>
      %dma_start3A_73 = arith.constant 0 : i32
      %dma_start3A_74 = arith.constant 0 : i32
      %dma_start3A_75 = tpu.memref_slice %arg6[%add3A, %dma_start3A_73, %dma_start3A_74] : memref<32x80x128xi32, #tpu.memory_space<hbm>> -> memref<1x40x128xi32, #tpu.memory_space<hbm>>
      %dma_start3A_76 = tpu.memref_squeeze %dma_start3A_75 : memref<1x40x128xi32, #tpu.memory_space<hbm>> -> memref<40x128xi32, #tpu.memory_space<hbm>>
      tpu.enqueue_dma source(%dma_start3A_76 : memref<40x128xi32, #tpu.memory_space<hbm>>) target(%arg10 : memref<40x128xi32, #tpu.memory_space<vmem>>) target_semaphore(%run_scoped3A : memref<!tpu.dma_semaphore, #tpu.memory_space<semaphore_mem>>)
      %dma_wait3A = arith.constant 0 : i32
      %dma_wait3A_77 = arith.constant 0 : i32
      %dma_wait3A_78 = tpu.memref_slice %arg6[%add3A, %dma_wait3A, %dma_wait3A_77] : memref<32x80x128xi32, #tpu.memory_space<hbm>> -> memref<1x40x128xi32, #tpu.memory_space<hbm>>
      %dma_wait3A_79 = tpu.memref_squeeze %dma_wait3A_78 : memref<1x40x128xi32, #tpu.memory_space<hbm>> -> memref<40x128xi32, #tpu.memory_space<hbm>>
      %dma_wait3A_80 = arith.constant 0 : i32
      %dma_wait3A_81 = arith.constant 0 : i32
      %dma_wait3A_82 = tpu.memref_slice %arg6[%add3A, %dma_wait3A_80, %dma_wait3A_81] : memref<32x80x128xi32, #tpu.memory_space<hbm>> -> memref<1x40x128xi32, #tpu.memory_space<hbm>>
      %dma_wait3A_83 = tpu.memref_squeeze %dma_wait3A_82 : memref<1x40x128xi32, #tpu.memory_space<hbm>> -> memref<40x128xi32, #tpu.memory_space<hbm>>
      tpu.wait_dma2 semaphore(%run_scoped3A : memref<!tpu.dma_semaphore, #tpu.memory_space<semaphore_mem>>) src(%dma_wait3A_83 : memref<40x128xi32, #tpu.memory_space<hbm>>) dst(%arg10 : memref<40x128xi32, #tpu.memory_space<vmem>>)
      tpu.yield
    }) : () -> ()
    "tpu.region"() ({
      %run_scoped3A = tpu.sem_alloc : memref<!tpu.dma_semaphore, #tpu.memory_space<semaphore_mem>>
      %dma_start3A_69 = arith.constant 0 : i32
      %dma_start3A_70 = arith.constant 0 : i32
      %dma_start3A_71 = tpu.memref_slice %arg7[%add3A, %dma_start3A_69, %dma_start3A_70] : memref<32x80x128xi32, #tpu.memory_space<hbm>> -> memref<1x40x128xi32, #tpu.memory_space<hbm>>
      %dma_start3A_72 = tpu.memref_squeeze %dma_start3A_71 : memref<1x40x128xi32, #tpu.memory_space<hbm>> -> memref<40x128xi32, #tpu.memory_space<hbm>>
      %dma_start3A_73 = arith.constant 0 : i32
      %dma_start3A_74 = arith.constant 0 : i32
      %dma_start3A_75 = tpu.memref_slice %arg7[%add3A, %dma_start3A_73, %dma_start3A_74] : memref<32x80x128xi32, #tpu.memory_space<hbm>> -> memref<1x40x128xi32, #tpu.memory_space<hbm>>
      %dma_start3A_76 = tpu.memref_squeeze %dma_start3A_75 : memref<1x40x128xi32, #tpu.memory_space<hbm>> -> memref<40x128xi32, #tpu.memory_space<hbm>>
      tpu.enqueue_dma source(%dma_start3A_76 : memref<40x128xi32, #tpu.memory_space<hbm>>) target(%arg11 : memref<40x128xi32, #tpu.memory_space<vmem>>) target_semaphore(%run_scoped3A : memref<!tpu.dma_semaphore, #tpu.memory_space<semaphore_mem>>)
      %dma_wait3A = arith.constant 0 : i32
      %dma_wait3A_77 = arith.constant 0 : i32
      %dma_wait3A_78 = tpu.memref_slice %arg7[%add3A, %dma_wait3A, %dma_wait3A_77] : memref<32x80x128xi32, #tpu.memory_space<hbm>> -> memref<1x40x128xi32, #tpu.memory_space<hbm>>
      %dma_wait3A_79 = tpu.memref_squeeze %dma_wait3A_78 : memref<1x40x128xi32, #tpu.memory_space<hbm>> -> memref<40x128xi32, #tpu.memory_space<hbm>>
      %dma_wait3A_80 = arith.constant 0 : i32
      %dma_wait3A_81 = arith.constant 0 : i32
      %dma_wait3A_82 = tpu.memref_slice %arg7[%add3A, %dma_wait3A_80, %dma_wait3A_81] : memref<32x80x128xi32, #tpu.memory_space<hbm>> -> memref<1x40x128xi32, #tpu.memory_space<hbm>>
      %dma_wait3A_83 = tpu.memref_squeeze %dma_wait3A_82 : memref<1x40x128xi32, #tpu.memory_space<hbm>> -> memref<40x128xi32, #tpu.memory_space<hbm>>
      tpu.wait_dma2 semaphore(%run_scoped3A : memref<!tpu.dma_semaphore, #tpu.memory_space<semaphore_mem>>) src(%dma_wait3A_83 : memref<40x128xi32, #tpu.memory_space<hbm>>) dst(%arg11 : memref<40x128xi32, #tpu.memory_space<vmem>>)
      tpu.yield
    }) : () -> ()
    %dma_start3A = arith.constant 0 : i32
    %dma_start3A_5 = arith.constant 0 : i32
    %dma_start3A_6 = arith.constant 0 : i32
    %dma_start3A_7 = arith.constant 0 : i32
    %dma_start3A_8 = tpu.memref_slice %arg12[%dma_start3A_5, %dma_start3A_6, %dma_start3A_7] : memref<2x128x64xf32, #tpu.memory_space<vmem>> -> memref<1x128x64xf32, #tpu.memory_space<vmem>>
    %dma_start3A_9 = tpu.memref_squeeze %dma_start3A_8 : memref<1x128x64xf32, #tpu.memory_space<vmem>> -> memref<128x64xf32, #tpu.memory_space<vmem>>
    %dma_start3A_10 = arith.constant 0 : i32
    %dma_start3A_11 = tpu.memref_slice %arg10[%dma_start3A, %dma_start3A_10] : memref<40x128xi32, #tpu.memory_space<vmem>> -> memref<1x128xi32, #tpu.memory_space<vmem>>
    %dma_start3A_12 = tpu.memref_squeeze %dma_start3A_11 : memref<1x128xi32, #tpu.memory_space<vmem>> -> memref<128xi32, #tpu.memory_space<vmem>>
    %dma_start3A_13 = arith.constant 0 : i32
    %dma_start3A_14 = arith.constant 0 : i32
    %dma_start3A_15 = tpu.memref_slice %arg2[%dma_start3A_13, %dma_start3A_14] : memref<10000x64xf32, #tpu.memory_space<hbm>> -> memref<10000x64xf32, #tpu.memory_space<hbm>>
    tpu.enqueue_indirect_dma source(%dma_start3A_15 : memref<10000x64xf32, #tpu.memory_space<hbm>>) target(%dma_start3A_9 : memref<128x64xf32, #tpu.memory_space<vmem>>) offsets(%dma_start3A_12 : memref<128xi32, #tpu.memory_space<vmem>>) semaphore(%arg14 : memref<!tpu.dma_semaphore, #tpu.memory_space<semaphore_mem>>)
    %dma_start3A_16 = arith.constant 1 : i32
    %dma_start3A_17 = arith.constant 1 : i32
    %dma_start3A_18 = arith.constant 0 : i32
    %dma_start3A_19 = arith.constant 0 : i32
    %dma_start3A_20 = tpu.memref_slice %arg12[%dma_start3A_17, %dma_start3A_18, %dma_start3A_19] : memref<2x128x64xf32, #tpu.memory_space<vmem>> -> memref<1x128x64xf32, #tpu.memory_space<vmem>>
    %dma_start3A_21 = tpu.memref_squeeze %dma_start3A_20 : memref<1x128x64xf32, #tpu.memory_space<vmem>> -> memref<128x64xf32, #tpu.memory_space<vmem>>
    %dma_start3A_22 = arith.constant 0 : i32
    %dma_start3A_23 = tpu.memref_slice %arg10[%dma_start3A_16, %dma_start3A_22] : memref<40x128xi32, #tpu.memory_space<vmem>> -> memref<1x128xi32, #tpu.memory_space<vmem>>
    %dma_start3A_24 = tpu.memref_squeeze %dma_start3A_23 : memref<1x128xi32, #tpu.memory_space<vmem>> -> memref<128xi32, #tpu.memory_space<vmem>>
    %dma_start3A_25 = arith.constant 0 : i32
    %dma_start3A_26 = arith.constant 0 : i32
    %dma_start3A_27 = tpu.memref_slice %arg3[%dma_start3A_25, %dma_start3A_26] : memref<10000x64xf32, #tpu.memory_space<hbm>> -> memref<10000x64xf32, #tpu.memory_space<hbm>>
    tpu.enqueue_indirect_dma source(%dma_start3A_27 : memref<10000x64xf32, #tpu.memory_space<hbm>>) target(%dma_start3A_21 : memref<128x64xf32, #tpu.memory_space<vmem>>) offsets(%dma_start3A_24 : memref<128xi32, #tpu.memory_space<vmem>>) semaphore(%arg15 : memref<!tpu.dma_semaphore, #tpu.memory_space<semaphore_mem>>)
    %scan3A = arith.constant 0 : i32
    %scan3A_28 = arith.constant 0 : i32
    %scan3A_29 = arith.constant 10 : i32
    %scan3A_30 = arith.addi %scan3A_28, %scan3A_29 : i32
    %scan3A_31 = arith.constant 1 : i32
    scf.for %scan3A_69 = %scan3A_28 to %scan3A_30 step %scan3A_31  : i32 {
      %mul3A_70 = arith.constant 4 : i32
      %mul3A_71 = arith.muli %scan3A_69, %mul3A_70 : i32
      %add3A_72 = arith.constant 0 : i32
      %add3A_73 = arith.addi %mul3A_71, %add3A_72 : i32
      %dma_wait3A = arith.constant 0 : i32
      %dma_wait3A_74 = arith.constant 0 : i32
      %dma_wait3A_75 = arith.constant 0 : i32
      %dma_wait3A_76 = tpu.memref_slice %arg12[%dma_wait3A, %dma_wait3A_74, %dma_wait3A_75] : memref<2x128x64xf32, #tpu.memory_space<vmem>> -> memref<1x128x64xf32, #tpu.memory_space<vmem>>
      %dma_wait3A_77 = tpu.memref_squeeze %dma_wait3A_76 : memref<1x128x64xf32, #tpu.memory_space<vmem>> -> memref<128x64xf32, #tpu.memory_space<vmem>>
      %dma_wait3A_78 = arith.constant 0 : i32
      %dma_wait3A_79 = tpu.memref_slice %arg10[%add3A_73, %dma_wait3A_78] : memref<40x128xi32, #tpu.memory_space<vmem>> -> memref<1x128xi32, #tpu.memory_space<vmem>>
      %dma_wait3A_80 = tpu.memref_squeeze %dma_wait3A_79 : memref<1x128xi32, #tpu.memory_space<vmem>> -> memref<128xi32, #tpu.memory_space<vmem>>
      %dma_wait3A_81 = arith.constant 0 : i32
      %dma_wait3A_82 = arith.constant 0 : i32
      %dma_wait3A_83 = tpu.memref_slice %arg2[%dma_wait3A_81, %dma_wait3A_82] : memref<10000x64xf32, #tpu.memory_space<hbm>> -> memref<10000x64xf32, #tpu.memory_space<hbm>>
      tpu.wait_indirect_dma semaphore(%arg14 : memref<!tpu.dma_semaphore, #tpu.memory_space<semaphore_mem>>) src(%dma_wait3A_83 : memref<10000x64xf32, #tpu.memory_space<hbm>>) dst(%dma_wait3A_77 : memref<128x64xf32, #tpu.memory_space<vmem>>)
      %run_scoped3A = arith.constant 0 : i32
      "tpu.region"() ({
        %run_scoped3A_159 = tpu.sem_alloc : memref<!tpu.dma_semaphore, #tpu.memory_space<semaphore_mem>>
        %dma_start3A_160 = arith.constant 0 : i32
        %dma_start3A_161 = arith.constant 0 : i32
        %dma_start3A_162 = tpu.memref_slice %arg12[%run_scoped3A, %dma_start3A_160, %dma_start3A_161] : memref<2x128x64xf32, #tpu.memory_space<vmem>> -> memref<1x128x64xf32, #tpu.memory_space<vmem>>
        %dma_start3A_163 = tpu.memref_squeeze %dma_start3A_162 : memref<1x128x64xf32, #tpu.memory_space<vmem>> -> memref<128x64xf32, #tpu.memory_space<vmem>>
        %dma_start3A_164 = arith.constant 0 : i32
        %dma_start3A_165 = tpu.memref_slice %arg11[%add3A_73, %dma_start3A_164] : memref<40x128xi32, #tpu.memory_space<vmem>> -> memref<1x128xi32, #tpu.memory_space<vmem>>
        %dma_start3A_166 = tpu.memref_squeeze %dma_start3A_165 : memref<1x128xi32, #tpu.memory_space<vmem>> -> memref<128xi32, #tpu.memory_space<vmem>>
        %dma_start3A_167 = arith.constant 0 : i32
        %dma_start3A_168 = arith.constant 0 : i32
        %dma_start3A_169 = tpu.memref_slice %arg13[%dma_start3A_167, %dma_start3A_168] : memref<10008x64xf32, #tpu.memory_space<vmem_shared>> -> memref<10008x64xf32, #tpu.memory_space<vmem_shared>>
        tpu.enqueue_indirect_dma source(%dma_start3A_163 : memref<128x64xf32, #tpu.memory_space<vmem>>) target(%dma_start3A_169 : memref<10008x64xf32, #tpu.memory_space<vmem_shared>>) offsets(%dma_start3A_166 : memref<128xi32, #tpu.memory_space<vmem>>) semaphore(%run_scoped3A_159 : memref<!tpu.dma_semaphore, #tpu.memory_space<semaphore_mem>>) {add = true}
        %dma_wait3A_170 = arith.constant 0 : i32
        %dma_wait3A_171 = arith.constant 0 : i32
        %dma_wait3A_172 = tpu.memref_slice %arg12[%run_scoped3A, %dma_wait3A_170, %dma_wait3A_171] : memref<2x128x64xf32, #tpu.memory_space<vmem>> -> memref<1x128x64xf32, #tpu.memory_space<vmem>>
        %dma_wait3A_173 = tpu.memref_squeeze %dma_wait3A_172 : memref<1x128x64xf32, #tpu.memory_space<vmem>> -> memref<128x64xf32, #tpu.memory_space<vmem>>
        %dma_wait3A_174 = arith.constant 0 : i32
        %dma_wait3A_175 = tpu.memref_slice %arg11[%add3A_73, %dma_wait3A_174] : memref<40x128xi32, #tpu.memory_space<vmem>> -> memref<1x128xi32, #tpu.memory_space<vmem>>
        %dma_wait3A_176 = tpu.memref_squeeze %dma_wait3A_175 : memref<1x128xi32, #tpu.memory_space<vmem>> -> memref<128xi32, #tpu.memory_space<vmem>>
        %dma_wait3A_177 = arith.constant 0 : i32
        %dma_wait3A_178 = arith.constant 0 : i32
        %dma_wait3A_179 = tpu.memref_slice %arg13[%dma_wait3A_177, %dma_wait3A_178] : memref<10008x64xf32, #tpu.memory_space<vmem_shared>> -> memref<10008x64xf32, #tpu.memory_space<vmem_shared>>
        tpu.wait_indirect_dma semaphore(%run_scoped3A_159 : memref<!tpu.dma_semaphore, #tpu.memory_space<semaphore_mem>>) src(%dma_wait3A_173 : memref<128x64xf32, #tpu.memory_space<vmem>>) dst(%dma_wait3A_179 : memref<10008x64xf32, #tpu.memory_space<vmem_shared>>)
        tpu.yield
      }) : () -> ()
      %add3A_84 = arith.constant 2 : i32
      %add3A_85 = arith.addi %add3A_73, %add3A_84 : i32
      %lt3A = arith.constant 40 : i32
      %lt3A_86 = arith.cmpi slt, %add3A_85, %lt3A : i32
      %convert_element_type3A_87 = arith.extui %lt3A_86 : i1 to i32
      %cond3A_88 = arith.constant 0 : i32
      %cond3A_89 = arith.cmpi ne, %convert_element_type3A_87, %cond3A_88 : i32
      scf.if %cond3A_89 {
        %add3A_159 = arith.constant 2 : i32
        %add3A_160 = arith.addi %add3A_73, %add3A_159 : i32
        %dma_start3A_161 = arith.constant 0 : i32
        %dma_start3A_162 = arith.constant 0 : i32
        %dma_start3A_163 = arith.constant 0 : i32
        %dma_start3A_164 = tpu.memref_slice %arg12[%dma_start3A_161, %dma_start3A_162, %dma_start3A_163] : memref<2x128x64xf32, #tpu.memory_space<vmem>> -> memref<1x128x64xf32, #tpu.memory_space<vmem>>
        %dma_start3A_165 = tpu.memref_squeeze %dma_start3A_164 : memref<1x128x64xf32, #tpu.memory_space<vmem>> -> memref<128x64xf32, #tpu.memory_space<vmem>>
        %dma_start3A_166 = arith.constant 0 : i32
        %dma_start3A_167 = tpu.memref_slice %arg10[%add3A_160, %dma_start3A_166] : memref<40x128xi32, #tpu.memory_space<vmem>> -> memref<1x128xi32, #tpu.memory_space<vmem>>
        %dma_start3A_168 = tpu.memref_squeeze %dma_start3A_167 : memref<1x128xi32, #tpu.memory_space<vmem>> -> memref<128xi32, #tpu.memory_space<vmem>>
        %dma_start3A_169 = arith.constant 0 : i32
        %dma_start3A_170 = arith.constant 0 : i32
        %dma_start3A_171 = tpu.memref_slice %arg4[%dma_start3A_169, %dma_start3A_170] : memref<10000x64xf32, #tpu.memory_space<hbm>> -> memref<10000x64xf32, #tpu.memory_space<hbm>>
        tpu.enqueue_indirect_dma source(%dma_start3A_171 : memref<10000x64xf32, #tpu.memory_space<hbm>>) target(%dma_start3A_165 : memref<128x64xf32, #tpu.memory_space<vmem>>) offsets(%dma_start3A_168 : memref<128xi32, #tpu.memory_space<vmem>>) semaphore(%arg14 : memref<!tpu.dma_semaphore, #tpu.memory_space<semaphore_mem>>)
      } else {
      }
      %mul3A_90 = arith.constant 4 : i32
      %mul3A_91 = arith.muli %scan3A_69, %mul3A_90 : i32
      %add3A_92 = arith.constant 1 : i32
      %add3A_93 = arith.addi %mul3A_91, %add3A_92 : i32
      %dma_wait3A_94 = arith.constant 1 : i32
      %dma_wait3A_95 = arith.constant 0 : i32
      %dma_wait3A_96 = arith.constant 0 : i32
      %dma_wait3A_97 = tpu.memref_slice %arg12[%dma_wait3A_94, %dma_wait3A_95, %dma_wait3A_96] : memref<2x128x64xf32, #tpu.memory_space<vmem>> -> memref<1x128x64xf32, #tpu.memory_space<vmem>>
      %dma_wait3A_98 = tpu.memref_squeeze %dma_wait3A_97 : memref<1x128x64xf32, #tpu.memory_space<vmem>> -> memref<128x64xf32, #tpu.memory_space<vmem>>
      %dma_wait3A_99 = arith.constant 0 : i32
      %dma_wait3A_100 = tpu.memref_slice %arg10[%add3A_93, %dma_wait3A_99] : memref<40x128xi32, #tpu.memory_space<vmem>> -> memref<1x128xi32, #tpu.memory_space<vmem>>
      %dma_wait3A_101 = tpu.memref_squeeze %dma_wait3A_100 : memref<1x128xi32, #tpu.memory_space<vmem>> -> memref<128xi32, #tpu.memory_space<vmem>>
      %dma_wait3A_102 = arith.constant 0 : i32
      %dma_wait3A_103 = arith.constant 0 : i32
      %dma_wait3A_104 = tpu.memref_slice %arg3[%dma_wait3A_102, %dma_wait3A_103] : memref<10000x64xf32, #tpu.memory_space<hbm>> -> memref<10000x64xf32, #tpu.memory_space<hbm>>
      tpu.wait_indirect_dma semaphore(%arg15 : memref<!tpu.dma_semaphore, #tpu.memory_space<semaphore_mem>>) src(%dma_wait3A_104 : memref<10000x64xf32, #tpu.memory_space<hbm>>) dst(%dma_wait3A_98 : memref<128x64xf32, #tpu.memory_space<vmem>>)
      %run_scoped3A_105 = arith.constant 1 : i32
      "tpu.region"() ({
        %run_scoped3A_159 = tpu.sem_alloc : memref<!tpu.dma_semaphore, #tpu.memory_space<semaphore_mem>>
        %dma_start3A_160 = arith.constant 0 : i32
        %dma_start3A_161 = arith.constant 0 : i32
        %dma_start3A_162 = tpu.memref_slice %arg12[%run_scoped3A_105, %dma_start3A_160, %dma_start3A_161] : memref<2x128x64xf32, #tpu.memory_space<vmem>> -> memref<1x128x64xf32, #tpu.memory_space<vmem>>
        %dma_start3A_163 = tpu.memref_squeeze %dma_start3A_162 : memref<1x128x64xf32, #tpu.memory_space<vmem>> -> memref<128x64xf32, #tpu.memory_space<vmem>>
        %dma_start3A_164 = arith.constant 0 : i32
        %dma_start3A_165 = tpu.memref_slice %arg11[%add3A_93, %dma_start3A_164] : memref<40x128xi32, #tpu.memory_space<vmem>> -> memref<1x128xi32, #tpu.memory_space<vmem>>
        %dma_start3A_166 = tpu.memref_squeeze %dma_start3A_165 : memref<1x128xi32, #tpu.memory_space<vmem>> -> memref<128xi32, #tpu.memory_space<vmem>>
        %dma_start3A_167 = arith.constant 0 : i32
        %dma_start3A_168 = arith.constant 0 : i32
        %dma_start3A_169 = tpu.memref_slice %arg13[%dma_start3A_167, %dma_start3A_168] : memref<10008x64xf32, #tpu.memory_space<vmem_shared>> -> memref<10008x64xf32, #tpu.memory_space<vmem_shared>>
        tpu.enqueue_indirect_dma source(%dma_start3A_163 : memref<128x64xf32, #tpu.memory_space<vmem>>) target(%dma_start3A_169 : memref<10008x64xf32, #tpu.memory_space<vmem_shared>>) offsets(%dma_start3A_166 : memref<128xi32, #tpu.memory_space<vmem>>) semaphore(%run_scoped3A_159 : memref<!tpu.dma_semaphore, #tpu.memory_space<semaphore_mem>>) {add = true}
        %dma_wait3A_170 = arith.constant 0 : i32
        %dma_wait3A_171 = arith.constant 0 : i32
        %dma_wait3A_172 = tpu.memref_slice %arg12[%run_scoped3A_105, %dma_wait3A_170, %dma_wait3A_171] : memref<2x128x64xf32, #tpu.memory_space<vmem>> -> memref<1x128x64xf32, #tpu.memory_space<vmem>>
        %dma_wait3A_173 = tpu.memref_squeeze %dma_wait3A_172 : memref<1x128x64xf32, #tpu.memory_space<vmem>> -> memref<128x64xf32, #tpu.memory_space<vmem>>
        %dma_wait3A_174 = arith.constant 0 : i32
        %dma_wait3A_175 = tpu.memref_slice %arg11[%add3A_93, %dma_wait3A_174] : memref<40x128xi32, #tpu.memory_space<vmem>> -> memref<1x128xi32, #tpu.memory_space<vmem>>
        %dma_wait3A_176 = tpu.memref_squeeze %dma_wait3A_175 : memref<1x128xi32, #tpu.memory_space<vmem>> -> memref<128xi32, #tpu.memory_space<vmem>>
        %dma_wait3A_177 = arith.constant 0 : i32
        %dma_wait3A_178 = arith.constant 0 : i32
        %dma_wait3A_179 = tpu.memref_slice %arg13[%dma_wait3A_177, %dma_wait3A_178] : memref<10008x64xf32, #tpu.memory_space<vmem_shared>> -> memref<10008x64xf32, #tpu.memory_space<vmem_shared>>
        tpu.wait_indirect_dma semaphore(%run_scoped3A_159 : memref<!tpu.dma_semaphore, #tpu.memory_space<semaphore_mem>>) src(%dma_wait3A_173 : memref<128x64xf32, #tpu.memory_space<vmem>>) dst(%dma_wait3A_179 : memref<10008x64xf32, #tpu.memory_space<vmem_shared>>)
        tpu.yield
      }) : () -> ()
      %add3A_106 = arith.constant 2 : i32
      %add3A_107 = arith.addi %add3A_93, %add3A_106 : i32
      %lt3A_108 = arith.constant 40 : i32
      %lt3A_109 = arith.cmpi slt, %add3A_107, %lt3A_108 : i32
      %convert_element_type3A_110 = arith.extui %lt3A_109 : i1 to i32
      %cond3A_111 = arith.constant 0 : i32
      %cond3A_112 = arith.cmpi ne, %convert_element_type3A_110, %cond3A_111 : i32
      scf.if %cond3A_112 {
        %add3A_159 = arith.constant 2 : i32
        %add3A_160 = arith.addi %add3A_93, %add3A_159 : i32
        %dma_start3A_161 = arith.constant 1 : i32
        %dma_start3A_162 = arith.constant 0 : i32
        %dma_start3A_163 = arith.constant 0 : i32
        %dma_start3A_164 = tpu.memref_slice %arg12[%dma_start3A_161, %dma_start3A_162, %dma_start3A_163] : memref<2x128x64xf32, #tpu.memory_space<vmem>> -> memref<1x128x64xf32, #tpu.memory_space<vmem>>
        %dma_start3A_165 = tpu.memref_squeeze %dma_start3A_164 : memref<1x128x64xf32, #tpu.memory_space<vmem>> -> memref<128x64xf32, #tpu.memory_space<vmem>>
        %dma_start3A_166 = arith.constant 0 : i32
        %dma_start3A_167 = tpu.memref_slice %arg10[%add3A_160, %dma_start3A_166] : memref<40x128xi32, #tpu.memory_space<vmem>> -> memref<1x128xi32, #tpu.memory_space<vmem>>
        %dma_start3A_168 = tpu.memref_squeeze %dma_start3A_167 : memref<1x128xi32, #tpu.memory_space<vmem>> -> memref<128xi32, #tpu.memory_space<vmem>>
        %dma_start3A_169 = arith.constant 0 : i32
        %dma_start3A_170 = arith.constant 0 : i32
        %dma_start3A_171 = tpu.memref_slice %arg5[%dma_start3A_169, %dma_start3A_170] : memref<10000x64xf32, #tpu.memory_space<hbm>> -> memref<10000x64xf32, #tpu.memory_space<hbm>>
        tpu.enqueue_indirect_dma source(%dma_start3A_171 : memref<10000x64xf32, #tpu.memory_space<hbm>>) target(%dma_start3A_165 : memref<128x64xf32, #tpu.memory_space<vmem>>) offsets(%dma_start3A_168 : memref<128xi32, #tpu.memory_space<vmem>>) semaphore(%arg15 : memref<!tpu.dma_semaphore, #tpu.memory_space<semaphore_mem>>)
      } else {
      }
      %mul3A_113 = arith.constant 4 : i32
      %mul3A_114 = arith.muli %scan3A_69, %mul3A_113 : i32
      %add3A_115 = arith.constant 2 : i32
      %add3A_116 = arith.addi %mul3A_114, %add3A_115 : i32
      %dma_wait3A_117 = arith.constant 0 : i32
      %dma_wait3A_118 = arith.constant 0 : i32
      %dma_wait3A_119 = arith.constant 0 : i32
      %dma_wait3A_120 = tpu.memref_slice %arg12[%dma_wait3A_117, %dma_wait3A_118, %dma_wait3A_119] : memref<2x128x64xf32, #tpu.memory_space<vmem>> -> memref<1x128x64xf32, #tpu.memory_space<vmem>>
      %dma_wait3A_121 = tpu.memref_squeeze %dma_wait3A_120 : memref<1x128x64xf32, #tpu.memory_space<vmem>> -> memref<128x64xf32, #tpu.memory_space<vmem>>
      %dma_wait3A_122 = arith.constant 0 : i32
      %dma_wait3A_123 = tpu.memref_slice %arg10[%add3A_116, %dma_wait3A_122] : memref<40x128xi32, #tpu.memory_space<vmem>> -> memref<1x128xi32, #tpu.memory_space<vmem>>
      %dma_wait3A_124 = tpu.memref_squeeze %dma_wait3A_123 : memref<1x128xi32, #tpu.memory_space<vmem>> -> memref<128xi32, #tpu.memory_space<vmem>>
      %dma_wait3A_125 = arith.constant 0 : i32
      %dma_wait3A_126 = arith.constant 0 : i32
      %dma_wait3A_127 = tpu.memref_slice %arg4[%dma_wait3A_125, %dma_wait3A_126] : memref<10000x64xf32, #tpu.memory_space<hbm>> -> memref<10000x64xf32, #tpu.memory_space<hbm>>
      tpu.wait_indirect_dma semaphore(%arg14 : memref<!tpu.dma_semaphore, #tpu.memory_space<semaphore_mem>>) src(%dma_wait3A_127 : memref<10000x64xf32, #tpu.memory_space<hbm>>) dst(%dma_wait3A_121 : memref<128x64xf32, #tpu.memory_space<vmem>>)
      %run_scoped3A_128 = arith.constant 0 : i32
      "tpu.region"() ({
        %run_scoped3A_159 = tpu.sem_alloc : memref<!tpu.dma_semaphore, #tpu.memory_space<semaphore_mem>>
        %dma_start3A_160 = arith.constant 0 : i32
        %dma_start3A_161 = arith.constant 0 : i32
        %dma_start3A_162 = tpu.memref_slice %arg12[%run_scoped3A_128, %dma_start3A_160, %dma_start3A_161] : memref<2x128x64xf32, #tpu.memory_space<vmem>> -> memref<1x128x64xf32, #tpu.memory_space<vmem>>
        %dma_start3A_163 = tpu.memref_squeeze %dma_start3A_162 : memref<1x128x64xf32, #tpu.memory_space<vmem>> -> memref<128x64xf32, #tpu.memory_space<vmem>>
        %dma_start3A_164 = arith.constant 0 : i32
        %dma_start3A_165 = tpu.memref_slice %arg11[%add3A_116, %dma_start3A_164] : memref<40x128xi32, #tpu.memory_space<vmem>> -> memref<1x128xi32, #tpu.memory_space<vmem>>
        %dma_start3A_166 = tpu.memref_squeeze %dma_start3A_165 : memref<1x128xi32, #tpu.memory_space<vmem>> -> memref<128xi32, #tpu.memory_space<vmem>>
        %dma_start3A_167 = arith.constant 0 : i32
        %dma_start3A_168 = arith.constant 0 : i32
        %dma_start3A_169 = tpu.memref_slice %arg13[%dma_start3A_167, %dma_start3A_168] : memref<10008x64xf32, #tpu.memory_space<vmem_shared>> -> memref<10008x64xf32, #tpu.memory_space<vmem_shared>>
        tpu.enqueue_indirect_dma source(%dma_start3A_163 : memref<128x64xf32, #tpu.memory_space<vmem>>) target(%dma_start3A_169 : memref<10008x64xf32, #tpu.memory_space<vmem_shared>>) offsets(%dma_start3A_166 : memref<128xi32, #tpu.memory_space<vmem>>) semaphore(%run_scoped3A_159 : memref<!tpu.dma_semaphore, #tpu.memory_space<semaphore_mem>>) {add = true}
        %dma_wait3A_170 = arith.constant 0 : i32
        %dma_wait3A_171 = arith.constant 0 : i32
        %dma_wait3A_172 = tpu.memref_slice %arg12[%run_scoped3A_128, %dma_wait3A_170, %dma_wait3A_171] : memref<2x128x64xf32, #tpu.memory_space<vmem>> -> memref<1x128x64xf32, #tpu.memory_space<vmem>>
        %dma_wait3A_173 = tpu.memref_squeeze %dma_wait3A_172 : memref<1x128x64xf32, #tpu.memory_space<vmem>> -> memref<128x64xf32, #tpu.memory_space<vmem>>
        %dma_wait3A_174 = arith.constant 0 : i32
        %dma_wait3A_175 = tpu.memref_slice %arg11[%add3A_116, %dma_wait3A_174] : memref<40x128xi32, #tpu.memory_space<vmem>> -> memref<1x128xi32, #tpu.memory_space<vmem>>
        %dma_wait3A_176 = tpu.memref_squeeze %dma_wait3A_175 : memref<1x128xi32, #tpu.memory_space<vmem>> -> memref<128xi32, #tpu.memory_space<vmem>>
        %dma_wait3A_177 = arith.constant 0 : i32
        %dma_wait3A_178 = arith.constant 0 : i32
        %dma_wait3A_179 = tpu.memref_slice %arg13[%dma_wait3A_177, %dma_wait3A_178] : memref<10008x64xf32, #tpu.memory_space<vmem_shared>> -> memref<10008x64xf32, #tpu.memory_space<vmem_shared>>
        tpu.wait_indirect_dma semaphore(%run_scoped3A_159 : memref<!tpu.dma_semaphore, #tpu.memory_space<semaphore_mem>>) src(%dma_wait3A_173 : memref<128x64xf32, #tpu.memory_space<vmem>>) dst(%dma_wait3A_179 : memref<10008x64xf32, #tpu.memory_space<vmem_shared>>)
        tpu.yield
      }) : () -> ()
      %add3A_129 = arith.constant 2 : i32
      %add3A_130 = arith.addi %add3A_116, %add3A_129 : i32
      %lt3A_131 = arith.constant 40 : i32
      %lt3A_132 = arith.cmpi slt, %add3A_130, %lt3A_131 : i32
      %convert_element_type3A_133 = arith.extui %lt3A_132 : i1 to i32
      %cond3A_134 = arith.constant 0 : i32
      %cond3A_135 = arith.cmpi ne, %convert_element_type3A_133, %cond3A_134 : i32
      scf.if %cond3A_135 {
        %add3A_159 = arith.constant 2 : i32
        %add3A_160 = arith.addi %add3A_116, %add3A_159 : i32
        %dma_start3A_161 = arith.constant 0 : i32
        %dma_start3A_162 = arith.constant 0 : i32
        %dma_start3A_163 = arith.constant 0 : i32
        %dma_start3A_164 = tpu.memref_slice %arg12[%dma_start3A_161, %dma_start3A_162, %dma_start3A_163] : memref<2x128x64xf32, #tpu.memory_space<vmem>> -> memref<1x128x64xf32, #tpu.memory_space<vmem>>
        %dma_start3A_165 = tpu.memref_squeeze %dma_start3A_164 : memref<1x128x64xf32, #tpu.memory_space<vmem>> -> memref<128x64xf32, #tpu.memory_space<vmem>>
        %dma_start3A_166 = arith.constant 0 : i32
        %dma_start3A_167 = tpu.memref_slice %arg10[%add3A_160, %dma_start3A_166] : memref<40x128xi32, #tpu.memory_space<vmem>> -> memref<1x128xi32, #tpu.memory_space<vmem>>
        %dma_start3A_168 = tpu.memref_squeeze %dma_start3A_167 : memref<1x128xi32, #tpu.memory_space<vmem>> -> memref<128xi32, #tpu.memory_space<vmem>>
        %dma_start3A_169 = arith.constant 0 : i32
        %dma_start3A_170 = arith.constant 0 : i32
        %dma_start3A_171 = tpu.memref_slice %arg2[%dma_start3A_169, %dma_start3A_170] : memref<10000x64xf32, #tpu.memory_space<hbm>> -> memref<10000x64xf32, #tpu.memory_space<hbm>>
        tpu.enqueue_indirect_dma source(%dma_start3A_171 : memref<10000x64xf32, #tpu.memory_space<hbm>>) target(%dma_start3A_165 : memref<128x64xf32, #tpu.memory_space<vmem>>) offsets(%dma_start3A_168 : memref<128xi32, #tpu.memory_space<vmem>>) semaphore(%arg14 : memref<!tpu.dma_semaphore, #tpu.memory_space<semaphore_mem>>)
      } else {
      }
      %mul3A_136 = arith.constant 4 : i32
      %mul3A_137 = arith.muli %scan3A_69, %mul3A_136 : i32
      %add3A_138 = arith.constant 3 : i32
      %add3A_139 = arith.addi %mul3A_137, %add3A_138 : i32
      %dma_wait3A_140 = arith.constant 1 : i32
      %dma_wait3A_141 = arith.constant 0 : i32
      %dma_wait3A_142 = arith.constant 0 : i32
      %dma_wait3A_143 = tpu.memref_slice %arg12[%dma_wait3A_140, %dma_wait3A_141, %dma_wait3A_142] : memref<2x128x64xf32, #tpu.memory_space<vmem>> -> memref<1x128x64xf32, #tpu.memory_space<vmem>>
      %dma_wait3A_144 = tpu.memref_squeeze %dma_wait3A_143 : memref<1x128x64xf32, #tpu.memory_space<vmem>> -> memref<128x64xf32, #tpu.memory_space<vmem>>
      %dma_wait3A_145 = arith.constant 0 : i32
      %dma_wait3A_146 = tpu.memref_slice %arg10[%add3A_139, %dma_wait3A_145] : memref<40x128xi32, #tpu.memory_space<vmem>> -> memref<1x128xi32, #tpu.memory_space<vmem>>
      %dma_wait3A_147 = tpu.memref_squeeze %dma_wait3A_146 : memref<1x128xi32, #tpu.memory_space<vmem>> -> memref<128xi32, #tpu.memory_space<vmem>>
      %dma_wait3A_148 = arith.constant 0 : i32
      %dma_wait3A_149 = arith.constant 0 : i32
      %dma_wait3A_150 = tpu.memref_slice %arg5[%dma_wait3A_148, %dma_wait3A_149] : memref<10000x64xf32, #tpu.memory_space<hbm>> -> memref<10000x64xf32, #tpu.memory_space<hbm>>
      tpu.wait_indirect_dma semaphore(%arg15 : memref<!tpu.dma_semaphore, #tpu.memory_space<semaphore_mem>>) src(%dma_wait3A_150 : memref<10000x64xf32, #tpu.memory_space<hbm>>) dst(%dma_wait3A_144 : memref<128x64xf32, #tpu.memory_space<vmem>>)
      %run_scoped3A_151 = arith.constant 1 : i32
      "tpu.region"() ({
        %run_scoped3A_159 = tpu.sem_alloc : memref<!tpu.dma_semaphore, #tpu.memory_space<semaphore_mem>>
        %dma_start3A_160 = arith.constant 0 : i32
        %dma_start3A_161 = arith.constant 0 : i32
        %dma_start3A_162 = tpu.memref_slice %arg12[%run_scoped3A_151, %dma_start3A_160, %dma_start3A_161] : memref<2x128x64xf32, #tpu.memory_space<vmem>> -> memref<1x128x64xf32, #tpu.memory_space<vmem>>
        %dma_start3A_163 = tpu.memref_squeeze %dma_start3A_162 : memref<1x128x64xf32, #tpu.memory_space<vmem>> -> memref<128x64xf32, #tpu.memory_space<vmem>>
        %dma_start3A_164 = arith.constant 0 : i32
        %dma_start3A_165 = tpu.memref_slice %arg11[%add3A_139, %dma_start3A_164] : memref<40x128xi32, #tpu.memory_space<vmem>> -> memref<1x128xi32, #tpu.memory_space<vmem>>
        %dma_start3A_166 = tpu.memref_squeeze %dma_start3A_165 : memref<1x128xi32, #tpu.memory_space<vmem>> -> memref<128xi32, #tpu.memory_space<vmem>>
        %dma_start3A_167 = arith.constant 0 : i32
        %dma_start3A_168 = arith.constant 0 : i32
        %dma_start3A_169 = tpu.memref_slice %arg13[%dma_start3A_167, %dma_start3A_168] : memref<10008x64xf32, #tpu.memory_space<vmem_shared>> -> memref<10008x64xf32, #tpu.memory_space<vmem_shared>>
        tpu.enqueue_indirect_dma source(%dma_start3A_163 : memref<128x64xf32, #tpu.memory_space<vmem>>) target(%dma_start3A_169 : memref<10008x64xf32, #tpu.memory_space<vmem_shared>>) offsets(%dma_start3A_166 : memref<128xi32, #tpu.memory_space<vmem>>) semaphore(%run_scoped3A_159 : memref<!tpu.dma_semaphore, #tpu.memory_space<semaphore_mem>>) {add = true}
        %dma_wait3A_170 = arith.constant 0 : i32
        %dma_wait3A_171 = arith.constant 0 : i32
        %dma_wait3A_172 = tpu.memref_slice %arg12[%run_scoped3A_151, %dma_wait3A_170, %dma_wait3A_171] : memref<2x128x64xf32, #tpu.memory_space<vmem>> -> memref<1x128x64xf32, #tpu.memory_space<vmem>>
        %dma_wait3A_173 = tpu.memref_squeeze %dma_wait3A_172 : memref<1x128x64xf32, #tpu.memory_space<vmem>> -> memref<128x64xf32, #tpu.memory_space<vmem>>
        %dma_wait3A_174 = arith.constant 0 : i32
        %dma_wait3A_175 = tpu.memref_slice %arg11[%add3A_139, %dma_wait3A_174] : memref<40x128xi32, #tpu.memory_space<vmem>> -> memref<1x128xi32, #tpu.memory_space<vmem>>
        %dma_wait3A_176 = tpu.memref_squeeze %dma_wait3A_175 : memref<1x128xi32, #tpu.memory_space<vmem>> -> memref<128xi32, #tpu.memory_space<vmem>>
        %dma_wait3A_177 = arith.constant 0 : i32
        %dma_wait3A_178 = arith.constant 0 : i32
        %dma_wait3A_179 = tpu.memref_slice %arg13[%dma_wait3A_177, %dma_wait3A_178] : memref<10008x64xf32, #tpu.memory_space<vmem_shared>> -> memref<10008x64xf32, #tpu.memory_space<vmem_shared>>
        tpu.wait_indirect_dma semaphore(%run_scoped3A_159 : memref<!tpu.dma_semaphore, #tpu.memory_space<semaphore_mem>>) src(%dma_wait3A_173 : memref<128x64xf32, #tpu.memory_space<vmem>>) dst(%dma_wait3A_179 : memref<10008x64xf32, #tpu.memory_space<vmem_shared>>)
        tpu.yield
      }) : () -> ()
      %add3A_152 = arith.constant 2 : i32
      %add3A_153 = arith.addi %add3A_139, %add3A_152 : i32
      %lt3A_154 = arith.constant 40 : i32
      %lt3A_155 = arith.cmpi slt, %add3A_153, %lt3A_154 : i32
      %convert_element_type3A_156 = arith.extui %lt3A_155 : i1 to i32
      %cond3A_157 = arith.constant 0 : i32
      %cond3A_158 = arith.cmpi ne, %convert_element_type3A_156, %cond3A_157 : i32
      scf.if %cond3A_158 {
        %add3A_159 = arith.constant 2 : i32
        %add3A_160 = arith.addi %add3A_139, %add3A_159 : i32
        %dma_start3A_161 = arith.constant 1 : i32
        %dma_start3A_162 = arith.constant 0 : i32
        %dma_start3A_163 = arith.constant 0 : i32
        %dma_start3A_164 = tpu.memref_slice %arg12[%dma_start3A_161, %dma_start3A_162, %dma_start3A_163] : memref<2x128x64xf32, #tpu.memory_space<vmem>> -> memref<1x128x64xf32, #tpu.memory_space<vmem>>
        %dma_start3A_165 = tpu.memref_squeeze %dma_start3A_164 : memref<1x128x64xf32, #tpu.memory_space<vmem>> -> memref<128x64xf32, #tpu.memory_space<vmem>>
        %dma_start3A_166 = arith.constant 0 : i32
        %dma_start3A_167 = tpu.memref_slice %arg10[%add3A_160, %dma_start3A_166] : memref<40x128xi32, #tpu.memory_space<vmem>> -> memref<1x128xi32, #tpu.memory_space<vmem>>
        %dma_start3A_168 = tpu.memref_squeeze %dma_start3A_167 : memref<1x128xi32, #tpu.memory_space<vmem>> -> memref<128xi32, #tpu.memory_space<vmem>>
        %dma_start3A_169 = arith.constant 0 : i32
        %dma_start3A_170 = arith.constant 0 : i32
        %dma_start3A_171 = tpu.memref_slice %arg3[%dma_start3A_169, %dma_start3A_170] : memref<10000x64xf32, #tpu.memory_space<hbm>> -> memref<10000x64xf32, #tpu.memory_space<hbm>>
        tpu.enqueue_indirect_dma source(%dma_start3A_171 : memref<10000x64xf32, #tpu.memory_space<hbm>>) target(%dma_start3A_165 : memref<128x64xf32, #tpu.memory_space<vmem>>) offsets(%dma_start3A_168 : memref<128xi32, #tpu.memory_space<vmem>>) semaphore(%arg15 : memref<!tpu.dma_semaphore, #tpu.memory_space<semaphore_mem>>)
      } else {
      }
    }
    %scan3A_32 = arith.constant 10 : i32
    "tpu.region"() ({
      %run_scoped3A = tpu.sem_alloc : memref<!tpu.dma_semaphore, #tpu.memory_space<semaphore_mem>>
      %dma_start3A_69 = arith.constant 40 : i32
      %dma_start3A_70 = arith.constant 0 : i32
      %dma_start3A_71 = tpu.memref_slice %arg6[%add3A, %dma_start3A_69, %dma_start3A_70] : memref<32x80x128xi32, #tpu.memory_space<hbm>> -> memref<1x40x128xi32, #tpu.memory_space<hbm>>
      %dma_start3A_72 = tpu.memref_squeeze %dma_start3A_71 : memref<1x40x128xi32, #tpu.memory_space<hbm>> -> memref<40x128xi32, #tpu.memory_space<hbm>>
      %dma_start3A_73 = arith.constant 40 : i32
      %dma_start3A_74 = arith.constant 0 : i32
      %dma_start3A_75 = tpu.memref_slice %arg6[%add3A, %dma_start3A_73, %dma_start3A_74] : memref<32x80x128xi32, #tpu.memory_space<hbm>> -> memref<1x40x128xi32, #tpu.memory_space<hbm>>
      %dma_start3A_76 = tpu.memref_squeeze %dma_start3A_75 : memref<1x40x128xi32, #tpu.memory_space<hbm>> -> memref<40x128xi32, #tpu.memory_space<hbm>>
      tpu.enqueue_dma source(%dma_start3A_76 : memref<40x128xi32, #tpu.memory_space<hbm>>) target(%arg10 : memref<40x128xi32, #tpu.memory_space<vmem>>) target_semaphore(%run_scoped3A : memref<!tpu.dma_semaphore, #tpu.memory_space<semaphore_mem>>)
      %dma_wait3A = arith.constant 40 : i32
      %dma_wait3A_77 = arith.constant 0 : i32
      %dma_wait3A_78 = tpu.memref_slice %arg6[%add3A, %dma_wait3A, %dma_wait3A_77] : memref<32x80x128xi32, #tpu.memory_space<hbm>> -> memref<1x40x128xi32, #tpu.memory_space<hbm>>
      %dma_wait3A_79 = tpu.memref_squeeze %dma_wait3A_78 : memref<1x40x128xi32, #tpu.memory_space<hbm>> -> memref<40x128xi32, #tpu.memory_space<hbm>>
      %dma_wait3A_80 = arith.constant 40 : i32
      %dma_wait3A_81 = arith.constant 0 : i32
      %dma_wait3A_82 = tpu.memref_slice %arg6[%add3A, %dma_wait3A_80, %dma_wait3A_81] : memref<32x80x128xi32, #tpu.memory_space<hbm>> -> memref<1x40x128xi32, #tpu.memory_space<hbm>>
      %dma_wait3A_83 = tpu.memref_squeeze %dma_wait3A_82 : memref<1x40x128xi32, #tpu.memory_space<hbm>> -> memref<40x128xi32, #tpu.memory_space<hbm>>
      tpu.wait_dma2 semaphore(%run_scoped3A : memref<!tpu.dma_semaphore, #tpu.memory_space<semaphore_mem>>) src(%dma_wait3A_83 : memref<40x128xi32, #tpu.memory_space<hbm>>) dst(%arg10 : memref<40x128xi32, #tpu.memory_space<vmem>>)
      tpu.yield
    }) : () -> ()
    "tpu.region"() ({
      %run_scoped3A = tpu.sem_alloc : memref<!tpu.dma_semaphore, #tpu.memory_space<semaphore_mem>>
      %dma_start3A_69 = arith.constant 40 : i32
      %dma_start3A_70 = arith.constant 0 : i32
      %dma_start3A_71 = tpu.memref_slice %arg7[%add3A, %dma_start3A_69, %dma_start3A_70] : memref<32x80x128xi32, #tpu.memory_space<hbm>> -> memref<1x40x128xi32, #tpu.memory_space<hbm>>
      %dma_start3A_72 = tpu.memref_squeeze %dma_start3A_71 : memref<1x40x128xi32, #tpu.memory_space<hbm>> -> memref<40x128xi32, #tpu.memory_space<hbm>>
      %dma_start3A_73 = arith.constant 40 : i32
      %dma_start3A_74 = arith.constant 0 : i32
      %dma_start3A_75 = tpu.memref_slice %arg7[%add3A, %dma_start3A_73, %dma_start3A_74] : memref<32x80x128xi32, #tpu.memory_space<hbm>> -> memref<1x40x128xi32, #tpu.memory_space<hbm>>
      %dma_start3A_76 = tpu.memref_squeeze %dma_start3A_75 : memref<1x40x128xi32, #tpu.memory_space<hbm>> -> memref<40x128xi32, #tpu.memory_space<hbm>>
      tpu.enqueue_dma source(%dma_start3A_76 : memref<40x128xi32, #tpu.memory_space<hbm>>) target(%arg11 : memref<40x128xi32, #tpu.memory_space<vmem>>) target_semaphore(%run_scoped3A : memref<!tpu.dma_semaphore, #tpu.memory_space<semaphore_mem>>)
      %dma_wait3A = arith.constant 40 : i32
      %dma_wait3A_77 = arith.constant 0 : i32
      %dma_wait3A_78 = tpu.memref_slice %arg7[%add3A, %dma_wait3A, %dma_wait3A_77] : memref<32x80x128xi32, #tpu.memory_space<hbm>> -> memref<1x40x128xi32, #tpu.memory_space<hbm>>
      %dma_wait3A_79 = tpu.memref_squeeze %dma_wait3A_78 : memref<1x40x128xi32, #tpu.memory_space<hbm>> -> memref<40x128xi32, #tpu.memory_space<hbm>>
      %dma_wait3A_80 = arith.constant 40 : i32
      %dma_wait3A_81 = arith.constant 0 : i32
      %dma_wait3A_82 = tpu.memref_slice %arg7[%add3A, %dma_wait3A_80, %dma_wait3A_81] : memref<32x80x128xi32, #tpu.memory_space<hbm>> -> memref<1x40x128xi32, #tpu.memory_space<hbm>>
      %dma_wait3A_83 = tpu.memref_squeeze %dma_wait3A_82 : memref<1x40x128xi32, #tpu.memory_space<hbm>> -> memref<40x128xi32, #tpu.memory_space<hbm>>
      tpu.wait_dma2 semaphore(%run_scoped3A : memref<!tpu.dma_semaphore, #tpu.memory_space<semaphore_mem>>) src(%dma_wait3A_83 : memref<40x128xi32, #tpu.memory_space<hbm>>) dst(%arg11 : memref<40x128xi32, #tpu.memory_space<vmem>>)
      tpu.yield
    }) : () -> ()
    %dma_start3A_33 = arith.constant 0 : i32
    %dma_start3A_34 = arith.constant 0 : i32
    %dma_start3A_35 = arith.constant 0 : i32
    %dma_start3A_36 = arith.constant 0 : i32
    %dma_start3A_37 = tpu.memref_slice %arg12[%dma_start3A_34, %dma_start3A_35, %dma_start3A_36] : memref<2x128x64xf32, #tpu.memory_space<vmem>> -> memref<1x128x64xf32, #tpu.memory_space<vmem>>
    %dma_start3A_38 = tpu.memref_squeeze %dma_start3A_37 : memref<1x128x64xf32, #tpu.memory_space<vmem>> -> memref<128x64xf32, #tpu.memory_space<vmem>>
    %dma_start3A_39 = arith.constant 0 : i32
    %dma_start3A_40 = tpu.memref_slice %arg10[%dma_start3A_33, %dma_start3A_39] : memref<40x128xi32, #tpu.memory_space<vmem>> -> memref<1x128xi32, #tpu.memory_space<vmem>>
    %dma_start3A_41 = tpu.memref_squeeze %dma_start3A_40 : memref<1x128xi32, #tpu.memory_space<vmem>> -> memref<128xi32, #tpu.memory_space<vmem>>
    %dma_start3A_42 = arith.constant 0 : i32
    %dma_start3A_43 = arith.constant 0 : i32
    %dma_start3A_44 = tpu.memref_slice %arg2[%dma_start3A_42, %dma_start3A_43] : memref<10000x64xf32, #tpu.memory_space<hbm>> -> memref<10000x64xf32, #tpu.memory_space<hbm>>
    tpu.enqueue_indirect_dma source(%dma_start3A_44 : memref<10000x64xf32, #tpu.memory_space<hbm>>) target(%dma_start3A_38 : memref<128x64xf32, #tpu.memory_space<vmem>>) offsets(%dma_start3A_41 : memref<128xi32, #tpu.memory_space<vmem>>) semaphore(%arg14 : memref<!tpu.dma_semaphore, #tpu.memory_space<semaphore_mem>>)
    %dma_start3A_45 = arith.constant 1 : i32
    %dma_start3A_46 = arith.constant 1 : i32
    %dma_start3A_47 = arith.constant 0 : i32
    %dma_start3A_48 = arith.constant 0 : i32
    %dma_start3A_49 = tpu.memref_slice %arg12[%dma_start3A_46, %dma_start3A_47, %dma_start3A_48] : memref<2x128x64xf32, #tpu.memory_space<vmem>> -> memref<1x128x64xf32, #tpu.memory_space<vmem>>
    %dma_start3A_50 = tpu.memref_squeeze %dma_start3A_49 : memref<1x128x64xf32, #tpu.memory_space<vmem>> -> memref<128x64xf32, #tpu.memory_space<vmem>>
    %dma_start3A_51 = arith.constant 0 : i32
    %dma_start3A_52 = tpu.memref_slice %arg10[%dma_start3A_45, %dma_start3A_51] : memref<40x128xi32, #tpu.memory_space<vmem>> -> memref<1x128xi32, #tpu.memory_space<vmem>>
    %dma_start3A_53 = tpu.memref_squeeze %dma_start3A_52 : memref<1x128xi32, #tpu.memory_space<vmem>> -> memref<128xi32, #tpu.memory_space<vmem>>
    %dma_start3A_54 = arith.constant 0 : i32
    %dma_start3A_55 = arith.constant 0 : i32
    %dma_start3A_56 = tpu.memref_slice %arg3[%dma_start3A_54, %dma_start3A_55] : memref<10000x64xf32, #tpu.memory_space<hbm>> -> memref<10000x64xf32, #tpu.memory_space<hbm>>
    tpu.enqueue_indirect_dma source(%dma_start3A_56 : memref<10000x64xf32, #tpu.memory_space<hbm>>) target(%dma_start3A_50 : memref<128x64xf32, #tpu.memory_space<vmem>>) offsets(%dma_start3A_53 : memref<128xi32, #tpu.memory_space<vmem>>) semaphore(%arg15 : memref<!tpu.dma_semaphore, #tpu.memory_space<semaphore_mem>>)
    %scan3A_57 = arith.constant 0 : i32
    %scan3A_58 = arith.constant 0 : i32
    %scan3A_59 = arith.constant 10 : i32
    %scan3A_60 = arith.addi %scan3A_58, %scan3A_59 : i32
    %scan3A_61 = arith.constant 1 : i32
    scf.for %scan3A_69 = %scan3A_58 to %scan3A_60 step %scan3A_61  : i32 {
      %mul3A_70 = arith.constant 4 : i32
      %mul3A_71 = arith.muli %scan3A_69, %mul3A_70 : i32
      %add3A_72 = arith.constant 0 : i32
      %add3A_73 = arith.addi %mul3A_71, %add3A_72 : i32
      %dma_wait3A = arith.constant 0 : i32
      %dma_wait3A_74 = arith.constant 0 : i32
      %dma_wait3A_75 = arith.constant 0 : i32
      %dma_wait3A_76 = tpu.memref_slice %arg12[%dma_wait3A, %dma_wait3A_74, %dma_wait3A_75] : memref<2x128x64xf32, #tpu.memory_space<vmem>> -> memref<1x128x64xf32, #tpu.memory_space<vmem>>
      %dma_wait3A_77 = tpu.memref_squeeze %dma_wait3A_76 : memref<1x128x64xf32, #tpu.memory_space<vmem>> -> memref<128x64xf32, #tpu.memory_space<vmem>>
      %dma_wait3A_78 = arith.constant 0 : i32
      %dma_wait3A_79 = tpu.memref_slice %arg10[%add3A_73, %dma_wait3A_78] : memref<40x128xi32, #tpu.memory_space<vmem>> -> memref<1x128xi32, #tpu.memory_space<vmem>>
      %dma_wait3A_80 = tpu.memref_squeeze %dma_wait3A_79 : memref<1x128xi32, #tpu.memory_space<vmem>> -> memref<128xi32, #tpu.memory_space<vmem>>
      %dma_wait3A_81 = arith.constant 0 : i32
      %dma_wait3A_82 = arith.constant 0 : i32
      %dma_wait3A_83 = tpu.memref_slice %arg2[%dma_wait3A_81, %dma_wait3A_82] : memref<10000x64xf32, #tpu.memory_space<hbm>> -> memref<10000x64xf32, #tpu.memory_space<hbm>>
      tpu.wait_indirect_dma semaphore(%arg14 : memref<!tpu.dma_semaphore, #tpu.memory_space<semaphore_mem>>) src(%dma_wait3A_83 : memref<10000x64xf32, #tpu.memory_space<hbm>>) dst(%dma_wait3A_77 : memref<128x64xf32, #tpu.memory_space<vmem>>)
      %run_scoped3A = arith.constant 0 : i32
      "tpu.region"() ({
        %run_scoped3A_159 = tpu.sem_alloc : memref<!tpu.dma_semaphore, #tpu.memory_space<semaphore_mem>>
        %dma_start3A_160 = arith.constant 0 : i32
        %dma_start3A_161 = arith.constant 0 : i32
        %dma_start3A_162 = tpu.memref_slice %arg12[%run_scoped3A, %dma_start3A_160, %dma_start3A_161] : memref<2x128x64xf32, #tpu.memory_space<vmem>> -> memref<1x128x64xf32, #tpu.memory_space<vmem>>
        %dma_start3A_163 = tpu.memref_squeeze %dma_start3A_162 : memref<1x128x64xf32, #tpu.memory_space<vmem>> -> memref<128x64xf32, #tpu.memory_space<vmem>>
        %dma_start3A_164 = arith.constant 0 : i32
        %dma_start3A_165 = tpu.memref_slice %arg11[%add3A_73, %dma_start3A_164] : memref<40x128xi32, #tpu.memory_space<vmem>> -> memref<1x128xi32, #tpu.memory_space<vmem>>
        %dma_start3A_166 = tpu.memref_squeeze %dma_start3A_165 : memref<1x128xi32, #tpu.memory_space<vmem>> -> memref<128xi32, #tpu.memory_space<vmem>>
        %dma_start3A_167 = arith.constant 0 : i32
        %dma_start3A_168 = arith.constant 0 : i32
        %dma_start3A_169 = tpu.memref_slice %arg13[%dma_start3A_167, %dma_start3A_168] : memref<10008x64xf32, #tpu.memory_space<vmem_shared>> -> memref<10008x64xf32, #tpu.memory_space<vmem_shared>>
        tpu.enqueue_indirect_dma source(%dma_start3A_163 : memref<128x64xf32, #tpu.memory_space<vmem>>) target(%dma_start3A_169 : memref<10008x64xf32, #tpu.memory_space<vmem_shared>>) offsets(%dma_start3A_166 : memref<128xi32, #tpu.memory_space<vmem>>) semaphore(%run_scoped3A_159 : memref<!tpu.dma_semaphore, #tpu.memory_space<semaphore_mem>>) {add = true}
        %dma_wait3A_170 = arith.constant 0 : i32
        %dma_wait3A_171 = arith.constant 0 : i32
        %dma_wait3A_172 = tpu.memref_slice %arg12[%run_scoped3A, %dma_wait3A_170, %dma_wait3A_171] : memref<2x128x64xf32, #tpu.memory_space<vmem>> -> memref<1x128x64xf32, #tpu.memory_space<vmem>>
        %dma_wait3A_173 = tpu.memref_squeeze %dma_wait3A_172 : memref<1x128x64xf32, #tpu.memory_space<vmem>> -> memref<128x64xf32, #tpu.memory_space<vmem>>
        %dma_wait3A_174 = arith.constant 0 : i32
        %dma_wait3A_175 = tpu.memref_slice %arg11[%add3A_73, %dma_wait3A_174] : memref<40x128xi32, #tpu.memory_space<vmem>> -> memref<1x128xi32, #tpu.memory_space<vmem>>
        %dma_wait3A_176 = tpu.memref_squeeze %dma_wait3A_175 : memref<1x128xi32, #tpu.memory_space<vmem>> -> memref<128xi32, #tpu.memory_space<vmem>>
        %dma_wait3A_177 = arith.constant 0 : i32
        %dma_wait3A_178 = arith.constant 0 : i32
        %dma_wait3A_179 = tpu.memref_slice %arg13[%dma_wait3A_177, %dma_wait3A_178] : memref<10008x64xf32, #tpu.memory_space<vmem_shared>> -> memref<10008x64xf32, #tpu.memory_space<vmem_shared>>
        tpu.wait_indirect_dma semaphore(%run_scoped3A_159 : memref<!tpu.dma_semaphore, #tpu.memory_space<semaphore_mem>>) src(%dma_wait3A_173 : memref<128x64xf32, #tpu.memory_space<vmem>>) dst(%dma_wait3A_179 : memref<10008x64xf32, #tpu.memory_space<vmem_shared>>)
        tpu.yield
      }) : () -> ()
      %add3A_84 = arith.constant 2 : i32
      %add3A_85 = arith.addi %add3A_73, %add3A_84 : i32
      %lt3A = arith.constant 40 : i32
      %lt3A_86 = arith.cmpi slt, %add3A_85, %lt3A : i32
      %convert_element_type3A_87 = arith.extui %lt3A_86 : i1 to i32
      %cond3A_88 = arith.constant 0 : i32
      %cond3A_89 = arith.cmpi ne, %convert_element_type3A_87, %cond3A_88 : i32
      scf.if %cond3A_89 {
        %add3A_159 = arith.constant 2 : i32
        %add3A_160 = arith.addi %add3A_73, %add3A_159 : i32
        %dma_start3A_161 = arith.constant 0 : i32
        %dma_start3A_162 = arith.constant 0 : i32
        %dma_start3A_163 = arith.constant 0 : i32
        %dma_start3A_164 = tpu.memref_slice %arg12[%dma_start3A_161, %dma_start3A_162, %dma_start3A_163] : memref<2x128x64xf32, #tpu.memory_space<vmem>> -> memref<1x128x64xf32, #tpu.memory_space<vmem>>
        %dma_start3A_165 = tpu.memref_squeeze %dma_start3A_164 : memref<1x128x64xf32, #tpu.memory_space<vmem>> -> memref<128x64xf32, #tpu.memory_space<vmem>>
        %dma_start3A_166 = arith.constant 0 : i32
        %dma_start3A_167 = tpu.memref_slice %arg10[%add3A_160, %dma_start3A_166] : memref<40x128xi32, #tpu.memory_space<vmem>> -> memref<1x128xi32, #tpu.memory_space<vmem>>
        %dma_start3A_168 = tpu.memref_squeeze %dma_start3A_167 : memref<1x128xi32, #tpu.memory_space<vmem>> -> memref<128xi32, #tpu.memory_space<vmem>>
        %dma_start3A_169 = arith.constant 0 : i32
        %dma_start3A_170 = arith.constant 0 : i32
        %dma_start3A_171 = tpu.memref_slice %arg4[%dma_start3A_169, %dma_start3A_170] : memref<10000x64xf32, #tpu.memory_space<hbm>> -> memref<10000x64xf32, #tpu.memory_space<hbm>>
        tpu.enqueue_indirect_dma source(%dma_start3A_171 : memref<10000x64xf32, #tpu.memory_space<hbm>>) target(%dma_start3A_165 : memref<128x64xf32, #tpu.memory_space<vmem>>) offsets(%dma_start3A_168 : memref<128xi32, #tpu.memory_space<vmem>>) semaphore(%arg14 : memref<!tpu.dma_semaphore, #tpu.memory_space<semaphore_mem>>)
      } else {
      }
      %mul3A_90 = arith.constant 4 : i32
      %mul3A_91 = arith.muli %scan3A_69, %mul3A_90 : i32
      %add3A_92 = arith.constant 1 : i32
      %add3A_93 = arith.addi %mul3A_91, %add3A_92 : i32
      %dma_wait3A_94 = arith.constant 1 : i32
      %dma_wait3A_95 = arith.constant 0 : i32
      %dma_wait3A_96 = arith.constant 0 : i32
      %dma_wait3A_97 = tpu.memref_slice %arg12[%dma_wait3A_94, %dma_wait3A_95, %dma_wait3A_96] : memref<2x128x64xf32, #tpu.memory_space<vmem>> -> memref<1x128x64xf32, #tpu.memory_space<vmem>>
      %dma_wait3A_98 = tpu.memref_squeeze %dma_wait3A_97 : memref<1x128x64xf32, #tpu.memory_space<vmem>> -> memref<128x64xf32, #tpu.memory_space<vmem>>
      %dma_wait3A_99 = arith.constant 0 : i32
      %dma_wait3A_100 = tpu.memref_slice %arg10[%add3A_93, %dma_wait3A_99] : memref<40x128xi32, #tpu.memory_space<vmem>> -> memref<1x128xi32, #tpu.memory_space<vmem>>
      %dma_wait3A_101 = tpu.memref_squeeze %dma_wait3A_100 : memref<1x128xi32, #tpu.memory_space<vmem>> -> memref<128xi32, #tpu.memory_space<vmem>>
      %dma_wait3A_102 = arith.constant 0 : i32
      %dma_wait3A_103 = arith.constant 0 : i32
      %dma_wait3A_104 = tpu.memref_slice %arg3[%dma_wait3A_102, %dma_wait3A_103] : memref<10000x64xf32, #tpu.memory_space<hbm>> -> memref<10000x64xf32, #tpu.memory_space<hbm>>
      tpu.wait_indirect_dma semaphore(%arg15 : memref<!tpu.dma_semaphore, #tpu.memory_space<semaphore_mem>>) src(%dma_wait3A_104 : memref<10000x64xf32, #tpu.memory_space<hbm>>) dst(%dma_wait3A_98 : memref<128x64xf32, #tpu.memory_space<vmem>>)
      %run_scoped3A_105 = arith.constant 1 : i32
      "tpu.region"() ({
        %run_scoped3A_159 = tpu.sem_alloc : memref<!tpu.dma_semaphore, #tpu.memory_space<semaphore_mem>>
        %dma_start3A_160 = arith.constant 0 : i32
        %dma_start3A_161 = arith.constant 0 : i32
        %dma_start3A_162 = tpu.memref_slice %arg12[%run_scoped3A_105, %dma_start3A_160, %dma_start3A_161] : memref<2x128x64xf32, #tpu.memory_space<vmem>> -> memref<1x128x64xf32, #tpu.memory_space<vmem>>
        %dma_start3A_163 = tpu.memref_squeeze %dma_start3A_162 : memref<1x128x64xf32, #tpu.memory_space<vmem>> -> memref<128x64xf32, #tpu.memory_space<vmem>>
        %dma_start3A_164 = arith.constant 0 : i32
        %dma_start3A_165 = tpu.memref_slice %arg11[%add3A_93, %dma_start3A_164] : memref<40x128xi32, #tpu.memory_space<vmem>> -> memref<1x128xi32, #tpu.memory_space<vmem>>
        %dma_start3A_166 = tpu.memref_squeeze %dma_start3A_165 : memref<1x128xi32, #tpu.memory_space<vmem>> -> memref<128xi32, #tpu.memory_space<vmem>>
        %dma_start3A_167 = arith.constant 0 : i32
        %dma_start3A_168 = arith.constant 0 : i32
        %dma_start3A_169 = tpu.memref_slice %arg13[%dma_start3A_167, %dma_start3A_168] : memref<10008x64xf32, #tpu.memory_space<vmem_shared>> -> memref<10008x64xf32, #tpu.memory_space<vmem_shared>>
        tpu.enqueue_indirect_dma source(%dma_start3A_163 : memref<128x64xf32, #tpu.memory_space<vmem>>) target(%dma_start3A_169 : memref<10008x64xf32, #tpu.memory_space<vmem_shared>>) offsets(%dma_start3A_166 : memref<128xi32, #tpu.memory_space<vmem>>) semaphore(%run_scoped3A_159 : memref<!tpu.dma_semaphore, #tpu.memory_space<semaphore_mem>>) {add = true}
        %dma_wait3A_170 = arith.constant 0 : i32
        %dma_wait3A_171 = arith.constant 0 : i32
        %dma_wait3A_172 = tpu.memref_slice %arg12[%run_scoped3A_105, %dma_wait3A_170, %dma_wait3A_171] : memref<2x128x64xf32, #tpu.memory_space<vmem>> -> memref<1x128x64xf32, #tpu.memory_space<vmem>>
        %dma_wait3A_173 = tpu.memref_squeeze %dma_wait3A_172 : memref<1x128x64xf32, #tpu.memory_space<vmem>> -> memref<128x64xf32, #tpu.memory_space<vmem>>
        %dma_wait3A_174 = arith.constant 0 : i32
        %dma_wait3A_175 = tpu.memref_slice %arg11[%add3A_93, %dma_wait3A_174] : memref<40x128xi32, #tpu.memory_space<vmem>> -> memref<1x128xi32, #tpu.memory_space<vmem>>
        %dma_wait3A_176 = tpu.memref_squeeze %dma_wait3A_175 : memref<1x128xi32, #tpu.memory_space<vmem>> -> memref<128xi32, #tpu.memory_space<vmem>>
        %dma_wait3A_177 = arith.constant 0 : i32
        %dma_wait3A_178 = arith.constant 0 : i32
        %dma_wait3A_179 = tpu.memref_slice %arg13[%dma_wait3A_177, %dma_wait3A_178] : memref<10008x64xf32, #tpu.memory_space<vmem_shared>> -> memref<10008x64xf32, #tpu.memory_space<vmem_shared>>
        tpu.wait_indirect_dma semaphore(%run_scoped3A_159 : memref<!tpu.dma_semaphore, #tpu.memory_space<semaphore_mem>>) src(%dma_wait3A_173 : memref<128x64xf32, #tpu.memory_space<vmem>>) dst(%dma_wait3A_179 : memref<10008x64xf32, #tpu.memory_space<vmem_shared>>)
        tpu.yield
      }) : () -> ()
      %add3A_106 = arith.constant 2 : i32
      %add3A_107 = arith.addi %add3A_93, %add3A_106 : i32
      %lt3A_108 = arith.constant 40 : i32
      %lt3A_109 = arith.cmpi slt, %add3A_107, %lt3A_108 : i32
      %convert_element_type3A_110 = arith.extui %lt3A_109 : i1 to i32
      %cond3A_111 = arith.constant 0 : i32
      %cond3A_112 = arith.cmpi ne, %convert_element_type3A_110, %cond3A_111 : i32
      scf.if %cond3A_112 {
        %add3A_159 = arith.constant 2 : i32
        %add3A_160 = arith.addi %add3A_93, %add3A_159 : i32
        %dma_start3A_161 = arith.constant 1 : i32
        %dma_start3A_162 = arith.constant 0 : i32
        %dma_start3A_163 = arith.constant 0 : i32
        %dma_start3A_164 = tpu.memref_slice %arg12[%dma_start3A_161, %dma_start3A_162, %dma_start3A_163] : memref<2x128x64xf32, #tpu.memory_space<vmem>> -> memref<1x128x64xf32, #tpu.memory_space<vmem>>
        %dma_start3A_165 = tpu.memref_squeeze %dma_start3A_164 : memref<1x128x64xf32, #tpu.memory_space<vmem>> -> memref<128x64xf32, #tpu.memory_space<vmem>>
        %dma_start3A_166 = arith.constant 0 : i32
        %dma_start3A_167 = tpu.memref_slice %arg10[%add3A_160, %dma_start3A_166] : memref<40x128xi32, #tpu.memory_space<vmem>> -> memref<1x128xi32, #tpu.memory_space<vmem>>
        %dma_start3A_168 = tpu.memref_squeeze %dma_start3A_167 : memref<1x128xi32, #tpu.memory_space<vmem>> -> memref<128xi32, #tpu.memory_space<vmem>>
        %dma_start3A_169 = arith.constant 0 : i32
        %dma_start3A_170 = arith.constant 0 : i32
        %dma_start3A_171 = tpu.memref_slice %arg5[%dma_start3A_169, %dma_start3A_170] : memref<10000x64xf32, #tpu.memory_space<hbm>> -> memref<10000x64xf32, #tpu.memory_space<hbm>>
        tpu.enqueue_indirect_dma source(%dma_start3A_171 : memref<10000x64xf32, #tpu.memory_space<hbm>>) target(%dma_start3A_165 : memref<128x64xf32, #tpu.memory_space<vmem>>) offsets(%dma_start3A_168 : memref<128xi32, #tpu.memory_space<vmem>>) semaphore(%arg15 : memref<!tpu.dma_semaphore, #tpu.memory_space<semaphore_mem>>)
      } else {
      }
      %mul3A_113 = arith.constant 4 : i32
      %mul3A_114 = arith.muli %scan3A_69, %mul3A_113 : i32
      %add3A_115 = arith.constant 2 : i32
      %add3A_116 = arith.addi %mul3A_114, %add3A_115 : i32
      %dma_wait3A_117 = arith.constant 0 : i32
      %dma_wait3A_118 = arith.constant 0 : i32
      %dma_wait3A_119 = arith.constant 0 : i32
      %dma_wait3A_120 = tpu.memref_slice %arg12[%dma_wait3A_117, %dma_wait3A_118, %dma_wait3A_119] : memref<2x128x64xf32, #tpu.memory_space<vmem>> -> memref<1x128x64xf32, #tpu.memory_space<vmem>>
      %dma_wait3A_121 = tpu.memref_squeeze %dma_wait3A_120 : memref<1x128x64xf32, #tpu.memory_space<vmem>> -> memref<128x64xf32, #tpu.memory_space<vmem>>
      %dma_wait3A_122 = arith.constant 0 : i32
      %dma_wait3A_123 = tpu.memref_slice %arg10[%add3A_116, %dma_wait3A_122] : memref<40x128xi32, #tpu.memory_space<vmem>> -> memref<1x128xi32, #tpu.memory_space<vmem>>
      %dma_wait3A_124 = tpu.memref_squeeze %dma_wait3A_123 : memref<1x128xi32, #tpu.memory_space<vmem>> -> memref<128xi32, #tpu.memory_space<vmem>>
      %dma_wait3A_125 = arith.constant 0 : i32
      %dma_wait3A_126 = arith.constant 0 : i32
      %dma_wait3A_127 = tpu.memref_slice %arg4[%dma_wait3A_125, %dma_wait3A_126] : memref<10000x64xf32, #tpu.memory_space<hbm>> -> memref<10000x64xf32, #tpu.memory_space<hbm>>
      tpu.wait_indirect_dma semaphore(%arg14 : memref<!tpu.dma_semaphore, #tpu.memory_space<semaphore_mem>>) src(%dma_wait3A_127 : memref<10000x64xf32, #tpu.memory_space<hbm>>) dst(%dma_wait3A_121 : memref<128x64xf32, #tpu.memory_space<vmem>>)
      %run_scoped3A_128 = arith.constant 0 : i32
      "tpu.region"() ({
        %run_scoped3A_159 = tpu.sem_alloc : memref<!tpu.dma_semaphore, #tpu.memory_space<semaphore_mem>>
        %dma_start3A_160 = arith.constant 0 : i32
        %dma_start3A_161 = arith.constant 0 : i32
        %dma_start3A_162 = tpu.memref_slice %arg12[%run_scoped3A_128, %dma_start3A_160, %dma_start3A_161] : memref<2x128x64xf32, #tpu.memory_space<vmem>> -> memref<1x128x64xf32, #tpu.memory_space<vmem>>
        %dma_start3A_163 = tpu.memref_squeeze %dma_start3A_162 : memref<1x128x64xf32, #tpu.memory_space<vmem>> -> memref<128x64xf32, #tpu.memory_space<vmem>>
        %dma_start3A_164 = arith.constant 0 : i32
        %dma_start3A_165 = tpu.memref_slice %arg11[%add3A_116, %dma_start3A_164] : memref<40x128xi32, #tpu.memory_space<vmem>> -> memref<1x128xi32, #tpu.memory_space<vmem>>
        %dma_start3A_166 = tpu.memref_squeeze %dma_start3A_165 : memref<1x128xi32, #tpu.memory_space<vmem>> -> memref<128xi32, #tpu.memory_space<vmem>>
        %dma_start3A_167 = arith.constant 0 : i32
        %dma_start3A_168 = arith.constant 0 : i32
        %dma_start3A_169 = tpu.memref_slice %arg13[%dma_start3A_167, %dma_start3A_168] : memref<10008x64xf32, #tpu.memory_space<vmem_shared>> -> memref<10008x64xf32, #tpu.memory_space<vmem_shared>>
        tpu.enqueue_indirect_dma source(%dma_start3A_163 : memref<128x64xf32, #tpu.memory_space<vmem>>) target(%dma_start3A_169 : memref<10008x64xf32, #tpu.memory_space<vmem_shared>>) offsets(%dma_start3A_166 : memref<128xi32, #tpu.memory_space<vmem>>) semaphore(%run_scoped3A_159 : memref<!tpu.dma_semaphore, #tpu.memory_space<semaphore_mem>>) {add = true}
        %dma_wait3A_170 = arith.constant 0 : i32
        %dma_wait3A_171 = arith.constant 0 : i32
        %dma_wait3A_172 = tpu.memref_slice %arg12[%run_scoped3A_128, %dma_wait3A_170, %dma_wait3A_171] : memref<2x128x64xf32, #tpu.memory_space<vmem>> -> memref<1x128x64xf32, #tpu.memory_space<vmem>>
        %dma_wait3A_173 = tpu.memref_squeeze %dma_wait3A_172 : memref<1x128x64xf32, #tpu.memory_space<vmem>> -> memref<128x64xf32, #tpu.memory_space<vmem>>
        %dma_wait3A_174 = arith.constant 0 : i32
        %dma_wait3A_175 = tpu.memref_slice %arg11[%add3A_116, %dma_wait3A_174] : memref<40x128xi32, #tpu.memory_space<vmem>> -> memref<1x128xi32, #tpu.memory_space<vmem>>
        %dma_wait3A_176 = tpu.memref_squeeze %dma_wait3A_175 : memref<1x128xi32, #tpu.memory_space<vmem>> -> memref<128xi32, #tpu.memory_space<vmem>>
        %dma_wait3A_177 = arith.constant 0 : i32
        %dma_wait3A_178 = arith.constant 0 : i32
        %dma_wait3A_179 = tpu.memref_slice %arg13[%dma_wait3A_177, %dma_wait3A_178] : memref<10008x64xf32, #tpu.memory_space<vmem_shared>> -> memref<10008x64xf32, #tpu.memory_space<vmem_shared>>
        tpu.wait_indirect_dma semaphore(%run_scoped3A_159 : memref<!tpu.dma_semaphore, #tpu.memory_space<semaphore_mem>>) src(%dma_wait3A_173 : memref<128x64xf32, #tpu.memory_space<vmem>>) dst(%dma_wait3A_179 : memref<10008x64xf32, #tpu.memory_space<vmem_shared>>)
        tpu.yield
      }) : () -> ()
      %add3A_129 = arith.constant 2 : i32
      %add3A_130 = arith.addi %add3A_116, %add3A_129 : i32
      %lt3A_131 = arith.constant 40 : i32
      %lt3A_132 = arith.cmpi slt, %add3A_130, %lt3A_131 : i32
      %convert_element_type3A_133 = arith.extui %lt3A_132 : i1 to i32
      %cond3A_134 = arith.constant 0 : i32
      %cond3A_135 = arith.cmpi ne, %convert_element_type3A_133, %cond3A_134 : i32
      scf.if %cond3A_135 {
        %add3A_159 = arith.constant 2 : i32
        %add3A_160 = arith.addi %add3A_116, %add3A_159 : i32
        %dma_start3A_161 = arith.constant 0 : i32
        %dma_start3A_162 = arith.constant 0 : i32
        %dma_start3A_163 = arith.constant 0 : i32
        %dma_start3A_164 = tpu.memref_slice %arg12[%dma_start3A_161, %dma_start3A_162, %dma_start3A_163] : memref<2x128x64xf32, #tpu.memory_space<vmem>> -> memref<1x128x64xf32, #tpu.memory_space<vmem>>
        %dma_start3A_165 = tpu.memref_squeeze %dma_start3A_164 : memref<1x128x64xf32, #tpu.memory_space<vmem>> -> memref<128x64xf32, #tpu.memory_space<vmem>>
        %dma_start3A_166 = arith.constant 0 : i32
        %dma_start3A_167 = tpu.memref_slice %arg10[%add3A_160, %dma_start3A_166] : memref<40x128xi32, #tpu.memory_space<vmem>> -> memref<1x128xi32, #tpu.memory_space<vmem>>
        %dma_start3A_168 = tpu.memref_squeeze %dma_start3A_167 : memref<1x128xi32, #tpu.memory_space<vmem>> -> memref<128xi32, #tpu.memory_space<vmem>>
        %dma_start3A_169 = arith.constant 0 : i32
        %dma_start3A_170 = arith.constant 0 : i32
        %dma_start3A_171 = tpu.memref_slice %arg2[%dma_start3A_169, %dma_start3A_170] : memref<10000x64xf32, #tpu.memory_space<hbm>> -> memref<10000x64xf32, #tpu.memory_space<hbm>>
        tpu.enqueue_indirect_dma source(%dma_start3A_171 : memref<10000x64xf32, #tpu.memory_space<hbm>>) target(%dma_start3A_165 : memref<128x64xf32, #tpu.memory_space<vmem>>) offsets(%dma_start3A_168 : memref<128xi32, #tpu.memory_space<vmem>>) semaphore(%arg14 : memref<!tpu.dma_semaphore, #tpu.memory_space<semaphore_mem>>)
      } else {
      }
      %mul3A_136 = arith.constant 4 : i32
      %mul3A_137 = arith.muli %scan3A_69, %mul3A_136 : i32
      %add3A_138 = arith.constant 3 : i32
      %add3A_139 = arith.addi %mul3A_137, %add3A_138 : i32
      %dma_wait3A_140 = arith.constant 1 : i32
      %dma_wait3A_141 = arith.constant 0 : i32
      %dma_wait3A_142 = arith.constant 0 : i32
      %dma_wait3A_143 = tpu.memref_slice %arg12[%dma_wait3A_140, %dma_wait3A_141, %dma_wait3A_142] : memref<2x128x64xf32, #tpu.memory_space<vmem>> -> memref<1x128x64xf32, #tpu.memory_space<vmem>>
      %dma_wait3A_144 = tpu.memref_squeeze %dma_wait3A_143 : memref<1x128x64xf32, #tpu.memory_space<vmem>> -> memref<128x64xf32, #tpu.memory_space<vmem>>
      %dma_wait3A_145 = arith.constant 0 : i32
      %dma_wait3A_146 = tpu.memref_slice %arg10[%add3A_139, %dma_wait3A_145] : memref<40x128xi32, #tpu.memory_space<vmem>> -> memref<1x128xi32, #tpu.memory_space<vmem>>
      %dma_wait3A_147 = tpu.memref_squeeze %dma_wait3A_146 : memref<1x128xi32, #tpu.memory_space<vmem>> -> memref<128xi32, #tpu.memory_space<vmem>>
      %dma_wait3A_148 = arith.constant 0 : i32
      %dma_wait3A_149 = arith.constant 0 : i32
      %dma_wait3A_150 = tpu.memref_slice %arg5[%dma_wait3A_148, %dma_wait3A_149] : memref<10000x64xf32, #tpu.memory_space<hbm>> -> memref<10000x64xf32, #tpu.memory_space<hbm>>
      tpu.wait_indirect_dma semaphore(%arg15 : memref<!tpu.dma_semaphore, #tpu.memory_space<semaphore_mem>>) src(%dma_wait3A_150 : memref<10000x64xf32, #tpu.memory_space<hbm>>) dst(%dma_wait3A_144 : memref<128x64xf32, #tpu.memory_space<vmem>>)
      %run_scoped3A_151 = arith.constant 1 : i32
      "tpu.region"() ({
        %run_scoped3A_159 = tpu.sem_alloc : memref<!tpu.dma_semaphore, #tpu.memory_space<semaphore_mem>>
        %dma_start3A_160 = arith.constant 0 : i32
        %dma_start3A_161 = arith.constant 0 : i32
        %dma_start3A_162 = tpu.memref_slice %arg12[%run_scoped3A_151, %dma_start3A_160, %dma_start3A_161] : memref<2x128x64xf32, #tpu.memory_space<vmem>> -> memref<1x128x64xf32, #tpu.memory_space<vmem>>
        %dma_start3A_163 = tpu.memref_squeeze %dma_start3A_162 : memref<1x128x64xf32, #tpu.memory_space<vmem>> -> memref<128x64xf32, #tpu.memory_space<vmem>>
        %dma_start3A_164 = arith.constant 0 : i32
        %dma_start3A_165 = tpu.memref_slice %arg11[%add3A_139, %dma_start3A_164] : memref<40x128xi32, #tpu.memory_space<vmem>> -> memref<1x128xi32, #tpu.memory_space<vmem>>
        %dma_start3A_166 = tpu.memref_squeeze %dma_start3A_165 : memref<1x128xi32, #tpu.memory_space<vmem>> -> memref<128xi32, #tpu.memory_space<vmem>>
        %dma_start3A_167 = arith.constant 0 : i32
        %dma_start3A_168 = arith.constant 0 : i32
        %dma_start3A_169 = tpu.memref_slice %arg13[%dma_start3A_167, %dma_start3A_168] : memref<10008x64xf32, #tpu.memory_space<vmem_shared>> -> memref<10008x64xf32, #tpu.memory_space<vmem_shared>>
        tpu.enqueue_indirect_dma source(%dma_start3A_163 : memref<128x64xf32, #tpu.memory_space<vmem>>) target(%dma_start3A_169 : memref<10008x64xf32, #tpu.memory_space<vmem_shared>>) offsets(%dma_start3A_166 : memref<128xi32, #tpu.memory_space<vmem>>) semaphore(%run_scoped3A_159 : memref<!tpu.dma_semaphore, #tpu.memory_space<semaphore_mem>>) {add = true}
        %dma_wait3A_170 = arith.constant 0 : i32
        %dma_wait3A_171 = arith.constant 0 : i32
        %dma_wait3A_172 = tpu.memref_slice %arg12[%run_scoped3A_151, %dma_wait3A_170, %dma_wait3A_171] : memref<2x128x64xf32, #tpu.memory_space<vmem>> -> memref<1x128x64xf32, #tpu.memory_space<vmem>>
        %dma_wait3A_173 = tpu.memref_squeeze %dma_wait3A_172 : memref<1x128x64xf32, #tpu.memory_space<vmem>> -> memref<128x64xf32, #tpu.memory_space<vmem>>
        %dma_wait3A_174 = arith.constant 0 : i32
        %dma_wait3A_175 = tpu.memref_slice %arg11[%add3A_139, %dma_wait3A_174] : memref<40x128xi32, #tpu.memory_space<vmem>> -> memref<1x128xi32, #tpu.memory_space<vmem>>
        %dma_wait3A_176 = tpu.memref_squeeze %dma_wait3A_175 : memref<1x128xi32, #tpu.memory_space<vmem>> -> memref<128xi32, #tpu.memory_space<vmem>>
        %dma_wait3A_177 = arith.constant 0 : i32
        %dma_wait3A_178 = arith.constant 0 : i32
        %dma_wait3A_179 = tpu.memref_slice %arg13[%dma_wait3A_177, %dma_wait3A_178] : memref<10008x64xf32, #tpu.memory_space<vmem_shared>> -> memref<10008x64xf32, #tpu.memory_space<vmem_shared>>
        tpu.wait_indirect_dma semaphore(%run_scoped3A_159 : memref<!tpu.dma_semaphore, #tpu.memory_space<semaphore_mem>>) src(%dma_wait3A_173 : memref<128x64xf32, #tpu.memory_space<vmem>>) dst(%dma_wait3A_179 : memref<10008x64xf32, #tpu.memory_space<vmem_shared>>)
        tpu.yield
      }) : () -> ()
      %add3A_152 = arith.constant 2 : i32
      %add3A_153 = arith.addi %add3A_139, %add3A_152 : i32
      %lt3A_154 = arith.constant 40 : i32
      %lt3A_155 = arith.cmpi slt, %add3A_153, %lt3A_154 : i32
      %convert_element_type3A_156 = arith.extui %lt3A_155 : i1 to i32
      %cond3A_157 = arith.constant 0 : i32
      %cond3A_158 = arith.cmpi ne, %convert_element_type3A_156, %cond3A_157 : i32
      scf.if %cond3A_158 {
        %add3A_159 = arith.constant 2 : i32
        %add3A_160 = arith.addi %add3A_139, %add3A_159 : i32
        %dma_start3A_161 = arith.constant 1 : i32
        %dma_start3A_162 = arith.constant 0 : i32
        %dma_start3A_163 = arith.constant 0 : i32
        %dma_start3A_164 = tpu.memref_slice %arg12[%dma_start3A_161, %dma_start3A_162, %dma_start3A_163] : memref<2x128x64xf32, #tpu.memory_space<vmem>> -> memref<1x128x64xf32, #tpu.memory_space<vmem>>
        %dma_start3A_165 = tpu.memref_squeeze %dma_start3A_164 : memref<1x128x64xf32, #tpu.memory_space<vmem>> -> memref<128x64xf32, #tpu.memory_space<vmem>>
        %dma_start3A_166 = arith.constant 0 : i32
        %dma_start3A_167 = tpu.memref_slice %arg10[%add3A_160, %dma_start3A_166] : memref<40x128xi32, #tpu.memory_space<vmem>> -> memref<1x128xi32, #tpu.memory_space<vmem>>
        %dma_start3A_168 = tpu.memref_squeeze %dma_start3A_167 : memref<1x128xi32, #tpu.memory_space<vmem>> -> memref<128xi32, #tpu.memory_space<vmem>>
        %dma_start3A_169 = arith.constant 0 : i32
        %dma_start3A_170 = arith.constant 0 : i32
        %dma_start3A_171 = tpu.memref_slice %arg3[%dma_start3A_169, %dma_start3A_170] : memref<10000x64xf32, #tpu.memory_space<hbm>> -> memref<10000x64xf32, #tpu.memory_space<hbm>>
        tpu.enqueue_indirect_dma source(%dma_start3A_171 : memref<10000x64xf32, #tpu.memory_space<hbm>>) target(%dma_start3A_165 : memref<128x64xf32, #tpu.memory_space<vmem>>) offsets(%dma_start3A_168 : memref<128xi32, #tpu.memory_space<vmem>>) semaphore(%arg15 : memref<!tpu.dma_semaphore, #tpu.memory_space<semaphore_mem>>)
      } else {
      }
    }
    %scan3A_62 = arith.constant 10 : i32
    %barrier3A_63 = arith.constant 0 : index
    tpu.barrier barrier_id(%barrier3A_63)
    "tpu.region"() ({
      %run_scoped3A = tpu.sem_alloc : memref<!tpu.dma_semaphore, #tpu.memory_space<semaphore_mem>>
      %dma_start3A_69 = arith.constant 0 : i32
      %dma_start3A_70 = tpu.memref_slice %arg9[%arg0, %multiple_of3A, %dma_start3A_69] : memref<2x10000x64xf32, #tpu.memory_space<hbm>> -> memref<1x624x64xf32, #tpu.memory_space<hbm>>
      %dma_start3A_71 = tpu.memref_squeeze %dma_start3A_70 : memref<1x624x64xf32, #tpu.memory_space<hbm>> -> memref<624x64xf32, #tpu.memory_space<hbm>>
      %dma_start3A_72 = arith.constant 0 : i32
      %dma_start3A_73 = tpu.memref_slice %arg13[%multiple_of3A, %dma_start3A_72] : memref<10008x64xf32, #tpu.memory_space<vmem_shared>> -> memref<624x64xf32, #tpu.memory_space<vmem_shared>>
      tpu.enqueue_dma source(%dma_start3A_73 : memref<624x64xf32, #tpu.memory_space<vmem_shared>>) target(%dma_start3A_71 : memref<624x64xf32, #tpu.memory_space<hbm>>) target_semaphore(%run_scoped3A : memref<!tpu.dma_semaphore, #tpu.memory_space<semaphore_mem>>)
      %dma_wait3A = arith.constant 0 : i32
      %dma_wait3A_74 = tpu.memref_slice %arg9[%arg0, %multiple_of3A, %dma_wait3A] : memref<2x10000x64xf32, #tpu.memory_space<hbm>> -> memref<1x624x64xf32, #tpu.memory_space<hbm>>
      %dma_wait3A_75 = tpu.memref_squeeze %dma_wait3A_74 : memref<1x624x64xf32, #tpu.memory_space<hbm>> -> memref<624x64xf32, #tpu.memory_space<hbm>>
      %dma_wait3A_76 = arith.constant 0 : i32
      %dma_wait3A_77 = tpu.memref_slice %arg13[%multiple_of3A, %dma_wait3A_76] : memref<10008x64xf32, #tpu.memory_space<vmem_shared>> -> memref<624x64xf32, #tpu.memory_space<vmem_shared>>
      tpu.wait_dma2 semaphore(%run_scoped3A : memref<!tpu.dma_semaphore, #tpu.memory_space<semaphore_mem>>) src(%dma_wait3A_77 : memref<624x64xf32, #tpu.memory_space<vmem_shared>>) dst(%dma_wait3A_75 : memref<624x64xf32, #tpu.memory_space<hbm>>)
      tpu.yield
    }) : () -> ()
    %eq3A_64 = arith.constant 15 : i32
    %eq3A_65 = arith.cmpi eq, %arg1, %eq3A_64 : i32
    %convert_element_type3A_66 = arith.extui %eq3A_65 : i1 to i32
    %cond3A_67 = arith.constant 0 : i32
    %cond3A_68 = arith.cmpi ne, %convert_element_type3A_66, %cond3A_67 : i32
    scf.if %cond3A_68 {
      "tpu.region"() ({
        %run_scoped3A = tpu.sem_alloc : memref<!tpu.dma_semaphore, #tpu.memory_space<semaphore_mem>>
        %dma_start3A_69 = arith.constant 9984 : i32
        %dma_start3A_70 = arith.constant 0 : i32
        %dma_start3A_71 = tpu.memref_slice %arg9[%arg0, %dma_start3A_69, %dma_start3A_70] : memref<2x10000x64xf32, #tpu.memory_space<hbm>> -> memref<1x16x64xf32, #tpu.memory_space<hbm>>
        %dma_start3A_72 = tpu.memref_squeeze %dma_start3A_71 : memref<1x16x64xf32, #tpu.memory_space<hbm>> -> memref<16x64xf32, #tpu.memory_space<hbm>>
        %dma_start3A_73 = arith.constant 9984 : i32
        %dma_start3A_74 = arith.constant 0 : i32
        %dma_start3A_75 = tpu.memref_slice %arg13[%dma_start3A_73, %dma_start3A_74] : memref<10008x64xf32, #tpu.memory_space<vmem_shared>> -> memref<16x64xf32, #tpu.memory_space<vmem_shared>>
        tpu.enqueue_dma source(%dma_start3A_75 : memref<16x64xf32, #tpu.memory_space<vmem_shared>>) target(%dma_start3A_72 : memref<16x64xf32, #tpu.memory_space<hbm>>) target_semaphore(%run_scoped3A : memref<!tpu.dma_semaphore, #tpu.memory_space<semaphore_mem>>)
        %dma_wait3A = arith.constant 9984 : i32
        %dma_wait3A_76 = arith.constant 0 : i32
        %dma_wait3A_77 = tpu.memref_slice %arg9[%arg0, %dma_wait3A, %dma_wait3A_76] : memref<2x10000x64xf32, #tpu.memory_space<hbm>> -> memref<1x16x64xf32, #tpu.memory_space<hbm>>
        %dma_wait3A_78 = tpu.memref_squeeze %dma_wait3A_77 : memref<1x16x64xf32, #tpu.memory_space<hbm>> -> memref<16x64xf32, #tpu.memory_space<hbm>>
        %dma_wait3A_79 = arith.constant 9984 : i32
        %dma_wait3A_80 = arith.constant 0 : i32
        %dma_wait3A_81 = tpu.memref_slice %arg13[%dma_wait3A_79, %dma_wait3A_80] : memref<10008x64xf32, #tpu.memory_space<vmem_shared>> -> memref<16x64xf32, #tpu.memory_space<vmem_shared>>
        tpu.wait_dma2 semaphore(%run_scoped3A : memref<!tpu.dma_semaphore, #tpu.memory_space<semaphore_mem>>) src(%dma_wait3A_81 : memref<16x64xf32, #tpu.memory_space<vmem_shared>>) dst(%dma_wait3A_78 : memref<16x64xf32, #tpu.memory_space<hbm>>)
        tpu.yield
      }) : () -> ()
    } else {
    }
    return
  }
}

#map = affine_map<(d0, d1) -> (0, 0)>
#map1 = affine_map<(d0, d1) -> (0, 0, 0)>
module attributes {stable_mosaic.version = 14 : i64} {
  func.func @body(%arg0: i32, %arg1: i32, %arg2: memref<10000x128xf32, #tpu.memory_space<hbm>>, %arg3: memref<10000x128xf32, #tpu.memory_space<hbm>>, %arg4: memref<10000x128xf32, #tpu.memory_space<hbm>>, %arg5: memref<10000x128xf32, #tpu.memory_space<hbm>>, %arg6: memref<32x80x128xi32, #tpu.memory_space<hbm>>, %arg7: memref<32x80x128xi32, #tpu.memory_space<hbm>>, %arg8: memref<10000x128xf32, #tpu.memory_space<hbm>>, %arg9: memref<2x10000x128xf32, #tpu.memory_space<hbm>>, %arg10: memref<40x128xi32, #tpu.memory_space<vmem>>, %arg11: memref<40x128xi32, #tpu.memory_space<vmem>>, %arg12: memref<2x128x128xf32, #tpu.memory_space<vmem>>, %arg13: memref<10008x128xf32, #tpu.memory_space<vmem_shared>>, %arg14: memref<!tpu.dma_semaphore, #tpu.memory_space<semaphore_mem>>, %arg15: memref<!tpu.dma_semaphore, #tpu.memory_space<semaphore_mem>>) attributes {dimension_semantics = [#tpu.dimension_semantics<core_parallel>, #tpu.dimension_semantics<subcore_parallel>], iteration_bounds = array<i64: 2, 16>, scalar_prefetch = 0 : i64, scratch_operands = 6 : i64, tpu.core_type = #tpu.core_type<sc_vector_subcore>, window_params = [{transform_indices = #map}, {transform_indices = #map}, {transform_indices = #map}, {transform_indices = #map}, {transform_indices = #map1}, {transform_indices = #map1}, {transform_indices = #map}, {transform_indices = #map1}]} {
    %mul3A = arith.constant 16 : i32
    %mul3A_0 = arith.muli %arg0, %mul3A : i32
    %add3A = arith.addi %mul3A_0, %arg1 : i32
    %mul3A_1 = arith.constant 624 : i32
    %mul3A_2 = arith.muli %arg1, %mul3A_1 : i32
    %multiple_of3A = tpu.assume_multiple %mul3A_2, 8 : i32
    "tpu.region"() ({
      %run_scoped3A = tpu.sem_alloc : memref<!tpu.dma_semaphore, #tpu.memory_space<semaphore_mem>>
      %dma_start3A_69 = arith.constant 0 : i32
      %dma_start3A_70 = tpu.memref_slice %arg13[%multiple_of3A, %dma_start3A_69] : memref<10008x128xf32, #tpu.memory_space<vmem_shared>> -> memref<624x128xf32, #tpu.memory_space<vmem_shared>>
      %dma_start3A_71 = arith.constant 0 : i32
      %dma_start3A_72 = tpu.memref_slice %arg8[%multiple_of3A, %dma_start3A_71] : memref<10000x128xf32, #tpu.memory_space<hbm>> -> memref<624x128xf32, #tpu.memory_space<hbm>>
      tpu.enqueue_dma source(%dma_start3A_72 : memref<624x128xf32, #tpu.memory_space<hbm>>) target(%dma_start3A_70 : memref<624x128xf32, #tpu.memory_space<vmem_shared>>) target_semaphore(%run_scoped3A : memref<!tpu.dma_semaphore, #tpu.memory_space<semaphore_mem>>)
      %dma_wait3A = arith.constant 0 : i32
      %dma_wait3A_73 = tpu.memref_slice %arg13[%multiple_of3A, %dma_wait3A] : memref<10008x128xf32, #tpu.memory_space<vmem_shared>> -> memref<624x128xf32, #tpu.memory_space<vmem_shared>>
      %dma_wait3A_74 = arith.constant 0 : i32
      %dma_wait3A_75 = tpu.memref_slice %arg8[%multiple_of3A, %dma_wait3A_74] : memref<10000x128xf32, #tpu.memory_space<hbm>> -> memref<624x128xf32, #tpu.memory_space<hbm>>
      tpu.wait_dma2 semaphore(%run_scoped3A : memref<!tpu.dma_semaphore, #tpu.memory_space<semaphore_mem>>) src(%dma_wait3A_75 : memref<624x128xf32, #tpu.memory_space<hbm>>) dst(%dma_wait3A_73 : memref<624x128xf32, #tpu.memory_space<vmem_shared>>)
      tpu.yield
    }) : () -> ()
    %eq3A = arith.constant 15 : i32
    %eq3A_3 = arith.cmpi eq, %arg1, %eq3A : i32
    %convert_element_type3A = arith.extui %eq3A_3 : i1 to i32
    %cond3A = arith.constant 0 : i32
    %cond3A_4 = arith.cmpi ne, %convert_element_type3A, %cond3A : i32
    scf.if %cond3A_4 {
      "tpu.region"() ({
        %run_scoped3A = tpu.sem_alloc : memref<!tpu.dma_semaphore, #tpu.memory_space<semaphore_mem>>
        %dma_start3A_69 = arith.constant 9984 : i32
        %dma_start3A_70 = arith.constant 0 : i32
        %dma_start3A_71 = tpu.memref_slice %arg13[%dma_start3A_69, %dma_start3A_70] : memref<10008x128xf32, #tpu.memory_space<vmem_shared>> -> memref<24x128xf32, #tpu.memory_space<vmem_shared>>
        %dma_start3A_72 = arith.constant 0 : i32
        %dma_start3A_73 = arith.constant 0 : i32
        %dma_start3A_74 = tpu.memref_slice %arg8[%dma_start3A_72, %dma_start3A_73] : memref<10000x128xf32, #tpu.memory_space<hbm>> -> memref<24x128xf32, #tpu.memory_space<hbm>>
        tpu.enqueue_dma source(%dma_start3A_74 : memref<24x128xf32, #tpu.memory_space<hbm>>) target(%dma_start3A_71 : memref<24x128xf32, #tpu.memory_space<vmem_shared>>) target_semaphore(%run_scoped3A : memref<!tpu.dma_semaphore, #tpu.memory_space<semaphore_mem>>)
        %dma_wait3A = arith.constant 9984 : i32
        %dma_wait3A_75 = arith.constant 0 : i32
        %dma_wait3A_76 = tpu.memref_slice %arg13[%dma_wait3A, %dma_wait3A_75] : memref<10008x128xf32, #tpu.memory_space<vmem_shared>> -> memref<24x128xf32, #tpu.memory_space<vmem_shared>>
        %dma_wait3A_77 = arith.constant 0 : i32
        %dma_wait3A_78 = arith.constant 0 : i32
        %dma_wait3A_79 = tpu.memref_slice %arg8[%dma_wait3A_77, %dma_wait3A_78] : memref<10000x128xf32, #tpu.memory_space<hbm>> -> memref<24x128xf32, #tpu.memory_space<hbm>>
        tpu.wait_dma2 semaphore(%run_scoped3A : memref<!tpu.dma_semaphore, #tpu.memory_space<semaphore_mem>>) src(%dma_wait3A_79 : memref<24x128xf32, #tpu.memory_space<hbm>>) dst(%dma_wait3A_76 : memref<24x128xf32, #tpu.memory_space<vmem_shared>>)
        tpu.yield
      }) : () -> ()
    } else {
    }
    %barrier3A = arith.constant 0 : index
    tpu.barrier barrier_id(%barrier3A)
    "tpu.region"() ({
      %run_scoped3A = tpu.sem_alloc : memref<!tpu.dma_semaphore, #tpu.memory_space<semaphore_mem>>
      %dma_start3A_69 = arith.constant 0 : i32
      %dma_start3A_70 = arith.constant 0 : i32
      %dma_start3A_71 = tpu.memref_slice %arg6[%add3A, %dma_start3A_69, %dma_start3A_70] : memref<32x80x128xi32, #tpu.memory_space<hbm>> -> memref<1x40x128xi32, #tpu.memory_space<hbm>>
      %dma_start3A_72 = tpu.memref_squeeze %dma_start3A_71 : memref<1x40x128xi32, #tpu.memory_space<hbm>> -> memref<40x128xi32, #tpu.memory_space<hbm>>
      %dma_start3A_73 = arith.constant 0 : i32
      %dma_start3A_74 = arith.constant 0 : i32
      %dma_start3A_75 = tpu.memref_slice %arg6[%add3A, %dma_start3A_73, %dma_start3A_74] : memref<32x80x128xi32, #tpu.memory_space<hbm>> -> memref<1x40x128xi32, #tpu.memory_space<hbm>>
      %dma_start3A_76 = tpu.memref_squeeze %dma_start3A_75 : memref<1x40x128xi32, #tpu.memory_space<hbm>> -> memref<40x128xi32, #tpu.memory_space<hbm>>
      tpu.enqueue_dma source(%dma_start3A_76 : memref<40x128xi32, #tpu.memory_space<hbm>>) target(%arg10 : memref<40x128xi32, #tpu.memory_space<vmem>>) target_semaphore(%run_scoped3A : memref<!tpu.dma_semaphore, #tpu.memory_space<semaphore_mem>>)
      %dma_wait3A = arith.constant 0 : i32
      %dma_wait3A_77 = arith.constant 0 : i32
      %dma_wait3A_78 = tpu.memref_slice %arg6[%add3A, %dma_wait3A, %dma_wait3A_77] : memref<32x80x128xi32, #tpu.memory_space<hbm>> -> memref<1x40x128xi32, #tpu.memory_space<hbm>>
      %dma_wait3A_79 = tpu.memref_squeeze %dma_wait3A_78 : memref<1x40x128xi32, #tpu.memory_space<hbm>> -> memref<40x128xi32, #tpu.memory_space<hbm>>
      %dma_wait3A_80 = arith.constant 0 : i32
      %dma_wait3A_81 = arith.constant 0 : i32
      %dma_wait3A_82 = tpu.memref_slice %arg6[%add3A, %dma_wait3A_80, %dma_wait3A_81] : memref<32x80x128xi32, #tpu.memory_space<hbm>> -> memref<1x40x128xi32, #tpu.memory_space<hbm>>
      %dma_wait3A_83 = tpu.memref_squeeze %dma_wait3A_82 : memref<1x40x128xi32, #tpu.memory_space<hbm>> -> memref<40x128xi32, #tpu.memory_space<hbm>>
      tpu.wait_dma2 semaphore(%run_scoped3A : memref<!tpu.dma_semaphore, #tpu.memory_space<semaphore_mem>>) src(%dma_wait3A_83 : memref<40x128xi32, #tpu.memory_space<hbm>>) dst(%arg10 : memref<40x128xi32, #tpu.memory_space<vmem>>)
      tpu.yield
    }) : () -> ()
    "tpu.region"() ({
      %run_scoped3A = tpu.sem_alloc : memref<!tpu.dma_semaphore, #tpu.memory_space<semaphore_mem>>
      %dma_start3A_69 = arith.constant 0 : i32
      %dma_start3A_70 = arith.constant 0 : i32
      %dma_start3A_71 = tpu.memref_slice %arg7[%add3A, %dma_start3A_69, %dma_start3A_70] : memref<32x80x128xi32, #tpu.memory_space<hbm>> -> memref<1x40x128xi32, #tpu.memory_space<hbm>>
      %dma_start3A_72 = tpu.memref_squeeze %dma_start3A_71 : memref<1x40x128xi32, #tpu.memory_space<hbm>> -> memref<40x128xi32, #tpu.memory_space<hbm>>
      %dma_start3A_73 = arith.constant 0 : i32
      %dma_start3A_74 = arith.constant 0 : i32
      %dma_start3A_75 = tpu.memref_slice %arg7[%add3A, %dma_start3A_73, %dma_start3A_74] : memref<32x80x128xi32, #tpu.memory_space<hbm>> -> memref<1x40x128xi32, #tpu.memory_space<hbm>>
      %dma_start3A_76 = tpu.memref_squeeze %dma_start3A_75 : memref<1x40x128xi32, #tpu.memory_space<hbm>> -> memref<40x128xi32, #tpu.memory_space<hbm>>
      tpu.enqueue_dma source(%dma_start3A_76 : memref<40x128xi32, #tpu.memory_space<hbm>>) target(%arg11 : memref<40x128xi32, #tpu.memory_space<vmem>>) target_semaphore(%run_scoped3A : memref<!tpu.dma_semaphore, #tpu.memory_space<semaphore_mem>>)
      %dma_wait3A = arith.constant 0 : i32
      %dma_wait3A_77 = arith.constant 0 : i32
      %dma_wait3A_78 = tpu.memref_slice %arg7[%add3A, %dma_wait3A, %dma_wait3A_77] : memref<32x80x128xi32, #tpu.memory_space<hbm>> -> memref<1x40x128xi32, #tpu.memory_space<hbm>>
      %dma_wait3A_79 = tpu.memref_squeeze %dma_wait3A_78 : memref<1x40x128xi32, #tpu.memory_space<hbm>> -> memref<40x128xi32, #tpu.memory_space<hbm>>
      %dma_wait3A_80 = arith.constant 0 : i32
      %dma_wait3A_81 = arith.constant 0 : i32
      %dma_wait3A_82 = tpu.memref_slice %arg7[%add3A, %dma_wait3A_80, %dma_wait3A_81] : memref<32x80x128xi32, #tpu.memory_space<hbm>> -> memref<1x40x128xi32, #tpu.memory_space<hbm>>
      %dma_wait3A_83 = tpu.memref_squeeze %dma_wait3A_82 : memref<1x40x128xi32, #tpu.memory_space<hbm>> -> memref<40x128xi32, #tpu.memory_space<hbm>>
      tpu.wait_dma2 semaphore(%run_scoped3A : memref<!tpu.dma_semaphore, #tpu.memory_space<semaphore_mem>>) src(%dma_wait3A_83 : memref<40x128xi32, #tpu.memory_space<hbm>>) dst(%arg11 : memref<40x128xi32, #tpu.memory_space<vmem>>)
      tpu.yield
    }) : () -> ()
    %dma_start3A = arith.constant 0 : i32
    %dma_start3A_5 = arith.constant 0 : i32
    %dma_start3A_6 = arith.constant 0 : i32
    %dma_start3A_7 = arith.constant 0 : i32
    %dma_start3A_8 = tpu.memref_slice %arg12[%dma_start3A_5, %dma_start3A_6, %dma_start3A_7] : memref<2x128x128xf32, #tpu.memory_space<vmem>> -> memref<1x128x128xf32, #tpu.memory_space<vmem>>
    %dma_start3A_9 = tpu.memref_squeeze %dma_start3A_8 : memref<1x128x128xf32, #tpu.memory_space<vmem>> -> memref<128x128xf32, #tpu.memory_space<vmem>>
    %dma_start3A_10 = arith.constant 0 : i32
    %dma_start3A_11 = tpu.memref_slice %arg10[%dma_start3A, %dma_start3A_10] : memref<40x128xi32, #tpu.memory_space<vmem>> -> memref<1x128xi32, #tpu.memory_space<vmem>>
    %dma_start3A_12 = tpu.memref_squeeze %dma_start3A_11 : memref<1x128xi32, #tpu.memory_space<vmem>> -> memref<128xi32, #tpu.memory_space<vmem>>
    %dma_start3A_13 = arith.constant 0 : i32
    %dma_start3A_14 = arith.constant 0 : i32
    %dma_start3A_15 = tpu.memref_slice %arg2[%dma_start3A_13, %dma_start3A_14] : memref<10000x128xf32, #tpu.memory_space<hbm>> -> memref<10000x128xf32, #tpu.memory_space<hbm>>
    tpu.enqueue_indirect_dma source(%dma_start3A_15 : memref<10000x128xf32, #tpu.memory_space<hbm>>) target(%dma_start3A_9 : memref<128x128xf32, #tpu.memory_space<vmem>>) offsets(%dma_start3A_12 : memref<128xi32, #tpu.memory_space<vmem>>) semaphore(%arg14 : memref<!tpu.dma_semaphore, #tpu.memory_space<semaphore_mem>>)
    %dma_start3A_16 = arith.constant 1 : i32
    %dma_start3A_17 = arith.constant 1 : i32
    %dma_start3A_18 = arith.constant 0 : i32
    %dma_start3A_19 = arith.constant 0 : i32
    %dma_start3A_20 = tpu.memref_slice %arg12[%dma_start3A_17, %dma_start3A_18, %dma_start3A_19] : memref<2x128x128xf32, #tpu.memory_space<vmem>> -> memref<1x128x128xf32, #tpu.memory_space<vmem>>
    %dma_start3A_21 = tpu.memref_squeeze %dma_start3A_20 : memref<1x128x128xf32, #tpu.memory_space<vmem>> -> memref<128x128xf32, #tpu.memory_space<vmem>>
    %dma_start3A_22 = arith.constant 0 : i32
    %dma_start3A_23 = tpu.memref_slice %arg10[%dma_start3A_16, %dma_start3A_22] : memref<40x128xi32, #tpu.memory_space<vmem>> -> memref<1x128xi32, #tpu.memory_space<vmem>>
    %dma_start3A_24 = tpu.memref_squeeze %dma_start3A_23 : memref<1x128xi32, #tpu.memory_space<vmem>> -> memref<128xi32, #tpu.memory_space<vmem>>
    %dma_start3A_25 = arith.constant 0 : i32
    %dma_start3A_26 = arith.constant 0 : i32
    %dma_start3A_27 = tpu.memref_slice %arg3[%dma_start3A_25, %dma_start3A_26] : memref<10000x128xf32, #tpu.memory_space<hbm>> -> memref<10000x128xf32, #tpu.memory_space<hbm>>
    tpu.enqueue_indirect_dma source(%dma_start3A_27 : memref<10000x128xf32, #tpu.memory_space<hbm>>) target(%dma_start3A_21 : memref<128x128xf32, #tpu.memory_space<vmem>>) offsets(%dma_start3A_24 : memref<128xi32, #tpu.memory_space<vmem>>) semaphore(%arg15 : memref<!tpu.dma_semaphore, #tpu.memory_space<semaphore_mem>>)
    %scan3A = arith.constant 0 : i32
    %scan3A_28 = arith.constant 0 : i32
    %scan3A_29 = arith.constant 10 : i32
    %scan3A_30 = arith.addi %scan3A_28, %scan3A_29 : i32
    %scan3A_31 = arith.constant 1 : i32
    scf.for %scan3A_69 = %scan3A_28 to %scan3A_30 step %scan3A_31  : i32 {
      %mul3A_70 = arith.constant 4 : i32
      %mul3A_71 = arith.muli %scan3A_69, %mul3A_70 : i32
      %add3A_72 = arith.constant 0 : i32
      %add3A_73 = arith.addi %mul3A_71, %add3A_72 : i32
      %dma_wait3A = arith.constant 0 : i32
      %dma_wait3A_74 = arith.constant 0 : i32
      %dma_wait3A_75 = arith.constant 0 : i32
      %dma_wait3A_76 = tpu.memref_slice %arg12[%dma_wait3A, %dma_wait3A_74, %dma_wait3A_75] : memref<2x128x128xf32, #tpu.memory_space<vmem>> -> memref<1x128x128xf32, #tpu.memory_space<vmem>>
      %dma_wait3A_77 = tpu.memref_squeeze %dma_wait3A_76 : memref<1x128x128xf32, #tpu.memory_space<vmem>> -> memref<128x128xf32, #tpu.memory_space<vmem>>
      %dma_wait3A_78 = arith.constant 0 : i32
      %dma_wait3A_79 = tpu.memref_slice %arg10[%add3A_73, %dma_wait3A_78] : memref<40x128xi32, #tpu.memory_space<vmem>> -> memref<1x128xi32, #tpu.memory_space<vmem>>
      %dma_wait3A_80 = tpu.memref_squeeze %dma_wait3A_79 : memref<1x128xi32, #tpu.memory_space<vmem>> -> memref<128xi32, #tpu.memory_space<vmem>>
      %dma_wait3A_81 = arith.constant 0 : i32
      %dma_wait3A_82 = arith.constant 0 : i32
      %dma_wait3A_83 = tpu.memref_slice %arg2[%dma_wait3A_81, %dma_wait3A_82] : memref<10000x128xf32, #tpu.memory_space<hbm>> -> memref<10000x128xf32, #tpu.memory_space<hbm>>
      tpu.wait_indirect_dma semaphore(%arg14 : memref<!tpu.dma_semaphore, #tpu.memory_space<semaphore_mem>>) src(%dma_wait3A_83 : memref<10000x128xf32, #tpu.memory_space<hbm>>) dst(%dma_wait3A_77 : memref<128x128xf32, #tpu.memory_space<vmem>>)
      %run_scoped3A = arith.constant 0 : i32
      "tpu.region"() ({
        %run_scoped3A_159 = tpu.sem_alloc : memref<!tpu.dma_semaphore, #tpu.memory_space<semaphore_mem>>
        %dma_start3A_160 = arith.constant 0 : i32
        %dma_start3A_161 = arith.constant 0 : i32
        %dma_start3A_162 = tpu.memref_slice %arg12[%run_scoped3A, %dma_start3A_160, %dma_start3A_161] : memref<2x128x128xf32, #tpu.memory_space<vmem>> -> memref<1x128x128xf32, #tpu.memory_space<vmem>>
        %dma_start3A_163 = tpu.memref_squeeze %dma_start3A_162 : memref<1x128x128xf32, #tpu.memory_space<vmem>> -> memref<128x128xf32, #tpu.memory_space<vmem>>
        %dma_start3A_164 = arith.constant 0 : i32
        %dma_start3A_165 = tpu.memref_slice %arg11[%add3A_73, %dma_start3A_164] : memref<40x128xi32, #tpu.memory_space<vmem>> -> memref<1x128xi32, #tpu.memory_space<vmem>>
        %dma_start3A_166 = tpu.memref_squeeze %dma_start3A_165 : memref<1x128xi32, #tpu.memory_space<vmem>> -> memref<128xi32, #tpu.memory_space<vmem>>
        %dma_start3A_167 = arith.constant 0 : i32
        %dma_start3A_168 = arith.constant 0 : i32
        %dma_start3A_169 = tpu.memref_slice %arg13[%dma_start3A_167, %dma_start3A_168] : memref<10008x128xf32, #tpu.memory_space<vmem_shared>> -> memref<10008x128xf32, #tpu.memory_space<vmem_shared>>
        tpu.enqueue_indirect_dma source(%dma_start3A_163 : memref<128x128xf32, #tpu.memory_space<vmem>>) target(%dma_start3A_169 : memref<10008x128xf32, #tpu.memory_space<vmem_shared>>) offsets(%dma_start3A_166 : memref<128xi32, #tpu.memory_space<vmem>>) semaphore(%run_scoped3A_159 : memref<!tpu.dma_semaphore, #tpu.memory_space<semaphore_mem>>) {add = true}
        %dma_wait3A_170 = arith.constant 0 : i32
        %dma_wait3A_171 = arith.constant 0 : i32
        %dma_wait3A_172 = tpu.memref_slice %arg12[%run_scoped3A, %dma_wait3A_170, %dma_wait3A_171] : memref<2x128x128xf32, #tpu.memory_space<vmem>> -> memref<1x128x128xf32, #tpu.memory_space<vmem>>
        %dma_wait3A_173 = tpu.memref_squeeze %dma_wait3A_172 : memref<1x128x128xf32, #tpu.memory_space<vmem>> -> memref<128x128xf32, #tpu.memory_space<vmem>>
        %dma_wait3A_174 = arith.constant 0 : i32
        %dma_wait3A_175 = tpu.memref_slice %arg11[%add3A_73, %dma_wait3A_174] : memref<40x128xi32, #tpu.memory_space<vmem>> -> memref<1x128xi32, #tpu.memory_space<vmem>>
        %dma_wait3A_176 = tpu.memref_squeeze %dma_wait3A_175 : memref<1x128xi32, #tpu.memory_space<vmem>> -> memref<128xi32, #tpu.memory_space<vmem>>
        %dma_wait3A_177 = arith.constant 0 : i32
        %dma_wait3A_178 = arith.constant 0 : i32
        %dma_wait3A_179 = tpu.memref_slice %arg13[%dma_wait3A_177, %dma_wait3A_178] : memref<10008x128xf32, #tpu.memory_space<vmem_shared>> -> memref<10008x128xf32, #tpu.memory_space<vmem_shared>>
        tpu.wait_indirect_dma semaphore(%run_scoped3A_159 : memref<!tpu.dma_semaphore, #tpu.memory_space<semaphore_mem>>) src(%dma_wait3A_173 : memref<128x128xf32, #tpu.memory_space<vmem>>) dst(%dma_wait3A_179 : memref<10008x128xf32, #tpu.memory_space<vmem_shared>>)
        tpu.yield
      }) : () -> ()
      %add3A_84 = arith.constant 2 : i32
      %add3A_85 = arith.addi %add3A_73, %add3A_84 : i32
      %lt3A = arith.constant 40 : i32
      %lt3A_86 = arith.cmpi slt, %add3A_85, %lt3A : i32
      %convert_element_type3A_87 = arith.extui %lt3A_86 : i1 to i32
      %cond3A_88 = arith.constant 0 : i32
      %cond3A_89 = arith.cmpi ne, %convert_element_type3A_87, %cond3A_88 : i32
      scf.if %cond3A_89 {
        %add3A_159 = arith.constant 2 : i32
        %add3A_160 = arith.addi %add3A_73, %add3A_159 : i32
        %dma_start3A_161 = arith.constant 0 : i32
        %dma_start3A_162 = arith.constant 0 : i32
        %dma_start3A_163 = arith.constant 0 : i32
        %dma_start3A_164 = tpu.memref_slice %arg12[%dma_start3A_161, %dma_start3A_162, %dma_start3A_163] : memref<2x128x128xf32, #tpu.memory_space<vmem>> -> memref<1x128x128xf32, #tpu.memory_space<vmem>>
        %dma_start3A_165 = tpu.memref_squeeze %dma_start3A_164 : memref<1x128x128xf32, #tpu.memory_space<vmem>> -> memref<128x128xf32, #tpu.memory_space<vmem>>
        %dma_start3A_166 = arith.constant 0 : i32
        %dma_start3A_167 = tpu.memref_slice %arg10[%add3A_160, %dma_start3A_166] : memref<40x128xi32, #tpu.memory_space<vmem>> -> memref<1x128xi32, #tpu.memory_space<vmem>>
        %dma_start3A_168 = tpu.memref_squeeze %dma_start3A_167 : memref<1x128xi32, #tpu.memory_space<vmem>> -> memref<128xi32, #tpu.memory_space<vmem>>
        %dma_start3A_169 = arith.constant 0 : i32
        %dma_start3A_170 = arith.constant 0 : i32
        %dma_start3A_171 = tpu.memref_slice %arg4[%dma_start3A_169, %dma_start3A_170] : memref<10000x128xf32, #tpu.memory_space<hbm>> -> memref<10000x128xf32, #tpu.memory_space<hbm>>
        tpu.enqueue_indirect_dma source(%dma_start3A_171 : memref<10000x128xf32, #tpu.memory_space<hbm>>) target(%dma_start3A_165 : memref<128x128xf32, #tpu.memory_space<vmem>>) offsets(%dma_start3A_168 : memref<128xi32, #tpu.memory_space<vmem>>) semaphore(%arg14 : memref<!tpu.dma_semaphore, #tpu.memory_space<semaphore_mem>>)
      } else {
      }
      %mul3A_90 = arith.constant 4 : i32
      %mul3A_91 = arith.muli %scan3A_69, %mul3A_90 : i32
      %add3A_92 = arith.constant 1 : i32
      %add3A_93 = arith.addi %mul3A_91, %add3A_92 : i32
      %dma_wait3A_94 = arith.constant 1 : i32
      %dma_wait3A_95 = arith.constant 0 : i32
      %dma_wait3A_96 = arith.constant 0 : i32
      %dma_wait3A_97 = tpu.memref_slice %arg12[%dma_wait3A_94, %dma_wait3A_95, %dma_wait3A_96] : memref<2x128x128xf32, #tpu.memory_space<vmem>> -> memref<1x128x128xf32, #tpu.memory_space<vmem>>
      %dma_wait3A_98 = tpu.memref_squeeze %dma_wait3A_97 : memref<1x128x128xf32, #tpu.memory_space<vmem>> -> memref<128x128xf32, #tpu.memory_space<vmem>>
      %dma_wait3A_99 = arith.constant 0 : i32
      %dma_wait3A_100 = tpu.memref_slice %arg10[%add3A_93, %dma_wait3A_99] : memref<40x128xi32, #tpu.memory_space<vmem>> -> memref<1x128xi32, #tpu.memory_space<vmem>>
      %dma_wait3A_101 = tpu.memref_squeeze %dma_wait3A_100 : memref<1x128xi32, #tpu.memory_space<vmem>> -> memref<128xi32, #tpu.memory_space<vmem>>
      %dma_wait3A_102 = arith.constant 0 : i32
      %dma_wait3A_103 = arith.constant 0 : i32
      %dma_wait3A_104 = tpu.memref_slice %arg3[%dma_wait3A_102, %dma_wait3A_103] : memref<10000x128xf32, #tpu.memory_space<hbm>> -> memref<10000x128xf32, #tpu.memory_space<hbm>>
      tpu.wait_indirect_dma semaphore(%arg15 : memref<!tpu.dma_semaphore, #tpu.memory_space<semaphore_mem>>) src(%dma_wait3A_104 : memref<10000x128xf32, #tpu.memory_space<hbm>>) dst(%dma_wait3A_98 : memref<128x128xf32, #tpu.memory_space<vmem>>)
      %run_scoped3A_105 = arith.constant 1 : i32
      "tpu.region"() ({
        %run_scoped3A_159 = tpu.sem_alloc : memref<!tpu.dma_semaphore, #tpu.memory_space<semaphore_mem>>
        %dma_start3A_160 = arith.constant 0 : i32
        %dma_start3A_161 = arith.constant 0 : i32
        %dma_start3A_162 = tpu.memref_slice %arg12[%run_scoped3A_105, %dma_start3A_160, %dma_start3A_161] : memref<2x128x128xf32, #tpu.memory_space<vmem>> -> memref<1x128x128xf32, #tpu.memory_space<vmem>>
        %dma_start3A_163 = tpu.memref_squeeze %dma_start3A_162 : memref<1x128x128xf32, #tpu.memory_space<vmem>> -> memref<128x128xf32, #tpu.memory_space<vmem>>
        %dma_start3A_164 = arith.constant 0 : i32
        %dma_start3A_165 = tpu.memref_slice %arg11[%add3A_93, %dma_start3A_164] : memref<40x128xi32, #tpu.memory_space<vmem>> -> memref<1x128xi32, #tpu.memory_space<vmem>>
        %dma_start3A_166 = tpu.memref_squeeze %dma_start3A_165 : memref<1x128xi32, #tpu.memory_space<vmem>> -> memref<128xi32, #tpu.memory_space<vmem>>
        %dma_start3A_167 = arith.constant 0 : i32
        %dma_start3A_168 = arith.constant 0 : i32
        %dma_start3A_169 = tpu.memref_slice %arg13[%dma_start3A_167, %dma_start3A_168] : memref<10008x128xf32, #tpu.memory_space<vmem_shared>> -> memref<10008x128xf32, #tpu.memory_space<vmem_shared>>
        tpu.enqueue_indirect_dma source(%dma_start3A_163 : memref<128x128xf32, #tpu.memory_space<vmem>>) target(%dma_start3A_169 : memref<10008x128xf32, #tpu.memory_space<vmem_shared>>) offsets(%dma_start3A_166 : memref<128xi32, #tpu.memory_space<vmem>>) semaphore(%run_scoped3A_159 : memref<!tpu.dma_semaphore, #tpu.memory_space<semaphore_mem>>) {add = true}
        %dma_wait3A_170 = arith.constant 0 : i32
        %dma_wait3A_171 = arith.constant 0 : i32
        %dma_wait3A_172 = tpu.memref_slice %arg12[%run_scoped3A_105, %dma_wait3A_170, %dma_wait3A_171] : memref<2x128x128xf32, #tpu.memory_space<vmem>> -> memref<1x128x128xf32, #tpu.memory_space<vmem>>
        %dma_wait3A_173 = tpu.memref_squeeze %dma_wait3A_172 : memref<1x128x128xf32, #tpu.memory_space<vmem>> -> memref<128x128xf32, #tpu.memory_space<vmem>>
        %dma_wait3A_174 = arith.constant 0 : i32
        %dma_wait3A_175 = tpu.memref_slice %arg11[%add3A_93, %dma_wait3A_174] : memref<40x128xi32, #tpu.memory_space<vmem>> -> memref<1x128xi32, #tpu.memory_space<vmem>>
        %dma_wait3A_176 = tpu.memref_squeeze %dma_wait3A_175 : memref<1x128xi32, #tpu.memory_space<vmem>> -> memref<128xi32, #tpu.memory_space<vmem>>
        %dma_wait3A_177 = arith.constant 0 : i32
        %dma_wait3A_178 = arith.constant 0 : i32
        %dma_wait3A_179 = tpu.memref_slice %arg13[%dma_wait3A_177, %dma_wait3A_178] : memref<10008x128xf32, #tpu.memory_space<vmem_shared>> -> memref<10008x128xf32, #tpu.memory_space<vmem_shared>>
        tpu.wait_indirect_dma semaphore(%run_scoped3A_159 : memref<!tpu.dma_semaphore, #tpu.memory_space<semaphore_mem>>) src(%dma_wait3A_173 : memref<128x128xf32, #tpu.memory_space<vmem>>) dst(%dma_wait3A_179 : memref<10008x128xf32, #tpu.memory_space<vmem_shared>>)
        tpu.yield
      }) : () -> ()
      %add3A_106 = arith.constant 2 : i32
      %add3A_107 = arith.addi %add3A_93, %add3A_106 : i32
      %lt3A_108 = arith.constant 40 : i32
      %lt3A_109 = arith.cmpi slt, %add3A_107, %lt3A_108 : i32
      %convert_element_type3A_110 = arith.extui %lt3A_109 : i1 to i32
      %cond3A_111 = arith.constant 0 : i32
      %cond3A_112 = arith.cmpi ne, %convert_element_type3A_110, %cond3A_111 : i32
      scf.if %cond3A_112 {
        %add3A_159 = arith.constant 2 : i32
        %add3A_160 = arith.addi %add3A_93, %add3A_159 : i32
        %dma_start3A_161 = arith.constant 1 : i32
        %dma_start3A_162 = arith.constant 0 : i32
        %dma_start3A_163 = arith.constant 0 : i32
        %dma_start3A_164 = tpu.memref_slice %arg12[%dma_start3A_161, %dma_start3A_162, %dma_start3A_163] : memref<2x128x128xf32, #tpu.memory_space<vmem>> -> memref<1x128x128xf32, #tpu.memory_space<vmem>>
        %dma_start3A_165 = tpu.memref_squeeze %dma_start3A_164 : memref<1x128x128xf32, #tpu.memory_space<vmem>> -> memref<128x128xf32, #tpu.memory_space<vmem>>
        %dma_start3A_166 = arith.constant 0 : i32
        %dma_start3A_167 = tpu.memref_slice %arg10[%add3A_160, %dma_start3A_166] : memref<40x128xi32, #tpu.memory_space<vmem>> -> memref<1x128xi32, #tpu.memory_space<vmem>>
        %dma_start3A_168 = tpu.memref_squeeze %dma_start3A_167 : memref<1x128xi32, #tpu.memory_space<vmem>> -> memref<128xi32, #tpu.memory_space<vmem>>
        %dma_start3A_169 = arith.constant 0 : i32
        %dma_start3A_170 = arith.constant 0 : i32
        %dma_start3A_171 = tpu.memref_slice %arg5[%dma_start3A_169, %dma_start3A_170] : memref<10000x128xf32, #tpu.memory_space<hbm>> -> memref<10000x128xf32, #tpu.memory_space<hbm>>
        tpu.enqueue_indirect_dma source(%dma_start3A_171 : memref<10000x128xf32, #tpu.memory_space<hbm>>) target(%dma_start3A_165 : memref<128x128xf32, #tpu.memory_space<vmem>>) offsets(%dma_start3A_168 : memref<128xi32, #tpu.memory_space<vmem>>) semaphore(%arg15 : memref<!tpu.dma_semaphore, #tpu.memory_space<semaphore_mem>>)
      } else {
      }
      %mul3A_113 = arith.constant 4 : i32
      %mul3A_114 = arith.muli %scan3A_69, %mul3A_113 : i32
      %add3A_115 = arith.constant 2 : i32
      %add3A_116 = arith.addi %mul3A_114, %add3A_115 : i32
      %dma_wait3A_117 = arith.constant 0 : i32
      %dma_wait3A_118 = arith.constant 0 : i32
      %dma_wait3A_119 = arith.constant 0 : i32
      %dma_wait3A_120 = tpu.memref_slice %arg12[%dma_wait3A_117, %dma_wait3A_118, %dma_wait3A_119] : memref<2x128x128xf32, #tpu.memory_space<vmem>> -> memref<1x128x128xf32, #tpu.memory_space<vmem>>
      %dma_wait3A_121 = tpu.memref_squeeze %dma_wait3A_120 : memref<1x128x128xf32, #tpu.memory_space<vmem>> -> memref<128x128xf32, #tpu.memory_space<vmem>>
      %dma_wait3A_122 = arith.constant 0 : i32
      %dma_wait3A_123 = tpu.memref_slice %arg10[%add3A_116, %dma_wait3A_122] : memref<40x128xi32, #tpu.memory_space<vmem>> -> memref<1x128xi32, #tpu.memory_space<vmem>>
      %dma_wait3A_124 = tpu.memref_squeeze %dma_wait3A_123 : memref<1x128xi32, #tpu.memory_space<vmem>> -> memref<128xi32, #tpu.memory_space<vmem>>
      %dma_wait3A_125 = arith.constant 0 : i32
      %dma_wait3A_126 = arith.constant 0 : i32
      %dma_wait3A_127 = tpu.memref_slice %arg4[%dma_wait3A_125, %dma_wait3A_126] : memref<10000x128xf32, #tpu.memory_space<hbm>> -> memref<10000x128xf32, #tpu.memory_space<hbm>>
      tpu.wait_indirect_dma semaphore(%arg14 : memref<!tpu.dma_semaphore, #tpu.memory_space<semaphore_mem>>) src(%dma_wait3A_127 : memref<10000x128xf32, #tpu.memory_space<hbm>>) dst(%dma_wait3A_121 : memref<128x128xf32, #tpu.memory_space<vmem>>)
      %run_scoped3A_128 = arith.constant 0 : i32
      "tpu.region"() ({
        %run_scoped3A_159 = tpu.sem_alloc : memref<!tpu.dma_semaphore, #tpu.memory_space<semaphore_mem>>
        %dma_start3A_160 = arith.constant 0 : i32
        %dma_start3A_161 = arith.constant 0 : i32
        %dma_start3A_162 = tpu.memref_slice %arg12[%run_scoped3A_128, %dma_start3A_160, %dma_start3A_161] : memref<2x128x128xf32, #tpu.memory_space<vmem>> -> memref<1x128x128xf32, #tpu.memory_space<vmem>>
        %dma_start3A_163 = tpu.memref_squeeze %dma_start3A_162 : memref<1x128x128xf32, #tpu.memory_space<vmem>> -> memref<128x128xf32, #tpu.memory_space<vmem>>
        %dma_start3A_164 = arith.constant 0 : i32
        %dma_start3A_165 = tpu.memref_slice %arg11[%add3A_116, %dma_start3A_164] : memref<40x128xi32, #tpu.memory_space<vmem>> -> memref<1x128xi32, #tpu.memory_space<vmem>>
        %dma_start3A_166 = tpu.memref_squeeze %dma_start3A_165 : memref<1x128xi32, #tpu.memory_space<vmem>> -> memref<128xi32, #tpu.memory_space<vmem>>
        %dma_start3A_167 = arith.constant 0 : i32
        %dma_start3A_168 = arith.constant 0 : i32
        %dma_start3A_169 = tpu.memref_slice %arg13[%dma_start3A_167, %dma_start3A_168] : memref<10008x128xf32, #tpu.memory_space<vmem_shared>> -> memref<10008x128xf32, #tpu.memory_space<vmem_shared>>
        tpu.enqueue_indirect_dma source(%dma_start3A_163 : memref<128x128xf32, #tpu.memory_space<vmem>>) target(%dma_start3A_169 : memref<10008x128xf32, #tpu.memory_space<vmem_shared>>) offsets(%dma_start3A_166 : memref<128xi32, #tpu.memory_space<vmem>>) semaphore(%run_scoped3A_159 : memref<!tpu.dma_semaphore, #tpu.memory_space<semaphore_mem>>) {add = true}
        %dma_wait3A_170 = arith.constant 0 : i32
        %dma_wait3A_171 = arith.constant 0 : i32
        %dma_wait3A_172 = tpu.memref_slice %arg12[%run_scoped3A_128, %dma_wait3A_170, %dma_wait3A_171] : memref<2x128x128xf32, #tpu.memory_space<vmem>> -> memref<1x128x128xf32, #tpu.memory_space<vmem>>
        %dma_wait3A_173 = tpu.memref_squeeze %dma_wait3A_172 : memref<1x128x128xf32, #tpu.memory_space<vmem>> -> memref<128x128xf32, #tpu.memory_space<vmem>>
        %dma_wait3A_174 = arith.constant 0 : i32
        %dma_wait3A_175 = tpu.memref_slice %arg11[%add3A_116, %dma_wait3A_174] : memref<40x128xi32, #tpu.memory_space<vmem>> -> memref<1x128xi32, #tpu.memory_space<vmem>>
        %dma_wait3A_176 = tpu.memref_squeeze %dma_wait3A_175 : memref<1x128xi32, #tpu.memory_space<vmem>> -> memref<128xi32, #tpu.memory_space<vmem>>
        %dma_wait3A_177 = arith.constant 0 : i32
        %dma_wait3A_178 = arith.constant 0 : i32
        %dma_wait3A_179 = tpu.memref_slice %arg13[%dma_wait3A_177, %dma_wait3A_178] : memref<10008x128xf32, #tpu.memory_space<vmem_shared>> -> memref<10008x128xf32, #tpu.memory_space<vmem_shared>>
        tpu.wait_indirect_dma semaphore(%run_scoped3A_159 : memref<!tpu.dma_semaphore, #tpu.memory_space<semaphore_mem>>) src(%dma_wait3A_173 : memref<128x128xf32, #tpu.memory_space<vmem>>) dst(%dma_wait3A_179 : memref<10008x128xf32, #tpu.memory_space<vmem_shared>>)
        tpu.yield
      }) : () -> ()
      %add3A_129 = arith.constant 2 : i32
      %add3A_130 = arith.addi %add3A_116, %add3A_129 : i32
      %lt3A_131 = arith.constant 40 : i32
      %lt3A_132 = arith.cmpi slt, %add3A_130, %lt3A_131 : i32
      %convert_element_type3A_133 = arith.extui %lt3A_132 : i1 to i32
      %cond3A_134 = arith.constant 0 : i32
      %cond3A_135 = arith.cmpi ne, %convert_element_type3A_133, %cond3A_134 : i32
      scf.if %cond3A_135 {
        %add3A_159 = arith.constant 2 : i32
        %add3A_160 = arith.addi %add3A_116, %add3A_159 : i32
        %dma_start3A_161 = arith.constant 0 : i32
        %dma_start3A_162 = arith.constant 0 : i32
        %dma_start3A_163 = arith.constant 0 : i32
        %dma_start3A_164 = tpu.memref_slice %arg12[%dma_start3A_161, %dma_start3A_162, %dma_start3A_163] : memref<2x128x128xf32, #tpu.memory_space<vmem>> -> memref<1x128x128xf32, #tpu.memory_space<vmem>>
        %dma_start3A_165 = tpu.memref_squeeze %dma_start3A_164 : memref<1x128x128xf32, #tpu.memory_space<vmem>> -> memref<128x128xf32, #tpu.memory_space<vmem>>
        %dma_start3A_166 = arith.constant 0 : i32
        %dma_start3A_167 = tpu.memref_slice %arg10[%add3A_160, %dma_start3A_166] : memref<40x128xi32, #tpu.memory_space<vmem>> -> memref<1x128xi32, #tpu.memory_space<vmem>>
        %dma_start3A_168 = tpu.memref_squeeze %dma_start3A_167 : memref<1x128xi32, #tpu.memory_space<vmem>> -> memref<128xi32, #tpu.memory_space<vmem>>
        %dma_start3A_169 = arith.constant 0 : i32
        %dma_start3A_170 = arith.constant 0 : i32
        %dma_start3A_171 = tpu.memref_slice %arg2[%dma_start3A_169, %dma_start3A_170] : memref<10000x128xf32, #tpu.memory_space<hbm>> -> memref<10000x128xf32, #tpu.memory_space<hbm>>
        tpu.enqueue_indirect_dma source(%dma_start3A_171 : memref<10000x128xf32, #tpu.memory_space<hbm>>) target(%dma_start3A_165 : memref<128x128xf32, #tpu.memory_space<vmem>>) offsets(%dma_start3A_168 : memref<128xi32, #tpu.memory_space<vmem>>) semaphore(%arg14 : memref<!tpu.dma_semaphore, #tpu.memory_space<semaphore_mem>>)
      } else {
      }
      %mul3A_136 = arith.constant 4 : i32
      %mul3A_137 = arith.muli %scan3A_69, %mul3A_136 : i32
      %add3A_138 = arith.constant 3 : i32
      %add3A_139 = arith.addi %mul3A_137, %add3A_138 : i32
      %dma_wait3A_140 = arith.constant 1 : i32
      %dma_wait3A_141 = arith.constant 0 : i32
      %dma_wait3A_142 = arith.constant 0 : i32
      %dma_wait3A_143 = tpu.memref_slice %arg12[%dma_wait3A_140, %dma_wait3A_141, %dma_wait3A_142] : memref<2x128x128xf32, #tpu.memory_space<vmem>> -> memref<1x128x128xf32, #tpu.memory_space<vmem>>
      %dma_wait3A_144 = tpu.memref_squeeze %dma_wait3A_143 : memref<1x128x128xf32, #tpu.memory_space<vmem>> -> memref<128x128xf32, #tpu.memory_space<vmem>>
      %dma_wait3A_145 = arith.constant 0 : i32
      %dma_wait3A_146 = tpu.memref_slice %arg10[%add3A_139, %dma_wait3A_145] : memref<40x128xi32, #tpu.memory_space<vmem>> -> memref<1x128xi32, #tpu.memory_space<vmem>>
      %dma_wait3A_147 = tpu.memref_squeeze %dma_wait3A_146 : memref<1x128xi32, #tpu.memory_space<vmem>> -> memref<128xi32, #tpu.memory_space<vmem>>
      %dma_wait3A_148 = arith.constant 0 : i32
      %dma_wait3A_149 = arith.constant 0 : i32
      %dma_wait3A_150 = tpu.memref_slice %arg5[%dma_wait3A_148, %dma_wait3A_149] : memref<10000x128xf32, #tpu.memory_space<hbm>> -> memref<10000x128xf32, #tpu.memory_space<hbm>>
      tpu.wait_indirect_dma semaphore(%arg15 : memref<!tpu.dma_semaphore, #tpu.memory_space<semaphore_mem>>) src(%dma_wait3A_150 : memref<10000x128xf32, #tpu.memory_space<hbm>>) dst(%dma_wait3A_144 : memref<128x128xf32, #tpu.memory_space<vmem>>)
      %run_scoped3A_151 = arith.constant 1 : i32
      "tpu.region"() ({
        %run_scoped3A_159 = tpu.sem_alloc : memref<!tpu.dma_semaphore, #tpu.memory_space<semaphore_mem>>
        %dma_start3A_160 = arith.constant 0 : i32
        %dma_start3A_161 = arith.constant 0 : i32
        %dma_start3A_162 = tpu.memref_slice %arg12[%run_scoped3A_151, %dma_start3A_160, %dma_start3A_161] : memref<2x128x128xf32, #tpu.memory_space<vmem>> -> memref<1x128x128xf32, #tpu.memory_space<vmem>>
        %dma_start3A_163 = tpu.memref_squeeze %dma_start3A_162 : memref<1x128x128xf32, #tpu.memory_space<vmem>> -> memref<128x128xf32, #tpu.memory_space<vmem>>
        %dma_start3A_164 = arith.constant 0 : i32
        %dma_start3A_165 = tpu.memref_slice %arg11[%add3A_139, %dma_start3A_164] : memref<40x128xi32, #tpu.memory_space<vmem>> -> memref<1x128xi32, #tpu.memory_space<vmem>>
        %dma_start3A_166 = tpu.memref_squeeze %dma_start3A_165 : memref<1x128xi32, #tpu.memory_space<vmem>> -> memref<128xi32, #tpu.memory_space<vmem>>
        %dma_start3A_167 = arith.constant 0 : i32
        %dma_start3A_168 = arith.constant 0 : i32
        %dma_start3A_169 = tpu.memref_slice %arg13[%dma_start3A_167, %dma_start3A_168] : memref<10008x128xf32, #tpu.memory_space<vmem_shared>> -> memref<10008x128xf32, #tpu.memory_space<vmem_shared>>
        tpu.enqueue_indirect_dma source(%dma_start3A_163 : memref<128x128xf32, #tpu.memory_space<vmem>>) target(%dma_start3A_169 : memref<10008x128xf32, #tpu.memory_space<vmem_shared>>) offsets(%dma_start3A_166 : memref<128xi32, #tpu.memory_space<vmem>>) semaphore(%run_scoped3A_159 : memref<!tpu.dma_semaphore, #tpu.memory_space<semaphore_mem>>) {add = true}
        %dma_wait3A_170 = arith.constant 0 : i32
        %dma_wait3A_171 = arith.constant 0 : i32
        %dma_wait3A_172 = tpu.memref_slice %arg12[%run_scoped3A_151, %dma_wait3A_170, %dma_wait3A_171] : memref<2x128x128xf32, #tpu.memory_space<vmem>> -> memref<1x128x128xf32, #tpu.memory_space<vmem>>
        %dma_wait3A_173 = tpu.memref_squeeze %dma_wait3A_172 : memref<1x128x128xf32, #tpu.memory_space<vmem>> -> memref<128x128xf32, #tpu.memory_space<vmem>>
        %dma_wait3A_174 = arith.constant 0 : i32
        %dma_wait3A_175 = tpu.memref_slice %arg11[%add3A_139, %dma_wait3A_174] : memref<40x128xi32, #tpu.memory_space<vmem>> -> memref<1x128xi32, #tpu.memory_space<vmem>>
        %dma_wait3A_176 = tpu.memref_squeeze %dma_wait3A_175 : memref<1x128xi32, #tpu.memory_space<vmem>> -> memref<128xi32, #tpu.memory_space<vmem>>
        %dma_wait3A_177 = arith.constant 0 : i32
        %dma_wait3A_178 = arith.constant 0 : i32
        %dma_wait3A_179 = tpu.memref_slice %arg13[%dma_wait3A_177, %dma_wait3A_178] : memref<10008x128xf32, #tpu.memory_space<vmem_shared>> -> memref<10008x128xf32, #tpu.memory_space<vmem_shared>>
        tpu.wait_indirect_dma semaphore(%run_scoped3A_159 : memref<!tpu.dma_semaphore, #tpu.memory_space<semaphore_mem>>) src(%dma_wait3A_173 : memref<128x128xf32, #tpu.memory_space<vmem>>) dst(%dma_wait3A_179 : memref<10008x128xf32, #tpu.memory_space<vmem_shared>>)
        tpu.yield
      }) : () -> ()
      %add3A_152 = arith.constant 2 : i32
      %add3A_153 = arith.addi %add3A_139, %add3A_152 : i32
      %lt3A_154 = arith.constant 40 : i32
      %lt3A_155 = arith.cmpi slt, %add3A_153, %lt3A_154 : i32
      %convert_element_type3A_156 = arith.extui %lt3A_155 : i1 to i32
      %cond3A_157 = arith.constant 0 : i32
      %cond3A_158 = arith.cmpi ne, %convert_element_type3A_156, %cond3A_157 : i32
      scf.if %cond3A_158 {
        %add3A_159 = arith.constant 2 : i32
        %add3A_160 = arith.addi %add3A_139, %add3A_159 : i32
        %dma_start3A_161 = arith.constant 1 : i32
        %dma_start3A_162 = arith.constant 0 : i32
        %dma_start3A_163 = arith.constant 0 : i32
        %dma_start3A_164 = tpu.memref_slice %arg12[%dma_start3A_161, %dma_start3A_162, %dma_start3A_163] : memref<2x128x128xf32, #tpu.memory_space<vmem>> -> memref<1x128x128xf32, #tpu.memory_space<vmem>>
        %dma_start3A_165 = tpu.memref_squeeze %dma_start3A_164 : memref<1x128x128xf32, #tpu.memory_space<vmem>> -> memref<128x128xf32, #tpu.memory_space<vmem>>
        %dma_start3A_166 = arith.constant 0 : i32
        %dma_start3A_167 = tpu.memref_slice %arg10[%add3A_160, %dma_start3A_166] : memref<40x128xi32, #tpu.memory_space<vmem>> -> memref<1x128xi32, #tpu.memory_space<vmem>>
        %dma_start3A_168 = tpu.memref_squeeze %dma_start3A_167 : memref<1x128xi32, #tpu.memory_space<vmem>> -> memref<128xi32, #tpu.memory_space<vmem>>
        %dma_start3A_169 = arith.constant 0 : i32
        %dma_start3A_170 = arith.constant 0 : i32
        %dma_start3A_171 = tpu.memref_slice %arg3[%dma_start3A_169, %dma_start3A_170] : memref<10000x128xf32, #tpu.memory_space<hbm>> -> memref<10000x128xf32, #tpu.memory_space<hbm>>
        tpu.enqueue_indirect_dma source(%dma_start3A_171 : memref<10000x128xf32, #tpu.memory_space<hbm>>) target(%dma_start3A_165 : memref<128x128xf32, #tpu.memory_space<vmem>>) offsets(%dma_start3A_168 : memref<128xi32, #tpu.memory_space<vmem>>) semaphore(%arg15 : memref<!tpu.dma_semaphore, #tpu.memory_space<semaphore_mem>>)
      } else {
      }
    }
    %scan3A_32 = arith.constant 10 : i32
    "tpu.region"() ({
      %run_scoped3A = tpu.sem_alloc : memref<!tpu.dma_semaphore, #tpu.memory_space<semaphore_mem>>
      %dma_start3A_69 = arith.constant 40 : i32
      %dma_start3A_70 = arith.constant 0 : i32
      %dma_start3A_71 = tpu.memref_slice %arg6[%add3A, %dma_start3A_69, %dma_start3A_70] : memref<32x80x128xi32, #tpu.memory_space<hbm>> -> memref<1x40x128xi32, #tpu.memory_space<hbm>>
      %dma_start3A_72 = tpu.memref_squeeze %dma_start3A_71 : memref<1x40x128xi32, #tpu.memory_space<hbm>> -> memref<40x128xi32, #tpu.memory_space<hbm>>
      %dma_start3A_73 = arith.constant 40 : i32
      %dma_start3A_74 = arith.constant 0 : i32
      %dma_start3A_75 = tpu.memref_slice %arg6[%add3A, %dma_start3A_73, %dma_start3A_74] : memref<32x80x128xi32, #tpu.memory_space<hbm>> -> memref<1x40x128xi32, #tpu.memory_space<hbm>>
      %dma_start3A_76 = tpu.memref_squeeze %dma_start3A_75 : memref<1x40x128xi32, #tpu.memory_space<hbm>> -> memref<40x128xi32, #tpu.memory_space<hbm>>
      tpu.enqueue_dma source(%dma_start3A_76 : memref<40x128xi32, #tpu.memory_space<hbm>>) target(%arg10 : memref<40x128xi32, #tpu.memory_space<vmem>>) target_semaphore(%run_scoped3A : memref<!tpu.dma_semaphore, #tpu.memory_space<semaphore_mem>>)
      %dma_wait3A = arith.constant 40 : i32
      %dma_wait3A_77 = arith.constant 0 : i32
      %dma_wait3A_78 = tpu.memref_slice %arg6[%add3A, %dma_wait3A, %dma_wait3A_77] : memref<32x80x128xi32, #tpu.memory_space<hbm>> -> memref<1x40x128xi32, #tpu.memory_space<hbm>>
      %dma_wait3A_79 = tpu.memref_squeeze %dma_wait3A_78 : memref<1x40x128xi32, #tpu.memory_space<hbm>> -> memref<40x128xi32, #tpu.memory_space<hbm>>
      %dma_wait3A_80 = arith.constant 40 : i32
      %dma_wait3A_81 = arith.constant 0 : i32
      %dma_wait3A_82 = tpu.memref_slice %arg6[%add3A, %dma_wait3A_80, %dma_wait3A_81] : memref<32x80x128xi32, #tpu.memory_space<hbm>> -> memref<1x40x128xi32, #tpu.memory_space<hbm>>
      %dma_wait3A_83 = tpu.memref_squeeze %dma_wait3A_82 : memref<1x40x128xi32, #tpu.memory_space<hbm>> -> memref<40x128xi32, #tpu.memory_space<hbm>>
      tpu.wait_dma2 semaphore(%run_scoped3A : memref<!tpu.dma_semaphore, #tpu.memory_space<semaphore_mem>>) src(%dma_wait3A_83 : memref<40x128xi32, #tpu.memory_space<hbm>>) dst(%arg10 : memref<40x128xi32, #tpu.memory_space<vmem>>)
      tpu.yield
    }) : () -> ()
    "tpu.region"() ({
      %run_scoped3A = tpu.sem_alloc : memref<!tpu.dma_semaphore, #tpu.memory_space<semaphore_mem>>
      %dma_start3A_69 = arith.constant 40 : i32
      %dma_start3A_70 = arith.constant 0 : i32
      %dma_start3A_71 = tpu.memref_slice %arg7[%add3A, %dma_start3A_69, %dma_start3A_70] : memref<32x80x128xi32, #tpu.memory_space<hbm>> -> memref<1x40x128xi32, #tpu.memory_space<hbm>>
      %dma_start3A_72 = tpu.memref_squeeze %dma_start3A_71 : memref<1x40x128xi32, #tpu.memory_space<hbm>> -> memref<40x128xi32, #tpu.memory_space<hbm>>
      %dma_start3A_73 = arith.constant 40 : i32
      %dma_start3A_74 = arith.constant 0 : i32
      %dma_start3A_75 = tpu.memref_slice %arg7[%add3A, %dma_start3A_73, %dma_start3A_74] : memref<32x80x128xi32, #tpu.memory_space<hbm>> -> memref<1x40x128xi32, #tpu.memory_space<hbm>>
      %dma_start3A_76 = tpu.memref_squeeze %dma_start3A_75 : memref<1x40x128xi32, #tpu.memory_space<hbm>> -> memref<40x128xi32, #tpu.memory_space<hbm>>
      tpu.enqueue_dma source(%dma_start3A_76 : memref<40x128xi32, #tpu.memory_space<hbm>>) target(%arg11 : memref<40x128xi32, #tpu.memory_space<vmem>>) target_semaphore(%run_scoped3A : memref<!tpu.dma_semaphore, #tpu.memory_space<semaphore_mem>>)
      %dma_wait3A = arith.constant 40 : i32
      %dma_wait3A_77 = arith.constant 0 : i32
      %dma_wait3A_78 = tpu.memref_slice %arg7[%add3A, %dma_wait3A, %dma_wait3A_77] : memref<32x80x128xi32, #tpu.memory_space<hbm>> -> memref<1x40x128xi32, #tpu.memory_space<hbm>>
      %dma_wait3A_79 = tpu.memref_squeeze %dma_wait3A_78 : memref<1x40x128xi32, #tpu.memory_space<hbm>> -> memref<40x128xi32, #tpu.memory_space<hbm>>
      %dma_wait3A_80 = arith.constant 40 : i32
      %dma_wait3A_81 = arith.constant 0 : i32
      %dma_wait3A_82 = tpu.memref_slice %arg7[%add3A, %dma_wait3A_80, %dma_wait3A_81] : memref<32x80x128xi32, #tpu.memory_space<hbm>> -> memref<1x40x128xi32, #tpu.memory_space<hbm>>
      %dma_wait3A_83 = tpu.memref_squeeze %dma_wait3A_82 : memref<1x40x128xi32, #tpu.memory_space<hbm>> -> memref<40x128xi32, #tpu.memory_space<hbm>>
      tpu.wait_dma2 semaphore(%run_scoped3A : memref<!tpu.dma_semaphore, #tpu.memory_space<semaphore_mem>>) src(%dma_wait3A_83 : memref<40x128xi32, #tpu.memory_space<hbm>>) dst(%arg11 : memref<40x128xi32, #tpu.memory_space<vmem>>)
      tpu.yield
    }) : () -> ()
    %dma_start3A_33 = arith.constant 0 : i32
    %dma_start3A_34 = arith.constant 0 : i32
    %dma_start3A_35 = arith.constant 0 : i32
    %dma_start3A_36 = arith.constant 0 : i32
    %dma_start3A_37 = tpu.memref_slice %arg12[%dma_start3A_34, %dma_start3A_35, %dma_start3A_36] : memref<2x128x128xf32, #tpu.memory_space<vmem>> -> memref<1x128x128xf32, #tpu.memory_space<vmem>>
    %dma_start3A_38 = tpu.memref_squeeze %dma_start3A_37 : memref<1x128x128xf32, #tpu.memory_space<vmem>> -> memref<128x128xf32, #tpu.memory_space<vmem>>
    %dma_start3A_39 = arith.constant 0 : i32
    %dma_start3A_40 = tpu.memref_slice %arg10[%dma_start3A_33, %dma_start3A_39] : memref<40x128xi32, #tpu.memory_space<vmem>> -> memref<1x128xi32, #tpu.memory_space<vmem>>
    %dma_start3A_41 = tpu.memref_squeeze %dma_start3A_40 : memref<1x128xi32, #tpu.memory_space<vmem>> -> memref<128xi32, #tpu.memory_space<vmem>>
    %dma_start3A_42 = arith.constant 0 : i32
    %dma_start3A_43 = arith.constant 0 : i32
    %dma_start3A_44 = tpu.memref_slice %arg2[%dma_start3A_42, %dma_start3A_43] : memref<10000x128xf32, #tpu.memory_space<hbm>> -> memref<10000x128xf32, #tpu.memory_space<hbm>>
    tpu.enqueue_indirect_dma source(%dma_start3A_44 : memref<10000x128xf32, #tpu.memory_space<hbm>>) target(%dma_start3A_38 : memref<128x128xf32, #tpu.memory_space<vmem>>) offsets(%dma_start3A_41 : memref<128xi32, #tpu.memory_space<vmem>>) semaphore(%arg14 : memref<!tpu.dma_semaphore, #tpu.memory_space<semaphore_mem>>)
    %dma_start3A_45 = arith.constant 1 : i32
    %dma_start3A_46 = arith.constant 1 : i32
    %dma_start3A_47 = arith.constant 0 : i32
    %dma_start3A_48 = arith.constant 0 : i32
    %dma_start3A_49 = tpu.memref_slice %arg12[%dma_start3A_46, %dma_start3A_47, %dma_start3A_48] : memref<2x128x128xf32, #tpu.memory_space<vmem>> -> memref<1x128x128xf32, #tpu.memory_space<vmem>>
    %dma_start3A_50 = tpu.memref_squeeze %dma_start3A_49 : memref<1x128x128xf32, #tpu.memory_space<vmem>> -> memref<128x128xf32, #tpu.memory_space<vmem>>
    %dma_start3A_51 = arith.constant 0 : i32
    %dma_start3A_52 = tpu.memref_slice %arg10[%dma_start3A_45, %dma_start3A_51] : memref<40x128xi32, #tpu.memory_space<vmem>> -> memref<1x128xi32, #tpu.memory_space<vmem>>
    %dma_start3A_53 = tpu.memref_squeeze %dma_start3A_52 : memref<1x128xi32, #tpu.memory_space<vmem>> -> memref<128xi32, #tpu.memory_space<vmem>>
    %dma_start3A_54 = arith.constant 0 : i32
    %dma_start3A_55 = arith.constant 0 : i32
    %dma_start3A_56 = tpu.memref_slice %arg3[%dma_start3A_54, %dma_start3A_55] : memref<10000x128xf32, #tpu.memory_space<hbm>> -> memref<10000x128xf32, #tpu.memory_space<hbm>>
    tpu.enqueue_indirect_dma source(%dma_start3A_56 : memref<10000x128xf32, #tpu.memory_space<hbm>>) target(%dma_start3A_50 : memref<128x128xf32, #tpu.memory_space<vmem>>) offsets(%dma_start3A_53 : memref<128xi32, #tpu.memory_space<vmem>>) semaphore(%arg15 : memref<!tpu.dma_semaphore, #tpu.memory_space<semaphore_mem>>)
    %scan3A_57 = arith.constant 0 : i32
    %scan3A_58 = arith.constant 0 : i32
    %scan3A_59 = arith.constant 10 : i32
    %scan3A_60 = arith.addi %scan3A_58, %scan3A_59 : i32
    %scan3A_61 = arith.constant 1 : i32
    scf.for %scan3A_69 = %scan3A_58 to %scan3A_60 step %scan3A_61  : i32 {
      %mul3A_70 = arith.constant 4 : i32
      %mul3A_71 = arith.muli %scan3A_69, %mul3A_70 : i32
      %add3A_72 = arith.constant 0 : i32
      %add3A_73 = arith.addi %mul3A_71, %add3A_72 : i32
      %dma_wait3A = arith.constant 0 : i32
      %dma_wait3A_74 = arith.constant 0 : i32
      %dma_wait3A_75 = arith.constant 0 : i32
      %dma_wait3A_76 = tpu.memref_slice %arg12[%dma_wait3A, %dma_wait3A_74, %dma_wait3A_75] : memref<2x128x128xf32, #tpu.memory_space<vmem>> -> memref<1x128x128xf32, #tpu.memory_space<vmem>>
      %dma_wait3A_77 = tpu.memref_squeeze %dma_wait3A_76 : memref<1x128x128xf32, #tpu.memory_space<vmem>> -> memref<128x128xf32, #tpu.memory_space<vmem>>
      %dma_wait3A_78 = arith.constant 0 : i32
      %dma_wait3A_79 = tpu.memref_slice %arg10[%add3A_73, %dma_wait3A_78] : memref<40x128xi32, #tpu.memory_space<vmem>> -> memref<1x128xi32, #tpu.memory_space<vmem>>
      %dma_wait3A_80 = tpu.memref_squeeze %dma_wait3A_79 : memref<1x128xi32, #tpu.memory_space<vmem>> -> memref<128xi32, #tpu.memory_space<vmem>>
      %dma_wait3A_81 = arith.constant 0 : i32
      %dma_wait3A_82 = arith.constant 0 : i32
      %dma_wait3A_83 = tpu.memref_slice %arg2[%dma_wait3A_81, %dma_wait3A_82] : memref<10000x128xf32, #tpu.memory_space<hbm>> -> memref<10000x128xf32, #tpu.memory_space<hbm>>
      tpu.wait_indirect_dma semaphore(%arg14 : memref<!tpu.dma_semaphore, #tpu.memory_space<semaphore_mem>>) src(%dma_wait3A_83 : memref<10000x128xf32, #tpu.memory_space<hbm>>) dst(%dma_wait3A_77 : memref<128x128xf32, #tpu.memory_space<vmem>>)
      %run_scoped3A = arith.constant 0 : i32
      "tpu.region"() ({
        %run_scoped3A_159 = tpu.sem_alloc : memref<!tpu.dma_semaphore, #tpu.memory_space<semaphore_mem>>
        %dma_start3A_160 = arith.constant 0 : i32
        %dma_start3A_161 = arith.constant 0 : i32
        %dma_start3A_162 = tpu.memref_slice %arg12[%run_scoped3A, %dma_start3A_160, %dma_start3A_161] : memref<2x128x128xf32, #tpu.memory_space<vmem>> -> memref<1x128x128xf32, #tpu.memory_space<vmem>>
        %dma_start3A_163 = tpu.memref_squeeze %dma_start3A_162 : memref<1x128x128xf32, #tpu.memory_space<vmem>> -> memref<128x128xf32, #tpu.memory_space<vmem>>
        %dma_start3A_164 = arith.constant 0 : i32
        %dma_start3A_165 = tpu.memref_slice %arg11[%add3A_73, %dma_start3A_164] : memref<40x128xi32, #tpu.memory_space<vmem>> -> memref<1x128xi32, #tpu.memory_space<vmem>>
        %dma_start3A_166 = tpu.memref_squeeze %dma_start3A_165 : memref<1x128xi32, #tpu.memory_space<vmem>> -> memref<128xi32, #tpu.memory_space<vmem>>
        %dma_start3A_167 = arith.constant 0 : i32
        %dma_start3A_168 = arith.constant 0 : i32
        %dma_start3A_169 = tpu.memref_slice %arg13[%dma_start3A_167, %dma_start3A_168] : memref<10008x128xf32, #tpu.memory_space<vmem_shared>> -> memref<10008x128xf32, #tpu.memory_space<vmem_shared>>
        tpu.enqueue_indirect_dma source(%dma_start3A_163 : memref<128x128xf32, #tpu.memory_space<vmem>>) target(%dma_start3A_169 : memref<10008x128xf32, #tpu.memory_space<vmem_shared>>) offsets(%dma_start3A_166 : memref<128xi32, #tpu.memory_space<vmem>>) semaphore(%run_scoped3A_159 : memref<!tpu.dma_semaphore, #tpu.memory_space<semaphore_mem>>) {add = true}
        %dma_wait3A_170 = arith.constant 0 : i32
        %dma_wait3A_171 = arith.constant 0 : i32
        %dma_wait3A_172 = tpu.memref_slice %arg12[%run_scoped3A, %dma_wait3A_170, %dma_wait3A_171] : memref<2x128x128xf32, #tpu.memory_space<vmem>> -> memref<1x128x128xf32, #tpu.memory_space<vmem>>
        %dma_wait3A_173 = tpu.memref_squeeze %dma_wait3A_172 : memref<1x128x128xf32, #tpu.memory_space<vmem>> -> memref<128x128xf32, #tpu.memory_space<vmem>>
        %dma_wait3A_174 = arith.constant 0 : i32
        %dma_wait3A_175 = tpu.memref_slice %arg11[%add3A_73, %dma_wait3A_174] : memref<40x128xi32, #tpu.memory_space<vmem>> -> memref<1x128xi32, #tpu.memory_space<vmem>>
        %dma_wait3A_176 = tpu.memref_squeeze %dma_wait3A_175 : memref<1x128xi32, #tpu.memory_space<vmem>> -> memref<128xi32, #tpu.memory_space<vmem>>
        %dma_wait3A_177 = arith.constant 0 : i32
        %dma_wait3A_178 = arith.constant 0 : i32
        %dma_wait3A_179 = tpu.memref_slice %arg13[%dma_wait3A_177, %dma_wait3A_178] : memref<10008x128xf32, #tpu.memory_space<vmem_shared>> -> memref<10008x128xf32, #tpu.memory_space<vmem_shared>>
        tpu.wait_indirect_dma semaphore(%run_scoped3A_159 : memref<!tpu.dma_semaphore, #tpu.memory_space<semaphore_mem>>) src(%dma_wait3A_173 : memref<128x128xf32, #tpu.memory_space<vmem>>) dst(%dma_wait3A_179 : memref<10008x128xf32, #tpu.memory_space<vmem_shared>>)
        tpu.yield
      }) : () -> ()
      %add3A_84 = arith.constant 2 : i32
      %add3A_85 = arith.addi %add3A_73, %add3A_84 : i32
      %lt3A = arith.constant 40 : i32
      %lt3A_86 = arith.cmpi slt, %add3A_85, %lt3A : i32
      %convert_element_type3A_87 = arith.extui %lt3A_86 : i1 to i32
      %cond3A_88 = arith.constant 0 : i32
      %cond3A_89 = arith.cmpi ne, %convert_element_type3A_87, %cond3A_88 : i32
      scf.if %cond3A_89 {
        %add3A_159 = arith.constant 2 : i32
        %add3A_160 = arith.addi %add3A_73, %add3A_159 : i32
        %dma_start3A_161 = arith.constant 0 : i32
        %dma_start3A_162 = arith.constant 0 : i32
        %dma_start3A_163 = arith.constant 0 : i32
        %dma_start3A_164 = tpu.memref_slice %arg12[%dma_start3A_161, %dma_start3A_162, %dma_start3A_163] : memref<2x128x128xf32, #tpu.memory_space<vmem>> -> memref<1x128x128xf32, #tpu.memory_space<vmem>>
        %dma_start3A_165 = tpu.memref_squeeze %dma_start3A_164 : memref<1x128x128xf32, #tpu.memory_space<vmem>> -> memref<128x128xf32, #tpu.memory_space<vmem>>
        %dma_start3A_166 = arith.constant 0 : i32
        %dma_start3A_167 = tpu.memref_slice %arg10[%add3A_160, %dma_start3A_166] : memref<40x128xi32, #tpu.memory_space<vmem>> -> memref<1x128xi32, #tpu.memory_space<vmem>>
        %dma_start3A_168 = tpu.memref_squeeze %dma_start3A_167 : memref<1x128xi32, #tpu.memory_space<vmem>> -> memref<128xi32, #tpu.memory_space<vmem>>
        %dma_start3A_169 = arith.constant 0 : i32
        %dma_start3A_170 = arith.constant 0 : i32
        %dma_start3A_171 = tpu.memref_slice %arg4[%dma_start3A_169, %dma_start3A_170] : memref<10000x128xf32, #tpu.memory_space<hbm>> -> memref<10000x128xf32, #tpu.memory_space<hbm>>
        tpu.enqueue_indirect_dma source(%dma_start3A_171 : memref<10000x128xf32, #tpu.memory_space<hbm>>) target(%dma_start3A_165 : memref<128x128xf32, #tpu.memory_space<vmem>>) offsets(%dma_start3A_168 : memref<128xi32, #tpu.memory_space<vmem>>) semaphore(%arg14 : memref<!tpu.dma_semaphore, #tpu.memory_space<semaphore_mem>>)
      } else {
      }
      %mul3A_90 = arith.constant 4 : i32
      %mul3A_91 = arith.muli %scan3A_69, %mul3A_90 : i32
      %add3A_92 = arith.constant 1 : i32
      %add3A_93 = arith.addi %mul3A_91, %add3A_92 : i32
      %dma_wait3A_94 = arith.constant 1 : i32
      %dma_wait3A_95 = arith.constant 0 : i32
      %dma_wait3A_96 = arith.constant 0 : i32
      %dma_wait3A_97 = tpu.memref_slice %arg12[%dma_wait3A_94, %dma_wait3A_95, %dma_wait3A_96] : memref<2x128x128xf32, #tpu.memory_space<vmem>> -> memref<1x128x128xf32, #tpu.memory_space<vmem>>
      %dma_wait3A_98 = tpu.memref_squeeze %dma_wait3A_97 : memref<1x128x128xf32, #tpu.memory_space<vmem>> -> memref<128x128xf32, #tpu.memory_space<vmem>>
      %dma_wait3A_99 = arith.constant 0 : i32
      %dma_wait3A_100 = tpu.memref_slice %arg10[%add3A_93, %dma_wait3A_99] : memref<40x128xi32, #tpu.memory_space<vmem>> -> memref<1x128xi32, #tpu.memory_space<vmem>>
      %dma_wait3A_101 = tpu.memref_squeeze %dma_wait3A_100 : memref<1x128xi32, #tpu.memory_space<vmem>> -> memref<128xi32, #tpu.memory_space<vmem>>
      %dma_wait3A_102 = arith.constant 0 : i32
      %dma_wait3A_103 = arith.constant 0 : i32
      %dma_wait3A_104 = tpu.memref_slice %arg3[%dma_wait3A_102, %dma_wait3A_103] : memref<10000x128xf32, #tpu.memory_space<hbm>> -> memref<10000x128xf32, #tpu.memory_space<hbm>>
      tpu.wait_indirect_dma semaphore(%arg15 : memref<!tpu.dma_semaphore, #tpu.memory_space<semaphore_mem>>) src(%dma_wait3A_104 : memref<10000x128xf32, #tpu.memory_space<hbm>>) dst(%dma_wait3A_98 : memref<128x128xf32, #tpu.memory_space<vmem>>)
      %run_scoped3A_105 = arith.constant 1 : i32
      "tpu.region"() ({
        %run_scoped3A_159 = tpu.sem_alloc : memref<!tpu.dma_semaphore, #tpu.memory_space<semaphore_mem>>
        %dma_start3A_160 = arith.constant 0 : i32
        %dma_start3A_161 = arith.constant 0 : i32
        %dma_start3A_162 = tpu.memref_slice %arg12[%run_scoped3A_105, %dma_start3A_160, %dma_start3A_161] : memref<2x128x128xf32, #tpu.memory_space<vmem>> -> memref<1x128x128xf32, #tpu.memory_space<vmem>>
        %dma_start3A_163 = tpu.memref_squeeze %dma_start3A_162 : memref<1x128x128xf32, #tpu.memory_space<vmem>> -> memref<128x128xf32, #tpu.memory_space<vmem>>
        %dma_start3A_164 = arith.constant 0 : i32
        %dma_start3A_165 = tpu.memref_slice %arg11[%add3A_93, %dma_start3A_164] : memref<40x128xi32, #tpu.memory_space<vmem>> -> memref<1x128xi32, #tpu.memory_space<vmem>>
        %dma_start3A_166 = tpu.memref_squeeze %dma_start3A_165 : memref<1x128xi32, #tpu.memory_space<vmem>> -> memref<128xi32, #tpu.memory_space<vmem>>
        %dma_start3A_167 = arith.constant 0 : i32
        %dma_start3A_168 = arith.constant 0 : i32
        %dma_start3A_169 = tpu.memref_slice %arg13[%dma_start3A_167, %dma_start3A_168] : memref<10008x128xf32, #tpu.memory_space<vmem_shared>> -> memref<10008x128xf32, #tpu.memory_space<vmem_shared>>
        tpu.enqueue_indirect_dma source(%dma_start3A_163 : memref<128x128xf32, #tpu.memory_space<vmem>>) target(%dma_start3A_169 : memref<10008x128xf32, #tpu.memory_space<vmem_shared>>) offsets(%dma_start3A_166 : memref<128xi32, #tpu.memory_space<vmem>>) semaphore(%run_scoped3A_159 : memref<!tpu.dma_semaphore, #tpu.memory_space<semaphore_mem>>) {add = true}
        %dma_wait3A_170 = arith.constant 0 : i32
        %dma_wait3A_171 = arith.constant 0 : i32
        %dma_wait3A_172 = tpu.memref_slice %arg12[%run_scoped3A_105, %dma_wait3A_170, %dma_wait3A_171] : memref<2x128x128xf32, #tpu.memory_space<vmem>> -> memref<1x128x128xf32, #tpu.memory_space<vmem>>
        %dma_wait3A_173 = tpu.memref_squeeze %dma_wait3A_172 : memref<1x128x128xf32, #tpu.memory_space<vmem>> -> memref<128x128xf32, #tpu.memory_space<vmem>>
        %dma_wait3A_174 = arith.constant 0 : i32
        %dma_wait3A_175 = tpu.memref_slice %arg11[%add3A_93, %dma_wait3A_174] : memref<40x128xi32, #tpu.memory_space<vmem>> -> memref<1x128xi32, #tpu.memory_space<vmem>>
        %dma_wait3A_176 = tpu.memref_squeeze %dma_wait3A_175 : memref<1x128xi32, #tpu.memory_space<vmem>> -> memref<128xi32, #tpu.memory_space<vmem>>
        %dma_wait3A_177 = arith.constant 0 : i32
        %dma_wait3A_178 = arith.constant 0 : i32
        %dma_wait3A_179 = tpu.memref_slice %arg13[%dma_wait3A_177, %dma_wait3A_178] : memref<10008x128xf32, #tpu.memory_space<vmem_shared>> -> memref<10008x128xf32, #tpu.memory_space<vmem_shared>>
        tpu.wait_indirect_dma semaphore(%run_scoped3A_159 : memref<!tpu.dma_semaphore, #tpu.memory_space<semaphore_mem>>) src(%dma_wait3A_173 : memref<128x128xf32, #tpu.memory_space<vmem>>) dst(%dma_wait3A_179 : memref<10008x128xf32, #tpu.memory_space<vmem_shared>>)
        tpu.yield
      }) : () -> ()
      %add3A_106 = arith.constant 2 : i32
      %add3A_107 = arith.addi %add3A_93, %add3A_106 : i32
      %lt3A_108 = arith.constant 40 : i32
      %lt3A_109 = arith.cmpi slt, %add3A_107, %lt3A_108 : i32
      %convert_element_type3A_110 = arith.extui %lt3A_109 : i1 to i32
      %cond3A_111 = arith.constant 0 : i32
      %cond3A_112 = arith.cmpi ne, %convert_element_type3A_110, %cond3A_111 : i32
      scf.if %cond3A_112 {
        %add3A_159 = arith.constant 2 : i32
        %add3A_160 = arith.addi %add3A_93, %add3A_159 : i32
        %dma_start3A_161 = arith.constant 1 : i32
        %dma_start3A_162 = arith.constant 0 : i32
        %dma_start3A_163 = arith.constant 0 : i32
        %dma_start3A_164 = tpu.memref_slice %arg12[%dma_start3A_161, %dma_start3A_162, %dma_start3A_163] : memref<2x128x128xf32, #tpu.memory_space<vmem>> -> memref<1x128x128xf32, #tpu.memory_space<vmem>>
        %dma_start3A_165 = tpu.memref_squeeze %dma_start3A_164 : memref<1x128x128xf32, #tpu.memory_space<vmem>> -> memref<128x128xf32, #tpu.memory_space<vmem>>
        %dma_start3A_166 = arith.constant 0 : i32
        %dma_start3A_167 = tpu.memref_slice %arg10[%add3A_160, %dma_start3A_166] : memref<40x128xi32, #tpu.memory_space<vmem>> -> memref<1x128xi32, #tpu.memory_space<vmem>>
        %dma_start3A_168 = tpu.memref_squeeze %dma_start3A_167 : memref<1x128xi32, #tpu.memory_space<vmem>> -> memref<128xi32, #tpu.memory_space<vmem>>
        %dma_start3A_169 = arith.constant 0 : i32
        %dma_start3A_170 = arith.constant 0 : i32
        %dma_start3A_171 = tpu.memref_slice %arg5[%dma_start3A_169, %dma_start3A_170] : memref<10000x128xf32, #tpu.memory_space<hbm>> -> memref<10000x128xf32, #tpu.memory_space<hbm>>
        tpu.enqueue_indirect_dma source(%dma_start3A_171 : memref<10000x128xf32, #tpu.memory_space<hbm>>) target(%dma_start3A_165 : memref<128x128xf32, #tpu.memory_space<vmem>>) offsets(%dma_start3A_168 : memref<128xi32, #tpu.memory_space<vmem>>) semaphore(%arg15 : memref<!tpu.dma_semaphore, #tpu.memory_space<semaphore_mem>>)
      } else {
      }
      %mul3A_113 = arith.constant 4 : i32
      %mul3A_114 = arith.muli %scan3A_69, %mul3A_113 : i32
      %add3A_115 = arith.constant 2 : i32
      %add3A_116 = arith.addi %mul3A_114, %add3A_115 : i32
      %dma_wait3A_117 = arith.constant 0 : i32
      %dma_wait3A_118 = arith.constant 0 : i32
      %dma_wait3A_119 = arith.constant 0 : i32
      %dma_wait3A_120 = tpu.memref_slice %arg12[%dma_wait3A_117, %dma_wait3A_118, %dma_wait3A_119] : memref<2x128x128xf32, #tpu.memory_space<vmem>> -> memref<1x128x128xf32, #tpu.memory_space<vmem>>
      %dma_wait3A_121 = tpu.memref_squeeze %dma_wait3A_120 : memref<1x128x128xf32, #tpu.memory_space<vmem>> -> memref<128x128xf32, #tpu.memory_space<vmem>>
      %dma_wait3A_122 = arith.constant 0 : i32
      %dma_wait3A_123 = tpu.memref_slice %arg10[%add3A_116, %dma_wait3A_122] : memref<40x128xi32, #tpu.memory_space<vmem>> -> memref<1x128xi32, #tpu.memory_space<vmem>>
      %dma_wait3A_124 = tpu.memref_squeeze %dma_wait3A_123 : memref<1x128xi32, #tpu.memory_space<vmem>> -> memref<128xi32, #tpu.memory_space<vmem>>
      %dma_wait3A_125 = arith.constant 0 : i32
      %dma_wait3A_126 = arith.constant 0 : i32
      %dma_wait3A_127 = tpu.memref_slice %arg4[%dma_wait3A_125, %dma_wait3A_126] : memref<10000x128xf32, #tpu.memory_space<hbm>> -> memref<10000x128xf32, #tpu.memory_space<hbm>>
      tpu.wait_indirect_dma semaphore(%arg14 : memref<!tpu.dma_semaphore, #tpu.memory_space<semaphore_mem>>) src(%dma_wait3A_127 : memref<10000x128xf32, #tpu.memory_space<hbm>>) dst(%dma_wait3A_121 : memref<128x128xf32, #tpu.memory_space<vmem>>)
      %run_scoped3A_128 = arith.constant 0 : i32
      "tpu.region"() ({
        %run_scoped3A_159 = tpu.sem_alloc : memref<!tpu.dma_semaphore, #tpu.memory_space<semaphore_mem>>
        %dma_start3A_160 = arith.constant 0 : i32
        %dma_start3A_161 = arith.constant 0 : i32
        %dma_start3A_162 = tpu.memref_slice %arg12[%run_scoped3A_128, %dma_start3A_160, %dma_start3A_161] : memref<2x128x128xf32, #tpu.memory_space<vmem>> -> memref<1x128x128xf32, #tpu.memory_space<vmem>>
        %dma_start3A_163 = tpu.memref_squeeze %dma_start3A_162 : memref<1x128x128xf32, #tpu.memory_space<vmem>> -> memref<128x128xf32, #tpu.memory_space<vmem>>
        %dma_start3A_164 = arith.constant 0 : i32
        %dma_start3A_165 = tpu.memref_slice %arg11[%add3A_116, %dma_start3A_164] : memref<40x128xi32, #tpu.memory_space<vmem>> -> memref<1x128xi32, #tpu.memory_space<vmem>>
        %dma_start3A_166 = tpu.memref_squeeze %dma_start3A_165 : memref<1x128xi32, #tpu.memory_space<vmem>> -> memref<128xi32, #tpu.memory_space<vmem>>
        %dma_start3A_167 = arith.constant 0 : i32
        %dma_start3A_168 = arith.constant 0 : i32
        %dma_start3A_169 = tpu.memref_slice %arg13[%dma_start3A_167, %dma_start3A_168] : memref<10008x128xf32, #tpu.memory_space<vmem_shared>> -> memref<10008x128xf32, #tpu.memory_space<vmem_shared>>
        tpu.enqueue_indirect_dma source(%dma_start3A_163 : memref<128x128xf32, #tpu.memory_space<vmem>>) target(%dma_start3A_169 : memref<10008x128xf32, #tpu.memory_space<vmem_shared>>) offsets(%dma_start3A_166 : memref<128xi32, #tpu.memory_space<vmem>>) semaphore(%run_scoped3A_159 : memref<!tpu.dma_semaphore, #tpu.memory_space<semaphore_mem>>) {add = true}
        %dma_wait3A_170 = arith.constant 0 : i32
        %dma_wait3A_171 = arith.constant 0 : i32
        %dma_wait3A_172 = tpu.memref_slice %arg12[%run_scoped3A_128, %dma_wait3A_170, %dma_wait3A_171] : memref<2x128x128xf32, #tpu.memory_space<vmem>> -> memref<1x128x128xf32, #tpu.memory_space<vmem>>
        %dma_wait3A_173 = tpu.memref_squeeze %dma_wait3A_172 : memref<1x128x128xf32, #tpu.memory_space<vmem>> -> memref<128x128xf32, #tpu.memory_space<vmem>>
        %dma_wait3A_174 = arith.constant 0 : i32
        %dma_wait3A_175 = tpu.memref_slice %arg11[%add3A_116, %dma_wait3A_174] : memref<40x128xi32, #tpu.memory_space<vmem>> -> memref<1x128xi32, #tpu.memory_space<vmem>>
        %dma_wait3A_176 = tpu.memref_squeeze %dma_wait3A_175 : memref<1x128xi32, #tpu.memory_space<vmem>> -> memref<128xi32, #tpu.memory_space<vmem>>
        %dma_wait3A_177 = arith.constant 0 : i32
        %dma_wait3A_178 = arith.constant 0 : i32
        %dma_wait3A_179 = tpu.memref_slice %arg13[%dma_wait3A_177, %dma_wait3A_178] : memref<10008x128xf32, #tpu.memory_space<vmem_shared>> -> memref<10008x128xf32, #tpu.memory_space<vmem_shared>>
        tpu.wait_indirect_dma semaphore(%run_scoped3A_159 : memref<!tpu.dma_semaphore, #tpu.memory_space<semaphore_mem>>) src(%dma_wait3A_173 : memref<128x128xf32, #tpu.memory_space<vmem>>) dst(%dma_wait3A_179 : memref<10008x128xf32, #tpu.memory_space<vmem_shared>>)
        tpu.yield
      }) : () -> ()
      %add3A_129 = arith.constant 2 : i32
      %add3A_130 = arith.addi %add3A_116, %add3A_129 : i32
      %lt3A_131 = arith.constant 40 : i32
      %lt3A_132 = arith.cmpi slt, %add3A_130, %lt3A_131 : i32
      %convert_element_type3A_133 = arith.extui %lt3A_132 : i1 to i32
      %cond3A_134 = arith.constant 0 : i32
      %cond3A_135 = arith.cmpi ne, %convert_element_type3A_133, %cond3A_134 : i32
      scf.if %cond3A_135 {
        %add3A_159 = arith.constant 2 : i32
        %add3A_160 = arith.addi %add3A_116, %add3A_159 : i32
        %dma_start3A_161 = arith.constant 0 : i32
        %dma_start3A_162 = arith.constant 0 : i32
        %dma_start3A_163 = arith.constant 0 : i32
        %dma_start3A_164 = tpu.memref_slice %arg12[%dma_start3A_161, %dma_start3A_162, %dma_start3A_163] : memref<2x128x128xf32, #tpu.memory_space<vmem>> -> memref<1x128x128xf32, #tpu.memory_space<vmem>>
        %dma_start3A_165 = tpu.memref_squeeze %dma_start3A_164 : memref<1x128x128xf32, #tpu.memory_space<vmem>> -> memref<128x128xf32, #tpu.memory_space<vmem>>
        %dma_start3A_166 = arith.constant 0 : i32
        %dma_start3A_167 = tpu.memref_slice %arg10[%add3A_160, %dma_start3A_166] : memref<40x128xi32, #tpu.memory_space<vmem>> -> memref<1x128xi32, #tpu.memory_space<vmem>>
        %dma_start3A_168 = tpu.memref_squeeze %dma_start3A_167 : memref<1x128xi32, #tpu.memory_space<vmem>> -> memref<128xi32, #tpu.memory_space<vmem>>
        %dma_start3A_169 = arith.constant 0 : i32
        %dma_start3A_170 = arith.constant 0 : i32
        %dma_start3A_171 = tpu.memref_slice %arg2[%dma_start3A_169, %dma_start3A_170] : memref<10000x128xf32, #tpu.memory_space<hbm>> -> memref<10000x128xf32, #tpu.memory_space<hbm>>
        tpu.enqueue_indirect_dma source(%dma_start3A_171 : memref<10000x128xf32, #tpu.memory_space<hbm>>) target(%dma_start3A_165 : memref<128x128xf32, #tpu.memory_space<vmem>>) offsets(%dma_start3A_168 : memref<128xi32, #tpu.memory_space<vmem>>) semaphore(%arg14 : memref<!tpu.dma_semaphore, #tpu.memory_space<semaphore_mem>>)
      } else {
      }
      %mul3A_136 = arith.constant 4 : i32
      %mul3A_137 = arith.muli %scan3A_69, %mul3A_136 : i32
      %add3A_138 = arith.constant 3 : i32
      %add3A_139 = arith.addi %mul3A_137, %add3A_138 : i32
      %dma_wait3A_140 = arith.constant 1 : i32
      %dma_wait3A_141 = arith.constant 0 : i32
      %dma_wait3A_142 = arith.constant 0 : i32
      %dma_wait3A_143 = tpu.memref_slice %arg12[%dma_wait3A_140, %dma_wait3A_141, %dma_wait3A_142] : memref<2x128x128xf32, #tpu.memory_space<vmem>> -> memref<1x128x128xf32, #tpu.memory_space<vmem>>
      %dma_wait3A_144 = tpu.memref_squeeze %dma_wait3A_143 : memref<1x128x128xf32, #tpu.memory_space<vmem>> -> memref<128x128xf32, #tpu.memory_space<vmem>>
      %dma_wait3A_145 = arith.constant 0 : i32
      %dma_wait3A_146 = tpu.memref_slice %arg10[%add3A_139, %dma_wait3A_145] : memref<40x128xi32, #tpu.memory_space<vmem>> -> memref<1x128xi32, #tpu.memory_space<vmem>>
      %dma_wait3A_147 = tpu.memref_squeeze %dma_wait3A_146 : memref<1x128xi32, #tpu.memory_space<vmem>> -> memref<128xi32, #tpu.memory_space<vmem>>
      %dma_wait3A_148 = arith.constant 0 : i32
      %dma_wait3A_149 = arith.constant 0 : i32
      %dma_wait3A_150 = tpu.memref_slice %arg5[%dma_wait3A_148, %dma_wait3A_149] : memref<10000x128xf32, #tpu.memory_space<hbm>> -> memref<10000x128xf32, #tpu.memory_space<hbm>>
      tpu.wait_indirect_dma semaphore(%arg15 : memref<!tpu.dma_semaphore, #tpu.memory_space<semaphore_mem>>) src(%dma_wait3A_150 : memref<10000x128xf32, #tpu.memory_space<hbm>>) dst(%dma_wait3A_144 : memref<128x128xf32, #tpu.memory_space<vmem>>)
      %run_scoped3A_151 = arith.constant 1 : i32
      "tpu.region"() ({
        %run_scoped3A_159 = tpu.sem_alloc : memref<!tpu.dma_semaphore, #tpu.memory_space<semaphore_mem>>
        %dma_start3A_160 = arith.constant 0 : i32
        %dma_start3A_161 = arith.constant 0 : i32
        %dma_start3A_162 = tpu.memref_slice %arg12[%run_scoped3A_151, %dma_start3A_160, %dma_start3A_161] : memref<2x128x128xf32, #tpu.memory_space<vmem>> -> memref<1x128x128xf32, #tpu.memory_space<vmem>>
        %dma_start3A_163 = tpu.memref_squeeze %dma_start3A_162 : memref<1x128x128xf32, #tpu.memory_space<vmem>> -> memref<128x128xf32, #tpu.memory_space<vmem>>
        %dma_start3A_164 = arith.constant 0 : i32
        %dma_start3A_165 = tpu.memref_slice %arg11[%add3A_139, %dma_start3A_164] : memref<40x128xi32, #tpu.memory_space<vmem>> -> memref<1x128xi32, #tpu.memory_space<vmem>>
        %dma_start3A_166 = tpu.memref_squeeze %dma_start3A_165 : memref<1x128xi32, #tpu.memory_space<vmem>> -> memref<128xi32, #tpu.memory_space<vmem>>
        %dma_start3A_167 = arith.constant 0 : i32
        %dma_start3A_168 = arith.constant 0 : i32
        %dma_start3A_169 = tpu.memref_slice %arg13[%dma_start3A_167, %dma_start3A_168] : memref<10008x128xf32, #tpu.memory_space<vmem_shared>> -> memref<10008x128xf32, #tpu.memory_space<vmem_shared>>
        tpu.enqueue_indirect_dma source(%dma_start3A_163 : memref<128x128xf32, #tpu.memory_space<vmem>>) target(%dma_start3A_169 : memref<10008x128xf32, #tpu.memory_space<vmem_shared>>) offsets(%dma_start3A_166 : memref<128xi32, #tpu.memory_space<vmem>>) semaphore(%run_scoped3A_159 : memref<!tpu.dma_semaphore, #tpu.memory_space<semaphore_mem>>) {add = true}
        %dma_wait3A_170 = arith.constant 0 : i32
        %dma_wait3A_171 = arith.constant 0 : i32
        %dma_wait3A_172 = tpu.memref_slice %arg12[%run_scoped3A_151, %dma_wait3A_170, %dma_wait3A_171] : memref<2x128x128xf32, #tpu.memory_space<vmem>> -> memref<1x128x128xf32, #tpu.memory_space<vmem>>
        %dma_wait3A_173 = tpu.memref_squeeze %dma_wait3A_172 : memref<1x128x128xf32, #tpu.memory_space<vmem>> -> memref<128x128xf32, #tpu.memory_space<vmem>>
        %dma_wait3A_174 = arith.constant 0 : i32
        %dma_wait3A_175 = tpu.memref_slice %arg11[%add3A_139, %dma_wait3A_174] : memref<40x128xi32, #tpu.memory_space<vmem>> -> memref<1x128xi32, #tpu.memory_space<vmem>>
        %dma_wait3A_176 = tpu.memref_squeeze %dma_wait3A_175 : memref<1x128xi32, #tpu.memory_space<vmem>> -> memref<128xi32, #tpu.memory_space<vmem>>
        %dma_wait3A_177 = arith.constant 0 : i32
        %dma_wait3A_178 = arith.constant 0 : i32
        %dma_wait3A_179 = tpu.memref_slice %arg13[%dma_wait3A_177, %dma_wait3A_178] : memref<10008x128xf32, #tpu.memory_space<vmem_shared>> -> memref<10008x128xf32, #tpu.memory_space<vmem_shared>>
        tpu.wait_indirect_dma semaphore(%run_scoped3A_159 : memref<!tpu.dma_semaphore, #tpu.memory_space<semaphore_mem>>) src(%dma_wait3A_173 : memref<128x128xf32, #tpu.memory_space<vmem>>) dst(%dma_wait3A_179 : memref<10008x128xf32, #tpu.memory_space<vmem_shared>>)
        tpu.yield
      }) : () -> ()
      %add3A_152 = arith.constant 2 : i32
      %add3A_153 = arith.addi %add3A_139, %add3A_152 : i32
      %lt3A_154 = arith.constant 40 : i32
      %lt3A_155 = arith.cmpi slt, %add3A_153, %lt3A_154 : i32
      %convert_element_type3A_156 = arith.extui %lt3A_155 : i1 to i32
      %cond3A_157 = arith.constant 0 : i32
      %cond3A_158 = arith.cmpi ne, %convert_element_type3A_156, %cond3A_157 : i32
      scf.if %cond3A_158 {
        %add3A_159 = arith.constant 2 : i32
        %add3A_160 = arith.addi %add3A_139, %add3A_159 : i32
        %dma_start3A_161 = arith.constant 1 : i32
        %dma_start3A_162 = arith.constant 0 : i32
        %dma_start3A_163 = arith.constant 0 : i32
        %dma_start3A_164 = tpu.memref_slice %arg12[%dma_start3A_161, %dma_start3A_162, %dma_start3A_163] : memref<2x128x128xf32, #tpu.memory_space<vmem>> -> memref<1x128x128xf32, #tpu.memory_space<vmem>>
        %dma_start3A_165 = tpu.memref_squeeze %dma_start3A_164 : memref<1x128x128xf32, #tpu.memory_space<vmem>> -> memref<128x128xf32, #tpu.memory_space<vmem>>
        %dma_start3A_166 = arith.constant 0 : i32
        %dma_start3A_167 = tpu.memref_slice %arg10[%add3A_160, %dma_start3A_166] : memref<40x128xi32, #tpu.memory_space<vmem>> -> memref<1x128xi32, #tpu.memory_space<vmem>>
        %dma_start3A_168 = tpu.memref_squeeze %dma_start3A_167 : memref<1x128xi32, #tpu.memory_space<vmem>> -> memref<128xi32, #tpu.memory_space<vmem>>
        %dma_start3A_169 = arith.constant 0 : i32
        %dma_start3A_170 = arith.constant 0 : i32
        %dma_start3A_171 = tpu.memref_slice %arg3[%dma_start3A_169, %dma_start3A_170] : memref<10000x128xf32, #tpu.memory_space<hbm>> -> memref<10000x128xf32, #tpu.memory_space<hbm>>
        tpu.enqueue_indirect_dma source(%dma_start3A_171 : memref<10000x128xf32, #tpu.memory_space<hbm>>) target(%dma_start3A_165 : memref<128x128xf32, #tpu.memory_space<vmem>>) offsets(%dma_start3A_168 : memref<128xi32, #tpu.memory_space<vmem>>) semaphore(%arg15 : memref<!tpu.dma_semaphore, #tpu.memory_space<semaphore_mem>>)
      } else {
      }
    }
    %scan3A_62 = arith.constant 10 : i32
    %barrier3A_63 = arith.constant 0 : index
    tpu.barrier barrier_id(%barrier3A_63)
    "tpu.region"() ({
      %run_scoped3A = tpu.sem_alloc : memref<!tpu.dma_semaphore, #tpu.memory_space<semaphore_mem>>
      %dma_start3A_69 = arith.constant 0 : i32
      %dma_start3A_70 = tpu.memref_slice %arg9[%arg0, %multiple_of3A, %dma_start3A_69] : memref<2x10000x128xf32, #tpu.memory_space<hbm>> -> memref<1x624x128xf32, #tpu.memory_space<hbm>>
      %dma_start3A_71 = tpu.memref_squeeze %dma_start3A_70 : memref<1x624x128xf32, #tpu.memory_space<hbm>> -> memref<624x128xf32, #tpu.memory_space<hbm>>
      %dma_start3A_72 = arith.constant 0 : i32
      %dma_start3A_73 = tpu.memref_slice %arg13[%multiple_of3A, %dma_start3A_72] : memref<10008x128xf32, #tpu.memory_space<vmem_shared>> -> memref<624x128xf32, #tpu.memory_space<vmem_shared>>
      tpu.enqueue_dma source(%dma_start3A_73 : memref<624x128xf32, #tpu.memory_space<vmem_shared>>) target(%dma_start3A_71 : memref<624x128xf32, #tpu.memory_space<hbm>>) target_semaphore(%run_scoped3A : memref<!tpu.dma_semaphore, #tpu.memory_space<semaphore_mem>>)
      %dma_wait3A = arith.constant 0 : i32
      %dma_wait3A_74 = tpu.memref_slice %arg9[%arg0, %multiple_of3A, %dma_wait3A] : memref<2x10000x128xf32, #tpu.memory_space<hbm>> -> memref<1x624x128xf32, #tpu.memory_space<hbm>>
      %dma_wait3A_75 = tpu.memref_squeeze %dma_wait3A_74 : memref<1x624x128xf32, #tpu.memory_space<hbm>> -> memref<624x128xf32, #tpu.memory_space<hbm>>
      %dma_wait3A_76 = arith.constant 0 : i32
      %dma_wait3A_77 = tpu.memref_slice %arg13[%multiple_of3A, %dma_wait3A_76] : memref<10008x128xf32, #tpu.memory_space<vmem_shared>> -> memref<624x128xf32, #tpu.memory_space<vmem_shared>>
      tpu.wait_dma2 semaphore(%run_scoped3A : memref<!tpu.dma_semaphore, #tpu.memory_space<semaphore_mem>>) src(%dma_wait3A_77 : memref<624x128xf32, #tpu.memory_space<vmem_shared>>) dst(%dma_wait3A_75 : memref<624x128xf32, #tpu.memory_space<hbm>>)
      tpu.yield
    }) : () -> ()
    %eq3A_64 = arith.constant 15 : i32
    %eq3A_65 = arith.cmpi eq, %arg1, %eq3A_64 : i32
    %convert_element_type3A_66 = arith.extui %eq3A_65 : i1 to i32
    %cond3A_67 = arith.constant 0 : i32
    %cond3A_68 = arith.cmpi ne, %convert_element_type3A_66, %cond3A_67 : i32
    scf.if %cond3A_68 {
      "tpu.region"() ({
        %run_scoped3A = tpu.sem_alloc : memref<!tpu.dma_semaphore, #tpu.memory_space<semaphore_mem>>
        %dma_start3A_69 = arith.constant 9984 : i32
        %dma_start3A_70 = arith.constant 0 : i32
        %dma_start3A_71 = tpu.memref_slice %arg9[%arg0, %dma_start3A_69, %dma_start3A_70] : memref<2x10000x128xf32, #tpu.memory_space<hbm>> -> memref<1x16x128xf32, #tpu.memory_space<hbm>>
        %dma_start3A_72 = tpu.memref_squeeze %dma_start3A_71 : memref<1x16x128xf32, #tpu.memory_space<hbm>> -> memref<16x128xf32, #tpu.memory_space<hbm>>
        %dma_start3A_73 = arith.constant 9984 : i32
        %dma_start3A_74 = arith.constant 0 : i32
        %dma_start3A_75 = tpu.memref_slice %arg13[%dma_start3A_73, %dma_start3A_74] : memref<10008x128xf32, #tpu.memory_space<vmem_shared>> -> memref<16x128xf32, #tpu.memory_space<vmem_shared>>
        tpu.enqueue_dma source(%dma_start3A_75 : memref<16x128xf32, #tpu.memory_space<vmem_shared>>) target(%dma_start3A_72 : memref<16x128xf32, #tpu.memory_space<hbm>>) target_semaphore(%run_scoped3A : memref<!tpu.dma_semaphore, #tpu.memory_space<semaphore_mem>>)
        %dma_wait3A = arith.constant 9984 : i32
        %dma_wait3A_76 = arith.constant 0 : i32
        %dma_wait3A_77 = tpu.memref_slice %arg9[%arg0, %dma_wait3A, %dma_wait3A_76] : memref<2x10000x128xf32, #tpu.memory_space<hbm>> -> memref<1x16x128xf32, #tpu.memory_space<hbm>>
        %dma_wait3A_78 = tpu.memref_squeeze %dma_wait3A_77 : memref<1x16x128xf32, #tpu.memory_space<hbm>> -> memref<16x128xf32, #tpu.memory_space<hbm>>
        %dma_wait3A_79 = arith.constant 9984 : i32
        %dma_wait3A_80 = arith.constant 0 : i32
        %dma_wait3A_81 = tpu.memref_slice %arg13[%dma_wait3A_79, %dma_wait3A_80] : memref<10008x128xf32, #tpu.memory_space<vmem_shared>> -> memref<16x128xf32, #tpu.memory_space<vmem_shared>>
        tpu.wait_dma2 semaphore(%run_scoped3A : memref<!tpu.dma_semaphore, #tpu.memory_space<semaphore_mem>>) src(%dma_wait3A_81 : memref<16x128xf32, #tpu.memory_space<vmem_shared>>) dst(%dma_wait3A_78 : memref<16x128xf32, #tpu.memory_space<hbm>>)
        tpu.yield
      }) : () -> ()
    } else {
    }
    return
  }
}

module attributes {stable_mosaic.version = 14 : i64} {
  func.func @body(%arg0: i32, %arg1: memref<1000x128xf32, #tpu.memory_space<vmem>>, %arg2: memref<128x128xf32, #tpu.memory_space<vmem>>, %arg3: memref<128x128xf32, #tpu.memory_space<vmem>>, %arg4: memref<1x128xf32, #tpu.memory_space<vmem>>, %arg5: memref<1000x128xf32, #tpu.memory_space<vmem>>, %arg6: memref<1000x128xf32, #tpu.memory_space<vmem>>, %arg7: memref<1000x128xf32, #tpu.memory_space<vmem>>, %arg8: memref<1000x128xf32, #tpu.memory_space<vmem>>, %arg9: memref<1000x128xf32, #tpu.memory_space<vmem>>) attributes {dimension_semantics = [#tpu.dimension_semantics<arbitrary>], iteration_bounds = array<i64: 10>, scalar_prefetch = 0 : i64, scratch_operands = 0 : i64, tpu.core_type = #tpu.core_type<tc>, window_params = [{transform_indices = @transform_0, window_bounds = array<i64: 1000, 128>}, {pipeline_mode = #tpu.pipeline_mode<synchronous>, transform_indices = @transform_1, window_bounds = array<i64: 128, 128>}, {pipeline_mode = #tpu.pipeline_mode<synchronous>, transform_indices = @transform_2, window_bounds = array<i64: 128, 128>}, {pipeline_mode = #tpu.pipeline_mode<synchronous>, transform_indices = @transform_3, window_bounds = array<i64: 1, 128>}, {transform_indices = @transform_4, window_bounds = array<i64: 1000, 128>}, {transform_indices = @transform_5, window_bounds = array<i64: 1000, 128>}, {transform_indices = @transform_6, window_bounds = array<i64: 1000, 128>}, {transform_indices = @transform_7, window_bounds = array<i64: 1000, 128>}, {transform_indices = @transform_8, window_bounds = array<i64: 1000, 128>}]} {
    %get3A = arith.constant 0 : index
    %get3A_0 = arith.constant 0 : index
    %get3A_1 = vector.load %arg1[%get3A, %get3A_0] : memref<1000x128xf32, #tpu.memory_space<vmem>>, vector<1000x128xf32>
    %get3A_2 = arith.constant 0 : index
    %get3A_3 = arith.constant 0 : index
    %get3A_4 = vector.load %arg2[%get3A_2, %get3A_3] : memref<128x128xf32, #tpu.memory_space<vmem>>, vector<128x128xf32>
    %dot_general3A = arith.constant dense<0.000000e+00> : vector<1000x128xf32>
    %dot_general3A_5 = tpu.matmul %get3A_1, %get3A_4, %dot_general3A {dimension_numbers = #tpu.dot_dimension_numbers<[1], [0], [0], [1], [0, 0, 1, 1], [], []>, precision = #tpu.contract_precision<fp32>, transpose_lhs_hint = false} : vector<1000x128xf32>, vector<128x128xf32>, vector<1000x128xf32> -> vector<1000x128xf32>
    %swap3A = arith.constant 0 : index
    %swap3A_6 = arith.constant 0 : index
    %swap3A_7 = vector.load %arg5[%swap3A, %swap3A_6] : memref<1000x128xf32, #tpu.memory_space<vmem>>, vector<1000x128xf32>
    tpu.vector_store %arg5[%swap3A, %swap3A_6], %dot_general3A_5 {strides = array<i32>} : memref<1000x128xf32, #tpu.memory_space<vmem>>, vector<1000x128xf32>,
    %swap3A_8 = arith.constant 0 : index
    %swap3A_9 = arith.constant 0 : index
    %swap3A_10 = vector.load %arg6[%swap3A_8, %swap3A_9] : memref<1000x128xf32, #tpu.memory_space<vmem>>, vector<1000x128xf32>
    tpu.vector_store %arg6[%swap3A_8, %swap3A_9], %dot_general3A_5 {strides = array<i32>} : memref<1000x128xf32, #tpu.memory_space<vmem>>, vector<1000x128xf32>,
    %swap3A_11 = arith.constant 0 : index
    %swap3A_12 = arith.constant 0 : index
    %swap3A_13 = vector.load %arg7[%swap3A_11, %swap3A_12] : memref<1000x128xf32, #tpu.memory_space<vmem>>, vector<1000x128xf32>
    tpu.vector_store %arg7[%swap3A_11, %swap3A_12], %dot_general3A_5 {strides = array<i32>} : memref<1000x128xf32, #tpu.memory_space<vmem>>, vector<1000x128xf32>,
    %swap3A_14 = arith.constant 0 : index
    %swap3A_15 = arith.constant 0 : index
    %swap3A_16 = vector.load %arg8[%swap3A_14, %swap3A_15] : memref<1000x128xf32, #tpu.memory_space<vmem>>, vector<1000x128xf32>
    tpu.vector_store %arg8[%swap3A_14, %swap3A_15], %dot_general3A_5 {strides = array<i32>} : memref<1000x128xf32, #tpu.memory_space<vmem>>, vector<1000x128xf32>,
    %get3A_17 = arith.constant 0 : index
    %get3A_18 = arith.constant 0 : index
    %get3A_19 = vector.load %arg3[%get3A_17, %get3A_18] : memref<128x128xf32, #tpu.memory_space<vmem>>, vector<128x128xf32>
    %dot_general3A_20 = arith.constant dense<0.000000e+00> : vector<1000x128xf32>
    %dot_general3A_21 = tpu.matmul %get3A_1, %get3A_19, %dot_general3A_20 {dimension_numbers = #tpu.dot_dimension_numbers<[1], [0], [0], [1], [0, 0, 1, 1], [], []>, precision = #tpu.contract_precision<fp32>, transpose_lhs_hint = false} : vector<1000x128xf32>, vector<128x128xf32>, vector<1000x128xf32> -> vector<1000x128xf32>
    %get3A_22 = arith.constant 0 : index
    %get3A_23 = arith.constant 0 : index
    %get3A_24 = vector.load %arg4[%get3A_22, %get3A_23] : memref<1x128xf32, #tpu.memory_space<vmem>>, vector<1x128xf32>
    %add3A = vector.broadcast %get3A_24 : vector<1x128xf32> to vector<1000x128xf32>
    %add3A_25 = arith.addf %dot_general3A_21, %add3A : vector<1000x128xf32>
    %swap3A_26 = arith.constant 0 : index
    %swap3A_27 = arith.constant 0 : index
    %swap3A_28 = vector.load %arg9[%swap3A_26, %swap3A_27] : memref<1000x128xf32, #tpu.memory_space<vmem>>, vector<1000x128xf32>
    tpu.vector_store %arg9[%swap3A_26, %swap3A_27], %add3A_25 {strides = array<i32>} : memref<1000x128xf32, #tpu.memory_space<vmem>>, vector<1000x128xf32>,
    return
  }
  func.func @transform_0(%arg0: i32) -> (i32, i32) {
    %c0_i32 = arith.constant 0 : i32
    %c0_i32_0 = arith.constant 0 : i32
    return %arg0, %c0_i32 : i32, i32
  }
  func.func @transform_1(%arg0: i32) -> (i32, i32) {
    %c0_i32 = arith.constant 0 : i32
    %c0_i32_0 = arith.constant 0 : i32
    %c0_i32_1 = arith.constant 0 : i32
    return %c0_i32, %c0_i32_0 : i32, i32
  }
  func.func @transform_2(%arg0: i32) -> (i32, i32) {
    %c0_i32 = arith.constant 0 : i32
    %c0_i32_0 = arith.constant 0 : i32
    %c0_i32_1 = arith.constant 0 : i32
    return %c0_i32, %c0_i32_0 : i32, i32
  }
  func.func @transform_3(%arg0: i32) -> (i32, i32) {
    %c0_i32 = arith.constant 0 : i32
    %c0_i32_0 = arith.constant 0 : i32
    %c0_i32_1 = arith.constant 0 : i32
    return %c0_i32, %c0_i32_0 : i32, i32
  }
  func.func @transform_4(%arg0: i32) -> (i32, i32) {
    %c0_i32 = arith.constant 0 : i32
    %c0_i32_0 = arith.constant 0 : i32
    return %arg0, %c0_i32 : i32, i32
  }
  func.func @transform_5(%arg0: i32) -> (i32, i32) {
    %c0_i32 = arith.constant 0 : i32
    %c0_i32_0 = arith.constant 0 : i32
    return %arg0, %c0_i32 : i32, i32
  }
  func.func @transform_6(%arg0: i32) -> (i32, i32) {
    %c0_i32 = arith.constant 0 : i32
    %c0_i32_0 = arith.constant 0 : i32
    return %arg0, %c0_i32 : i32, i32
  }
  func.func @transform_7(%arg0: i32) -> (i32, i32) {
    %c0_i32 = arith.constant 0 : i32
    %c0_i32_0 = arith.constant 0 : i32
    return %arg0, %c0_i32 : i32, i32
  }
  func.func @transform_8(%arg0: i32) -> (i32, i32) {
    %c0_i32 = arith.constant 0 : i32
    %c0_i32_0 = arith.constant 0 : i32
    return %arg0, %c0_i32 : i32, i32
  }
}

module attributes {stable_mosaic.version = 14 : i64} {
  func.func @body(%arg0: i32, %arg1: memref<1000x128xf32, #tpu.memory_space<vmem>>, %arg2: memref<1000x128xf32, #tpu.memory_space<vmem>>, %arg3: memref<1000x1xf32, #tpu.memory_space<vmem>>, %arg4: memref<1000x1xf32, #tpu.memory_space<vmem>>, %arg5: memref<1000x128xf32, #tpu.memory_space<vmem>>, %arg6: memref<1x128xf32, #tpu.memory_space<vmem>>, %arg7: memref<1x128xf32, #tpu.memory_space<vmem>>, %arg8: memref<128x128xf32, #tpu.memory_space<vmem>>, %arg9: memref<128x128xf32, #tpu.memory_space<vmem>>, %arg10: memref<1x128xf32, #tpu.memory_space<vmem>>, %arg11: memref<1000x128xf32, #tpu.memory_space<vmem>>, %arg12: memref<1000x128xf32, #tpu.memory_space<vmem>>, %arg13: memref<1000x128xf32, #tpu.memory_space<vmem>>, %arg14: memref<1000x128xf32, #tpu.memory_space<vmem>>, %arg15: memref<1000x128xf32, #tpu.memory_space<vmem>>) attributes {dimension_semantics = [#tpu.dimension_semantics<arbitrary>], iteration_bounds = array<i64: 10>, scalar_prefetch = 0 : i64, scratch_operands = 0 : i64, tpu.core_type = #tpu.core_type<tc>, window_params = [{transform_indices = @transform_0, window_bounds = array<i64: 1000, 128>}, {transform_indices = @transform_1, window_bounds = array<i64: 1000, 128>}, {transform_indices = @transform_2, window_bounds = array<i64: 1000, 1>}, {transform_indices = @transform_3, window_bounds = array<i64: 1000, 1>}, {transform_indices = @transform_4, window_bounds = array<i64: 1000, 128>}, {pipeline_mode = #tpu.pipeline_mode<synchronous>, transform_indices = @transform_5, window_bounds = array<i64: 1, 128>}, {pipeline_mode = #tpu.pipeline_mode<synchronous>, transform_indices = @transform_6, window_bounds = array<i64: 1, 128>}, {pipeline_mode = #tpu.pipeline_mode<synchronous>, transform_indices = @transform_7, window_bounds = array<i64: 128, 128>}, {pipeline_mode = #tpu.pipeline_mode<synchronous>, transform_indices = @transform_8, window_bounds = array<i64: 128, 128>}, {pipeline_mode = #tpu.pipeline_mode<synchronous>, transform_indices = @transform_9, window_bounds = array<i64: 1, 128>}, {transform_indices = @transform_10, window_bounds = array<i64: 1000, 128>}, {transform_indices = @transform_11, window_bounds = array<i64: 1000, 128>}, {transform_indices = @transform_12, window_bounds = array<i64: 1000, 128>}, {transform_indices = @transform_13, window_bounds = array<i64: 1000, 128>}, {transform_indices = @transform_14, window_bounds = array<i64: 1000, 128>}]} {
    %get3A = arith.constant 0 : index
    %get3A_0 = arith.constant 0 : index
    %get3A_1 = vector.load %arg3[%get3A, %get3A_0] : memref<1000x1xf32, #tpu.memory_space<vmem>>, vector<1000x1xf32>
    %get3A_2 = arith.constant 0 : index
    %get3A_3 = arith.constant 0 : index
    %get3A_4 = vector.load %arg4[%get3A_2, %get3A_3] : memref<1000x1xf32, #tpu.memory_space<vmem>>, vector<1000x1xf32>
    %add3A = arith.addf %get3A_1, %get3A_4 : vector<1000x1xf32>
    %max3A = arith.constant 1.000000e+00 : f32
    %max3A_5 = vector.broadcast %max3A : f32 to vector<1000x1xf32>
    %max3A_6 = arith.maximumf %add3A, %max3A_5 : vector<1000x1xf32>
    %get3A_7 = arith.constant 0 : index
    %get3A_8 = arith.constant 0 : index
    %get3A_9 = vector.load %arg1[%get3A_7, %get3A_8] : memref<1000x128xf32, #tpu.memory_space<vmem>>, vector<1000x128xf32>
    %get3A_10 = arith.constant 0 : index
    %get3A_11 = arith.constant 0 : index
    %get3A_12 = vector.load %arg2[%get3A_10, %get3A_11] : memref<1000x128xf32, #tpu.memory_space<vmem>>, vector<1000x128xf32>
    %add3A_13 = arith.addf %get3A_9, %get3A_12 : vector<1000x128xf32>
    %div3A = vector.broadcast %max3A_6 : vector<1000x1xf32> to vector<1000x128xf32>
    %div3A_14 = arith.divf %add3A_13, %div3A : vector<1000x128xf32>
    %get3A_15 = arith.constant 0 : index
    %get3A_16 = arith.constant 0 : index
    %get3A_17 = vector.load %arg5[%get3A_15, %get3A_16] : memref<1000x128xf32, #tpu.memory_space<vmem>>, vector<1000x128xf32>
    %add3A_18 = arith.addf %div3A_14, %get3A_17 : vector<1000x128xf32>
    %get3A_19 = arith.constant 0 : index
    %get3A_20 = arith.constant 0 : index
    %get3A_21 = vector.load %arg6[%get3A_19, %get3A_20] : memref<1x128xf32, #tpu.memory_space<vmem>>, vector<1x128xf32>
    %get3A_22 = arith.constant 0 : index
    %get3A_23 = arith.constant 0 : index
    %get3A_24 = vector.load %arg7[%get3A_22, %get3A_23] : memref<1x128xf32, #tpu.memory_space<vmem>>, vector<1x128xf32>
    %reduce_sum3A = arith.constant dense<0.000000e+00> : vector<1000xf32>
    %reduce_sum3A_25 = vector.multi_reduction <add>, %add3A_18, %reduce_sum3A [1] : vector<1000x128xf32> to vector<1000xf32>
    %broadcast_in_dim3A = vector.shape_cast %reduce_sum3A_25 : vector<1000xf32> to vector<1000x1xf32>
    %div3A_26 = arith.constant 1.280000e+02 : f32
    %div3A_27 = vector.broadcast %div3A_26 : f32 to vector<1000x1xf32>
    %div3A_28 = arith.divf %broadcast_in_dim3A, %div3A_27 : vector<1000x1xf32>
    %sub3A = vector.broadcast %div3A_28 : vector<1000x1xf32> to vector<1000x128xf32>
    %sub3A_29 = arith.subf %add3A_18, %sub3A : vector<1000x128xf32>
    %mul3A = arith.mulf %sub3A_29, %sub3A_29 : vector<1000x128xf32>
    %reduce_sum3A_30 = arith.constant dense<0.000000e+00> : vector<1000xf32>
    %reduce_sum3A_31 = vector.multi_reduction <add>, %mul3A, %reduce_sum3A_30 [1] : vector<1000x128xf32> to vector<1000xf32>
    %broadcast_in_dim3A_32 = vector.shape_cast %reduce_sum3A_31 : vector<1000xf32> to vector<1000x1xf32>
    %div3A_33 = arith.constant 1.280000e+02 : f32
    %div3A_34 = vector.broadcast %div3A_33 : f32 to vector<1000x1xf32>
    %div3A_35 = arith.divf %broadcast_in_dim3A_32, %div3A_34 : vector<1000x1xf32>
    %add3A_36 = arith.constant 9.99999974E-6 : f32
    %add3A_37 = vector.broadcast %add3A_36 : f32 to vector<1000x1xf32>
    %add3A_38 = arith.addf %div3A_35, %add3A_37 : vector<1000x1xf32>
    %sqrt3A = math.sqrt %add3A_38 : vector<1000x1xf32>
    %div3A_39 = vector.broadcast %sqrt3A : vector<1000x1xf32> to vector<1000x128xf32>
    %div3A_40 = arith.divf %sub3A_29, %div3A_39 : vector<1000x128xf32>
    %mul3A_41 = vector.broadcast %get3A_21 : vector<1x128xf32> to vector<1000x128xf32>
    %mul3A_42 = arith.mulf %div3A_40, %mul3A_41 : vector<1000x128xf32>
    %add3A_43 = vector.broadcast %get3A_24 : vector<1x128xf32> to vector<1000x128xf32>
    %add3A_44 = arith.addf %mul3A_42, %add3A_43 : vector<1000x128xf32>
    %max3A_45 = arith.constant 0.000000e+00 : f32
    %max3A_46 = vector.broadcast %max3A_45 : f32 to vector<1000x128xf32>
    %max3A_47 = arith.maximumf %add3A_44, %max3A_46 : vector<1000x128xf32>
    %get3A_48 = arith.constant 0 : index
    %get3A_49 = arith.constant 0 : index
    %get3A_50 = vector.load %arg8[%get3A_48, %get3A_49] : memref<128x128xf32, #tpu.memory_space<vmem>>, vector<128x128xf32>
    %dot_general3A = arith.constant dense<0.000000e+00> : vector<1000x128xf32>
    %dot_general3A_51 = tpu.matmul %max3A_47, %get3A_50, %dot_general3A {dimension_numbers = #tpu.dot_dimension_numbers<[1], [0], [0], [1], [0, 0, 1, 1], [], []>, precision = #tpu.contract_precision<fp32>, transpose_lhs_hint = false} : vector<1000x128xf32>, vector<128x128xf32>, vector<1000x128xf32> -> vector<1000x128xf32>
    %swap3A = arith.constant 0 : index
    %swap3A_52 = arith.constant 0 : index
    %swap3A_53 = vector.load %arg11[%swap3A, %swap3A_52] : memref<1000x128xf32, #tpu.memory_space<vmem>>, vector<1000x128xf32>
    tpu.vector_store %arg11[%swap3A, %swap3A_52], %dot_general3A_51 {strides = array<i32>} : memref<1000x128xf32, #tpu.memory_space<vmem>>, vector<1000x128xf32>,
    %swap3A_54 = arith.constant 0 : index
    %swap3A_55 = arith.constant 0 : index
    %swap3A_56 = vector.load %arg12[%swap3A_54, %swap3A_55] : memref<1000x128xf32, #tpu.memory_space<vmem>>, vector<1000x128xf32>
    tpu.vector_store %arg12[%swap3A_54, %swap3A_55], %dot_general3A_51 {strides = array<i32>} : memref<1000x128xf32, #tpu.memory_space<vmem>>, vector<1000x128xf32>,
    %swap3A_57 = arith.constant 0 : index
    %swap3A_58 = arith.constant 0 : index
    %swap3A_59 = vector.load %arg13[%swap3A_57, %swap3A_58] : memref<1000x128xf32, #tpu.memory_space<vmem>>, vector<1000x128xf32>
    tpu.vector_store %arg13[%swap3A_57, %swap3A_58], %dot_general3A_51 {strides = array<i32>} : memref<1000x128xf32, #tpu.memory_space<vmem>>, vector<1000x128xf32>,
    %swap3A_60 = arith.constant 0 : index
    %swap3A_61 = arith.constant 0 : index
    %swap3A_62 = vector.load %arg14[%swap3A_60, %swap3A_61] : memref<1000x128xf32, #tpu.memory_space<vmem>>, vector<1000x128xf32>
    tpu.vector_store %arg14[%swap3A_60, %swap3A_61], %dot_general3A_51 {strides = array<i32>} : memref<1000x128xf32, #tpu.memory_space<vmem>>, vector<1000x128xf32>,
    %get3A_63 = arith.constant 0 : index
    %get3A_64 = arith.constant 0 : index
    %get3A_65 = vector.load %arg9[%get3A_63, %get3A_64] : memref<128x128xf32, #tpu.memory_space<vmem>>, vector<128x128xf32>
    %dot_general3A_66 = arith.constant dense<0.000000e+00> : vector<1000x128xf32>
    %dot_general3A_67 = tpu.matmul %max3A_47, %get3A_65, %dot_general3A_66 {dimension_numbers = #tpu.dot_dimension_numbers<[1], [0], [0], [1], [0, 0, 1, 1], [], []>, precision = #tpu.contract_precision<fp32>, transpose_lhs_hint = false} : vector<1000x128xf32>, vector<128x128xf32>, vector<1000x128xf32> -> vector<1000x128xf32>
    %get3A_68 = arith.constant 0 : index
    %get3A_69 = arith.constant 0 : index
    %get3A_70 = vector.load %arg10[%get3A_68, %get3A_69] : memref<1x128xf32, #tpu.memory_space<vmem>>, vector<1x128xf32>
    %add3A_71 = vector.broadcast %get3A_70 : vector<1x128xf32> to vector<1000x128xf32>
    %add3A_72 = arith.addf %dot_general3A_67, %add3A_71 : vector<1000x128xf32>
    %swap3A_73 = arith.constant 0 : index
    %swap3A_74 = arith.constant 0 : index
    %swap3A_75 = vector.load %arg15[%swap3A_73, %swap3A_74] : memref<1000x128xf32, #tpu.memory_space<vmem>>, vector<1000x128xf32>
    tpu.vector_store %arg15[%swap3A_73, %swap3A_74], %add3A_72 {strides = array<i32>} : memref<1000x128xf32, #tpu.memory_space<vmem>>, vector<1000x128xf32>,
    return
  }
  func.func @transform_0(%arg0: i32) -> (i32, i32) {
    %c0_i32 = arith.constant 0 : i32
    %c0_i32_0 = arith.constant 0 : i32
    return %arg0, %c0_i32 : i32, i32
  }
  func.func @transform_1(%arg0: i32) -> (i32, i32) {
    %c0_i32 = arith.constant 0 : i32
    %c0_i32_0 = arith.constant 0 : i32
    return %arg0, %c0_i32 : i32, i32
  }
  func.func @transform_2(%arg0: i32) -> (i32, i32) {
    %c0_i32 = arith.constant 0 : i32
    %c0_i32_0 = arith.constant 0 : i32
    return %arg0, %c0_i32 : i32, i32
  }
  func.func @transform_3(%arg0: i32) -> (i32, i32) {
    %c0_i32 = arith.constant 0 : i32
    %c0_i32_0 = arith.constant 0 : i32
    return %arg0, %c0_i32 : i32, i32
  }
  func.func @transform_4(%arg0: i32) -> (i32, i32) {
    %c0_i32 = arith.constant 0 : i32
    %c0_i32_0 = arith.constant 0 : i32
    return %arg0, %c0_i32 : i32, i32
  }
  func.func @transform_5(%arg0: i32) -> (i32, i32) {
    %c0_i32 = arith.constant 0 : i32
    %c0_i32_0 = arith.constant 0 : i32
    %c0_i32_1 = arith.constant 0 : i32
    return %c0_i32, %c0_i32_0 : i32, i32
  }
  func.func @transform_6(%arg0: i32) -> (i32, i32) {
    %c0_i32 = arith.constant 0 : i32
    %c0_i32_0 = arith.constant 0 : i32
    %c0_i32_1 = arith.constant 0 : i32
    return %c0_i32, %c0_i32_0 : i32, i32
  }
  func.func @transform_7(%arg0: i32) -> (i32, i32) {
    %c0_i32 = arith.constant 0 : i32
    %c0_i32_0 = arith.constant 0 : i32
    %c0_i32_1 = arith.constant 0 : i32
    return %c0_i32, %c0_i32_0 : i32, i32
  }
  func.func @transform_8(%arg0: i32) -> (i32, i32) {
    %c0_i32 = arith.constant 0 : i32
    %c0_i32_0 = arith.constant 0 : i32
    %c0_i32_1 = arith.constant 0 : i32
    return %c0_i32, %c0_i32_0 : i32, i32
  }
  func.func @transform_9(%arg0: i32) -> (i32, i32) {
    %c0_i32 = arith.constant 0 : i32
    %c0_i32_0 = arith.constant 0 : i32
    %c0_i32_1 = arith.constant 0 : i32
    return %c0_i32, %c0_i32_0 : i32, i32
  }
  func.func @transform_10(%arg0: i32) -> (i32, i32) {
    %c0_i32 = arith.constant 0 : i32
    %c0_i32_0 = arith.constant 0 : i32
    return %arg0, %c0_i32 : i32, i32
  }
  func.func @transform_11(%arg0: i32) -> (i32, i32) {
    %c0_i32 = arith.constant 0 : i32
    %c0_i32_0 = arith.constant 0 : i32
    return %arg0, %c0_i32 : i32, i32
  }
  func.func @transform_12(%arg0: i32) -> (i32, i32) {
    %c0_i32 = arith.constant 0 : i32
    %c0_i32_0 = arith.constant 0 : i32
    return %arg0, %c0_i32 : i32, i32
  }
  func.func @transform_13(%arg0: i32) -> (i32, i32) {
    %c0_i32 = arith.constant 0 : i32
    %c0_i32_0 = arith.constant 0 : i32
    return %arg0, %c0_i32 : i32, i32
  }
  func.func @transform_14(%arg0: i32) -> (i32, i32) {
    %c0_i32 = arith.constant 0 : i32
    %c0_i32_0 = arith.constant 0 : i32
    return %arg0, %c0_i32 : i32, i32
  }
}

module attributes {stable_mosaic.version = 14 : i64} {
  func.func @body(%arg0: i32, %arg1: memref<1000x128xf32, #tpu.memory_space<vmem>>, %arg2: memref<1000x128xf32, #tpu.memory_space<vmem>>, %arg3: memref<1000x1xf32, #tpu.memory_space<vmem>>, %arg4: memref<1000x1xf32, #tpu.memory_space<vmem>>, %arg5: memref<1000x128xf32, #tpu.memory_space<vmem>>, %arg6: memref<1x128xf32, #tpu.memory_space<vmem>>, %arg7: memref<1x128xf32, #tpu.memory_space<vmem>>, %arg8: memref<128x64xf32, #tpu.memory_space<vmem>>, %arg9: memref<128x64xf32, #tpu.memory_space<vmem>>, %arg10: memref<1x64xf32, #tpu.memory_space<vmem>>, %arg11: memref<1000x64xf32, #tpu.memory_space<vmem>>, %arg12: memref<1000x64xf32, #tpu.memory_space<vmem>>, %arg13: memref<1000x64xf32, #tpu.memory_space<vmem>>, %arg14: memref<1000x64xf32, #tpu.memory_space<vmem>>, %arg15: memref<1000x64xf32, #tpu.memory_space<vmem>>) attributes {dimension_semantics = [#tpu.dimension_semantics<arbitrary>], iteration_bounds = array<i64: 10>, scalar_prefetch = 0 : i64, scratch_operands = 0 : i64, tpu.core_type = #tpu.core_type<tc>, window_params = [{transform_indices = @transform_0, window_bounds = array<i64: 1000, 128>}, {transform_indices = @transform_1, window_bounds = array<i64: 1000, 128>}, {transform_indices = @transform_2, window_bounds = array<i64: 1000, 1>}, {transform_indices = @transform_3, window_bounds = array<i64: 1000, 1>}, {transform_indices = @transform_4, window_bounds = array<i64: 1000, 128>}, {pipeline_mode = #tpu.pipeline_mode<synchronous>, transform_indices = @transform_5, window_bounds = array<i64: 1, 128>}, {pipeline_mode = #tpu.pipeline_mode<synchronous>, transform_indices = @transform_6, window_bounds = array<i64: 1, 128>}, {pipeline_mode = #tpu.pipeline_mode<synchronous>, transform_indices = @transform_7, window_bounds = array<i64: 128, 64>}, {pipeline_mode = #tpu.pipeline_mode<synchronous>, transform_indices = @transform_8, window_bounds = array<i64: 128, 64>}, {pipeline_mode = #tpu.pipeline_mode<synchronous>, transform_indices = @transform_9, window_bounds = array<i64: 1, 64>}, {transform_indices = @transform_10, window_bounds = array<i64: 1000, 64>}, {transform_indices = @transform_11, window_bounds = array<i64: 1000, 64>}, {transform_indices = @transform_12, window_bounds = array<i64: 1000, 64>}, {transform_indices = @transform_13, window_bounds = array<i64: 1000, 64>}, {transform_indices = @transform_14, window_bounds = array<i64: 1000, 64>}]} {
    %get3A = arith.constant 0 : index
    %get3A_0 = arith.constant 0 : index
    %get3A_1 = vector.load %arg3[%get3A, %get3A_0] : memref<1000x1xf32, #tpu.memory_space<vmem>>, vector<1000x1xf32>
    %get3A_2 = arith.constant 0 : index
    %get3A_3 = arith.constant 0 : index
    %get3A_4 = vector.load %arg4[%get3A_2, %get3A_3] : memref<1000x1xf32, #tpu.memory_space<vmem>>, vector<1000x1xf32>
    %add3A = arith.addf %get3A_1, %get3A_4 : vector<1000x1xf32>
    %max3A = arith.constant 1.000000e+00 : f32
    %max3A_5 = vector.broadcast %max3A : f32 to vector<1000x1xf32>
    %max3A_6 = arith.maximumf %add3A, %max3A_5 : vector<1000x1xf32>
    %get3A_7 = arith.constant 0 : index
    %get3A_8 = arith.constant 0 : index
    %get3A_9 = vector.load %arg1[%get3A_7, %get3A_8] : memref<1000x128xf32, #tpu.memory_space<vmem>>, vector<1000x128xf32>
    %get3A_10 = arith.constant 0 : index
    %get3A_11 = arith.constant 0 : index
    %get3A_12 = vector.load %arg2[%get3A_10, %get3A_11] : memref<1000x128xf32, #tpu.memory_space<vmem>>, vector<1000x128xf32>
    %add3A_13 = arith.addf %get3A_9, %get3A_12 : vector<1000x128xf32>
    %div3A = vector.broadcast %max3A_6 : vector<1000x1xf32> to vector<1000x128xf32>
    %div3A_14 = arith.divf %add3A_13, %div3A : vector<1000x128xf32>
    %get3A_15 = arith.constant 0 : index
    %get3A_16 = arith.constant 0 : index
    %get3A_17 = vector.load %arg5[%get3A_15, %get3A_16] : memref<1000x128xf32, #tpu.memory_space<vmem>>, vector<1000x128xf32>
    %add3A_18 = arith.addf %div3A_14, %get3A_17 : vector<1000x128xf32>
    %get3A_19 = arith.constant 0 : index
    %get3A_20 = arith.constant 0 : index
    %get3A_21 = vector.load %arg6[%get3A_19, %get3A_20] : memref<1x128xf32, #tpu.memory_space<vmem>>, vector<1x128xf32>
    %get3A_22 = arith.constant 0 : index
    %get3A_23 = arith.constant 0 : index
    %get3A_24 = vector.load %arg7[%get3A_22, %get3A_23] : memref<1x128xf32, #tpu.memory_space<vmem>>, vector<1x128xf32>
    %reduce_sum3A = arith.constant dense<0.000000e+00> : vector<1000xf32>
    %reduce_sum3A_25 = vector.multi_reduction <add>, %add3A_18, %reduce_sum3A [1] : vector<1000x128xf32> to vector<1000xf32>
    %broadcast_in_dim3A = vector.shape_cast %reduce_sum3A_25 : vector<1000xf32> to vector<1000x1xf32>
    %div3A_26 = arith.constant 1.280000e+02 : f32
    %div3A_27 = vector.broadcast %div3A_26 : f32 to vector<1000x1xf32>
    %div3A_28 = arith.divf %broadcast_in_dim3A, %div3A_27 : vector<1000x1xf32>
    %sub3A = vector.broadcast %div3A_28 : vector<1000x1xf32> to vector<1000x128xf32>
    %sub3A_29 = arith.subf %add3A_18, %sub3A : vector<1000x128xf32>
    %mul3A = arith.mulf %sub3A_29, %sub3A_29 : vector<1000x128xf32>
    %reduce_sum3A_30 = arith.constant dense<0.000000e+00> : vector<1000xf32>
    %reduce_sum3A_31 = vector.multi_reduction <add>, %mul3A, %reduce_sum3A_30 [1] : vector<1000x128xf32> to vector<1000xf32>
    %broadcast_in_dim3A_32 = vector.shape_cast %reduce_sum3A_31 : vector<1000xf32> to vector<1000x1xf32>
    %div3A_33 = arith.constant 1.280000e+02 : f32
    %div3A_34 = vector.broadcast %div3A_33 : f32 to vector<1000x1xf32>
    %div3A_35 = arith.divf %broadcast_in_dim3A_32, %div3A_34 : vector<1000x1xf32>
    %add3A_36 = arith.constant 9.99999974E-6 : f32
    %add3A_37 = vector.broadcast %add3A_36 : f32 to vector<1000x1xf32>
    %add3A_38 = arith.addf %div3A_35, %add3A_37 : vector<1000x1xf32>
    %sqrt3A = math.sqrt %add3A_38 : vector<1000x1xf32>
    %div3A_39 = vector.broadcast %sqrt3A : vector<1000x1xf32> to vector<1000x128xf32>
    %div3A_40 = arith.divf %sub3A_29, %div3A_39 : vector<1000x128xf32>
    %mul3A_41 = vector.broadcast %get3A_21 : vector<1x128xf32> to vector<1000x128xf32>
    %mul3A_42 = arith.mulf %div3A_40, %mul3A_41 : vector<1000x128xf32>
    %add3A_43 = vector.broadcast %get3A_24 : vector<1x128xf32> to vector<1000x128xf32>
    %add3A_44 = arith.addf %mul3A_42, %add3A_43 : vector<1000x128xf32>
    %max3A_45 = arith.constant 0.000000e+00 : f32
    %max3A_46 = vector.broadcast %max3A_45 : f32 to vector<1000x128xf32>
    %max3A_47 = arith.maximumf %add3A_44, %max3A_46 : vector<1000x128xf32>
    %get3A_48 = arith.constant 0 : index
    %get3A_49 = arith.constant 0 : index
    %get3A_50 = vector.load %arg8[%get3A_48, %get3A_49] : memref<128x64xf32, #tpu.memory_space<vmem>>, vector<128x64xf32>
    %dot_general3A = arith.constant dense<0.000000e+00> : vector<1000x64xf32>
    %dot_general3A_51 = tpu.matmul %max3A_47, %get3A_50, %dot_general3A {dimension_numbers = #tpu.dot_dimension_numbers<[1], [0], [0], [1], [0, 0, 1, 1], [], []>, precision = #tpu.contract_precision<fp32>, transpose_lhs_hint = false} : vector<1000x128xf32>, vector<128x64xf32>, vector<1000x64xf32> -> vector<1000x64xf32>
    %swap3A = arith.constant 0 : index
    %swap3A_52 = arith.constant 0 : index
    %swap3A_53 = vector.load %arg11[%swap3A, %swap3A_52] : memref<1000x64xf32, #tpu.memory_space<vmem>>, vector<1000x64xf32>
    tpu.vector_store %arg11[%swap3A, %swap3A_52], %dot_general3A_51 {strides = array<i32>} : memref<1000x64xf32, #tpu.memory_space<vmem>>, vector<1000x64xf32>,
    %swap3A_54 = arith.constant 0 : index
    %swap3A_55 = arith.constant 0 : index
    %swap3A_56 = vector.load %arg12[%swap3A_54, %swap3A_55] : memref<1000x64xf32, #tpu.memory_space<vmem>>, vector<1000x64xf32>
    tpu.vector_store %arg12[%swap3A_54, %swap3A_55], %dot_general3A_51 {strides = array<i32>} : memref<1000x64xf32, #tpu.memory_space<vmem>>, vector<1000x64xf32>,
    %swap3A_57 = arith.constant 0 : index
    %swap3A_58 = arith.constant 0 : index
    %swap3A_59 = vector.load %arg13[%swap3A_57, %swap3A_58] : memref<1000x64xf32, #tpu.memory_space<vmem>>, vector<1000x64xf32>
    tpu.vector_store %arg13[%swap3A_57, %swap3A_58], %dot_general3A_51 {strides = array<i32>} : memref<1000x64xf32, #tpu.memory_space<vmem>>, vector<1000x64xf32>,
    %swap3A_60 = arith.constant 0 : index
    %swap3A_61 = arith.constant 0 : index
    %swap3A_62 = vector.load %arg14[%swap3A_60, %swap3A_61] : memref<1000x64xf32, #tpu.memory_space<vmem>>, vector<1000x64xf32>
    tpu.vector_store %arg14[%swap3A_60, %swap3A_61], %dot_general3A_51 {strides = array<i32>} : memref<1000x64xf32, #tpu.memory_space<vmem>>, vector<1000x64xf32>,
    %get3A_63 = arith.constant 0 : index
    %get3A_64 = arith.constant 0 : index
    %get3A_65 = vector.load %arg9[%get3A_63, %get3A_64] : memref<128x64xf32, #tpu.memory_space<vmem>>, vector<128x64xf32>
    %dot_general3A_66 = arith.constant dense<0.000000e+00> : vector<1000x64xf32>
    %dot_general3A_67 = tpu.matmul %max3A_47, %get3A_65, %dot_general3A_66 {dimension_numbers = #tpu.dot_dimension_numbers<[1], [0], [0], [1], [0, 0, 1, 1], [], []>, precision = #tpu.contract_precision<fp32>, transpose_lhs_hint = false} : vector<1000x128xf32>, vector<128x64xf32>, vector<1000x64xf32> -> vector<1000x64xf32>
    %get3A_68 = arith.constant 0 : index
    %get3A_69 = arith.constant 0 : index
    %get3A_70 = vector.load %arg10[%get3A_68, %get3A_69] : memref<1x64xf32, #tpu.memory_space<vmem>>, vector<1x64xf32>
    %add3A_71 = vector.broadcast %get3A_70 : vector<1x64xf32> to vector<1000x64xf32>
    %add3A_72 = arith.addf %dot_general3A_67, %add3A_71 : vector<1000x64xf32>
    %swap3A_73 = arith.constant 0 : index
    %swap3A_74 = arith.constant 0 : index
    %swap3A_75 = vector.load %arg15[%swap3A_73, %swap3A_74] : memref<1000x64xf32, #tpu.memory_space<vmem>>, vector<1000x64xf32>
    tpu.vector_store %arg15[%swap3A_73, %swap3A_74], %add3A_72 {strides = array<i32>} : memref<1000x64xf32, #tpu.memory_space<vmem>>, vector<1000x64xf32>,
    return
  }
  func.func @transform_0(%arg0: i32) -> (i32, i32) {
    %c0_i32 = arith.constant 0 : i32
    %c0_i32_0 = arith.constant 0 : i32
    return %arg0, %c0_i32 : i32, i32
  }
  func.func @transform_1(%arg0: i32) -> (i32, i32) {
    %c0_i32 = arith.constant 0 : i32
    %c0_i32_0 = arith.constant 0 : i32
    return %arg0, %c0_i32 : i32, i32
  }
  func.func @transform_2(%arg0: i32) -> (i32, i32) {
    %c0_i32 = arith.constant 0 : i32
    %c0_i32_0 = arith.constant 0 : i32
    return %arg0, %c0_i32 : i32, i32
  }
  func.func @transform_3(%arg0: i32) -> (i32, i32) {
    %c0_i32 = arith.constant 0 : i32
    %c0_i32_0 = arith.constant 0 : i32
    return %arg0, %c0_i32 : i32, i32
  }
  func.func @transform_4(%arg0: i32) -> (i32, i32) {
    %c0_i32 = arith.constant 0 : i32
    %c0_i32_0 = arith.constant 0 : i32
    return %arg0, %c0_i32 : i32, i32
  }
  func.func @transform_5(%arg0: i32) -> (i32, i32) {
    %c0_i32 = arith.constant 0 : i32
    %c0_i32_0 = arith.constant 0 : i32
    %c0_i32_1 = arith.constant 0 : i32
    return %c0_i32, %c0_i32_0 : i32, i32
  }
  func.func @transform_6(%arg0: i32) -> (i32, i32) {
    %c0_i32 = arith.constant 0 : i32
    %c0_i32_0 = arith.constant 0 : i32
    %c0_i32_1 = arith.constant 0 : i32
    return %c0_i32, %c0_i32_0 : i32, i32
  }
  func.func @transform_7(%arg0: i32) -> (i32, i32) {
    %c0_i32 = arith.constant 0 : i32
    %c0_i32_0 = arith.constant 0 : i32
    %c0_i32_1 = arith.constant 0 : i32
    return %c0_i32, %c0_i32_0 : i32, i32
  }
  func.func @transform_8(%arg0: i32) -> (i32, i32) {
    %c0_i32 = arith.constant 0 : i32
    %c0_i32_0 = arith.constant 0 : i32
    %c0_i32_1 = arith.constant 0 : i32
    return %c0_i32, %c0_i32_0 : i32, i32
  }
  func.func @transform_9(%arg0: i32) -> (i32, i32) {
    %c0_i32 = arith.constant 0 : i32
    %c0_i32_0 = arith.constant 0 : i32
    %c0_i32_1 = arith.constant 0 : i32
    return %c0_i32, %c0_i32_0 : i32, i32
  }
  func.func @transform_10(%arg0: i32) -> (i32, i32) {
    %c0_i32 = arith.constant 0 : i32
    %c0_i32_0 = arith.constant 0 : i32
    return %arg0, %c0_i32 : i32, i32
  }
  func.func @transform_11(%arg0: i32) -> (i32, i32) {
    %c0_i32 = arith.constant 0 : i32
    %c0_i32_0 = arith.constant 0 : i32
    return %arg0, %c0_i32 : i32, i32
  }
  func.func @transform_12(%arg0: i32) -> (i32, i32) {
    %c0_i32 = arith.constant 0 : i32
    %c0_i32_0 = arith.constant 0 : i32
    return %arg0, %c0_i32 : i32, i32
  }
  func.func @transform_13(%arg0: i32) -> (i32, i32) {
    %c0_i32 = arith.constant 0 : i32
    %c0_i32_0 = arith.constant 0 : i32
    return %arg0, %c0_i32 : i32, i32
  }
  func.func @transform_14(%arg0: i32) -> (i32, i32) {
    %c0_i32 = arith.constant 0 : i32
    %c0_i32_0 = arith.constant 0 : i32
    return %arg0, %c0_i32 : i32, i32
  }
}

module attributes {stable_mosaic.version = 14 : i64} {
  func.func @body(%arg0: i32, %arg1: memref<1000x64xf32, #tpu.memory_space<vmem>>, %arg2: memref<1000x64xf32, #tpu.memory_space<vmem>>, %arg3: memref<1000x1xf32, #tpu.memory_space<vmem>>, %arg4: memref<1000x1xf32, #tpu.memory_space<vmem>>, %arg5: memref<1000x64xf32, #tpu.memory_space<vmem>>, %arg6: memref<1x64xf32, #tpu.memory_space<vmem>>, %arg7: memref<1x64xf32, #tpu.memory_space<vmem>>, %arg8: memref<1000x64xf32, #tpu.memory_space<vmem>>) attributes {dimension_semantics = [#tpu.dimension_semantics<arbitrary>], iteration_bounds = array<i64: 10>, scalar_prefetch = 0 : i64, scratch_operands = 0 : i64, tpu.core_type = #tpu.core_type<tc>, window_params = [{transform_indices = @transform_0, window_bounds = array<i64: 1000, 64>}, {transform_indices = @transform_1, window_bounds = array<i64: 1000, 64>}, {transform_indices = @transform_2, window_bounds = array<i64: 1000, 1>}, {transform_indices = @transform_3, window_bounds = array<i64: 1000, 1>}, {transform_indices = @transform_4, window_bounds = array<i64: 1000, 64>}, {pipeline_mode = #tpu.pipeline_mode<synchronous>, transform_indices = @transform_5, window_bounds = array<i64: 1, 64>}, {pipeline_mode = #tpu.pipeline_mode<synchronous>, transform_indices = @transform_6, window_bounds = array<i64: 1, 64>}, {transform_indices = @transform_7, window_bounds = array<i64: 1000, 64>}]} {
    %get3A = arith.constant 0 : index
    %get3A_0 = arith.constant 0 : index
    %get3A_1 = vector.load %arg3[%get3A, %get3A_0] : memref<1000x1xf32, #tpu.memory_space<vmem>>, vector<1000x1xf32>
    %get3A_2 = arith.constant 0 : index
    %get3A_3 = arith.constant 0 : index
    %get3A_4 = vector.load %arg4[%get3A_2, %get3A_3] : memref<1000x1xf32, #tpu.memory_space<vmem>>, vector<1000x1xf32>
    %add3A = arith.addf %get3A_1, %get3A_4 : vector<1000x1xf32>
    %max3A = arith.constant 1.000000e+00 : f32
    %max3A_5 = vector.broadcast %max3A : f32 to vector<1000x1xf32>
    %max3A_6 = arith.maximumf %add3A, %max3A_5 : vector<1000x1xf32>
    %get3A_7 = arith.constant 0 : index
    %get3A_8 = arith.constant 0 : index
    %get3A_9 = vector.load %arg1[%get3A_7, %get3A_8] : memref<1000x64xf32, #tpu.memory_space<vmem>>, vector<1000x64xf32>
    %get3A_10 = arith.constant 0 : index
    %get3A_11 = arith.constant 0 : index
    %get3A_12 = vector.load %arg2[%get3A_10, %get3A_11] : memref<1000x64xf32, #tpu.memory_space<vmem>>, vector<1000x64xf32>
    %add3A_13 = arith.addf %get3A_9, %get3A_12 : vector<1000x64xf32>
    %div3A = vector.broadcast %max3A_6 : vector<1000x1xf32> to vector<1000x64xf32>
    %div3A_14 = arith.divf %add3A_13, %div3A : vector<1000x64xf32>
    %get3A_15 = arith.constant 0 : index
    %get3A_16 = arith.constant 0 : index
    %get3A_17 = vector.load %arg5[%get3A_15, %get3A_16] : memref<1000x64xf32, #tpu.memory_space<vmem>>, vector<1000x64xf32>
    %add3A_18 = arith.addf %div3A_14, %get3A_17 : vector<1000x64xf32>
    %get3A_19 = arith.constant 0 : index
    %get3A_20 = arith.constant 0 : index
    %get3A_21 = vector.load %arg6[%get3A_19, %get3A_20] : memref<1x64xf32, #tpu.memory_space<vmem>>, vector<1x64xf32>
    %get3A_22 = arith.constant 0 : index
    %get3A_23 = arith.constant 0 : index
    %get3A_24 = vector.load %arg7[%get3A_22, %get3A_23] : memref<1x64xf32, #tpu.memory_space<vmem>>, vector<1x64xf32>
    %reduce_sum3A = arith.constant dense<0.000000e+00> : vector<1000xf32>
    %reduce_sum3A_25 = vector.multi_reduction <add>, %add3A_18, %reduce_sum3A [1] : vector<1000x64xf32> to vector<1000xf32>
    %broadcast_in_dim3A = vector.shape_cast %reduce_sum3A_25 : vector<1000xf32> to vector<1000x1xf32>
    %div3A_26 = arith.constant 6.400000e+01 : f32
    %div3A_27 = vector.broadcast %div3A_26 : f32 to vector<1000x1xf32>
    %div3A_28 = arith.divf %broadcast_in_dim3A, %div3A_27 : vector<1000x1xf32>
    %sub3A = vector.broadcast %div3A_28 : vector<1000x1xf32> to vector<1000x64xf32>
    %sub3A_29 = arith.subf %add3A_18, %sub3A : vector<1000x64xf32>
    %mul3A = arith.mulf %sub3A_29, %sub3A_29 : vector<1000x64xf32>
    %reduce_sum3A_30 = arith.constant dense<0.000000e+00> : vector<1000xf32>
    %reduce_sum3A_31 = vector.multi_reduction <add>, %mul3A, %reduce_sum3A_30 [1] : vector<1000x64xf32> to vector<1000xf32>
    %broadcast_in_dim3A_32 = vector.shape_cast %reduce_sum3A_31 : vector<1000xf32> to vector<1000x1xf32>
    %div3A_33 = arith.constant 6.400000e+01 : f32
    %div3A_34 = vector.broadcast %div3A_33 : f32 to vector<1000x1xf32>
    %div3A_35 = arith.divf %broadcast_in_dim3A_32, %div3A_34 : vector<1000x1xf32>
    %add3A_36 = arith.constant 9.99999974E-6 : f32
    %add3A_37 = vector.broadcast %add3A_36 : f32 to vector<1000x1xf32>
    %add3A_38 = arith.addf %div3A_35, %add3A_37 : vector<1000x1xf32>
    %sqrt3A = math.sqrt %add3A_38 : vector<1000x1xf32>
    %div3A_39 = vector.broadcast %sqrt3A : vector<1000x1xf32> to vector<1000x64xf32>
    %div3A_40 = arith.divf %sub3A_29, %div3A_39 : vector<1000x64xf32>
    %mul3A_41 = vector.broadcast %get3A_21 : vector<1x64xf32> to vector<1000x64xf32>
    %mul3A_42 = arith.mulf %div3A_40, %mul3A_41 : vector<1000x64xf32>
    %add3A_43 = vector.broadcast %get3A_24 : vector<1x64xf32> to vector<1000x64xf32>
    %add3A_44 = arith.addf %mul3A_42, %add3A_43 : vector<1000x64xf32>
    %mul3A_45 = arith.mulf %add3A_44, %add3A_44 : vector<1000x64xf32>
    %reduce_sum3A_46 = arith.constant dense<0.000000e+00> : vector<1000xf32>
    %reduce_sum3A_47 = vector.multi_reduction <add>, %mul3A_45, %reduce_sum3A_46 [1] : vector<1000x64xf32> to vector<1000xf32>
    %broadcast_in_dim3A_48 = vector.shape_cast %reduce_sum3A_47 : vector<1000xf32> to vector<1000x1xf32>
    %sqrt3A_49 = math.sqrt %broadcast_in_dim3A_48 : vector<1000x1xf32>
    %max3A_50 = arith.constant 9.99999996E-13 : f32
    %max3A_51 = vector.broadcast %max3A_50 : f32 to vector<1000x1xf32>
    %max3A_52 = arith.maximumf %sqrt3A_49, %max3A_51 : vector<1000x1xf32>
    %div3A_53 = vector.broadcast %max3A_52 : vector<1000x1xf32> to vector<1000x64xf32>
    %div3A_54 = arith.divf %add3A_44, %div3A_53 : vector<1000x64xf32>
    %swap3A = arith.constant 0 : index
    %swap3A_55 = arith.constant 0 : index
    %swap3A_56 = vector.load %arg8[%swap3A, %swap3A_55] : memref<1000x64xf32, #tpu.memory_space<vmem>>, vector<1000x64xf32>
    tpu.vector_store %arg8[%swap3A, %swap3A_55], %div3A_54 {strides = array<i32>} : memref<1000x64xf32, #tpu.memory_space<vmem>>, vector<1000x64xf32>,
    return
  }
  func.func @transform_0(%arg0: i32) -> (i32, i32) {
    %c0_i32 = arith.constant 0 : i32
    %c0_i32_0 = arith.constant 0 : i32
    return %arg0, %c0_i32 : i32, i32
  }
  func.func @transform_1(%arg0: i32) -> (i32, i32) {
    %c0_i32 = arith.constant 0 : i32
    %c0_i32_0 = arith.constant 0 : i32
    return %arg0, %c0_i32 : i32, i32
  }
  func.func @transform_2(%arg0: i32) -> (i32, i32) {
    %c0_i32 = arith.constant 0 : i32
    %c0_i32_0 = arith.constant 0 : i32
    return %arg0, %c0_i32 : i32, i32
  }
  func.func @transform_3(%arg0: i32) -> (i32, i32) {
    %c0_i32 = arith.constant 0 : i32
    %c0_i32_0 = arith.constant 0 : i32
    return %arg0, %c0_i32 : i32, i32
  }
  func.func @transform_4(%arg0: i32) -> (i32, i32) {
    %c0_i32 = arith.constant 0 : i32
    %c0_i32_0 = arith.constant 0 : i32
    return %arg0, %c0_i32 : i32, i32
  }
  func.func @transform_5(%arg0: i32) -> (i32, i32) {
    %c0_i32 = arith.constant 0 : i32
    %c0_i32_0 = arith.constant 0 : i32
    %c0_i32_1 = arith.constant 0 : i32
    return %c0_i32, %c0_i32_0 : i32, i32
  }
  func.func @transform_6(%arg0: i32) -> (i32, i32) {
    %c0_i32 = arith.constant 0 : i32
    %c0_i32_0 = arith.constant 0 : i32
    %c0_i32_1 = arith.constant 0 : i32
    return %c0_i32, %c0_i32_0 : i32, i32
  }
  func.func @transform_7(%arg0: i32) -> (i32, i32) {
    %c0_i32 = arith.constant 0 : i32
    %c0_i32_0 = arith.constant 0 : i32
    return %arg0, %c0_i32 : i32, i32
  }
}

</mosaic_0001>

<sc_bundles>
// kernel: kernel.10.cloned.1.call-start
scs
__scs_entry_jumppad:
0x0: {  	(pc) =	sbr.rel $0x88, $3  }
0x1: {  	(tag) =	ssettag $0x0;
	lr =	simm.s32 $0x1  }
0x2: {  	[smem:$0x3F90] =	sst lr;
	_ =	strace $0xD0000000  }
0x3: {  	_ = 	snop  }
0x4: {  	_ = 	snop  }
0x5: {  	_ = 	snop  }
0x6: {  	_ = 	snop  }
0x7: {  	_ = 	snop  }
__scs_overlays_trampoline_lowered:
0x8: {  	[smem:$0x3F9F] =	sst s0  }
0x9: {  	[smem:$0x3FA0] =	sst s1  }
0xa: {  	[smem:$0x3FA1] =	sst s2  }
0xb: {  	[smem:$0x3FA2] =	sst s3  }
0xc: {  	[smem:$0x3FA3] =	sst s4  }
0xd: {  	[smem:$0x3FA4] =	sst s5  }
0xe: {  	[smem:$0x3FA5] =	sst s6  }
0xf: {  	[smem:$0x3FA6] =	sst s7  }
0x10: {  	[smem:$0x3FA7] =	sst s8  }
0x11: {  	[smem:$0x3FA8] =	sst s9;
	s0 =	simm.s32 @!p0 $0x0  }
0x12: {  	s1 =	sld [smem:$0x3F8E];
	s0 =	simm.s32 @p0 $0x1  }
0x13: {  	[smem:$0x3FA9] =	sst s0;
	s0 =	simm.s32 @!p1 $0x0  }
0x14: {  	s2 =	sld [smem:$0x3F8D];
	s0 =	simm.s32 @p1 $0x1  }
0x15: {  	[smem:$0x3FAA] =	sst s0;
	s0 =	simm.s32 @!p2 $0x0  }
0x16: {  	s3 =	sld [smem:$0x3FDB];
	s0 =	simm.s32 @p2 $0x1  }
0x17: {  	s4 =	simm.s32 $0x1BF5;
	[smem:$0x3FAC] =	sst s0  }
0x18: {  	s0 =	sld [smem:$0x3F8F];
	_ =	swait.ge [sflag:s4], $0x0  }
0x19: {  	s7 =	sld [smem:$0x3F90]  }
0x1a: {  	s8 =	sadd.s32 $0xFFFFE003, lr  }
0x1b: {  	s9 =	sadd.s32 $0xFFFFFEF7, lr;
	s5 =	simm.s32 $0xFFFFFFFF;
	p2 =	slt.u32 s8, $0xFFFFF086  }
0x1c: {  	p1 =	slt.u32 s9, $0xF7A;
	s5 =	simm.s32 @!p2 $0x0  }
0x1d: {  	s5 =	simm.s32 @p1 $0x1;
	p0 =	seq.s32 s7, s2  }
0x1e: {  	s7 =	smul.u32 @!p0 $0xF7A, s2;
	p2 =	seq.s32 @!p0 s5, $0x0  }
0x1f: {  	s9 =	smul.u32 $0xF7A, s1;
	s8 =	simm.s32 @!p0 $0x1BF5;
	p2 =	por !p2, p0  }
0x20: {  	[sflag:s8] =	ssyncset.s32 @!p0 $0xFFFFF086;
	s6 =	sadd.s32 @!p0 s3, s7;
	s7 =	simm.s32 @!p0 $0x108  }
0x21: {  	s3 =	sadd.s32 s3, s9;
	s6 =	sadd.s32 @!p0 $0x88, s6;
	s7 =	simm.s32 @p2 $0x1082  }
0x22: {  	[simem:s7], [sflag:s8] =	dma.local @!p0 [hbm:s6], $0xF7A  }
0x23: {  	s9 =	sor.u32 $0xD0000000, s2;
	s6 =	simm.s32 $0x108;
	_ =	swait.ge @!p0 [sflag:s8], $0x0  }
0x24: {  	s3 =	sadd.s32 $0x88, s3;
	s6 =	simm.s32 @!p1 $0x1082;
	[sflag:s4] =	ssyncset.s32 $0xFFFFF086  }
0x25: {  	[simem:s6], [sflag:s4] =	dma.local [hbm:s3], $0xF7A  }
0x26: {  	[smem:$0x3F90] =	sst s1;
	(tag) =	ssettag s2;
	_ =	strace s9  }
0x27: {  	s1 =	sld [smem:$0x3FA0]  }
0x28: {  	s2 =	sld [smem:$0x3FA1]  }
0x29: {  	s4 =	sld [smem:$0x3FA3]  }
0x2a: {  	p0 =	seq.s32 s5, $0x0;
	s5 =	sld [smem:$0x3FA4]  }
0x2b: {  	s6 =	sld [smem:$0x3FA5]  }
0x2c: {  	s7 =	sld [smem:$0x3FA6]  }
0x2d: {  	s3 =	simm.s32 $0x108;
	s8 =	sld [smem:$0x3FA7]  }
0x2e: {  	s3 =	simm.s32 @!p0 $0x1082;
	s9 =	sld [smem:$0x3FA8]  }
0x2f: {  	lr =	sadd.s32 s0, s3;
	s0 =	sld [smem:$0x3F9F]  }
0x30: {  	s3 =	sld [smem:$0x3FA2]  }
0x31: {  	[smem:$0x3FAB] =	sst s10  }
0x32: {  	s10 =	sld [smem:$0x3FA9];
	_ =	sdelay $0x3  }
0x33: {  	p0 =	seq.s32 s10, $0x1;
	s10 =	sld [smem:$0x3FAB];
	_ =	sdelay $0x3  }
0x34: {  	[smem:$0x3FAB] =	sst s10  }
0x35: {  	s10 =	sld [smem:$0x3FAA];
	_ =	sdelay $0x3  }
0x36: {  	p1 =	seq.s32 s10, $0x1;
	s10 =	sld [smem:$0x3FAB];
	_ =	sdelay $0x3  }
0x37: {  	[smem:$0x3FAB] =	sst s10  }
0x38: {  	s10 =	sld [smem:$0x3FAC]  }
0x39: {  	_ = 	snop;
	(pc) =	sbr.ind lr, $3  }
0x3a: {  	_ = 	snop  }
0x3b: {  	_ = 	snop  }
0x3c: {  	p2 =	seq.s32 s10, $0x1;
	s10 =	sld [smem:$0x3FAB]  }
0x3d: {  	_ =	shalt  }
0x3e: {  	_ =	shalt  }
0x3f: {  	_ =	shalt  }
0x40: {  	_ =	shalt  }
0x41: {  	_ =	shalt  }
0x42: {  	_ =	shalt  }
0x43: {  	_ =	shalt  }
0x44: {  	_ =	shalt  }
0x45: {  	_ =	shalt  }
0x46: {  	_ =	shalt  }
0x47: {  	_ =	shalt  }
0x48: {  	_ =	shalt  }
0x49: {  	_ =	shalt  }
0x4a: {  	_ =	shalt  }
0x4b: {  	_ =	shalt  }
0x4c: {  	_ =	shalt  }
0x4d: {  	_ =	shalt  }
0x4e: {  	_ =	shalt  }
0x4f: {  	_ =	shalt  }
0x50: {  	_ =	shalt  }
0x51: {  	_ =	shalt  }
0x52: {  	_ =	shalt  }
0x53: {  	_ =	shalt  }
0x54: {  	_ =	shalt  }
0x55: {  	_ =	shalt  }
0x56: {  	_ =	shalt  }
0x57: {  	_ =	shalt  }
0x58: {  	_ =	shalt  }
0x59: {  	_ =	shalt  }
0x5a: {  	_ =	shalt  }
0x5b: {  	_ =	shalt  }
0x5c: {  	_ =	shalt  }
0x5d: {  	_ =	shalt  }
0x5e: {  	_ =	shalt  }
0x5f: {  	_ =	shalt  }
0x60: {  	_ =	shalt  }
0x61: {  	_ =	shalt  }
0x62: {  	_ =	shalt  }
0x63: {  	_ =	shalt  }
0x64: {  	_ =	shalt  }
0x65: {  	_ =	shalt  }
0x66: {  	_ =	shalt  }
0x67: {  	_ =	shalt  }
0x68: {  	_ =	shalt  }
0x69: {  	_ =	shalt  }
0x6a: {  	_ =	shalt  }
0x6b: {  	_ =	shalt  }
0x6c: {  	_ =	shalt  }
0x6d: {  	_ =	shalt  }
0x6e: {  	_ =	shalt  }
0x6f: {  	_ =	shalt  }
0x70: {  	_ =	shalt  }
0x71: {  	_ =	shalt  }
0x72: {  	_ =	shalt  }
0x73: {  	_ =	shalt  }
0x74: {  	_ =	shalt  }
0x75: {  	_ =	shalt  }
0x76: {  	_ =	shalt  }
0x77: {  	_ =	shalt  }
0x78: {  	_ =	shalt  }
0x79: {  	_ =	shalt  }
0x7a: {  	_ =	shalt  }
0x7b: {  	_ =	shalt  }
0x7c: {  	_ =	shalt  }
0x7d: {  	_ =	shalt  }
0x7e: {  	_ =	shalt  }
0x7f: {  	_ =	shalt  }
0x80: {  	_ =	shalt  }
0x81: {  	_ =	shalt  }
0x82: {  	_ =	shalt  }
0x83: {  	_ =	shalt  }
0x84: {  	_ =	shalt  }
0x85: {  	_ =	shalt  }
0x86: {  	_ =	shalt  }
0x87: {  	_ =	shalt  }
.Lfunc_end0:
.L_simem_size_0:
called_computation_lowered:
.L_overlay_start_0:
0x88: {  	s2 =	sld [smem:$0x3FD9]  }
0x89: {  	s3 =	sld [smem:$0x3FFE];
	_ =	sdelay $0x1  }
0x8a: {  	s1 =	srdreg.scid  }
0x8b: {  	s0 =	sand.u32 $0x1, s1  }
0x8c: {  	s17 =	sshll.u32 s0, $0xA;
	s2 =	sadd.s32 s3, s2  }
0x8d: {  	s2 =	sadd.s32 s2, s17  }
0x8e: {  	[smem:$0x3FB7] =	sst s2  }
0x8f: {  	_ = 	snop  }
0x90: {  	s2 =	sld [smem:$0x3FD0];
	(tm) =	ssettm $0x1  }
0x91: {  	s18 =	sld [smem:$0x3FFB];
	_ =	sdelay $0x3  }
0x92: {  	_ =	strace s18  }
0x93: {  	s3 =	sld [smem:$0x3FFC];
	_ =	sdelay $0x3  }
0x94: {  	_ =	strace s3  }
0x95: {  	s3 =	sld [smem:$0x3FFD];
	_ =	sdelay $0x3  }
0x96: {  	_ =	strace s3  }
0x97: {  	_ =	strace $0x8FFFFFFF  }
0x98: {  	s19 =	sld [smem:$0x3FDB];
	_ =	sdelay $0x1  }
0x99: {  	s4 =	simm.s32 $_scs_section_size  }
0x9a: {  	s5 =	simm.s32 $_size__tile_overlayer_lowered;
	s6 =	simm.s32 $_tile_overlayer_lowered  }
0x9b: {  	s22 =	simm.s32 $0x1BFF;
	s21 =	sshll.u32 s6, $0x1;
	s3 =	sadd.s32 s4, s19  }
0x9c: {  	s7 =	simm.s32 $0x0;
	s20 =	sshll.u32 s5, $0x1;
	s5 =	sadd.s32 s21, s3  }
0x9d: {  	[timem:s7], [sflag:s22] =	dma.local [hbm:s5], s20  }
0x9e: {  	_ =	swait.ge [sflag:s22], s20  }
0x9f: {  	s4 =	ssub.s32 $0x0, s20;
	[sflag:s22] =	ssyncset.done $0x0  }
0xa0: {  	[sflag:s22] =	ssyncadd.s32 s4;
	_ =	sdelay $0x1  }
0xa1: {  	s23 =	simm.s32 $0x1B8B  }
0xa2: {  	_ =	swait.ge [sflag:s23], $0x1  }
0xa3: {  	[sflag:s23] =	ssyncset.done $0x0  }
0xa4: {  	s25 =	simm.s32 $0x1B8E;
	s24 =	sld [smem:$0x3FFE];
	[sflag:s23] =	ssyncadd.s32 $0xFFFFFFFF  }
0xa5: {  	s26 =	simm.s32 $execute0_lowered;
	[smem:$0x3FD2] =	sst s25  }
0xa6: {  	s5 =	sshll.u32 s26, $0x1;
	_ =	strace $0x80000046;
	[dreg:$0x1] =	wrdreg $0xFFFFFFFF  }
0xa7: {  	s28 =	simm.s32 $_size_execute0_lowered;
	s3 =	sadd.s32 s3, s5;
	[dreg:$0x0] =	wrdreg $0x0  }
0xa8: {  	s5 =	sshll.u32 s28, $0x1;
	[dreg:$0x2] =	wrdreg s3  }
0xa9: {  	[dreg:$0x3] =	wrdreg s5  }
0xaa: {  	[dreg:$0x4] =	wrdreg $0xC0  }
0xab: {  	_ =	task [dreg:s7], $0x5FFFF  }
0xac: {  	[dreg:$0x1] =	wrdreg $0xFFFFFFFF  }
0xad: {  	[dreg:$0x0] =	wrdreg $0x60  }
0xae: {  	[dreg:$0x2] =	wrdreg s24  }
0xaf: {  	[dreg:$0x3] =	wrdreg s2  }
0xb0: {  	[dreg:$0x4] =	wrdreg $0x68000  }
0xb1: {  	[dreg:$0x5] =	wrdreg $0x9  }
0xb2: {  	_ =	task.clear_ibuf [dreg:s7], $0x6FFFF;
	_ =	strace $0x90000046  }
0xb3: {  	s29 =	simm.s32 $0x9;
	_ =	strace $0x80000048  }
0xb4: {  	_ =	swait.ge [sflag:s29], $0x1  }
0xb5: {  	[sflag:s29] =	ssyncadd.s32 $0xFFFFFFFF  }
0xb6: {  	_ =	strace $0x90000048  }
0xb7: {  	_ =	sfence  }
0xb8: {  	s30 =	sld [smem:$0x0];
	_ =	sdelay $0x2  }
0xb9: {  	s31 =	sshll.u32 s1, $0xD;
	s1 =	sshrl.u32 s1, $0x2  }
0xba: {  	s3 =	sand.u32 $0x4000, s31;
	s1 =	sadd.s32 s1, s30  }
0xbb: {  	s0 =	sor.u32 s3, s0;
	s1 =	sshll.u32 s1, $0x11  }
0xbc: {  	s0 =	sor.u32 s1, s0  }
0xbd: {  	s0 =	sadd.s32 $0x8F2B, s0  }
0xbe: {  	[sflag:s0] =	ssyncadd.remote.s32 $0x1  }
0xbf: {  	_ =	sfence.sel $0xFFFF  }
0xc0: {  	[dreg:$0x0] =	wrdreg $0xFFFFFFFF;
	(pc) =	sbr.abs _section_cstart, $3  }
0xc1: {  	[dreg:$0x1] =	wrdreg $0xFFFFFFFF  }
0xc2: {  	_ =	task.clear_ibuf [dreg:s7], $0x2FFFF;
	_ =	strace $0x9FFFFFFF  }
0xc3: {  	(tm) =	ssettm $0x7FFFFFFF  }
tec
execute0_lowered:
.L_overlay_start_1:
0x0: {  	(tag) =	ssettag $0x1  }
0x1: {  	s6 =	rddreg [dreg:$0x0]  }
0x2: {  	s2 =	rddreg [dreg:$0x1]  }
0x3: {  	s0 =	srdreg.scid;
	s3 =	rddreg [dreg:$0x2];
	s4 =	simm.s32 $0x0  }
0x4: {  	s16 =	simm.s32 $0x80;
	s7 =	sand.u32 $0x1, s0;
	s0 =	stileid.u32  }
0x5: {  	s17 =	simm.s32 $0x0;
	[smem:$0x7FF] =	sst s4;
	s10 =	smul.u32 $0x4E000, s0  }
0x6: {  	s11 =	sadd.s32 $0x37200, s6;
	s15 =	sadd.s32 $0x138000, s3;
	s12 =	smul.u32 $0x13800, s0  }
0x7: {  	s1 =	sshll.u32 s7, $0x4;
	s9 =	ssub.s32 $0x2, s7;
	s26 =	smul.u32 $0x138800, s7  }
0x8: {  	p0 =	sne.s32 s0, $0xF;
	s31 =	sshll.u32 s0, $0x6;
	s5 =	sor.u32 s0, s1  }
0x9: {  	s1 =	rddreg [dreg:$0x3];
	_ =	strace $0x80000047;
	s24 =	sshrl.u32 s9, $0x1  }
0xa: {  	s15 =	sshrl.u32 @!p0 s15, $0x3;
	s5 =	smul.u32 $0x500, s5;
	s13 =	ssub.s32 s9, s24  }
0xb: {  	s25 =	sshrl.u32 s10, $0x2;
	s28 =	sshrl.u32 s12, $0x3;
	s29 =	sadd.s32 s12, s26  }
0xc: {  	s30 =	sshrl.u32 s26, $0x3;
	s12 =	simm.s32 $0x2800;
	s14 =	sadd.s32 s25, s3  }
0xd: {  	s9 =	sadd.s32 s11, s30;
	s10 =	smax.u32 s13, $0x1;
	s13 =	sor.u32 $0x1C01, s31  }
0xe: {  	s8 =	sadd.s32 s5, s6;
	s5 =	sadd.s32 $0x10000, s6;
	s9 =	sadd.s32 $0x27000, s9  }
0xf: {  	s14 =	sshrl.u32 s14, $0x3;
	s6 =	sadd.s32 $0x6000, s8;
	s8 =	sshrl.u32 s29, $0x3  }
0x10: {  	s7 =	sadd.s32 s5, s28;
	s8 =	sadd.s32 s11, s8;
	s11 =	simm.s32 $0x1  }
.LBB2_1:
0x11: {  	[tilespmem:s4], [sflag:$0x1] =	stream.linear.gather [hbm4b:s6+s4], $0x2800, $0x38;
	[tilespmem:$0x1A0C0] =	vst v63  }
0x12: {  	_ =	swait.ge [sflag:s11], $0x2800  }
0x13: {  	[sflag:s11] =	ssyncset.done $0x0  }
0x14: {  	[sflag:s11] =	ssyncadd.s32 $0xFFFFD800  }
0x15: {  	[tilespmem:s12], [sflag:$0x1] =	stream.linear.gather [hbm4b:s2+s4], $0x4000, $0x38;
	[tilespmem:$0x1A0C0] =	vst v63  }
0x16: {  	_ =	swait.ge [sflag:s11], $0x4000  }
0x17: {  	[sflag:s11] =	ssyncset.done $0x0  }
0x18: {  	[sflag:s11] =	ssyncadd.s32 $0xFFFFC000  }
0x19: {  	[spmem:s14], [sflag:s13] =	dma.local [hbm:s7], $0x2700  }
0x1a: {  	_ =	swait.ge [sflag:s11], $0x2700  }
0x1b: {  	[sflag:s11] =	ssyncset.done $0x0  }
0x1c: {  	s18 =	simm.s32 @!p0 $0x1;
	[sflag:s11] =	ssyncadd.s32 $0xFFFFD900  }
0x1d: {  	[spmem:s15], [sflag:s13] =	dma.local @!p0 [hbm:s5], $0x180  }
0x1e: {  	_ =	swait.ge @!p0 [sflag:s18], $0x180  }
0x1f: {  	[sflag:s18] =	ssyncset.done @!p0 $0x0  }
0x20: {  	[sflag:s18] =	ssyncadd.s32 @!p0 $0xFFFFFE80  }
0x21: {  	s31 =	simm.s32 $0x0;
	[bflag:$0x0] =	sbarrier.arrive $0xFFFF  }
0x22: {  	[spmem:s3] =	stream.indirect.scatter.add.f32 [tilespmem:s12], [sflag:$0x1], $0x80, s31, s16, $0xb8;
	[tilespmem:$0x1A0C0] =	vst v63  }
0x23: {  	_ =	swait.ge [sflag:s11], $0x4000  }
0x24: {  	s18 =	simm.s32 $0x200;
	[sflag:s11] =	ssyncset.done $0x0  }
.LBB2_2:
0x25: {  	s19 =	sshra.s32 s18, $0x2;
	[sflag:s11] =	ssyncadd.s32 $0xFFFFC000;
	p1 =	sne.s32 s18, $0x9E00  }
0x26: {  	[spmem:s3] =	stream.indirect.scatter.add.f32 [tilespmem:s12], [sflag:$0x1], $0x80, s19, s16, $0xb8;
	[tilespmem:$0x1A0C0] =	vst v63  }
.Ltmp0:
0x27: {  	_ = 	snop;
	(pc) =	sbr.rel @p1 .LBB2_2-.Ltmp0, $4  }
0x28: {  	_ = 	snop  }
0x29: {  	s18 =	sadd.s32 $0x200, s18  }
0x2a: {  	_ =	swait.ge [sflag:s11], $0x4000  }
0x2b: {  	[sflag:s11] =	ssyncset.done $0x0  }
0x2c: {  	[sflag:s11] =	ssyncadd.s32 $0xFFFFC000  }
0x2d: {  	[bflag:$0x0] =	sbarrier.arrive $0xFFFF  }
0x2e: {  	[hbm:s8], [sflag:s13] =	dma.local [spmem:s14], $0x2700  }
0x2f: {  	s17 =	sadd.s32 $0x1, s17;
	_ =	swait.ge [sflag:s11], $0x2700  }
0x30: {  	p1 =	sne.s32 s17, s10;
	[sflag:s11] =	ssyncset.done $0x0  }
.Ltmp1:
0x31: {  	s18 =	simm.s32 @!p0 $0x1;
	[sflag:s11] =	ssyncadd.s32 $0xFFFFD900;
	(pc) =	sbr.rel @p1 .LBB2_1-.Ltmp1, $4  }
0x32: {  	[hbm:s9], [sflag:s13] =	dma.local @!p0 [spmem:s15], $0x100  }
0x33: {  	_ =	swait.ge @!p0 [sflag:s18], $0x100  }
0x34: {  	[sflag:s18] =	ssyncset.done @!p0 $0x0  }
0x35: {  	[sflag:s18] =	ssyncadd.s32 @!p0 $0xFFFFFF00  }
0x36: {  	_ =	sfence.sel $0x180000  }
0x37: {  	[bflag:$0x0] =	sbarrier.arrive $0xFFFF  }
0x38: {  	p0 =	sne.s32 s0, $0x0;
	_ =	strace $0x90000047  }
0x39: {  	s0 =	sadd.s32 @!p0 $0x100000, s1;
	[bflag:$0x2] =	sbarrier.arrive $0xFFFF  }
0x3a: {  	[sflag:s0] =	ssyncadd.tile.s32 @!p0 $0x1;
	_ =	shalt  }
.Lfunc_end2:
_tile_overlayer_lowered:
.L_overlay_start_2:
0x3b: {  	(tag) =	ssettag $0x2  }
0x3c: {  	s0 =	rddreg [dreg:$0x0];
	s2 =	stileid.u32  }
0x3d: {  	s1 =	rddreg [dreg:$0x1];
	p0 =	sne.s32 s2, $0x0  }
0x3e: {  	s3 =	rddreg [dreg:$0x2];
	[bflag:$0x3] =	sbarrier.arrive $0xFFFF;
	s2 =	simm.s32 @!p0 $0x1C01  }
0x3f: {  	[timem:s3], [sflag:s2] =	dma.local @!p0 [hbm:s0], s1  }
0x40: {  	s0 =	simm.s32 @!p0 $0x1  }
0x41: {  	_ =	swait.ge @!p0 [sflag:s0], s1  }
0x42: {  	s1 =	ssub.s32 @!p0 $0x0, s1;
	[sflag:s0] =	ssyncset.done @!p0 $0x0  }
0x43: {  	[sflag:s0] =	ssyncadd.s32 @!p0 s1  }
0x44: {  	[bflag:$0x3] =	sbarrier.arrive $0xFFFF  }
0x45: {  	_ =	shalt  }

// kernel: kernel.13.cloned.1.call-start
scs
__scs_entry_jumppad:
0x0: {  	(pc) =	sbr.rel $0x88, $3  }
0x1: {  	(tag) =	ssettag $0x0;
	lr =	simm.s32 $0x1  }
0x2: {  	[smem:$0x3F90] =	sst lr;
	_ =	strace $0xD0000000  }
0x3: {  	_ = 	snop  }
0x4: {  	_ = 	snop  }
0x5: {  	_ = 	snop  }
0x6: {  	_ = 	snop  }
0x7: {  	_ = 	snop  }
__scs_overlays_trampoline_lowered:
0x8: {  	[smem:$0x3F9F] =	sst s0  }
0x9: {  	[smem:$0x3FA0] =	sst s1  }
0xa: {  	[smem:$0x3FA1] =	sst s2  }
0xb: {  	[smem:$0x3FA2] =	sst s3  }
0xc: {  	[smem:$0x3FA3] =	sst s4  }
0xd: {  	[smem:$0x3FA4] =	sst s5  }
0xe: {  	[smem:$0x3FA5] =	sst s6  }
0xf: {  	[smem:$0x3FA6] =	sst s7  }
0x10: {  	[smem:$0x3FA7] =	sst s8  }
0x11: {  	[smem:$0x3FA8] =	sst s9;
	s0 =	simm.s32 @!p0 $0x0  }
0x12: {  	s1 =	sld [smem:$0x3F8E];
	s0 =	simm.s32 @p0 $0x1  }
0x13: {  	[smem:$0x3FA9] =	sst s0;
	s0 =	simm.s32 @!p1 $0x0  }
0x14: {  	s2 =	sld [smem:$0x3F8D];
	s0 =	simm.s32 @p1 $0x1  }
0x15: {  	[smem:$0x3FAA] =	sst s0;
	s0 =	simm.s32 @!p2 $0x0  }
0x16: {  	s3 =	sld [smem:$0x3FDB];
	s0 =	simm.s32 @p2 $0x1  }
0x17: {  	s4 =	simm.s32 $0x1BF5;
	[smem:$0x3FAC] =	sst s0  }
0x18: {  	s0 =	sld [smem:$0x3F8F];
	_ =	swait.ge [sflag:s4], $0x0  }
0x19: {  	s7 =	sld [smem:$0x3F90]  }
0x1a: {  	s8 =	sadd.s32 $0xFFFFE003, lr  }
0x1b: {  	s9 =	sadd.s32 $0xFFFFFEF7, lr;
	s5 =	simm.s32 $0xFFFFFFFF;
	p2 =	slt.u32 s8, $0xFFFFF086  }
0x1c: {  	p1 =	slt.u32 s9, $0xF7A;
	s5 =	simm.s32 @!p2 $0x0  }
0x1d: {  	s5 =	simm.s32 @p1 $0x1;
	p0 =	seq.s32 s7, s2  }
0x1e: {  	s7 =	smul.u32 @!p0 $0xF7A, s2;
	p2 =	seq.s32 @!p0 s5, $0x0  }
0x1f: {  	s9 =	smul.u32 $0xF7A, s1;
	s8 =	simm.s32 @!p0 $0x1BF5;
	p2 =	por !p2, p0  }
0x20: {  	[sflag:s8] =	ssyncset.s32 @!p0 $0xFFFFF086;
	s6 =	sadd.s32 @!p0 s3, s7;
	s7 =	simm.s32 @!p0 $0x108  }
0x21: {  	s3 =	sadd.s32 s3, s9;
	s6 =	sadd.s32 @!p0 $0x88, s6;
	s7 =	simm.s32 @p2 $0x1082  }
0x22: {  	[simem:s7], [sflag:s8] =	dma.local @!p0 [hbm:s6], $0xF7A  }
0x23: {  	s9 =	sor.u32 $0xD0000000, s2;
	s6 =	simm.s32 $0x108;
	_ =	swait.ge @!p0 [sflag:s8], $0x0  }
0x24: {  	s3 =	sadd.s32 $0x88, s3;
	s6 =	simm.s32 @!p1 $0x1082;
	[sflag:s4] =	ssyncset.s32 $0xFFFFF086  }
0x25: {  	[simem:s6], [sflag:s4] =	dma.local [hbm:s3], $0xF7A  }
0x26: {  	[smem:$0x3F90] =	sst s1;
	(tag) =	ssettag s2;
	_ =	strace s9  }
0x27: {  	s1 =	sld [smem:$0x3FA0]  }
0x28: {  	s2 =	sld [smem:$0x3FA1]  }
0x29: {  	s4 =	sld [smem:$0x3FA3]  }
0x2a: {  	p0 =	seq.s32 s5, $0x0;
	s5 =	sld [smem:$0x3FA4]  }
0x2b: {  	s6 =	sld [smem:$0x3FA5]  }
0x2c: {  	s7 =	sld [smem:$0x3FA6]  }
0x2d: {  	s3 =	simm.s32 $0x108;
	s8 =	sld [smem:$0x3FA7]  }
0x2e: {  	s3 =	simm.s32 @!p0 $0x1082;
	s9 =	sld [smem:$0x3FA8]  }
0x2f: {  	lr =	sadd.s32 s0, s3;
	s0 =	sld [smem:$0x3F9F]  }
0x30: {  	s3 =	sld [smem:$0x3FA2]  }
0x31: {  	[smem:$0x3FAB] =	sst s10  }
0x32: {  	s10 =	sld [smem:$0x3FA9];
	_ =	sdelay $0x3  }
0x33: {  	p0 =	seq.s32 s10, $0x1;
	s10 =	sld [smem:$0x3FAB];
	_ =	sdelay $0x3  }
0x34: {  	[smem:$0x3FAB] =	sst s10  }
0x35: {  	s10 =	sld [smem:$0x3FAA];
	_ =	sdelay $0x3  }
0x36: {  	p1 =	seq.s32 s10, $0x1;
	s10 =	sld [smem:$0x3FAB];
	_ =	sdelay $0x3  }
0x37: {  	[smem:$0x3FAB] =	sst s10  }
0x38: {  	s10 =	sld [smem:$0x3FAC]  }
0x39: {  	_ = 	snop;
	(pc) =	sbr.ind lr, $3  }
0x3a: {  	_ = 	snop  }
0x3b: {  	_ = 	snop  }
0x3c: {  	p2 =	seq.s32 s10, $0x1;
	s10 =	sld [smem:$0x3FAB]  }
0x3d: {  	_ =	shalt  }
0x3e: {  	_ =	shalt  }
0x3f: {  	_ =	shalt  }
0x40: {  	_ =	shalt  }
0x41: {  	_ =	shalt  }
0x42: {  	_ =	shalt  }
0x43: {  	_ =	shalt  }
0x44: {  	_ =	shalt  }
0x45: {  	_ =	shalt  }
0x46: {  	_ =	shalt  }
0x47: {  	_ =	shalt  }
0x48: {  	_ =	shalt  }
0x49: {  	_ =	shalt  }
0x4a: {  	_ =	shalt  }
0x4b: {  	_ =	shalt  }
0x4c: {  	_ =	shalt  }
0x4d: {  	_ =	shalt  }
0x4e: {  	_ =	shalt  }
0x4f: {  	_ =	shalt  }
0x50: {  	_ =	shalt  }
0x51: {  	_ =	shalt  }
0x52: {  	_ =	shalt  }
0x53: {  	_ =	shalt  }
0x54: {  	_ =	shalt  }
0x55: {  	_ =	shalt  }
0x56: {  	_ =	shalt  }
0x57: {  	_ =	shalt  }
0x58: {  	_ =	shalt  }
0x59: {  	_ =	shalt  }
0x5a: {  	_ =	shalt  }
0x5b: {  	_ =	shalt  }
0x5c: {  	_ =	shalt  }
0x5d: {  	_ =	shalt  }
0x5e: {  	_ =	shalt  }
0x5f: {  	_ =	shalt  }
0x60: {  	_ =	shalt  }
0x61: {  	_ =	shalt  }
0x62: {  	_ =	shalt  }
0x63: {  	_ =	shalt  }
0x64: {  	_ =	shalt  }
0x65: {  	_ =	shalt  }
0x66: {  	_ =	shalt  }
0x67: {  	_ =	shalt  }
0x68: {  	_ =	shalt  }
0x69: {  	_ =	shalt  }
0x6a: {  	_ =	shalt  }
0x6b: {  	_ =	shalt  }
0x6c: {  	_ =	shalt  }
0x6d: {  	_ =	shalt  }
0x6e: {  	_ =	shalt  }
0x6f: {  	_ =	shalt  }
0x70: {  	_ =	shalt  }
0x71: {  	_ =	shalt  }
0x72: {  	_ =	shalt  }
0x73: {  	_ =	shalt  }
0x74: {  	_ =	shalt  }
0x75: {  	_ =	shalt  }
0x76: {  	_ =	shalt  }
0x77: {  	_ =	shalt  }
0x78: {  	_ =	shalt  }
0x79: {  	_ =	shalt  }
0x7a: {  	_ =	shalt  }
0x7b: {  	_ =	shalt  }
0x7c: {  	_ =	shalt  }
0x7d: {  	_ =	shalt  }
0x7e: {  	_ =	shalt  }
0x7f: {  	_ =	shalt  }
0x80: {  	_ =	shalt  }
0x81: {  	_ =	shalt  }
0x82: {  	_ =	shalt  }
0x83: {  	_ =	shalt  }
0x84: {  	_ =	shalt  }
0x85: {  	_ =	shalt  }
0x86: {  	_ =	shalt  }
0x87: {  	_ =	shalt  }
.Lfunc_end0:
.L_simem_size_0:
called_computation.1_lowered:
.L_overlay_start_0:
0x88: {  	s2 =	sld [smem:$0x3FD9]  }
0x89: {  	s3 =	sld [smem:$0x3FFE];
	_ =	sdelay $0x1  }
0x8a: {  	s1 =	srdreg.scid  }
0x8b: {  	s0 =	sand.u32 $0x1, s1  }
0x8c: {  	s16 =	sshll.u32 s0, $0xA;
	s2 =	sadd.s32 s3, s2  }
0x8d: {  	s2 =	sadd.s32 s2, s16  }
0x8e: {  	[smem:$0x3FB7] =	sst s2  }
0x8f: {  	_ = 	snop  }
0x90: {  	(tm) =	ssettm $0x1  }
0x91: {  	s17 =	sld [smem:$0x3FFB];
	_ =	sdelay $0x3  }
0x92: {  	_ =	strace s17  }
0x93: {  	s2 =	sld [smem:$0x3FFC];
	_ =	sdelay $0x3  }
0x94: {  	_ =	strace s2  }
0x95: {  	s2 =	sld [smem:$0x3FFD];
	_ =	sdelay $0x3  }
0x96: {  	_ =	strace s2  }
0x97: {  	_ =	strace $0x8FFFFFFF  }
0x98: {  	s18 =	sld [smem:$0x3FDB];
	_ =	sdelay $0x1  }
0x99: {  	s19 =	simm.s32 $_scs_section_size  }
0x9a: {  	s4 =	simm.s32 $_size__tile_overlayer_lowered;
	s5 =	simm.s32 $_tile_overlayer_lowered  }
0x9b: {  	s22 =	simm.s32 $0x1BFF;
	s21 =	sshll.u32 s5, $0x1;
	s2 =	sadd.s32 s19, s18  }
0x9c: {  	s6 =	simm.s32 $0x0;
	s20 =	sshll.u32 s4, $0x1;
	s4 =	sadd.s32 s21, s2  }
0x9d: {  	[timem:s6], [sflag:s22] =	dma.local [hbm:s4], s20  }
0x9e: {  	_ =	swait.ge [sflag:s22], s20  }
0x9f: {  	s3 =	ssub.s32 $0x0, s20;
	[sflag:s22] =	ssyncset.done $0x0  }
0xa0: {  	[sflag:s22] =	ssyncadd.s32 s3;
	_ =	sdelay $0x1  }
0xa1: {  	s23 =	simm.s32 $0x1B8B  }
0xa2: {  	_ =	swait.ge [sflag:s23], $0x1  }
0xa3: {  	[sflag:s23] =	ssyncset.done $0x0  }
0xa4: {  	s25 =	simm.s32 $0x1B8E;
	s24 =	sld [smem:$0x3FFE];
	[sflag:s23] =	ssyncadd.s32 $0xFFFFFFFF  }
0xa5: {  	s26 =	simm.s32 $execute0_lowered;
	[smem:$0x3FD2] =	sst s25  }
0xa6: {  	s4 =	sshll.u32 s26, $0x1;
	_ =	strace $0x80000049;
	[dreg:$0x1] =	wrdreg $0xFFFFFFFF  }
0xa7: {  	s28 =	simm.s32 $_size_execute0_lowered;
	s2 =	sadd.s32 s2, s4;
	[dreg:$0x0] =	wrdreg $0x0  }
0xa8: {  	s4 =	sshll.u32 s28, $0x1;
	[dreg:$0x2] =	wrdreg s2  }
0xa9: {  	[dreg:$0x3] =	wrdreg s4  }
0xaa: {  	[dreg:$0x4] =	wrdreg $0xC0  }
0xab: {  	_ =	task [dreg:s6], $0x5FFFF  }
0xac: {  	[dreg:$0x1] =	wrdreg $0xFFFFFFFF  }
0xad: {  	[dreg:$0x0] =	wrdreg $0x60  }
0xae: {  	[dreg:$0x2] =	wrdreg s24  }
0xaf: {  	[dreg:$0x3] =	wrdreg $0xA8000  }
0xb0: {  	[dreg:$0x4] =	wrdreg $0x9  }
0xb1: {  	_ =	task.clear_ibuf [dreg:s6], $0x5FFFF;
	_ =	strace $0x90000049  }
0xb2: {  	s29 =	simm.s32 $0x9;
	_ =	strace $0x8000004B  }
0xb3: {  	_ =	swait.ge [sflag:s29], $0x1  }
0xb4: {  	[sflag:s29] =	ssyncadd.s32 $0xFFFFFFFF  }
0xb5: {  	_ =	strace $0x9000004B  }
0xb6: {  	_ =	sfence  }
0xb7: {  	s30 =	sld [smem:$0x0];
	_ =	sdelay $0x2  }
0xb8: {  	s31 =	sshll.u32 s1, $0xD;
	s1 =	sshrl.u32 s1, $0x2  }
0xb9: {  	s3 =	sand.u32 $0x4000, s31;
	s1 =	sadd.s32 s1, s30  }
0xba: {  	s0 =	sor.u32 s3, s0;
	s1 =	sshll.u32 s1, $0x11  }
0xbb: {  	s0 =	sor.u32 s1, s0  }
0xbc: {  	s0 =	sadd.s32 $0x8F2B, s0  }
0xbd: {  	[sflag:s0] =	ssyncadd.remote.s32 $0x1  }
0xbe: {  	_ =	sfence.sel $0xFFFF  }
0xbf: {  	[dreg:$0x0] =	wrdreg $0xFFFFFFFF;
	(pc) =	sbr.abs _section_cstart, $3  }
0xc0: {  	[dreg:$0x1] =	wrdreg $0xFFFFFFFF  }
0xc1: {  	_ =	task.clear_ibuf [dreg:s6], $0x2FFFF;
	_ =	strace $0x9FFFFFFF  }
0xc2: {  	(tm) =	ssettm $0x7FFFFFFF  }
0xc3: {  	_ =	shalt  }
tec
execute0_lowered:
.L_overlay_start_1:
0x0: {  	(tag) =	ssettag $0x1  }
0x1: {  	s0 =	rddreg [dreg:$0x0]  }
0x2: {  	s1 =	rddreg [dreg:$0x1];
	s2 =	simm.s32 $0x0  }
0x3: {  	s9 =	srdreg.scid;
	s28 =	simm.s32 $0x2600;
	s29 =	simm.s32 $0x1300  }
0x4: {  	s30 =	simm.s32 $0x2680;
	s31 =	simm.s32 $0x1380;
	[smem:$0x7FF] =	sst s2  }
0x5: {  	s20 =	stileid.u32;
	s3 =	sadd.s32 $0x104A00, s0;
	s4 =	sadd.s32 $0x12BC00, s0  }
0x6: {  	s5 =	sadd.s32 $0xB6600, s0;
	s7 =	sadd.s32 $0xDD800, s0;
	s6 =	sadd.s32 $0x85400, s0  }
0x7: {  	s8 =	sadd.s32 $0x6000, s0;
	s16 =	sadd.s32 $0x10000, s0;
	s10 =	smul.u32 $0x4E000, s20  }
0x8: {  	s9 =	sand.u32 $0x1, s9;
	s14 =	smul.u32 $0x13800, s20;
	s0 =	sadd.s32 $0x152E00, s0  }
0x9: {  	s21 =	sshll.u32 s20, $0x6;
	s22 =	sadd.s32 $0x138000, s1;
	p0 =	sne.s32 s20, $0xF  }
0xa: {  	_ =	strace $0x8000004A;
	s11 =	ssub.s32 $0x2, s9;
	[dreg:$0x3] =	wrdreg s16  }
0xb: {  	s12 =	sshll.u32 s9, $0x4;
	s9 =	smul.u32 $0x138800, s9;
	[dreg:$0x5] =	wrdreg s22  }
0xc: {  	s22 =	simm.s32 $0x80;
	s13 =	sshrl.u32 s11, $0x1;
	s12 =	sor.u32 s20, s12  }
0xd: {  	s10 =	sshrl.u32 s10, $0x2;
	s15 =	sshrl.u32 s14, $0x3;
	s20 =	simm.s32 $0x3  }
0xe: {  	s12 =	smul.u32 $0x2800, s12;
	s11 =	ssub.s32 s11, s13;
	s19 =	sadd.s32 s10, s1  }
0xf: {  	s18 =	sadd.s32 s16, s15;
	s10 =	sor.u32 $0x1C03, s21;
	s25 =	sadd.s32 s14, s9  }
0x10: {  	s9 =	sshrl.u32 s9, $0x3;
	s21 =	simm.s32 $0x1400;
	[dreg:$0x4] =	wrdreg s18  }
0x11: {  	s26 =	sshrl.u32 s25, $0x3;
	s18 =	smax.u32 s11, $0x1;
	s19 =	sshrl.u32 s19, $0x3  }
0x12: {  	s25 =	simm.s32 $0x1;
	s12 =	sshrl.u32 s12, $0x3;
	s16 =	sadd.s32 s0, s26  }
0x13: {  	s0 =	sadd.s32 s0, s9;
	s26 =	simm.s32 $0x2;
	s23 =	sadd.s32 s6, s12  }
0x14: {  	s24 =	sadd.s32 s8, s12;
	s12 =	sadd.s32 $0x280, s12;
	[dreg:$0x6] =	wrdreg s23  }
0x15: {  	s17 =	sadd.s32 $0x27000, s0;
	s0 =	simm.s32 $0x2700;
	[dreg:$0x7] =	wrdreg s24  }
0x16: {  	s14 =	sadd.s32 s6, s12;
	s15 =	sadd.s32 s8, s12;
	s23 =	simm.s32 $0x2800  }
0x17: {  	s24 =	simm.s32 $0x6800;
	s6 =	simm.s32 $0x2780;
	s8 =	simm.s32 $0x0  }
.LBB2_1:
0x18: {  	s9 =	rddreg [dreg:$0x4]  }
0x19: {  	[spmem:s19], [sflag:s10] =	dma.local [hbm:s9], $0x2700  }
0x1a: {  	_ =	swait.ge [sflag:s20], $0x2700  }
0x1b: {  	[sflag:s20] =	ssyncset.done $0x0;
	s9 =	rddreg [dreg:$0x5]  }
0x1c: {  	s11 =	rddreg [dreg:$0x3];
	[sflag:s20] =	ssyncadd.s32 $0xFFFFD900;
	s9 =	sshrl.u32 @!p0 s9, $0x3  }
0x1d: {  	[spmem:s9], [sflag:s10] =	dma.local @!p0 [hbm:s11], $0x180  }
0x1e: {  	s11 =	simm.s32 @!p0 $0x3  }
0x1f: {  	_ =	swait.ge @!p0 [sflag:s11], $0x180  }
0x20: {  	[sflag:s11] =	ssyncset.done @!p0 $0x0  }
0x21: {  	[sflag:s11] =	ssyncadd.s32 @!p0 $0xFFFFFE80  }
0x22: {  	[bflag:$0x0] =	sbarrier.arrive $0xFFFF  }
0x23: {  	s13 =	rddreg [dreg:$0x6]  }
0x24: {  	[tilespmem:s2], [sflag:$0x3] =	stream.linear.gather [hbm4b:s13+s2], $0x1400, $0x38;
	[tilespmem:$0x1E0C0] =	vst v63  }
0x25: {  	_ =	swait.ge [sflag:s20], $0x1400  }
0x26: {  	[sflag:s20] =	ssyncset.done $0x0  }
0x27: {  	s12 =	rddreg [dreg:$0x7];
	[sflag:s20] =	ssyncadd.s32 $0xFFFFEC00  }
0x28: {  	[tilespmem:s21], [sflag:$0x3] =	stream.linear.gather [hbm4b:s12+s2], $0x1400, $0x38;
	[tilespmem:$0x1E0C0] =	vst v63  }
0x29: {  	_ =	swait.ge [sflag:s20], $0x1400  }
0x2a: {  	[sflag:s20] =	ssyncset.done $0x0  }
0x2b: {  	[sflag:s20] =	ssyncadd.s32 $0xFFFFEC00  }
0x2c: {  	[tilespmem:s23], [sflag:$0x1] =	stream.indirect.gather [hbm4b:s3+s22], $0x80, s2, s22, $0xb8;
	[tilespmem:$0x1E0C0] =	vst v63  }
0x2d: {  	_ = 	snop  }
0x2e: {  	[tilespmem:s24], [sflag:$0x2] =	stream.indirect.gather [hbm4b:s4+s22], $0x80, s22, s22, $0xb8;
	[tilespmem:$0x1E0C0] =	vst v63  }
0x2f: {  	_ =	swait.ge [sflag:s25], $0x4000  }
0x30: {  	[sflag:s25] =	ssyncset.done $0x0  }
0x31: {  	s13 =	simm.s32 $0x1400;
	[sflag:s25] =	ssyncadd.s32 $0xFFFFC000  }
0x32: {  	[spmem:s1] =	stream.indirect.scatter.add.f32 [tilespmem:s23], [sflag:$0x3], $0x80, s13, s22, $0xb8;
	[tilespmem:$0x1E0C0] =	vst v63  }
0x33: {  	_ =	swait.ge [sflag:s20], $0x4000  }
0x34: {  	[sflag:s20] =	ssyncset.done $0x0  }
0x35: {  	s12 =	simm.s32 $0x100;
	[sflag:s20] =	ssyncadd.s32 $0xFFFFC000  }
0x36: {  	[tilespmem:s23], [sflag:$0x1] =	stream.indirect.gather [hbm4b:s5+s22], $0x80, s12, s22, $0xb8;
	[tilespmem:$0x1E0C0] =	vst v63  }
0x37: {  	_ =	swait.ge [sflag:s26], $0x4000  }
0x38: {  	[sflag:s26] =	ssyncset.done $0x0  }
0x39: {  	s13 =	simm.s32 $0x1480;
	[sflag:s26] =	ssyncadd.s32 $0xFFFFC000  }
0x3a: {  	[spmem:s1] =	stream.indirect.scatter.add.f32 [tilespmem:s24], [sflag:$0x3], $0x80, s13, s22, $0xb8;
	[tilespmem:$0x1E0C0] =	vst v63  }
0x3b: {  	_ =	swait.ge [sflag:s20], $0x4000  }
0x3c: {  	[sflag:s20] =	ssyncset.done $0x0  }
0x3d: {  	s12 =	simm.s32 $0x180;
	[sflag:s20] =	ssyncadd.s32 $0xFFFFC000  }
0x3e: {  	[tilespmem:s24], [sflag:$0x2] =	stream.indirect.gather [hbm4b:s7+s22], $0x80, s12, s22, $0xb8;
	[tilespmem:$0x1E0C0] =	vst v63  }
0x3f: {  	_ =	swait.ge [sflag:s25], $0x4000  }
0x40: {  	[sflag:s25] =	ssyncset.done $0x0  }
0x41: {  	s13 =	simm.s32 $0x1500;
	[sflag:s25] =	ssyncadd.s32 $0xFFFFC000  }
0x42: {  	[spmem:s1] =	stream.indirect.scatter.add.f32 [tilespmem:s23], [sflag:$0x3], $0x80, s13, s22, $0xb8;
	[tilespmem:$0x1E0C0] =	vst v63  }
0x43: {  	_ =	swait.ge [sflag:s20], $0x4000  }
0x44: {  	[sflag:s20] =	ssyncset.done $0x0  }
0x45: {  	s12 =	simm.s32 $0x200;
	[sflag:s20] =	ssyncadd.s32 $0xFFFFC000  }
0x46: {  	[tilespmem:s23], [sflag:$0x1] =	stream.indirect.gather [hbm4b:s3+s22], $0x80, s12, s22, $0xb8;
	[tilespmem:$0x1E0C0] =	vst v63  }
0x47: {  	_ =	swait.ge [sflag:s26], $0x4000  }
0x48: {  	[sflag:s26] =	ssyncset.done $0x0  }
0x49: {  	s13 =	simm.s32 $0x1580;
	[sflag:s26] =	ssyncadd.s32 $0xFFFFC000  }
0x4a: {  	[spmem:s1] =	stream.indirect.scatter.add.f32 [tilespmem:s24], [sflag:$0x3], $0x80, s13, s22, $0xb8;
	[tilespmem:$0x1E0C0] =	vst v63  }
0x4b: {  	_ =	swait.ge [sflag:s20], $0x4000  }
0x4c: {  	[sflag:s20] =	ssyncset.done $0x0  }
0x4d: {  	s11 =	simm.s32 $0x800;
	s12 =	simm.s32 $0x280;
	[sflag:s20] =	ssyncadd.s32 $0xFFFFC000  }
.LBB2_2:
0x4e: {  	[tilespmem:s24], [sflag:$0x2] =	stream.indirect.gather [hbm4b:s4+s22], $0x80, s12, s22, $0xb8;
	[tilespmem:$0x1E0C0] =	vst v63  }
0x4f: {  	s12 =	smov.u32 s11  }
0x50: {  	p1 =	sne.s32 s11, $0x4000;
	s11 =	sadd.s32 $0x800, s11;
	_ =	swait.ge [sflag:s25], $0x4000  }
0x51: {  	s12 =	sshra.s32 s12, $0x2;
	[sflag:s25] =	ssyncset.done $0x0  }
0x52: {  	s13 =	sadd.s32 $0x1400, s12;
	[sflag:s25] =	ssyncadd.s32 $0xFFFFC000  }
0x53: {  	[spmem:s1] =	stream.indirect.scatter.add.f32 [tilespmem:s23], [sflag:$0x3], $0x80, s13, s22, $0xb8;
	[tilespmem:$0x1E0C0] =	vst v63  }
0x54: {  	_ =	swait.ge [sflag:s20], $0x4000  }
0x55: {  	[sflag:s20] =	ssyncset.done $0x0  }
0x56: {  	s13 =	sadd.s32 $0x100, s12;
	[sflag:s20] =	ssyncadd.s32 $0xFFFFC000  }
0x57: {  	[tilespmem:s23], [sflag:$0x1] =	stream.indirect.gather [hbm4b:s5+s22], $0x80, s13, s22, $0xb8;
	[tilespmem:$0x1E0C0] =	vst v63  }
0x58: {  	_ =	swait.ge [sflag:s26], $0x4000  }
0x59: {  	[sflag:s26] =	ssyncset.done $0x0  }
0x5a: {  	s13 =	sadd.s32 $0x1480, s12;
	[sflag:s26] =	ssyncadd.s32 $0xFFFFC000  }
0x5b: {  	[spmem:s1] =	stream.indirect.scatter.add.f32 [tilespmem:s24], [sflag:$0x3], $0x80, s13, s22, $0xb8;
	[tilespmem:$0x1E0C0] =	vst v63  }
0x5c: {  	_ =	swait.ge [sflag:s20], $0x4000  }
0x5d: {  	[sflag:s20] =	ssyncset.done $0x0  }
0x5e: {  	s13 =	sadd.s32 $0x180, s12;
	[sflag:s20] =	ssyncadd.s32 $0xFFFFC000  }
0x5f: {  	[tilespmem:s24], [sflag:$0x2] =	stream.indirect.gather [hbm4b:s7+s22], $0x80, s13, s22, $0xb8;
	[tilespmem:$0x1E0C0] =	vst v63  }
0x60: {  	_ =	swait.ge [sflag:s25], $0x4000  }
0x61: {  	[sflag:s25] =	ssyncset.done $0x0  }
0x62: {  	s13 =	sadd.s32 $0x1500, s12;
	[sflag:s25] =	ssyncadd.s32 $0xFFFFC000  }
0x63: {  	[spmem:s1] =	stream.indirect.scatter.add.f32 [tilespmem:s23], [sflag:$0x3], $0x80, s13, s22, $0xb8;
	[tilespmem:$0x1E0C0] =	vst v63  }
0x64: {  	_ =	swait.ge [sflag:s20], $0x4000  }
0x65: {  	[sflag:s20] =	ssyncset.done $0x0  }
0x66: {  	s13 =	sadd.s32 $0x200, s12;
	[sflag:s20] =	ssyncadd.s32 $0xFFFFC000  }
0x67: {  	[tilespmem:s23], [sflag:$0x1] =	stream.indirect.gather [hbm4b:s3+s22], $0x80, s13, s22, $0xb8;
	[tilespmem:$0x1E0C0] =	vst v63  }
0x68: {  	_ =	swait.ge [sflag:s26], $0x4000  }
0x69: {  	[sflag:s26] =	ssyncset.done $0x0  }
.Ltmp0:
0x6a: {  	s13 =	sadd.s32 $0x1580, s12;
	[sflag:s26] =	ssyncadd.s32 $0xFFFFC000;
	(pc) =	sbr.rel @p1 .LBB2_2-.Ltmp0, $4  }
0x6b: {  	[spmem:s1] =	stream.indirect.scatter.add.f32 [tilespmem:s24], [sflag:$0x3], $0x80, s13, s22, $0xb8;
	[tilespmem:$0x1E0C0] =	vst v63  }
0x6c: {  	_ =	swait.ge [sflag:s20], $0x4000  }
0x6d: {  	[sflag:s20] =	ssyncset.done $0x0  }
0x6e: {  	s12 =	sadd.s32 $0x280, s12;
	[sflag:s20] =	ssyncadd.s32 $0xFFFFC000  }
0x6f: {  	[tilespmem:s24], [sflag:$0x2] =	stream.indirect.gather [hbm4b:s4+s22], $0x80, s12, s22, $0xb8;
	[tilespmem:$0x1E0C0] =	vst v63  }
0x70: {  	_ =	swait.ge [sflag:s25], $0x4000  }
0x71: {  	[sflag:s25] =	ssyncset.done $0x0  }
0x72: {  	[sflag:s25] =	ssyncadd.s32 $0xFFFFC000  }
0x73: {  	[spmem:s1] =	stream.indirect.scatter.add.f32 [tilespmem:s23], [sflag:$0x3], $0x80, s28, s22, $0xb8;
	[tilespmem:$0x1E0C0] =	vst v63  }
0x74: {  	_ =	swait.ge [sflag:s20], $0x4000  }
0x75: {  	[sflag:s20] =	ssyncset.done $0x0  }
0x76: {  	[sflag:s20] =	ssyncadd.s32 $0xFFFFC000  }
0x77: {  	[tilespmem:s23], [sflag:$0x1] =	stream.indirect.gather [hbm4b:s5+s22], $0x80, s29, s22, $0xb8;
	[tilespmem:$0x1E0C0] =	vst v63  }
0x78: {  	_ =	swait.ge [sflag:s26], $0x4000  }
0x79: {  	[sflag:s26] =	ssyncset.done $0x0  }
0x7a: {  	[sflag:s26] =	ssyncadd.s32 $0xFFFFC000  }
0x7b: {  	[spmem:s1] =	stream.indirect.scatter.add.f32 [tilespmem:s24], [sflag:$0x3], $0x80, s30, s22, $0xb8;
	[tilespmem:$0x1E0C0] =	vst v63  }
0x7c: {  	_ =	swait.ge [sflag:s20], $0x4000  }
0x7d: {  	[sflag:s20] =	ssyncset.done $0x0  }
0x7e: {  	[sflag:s20] =	ssyncadd.s32 $0xFFFFC000  }
0x7f: {  	[tilespmem:s24], [sflag:$0x2] =	stream.indirect.gather [hbm4b:s7+s22], $0x80, s31, s22, $0xb8;
	[tilespmem:$0x1E0C0] =	vst v63  }
0x80: {  	_ =	swait.ge [sflag:s25], $0x4000  }
0x81: {  	[sflag:s25] =	ssyncset.done $0x0  }
0x82: {  	[sflag:s25] =	ssyncadd.s32 $0xFFFFC000  }
0x83: {  	[spmem:s1] =	stream.indirect.scatter.add.f32 [tilespmem:s23], [sflag:$0x3], $0x80, s0, s22, $0xb8;
	[tilespmem:$0x1E0C0] =	vst v63  }
0x84: {  	_ =	swait.ge [sflag:s20], $0x4000  }
0x85: {  	[sflag:s20] =	ssyncset.done $0x0  }
0x86: {  	[sflag:s20] =	ssyncadd.s32 $0xFFFFC000  }
0x87: {  	_ =	swait.ge [sflag:s26], $0x4000  }
0x88: {  	[sflag:s26] =	ssyncset.done $0x0  }
0x89: {  	[sflag:s26] =	ssyncadd.s32 $0xFFFFC000  }
0x8a: {  	[spmem:s1] =	stream.indirect.scatter.add.f32 [tilespmem:s24], [sflag:$0x3], $0x80, s6, s22, $0xb8;
	[tilespmem:$0x1E0C0] =	vst v63  }
0x8b: {  	_ =	swait.ge [sflag:s20], $0x4000  }
0x8c: {  	[sflag:s20] =	ssyncset.done $0x0  }
0x8d: {  	s11 =	simm.s32 $0x0;
	[sflag:s20] =	ssyncadd.s32 $0xFFFFC000  }
0x8e: {  	[tilespmem:s11], [sflag:$0x3] =	stream.linear.gather [hbm4b:s14+s11], $0x1400, $0x38;
	[tilespmem:$0x1E0C0] =	vst v63  }
0x8f: {  	_ =	swait.ge [sflag:s20], $0x1400  }
0x90: {  	[sflag:s20] =	ssyncset.done $0x0  }
0x91: {  	[sflag:s20] =	ssyncadd.s32 $0xFFFFEC00  }
0x92: {  	[tilespmem:s21], [sflag:$0x3] =	stream.linear.gather [hbm4b:s15+s11], $0x1400, $0x38;
	[tilespmem:$0x1E0C0] =	vst v63  }
0x93: {  	_ =	swait.ge [sflag:s20], $0x1400  }
0x94: {  	[sflag:s20] =	ssyncset.done $0x0  }
0x95: {  	[sflag:s20] =	ssyncadd.s32 $0xFFFFEC00  }
0x96: {  	[tilespmem:s23], [sflag:$0x1] =	stream.indirect.gather [hbm4b:s3+s22], $0x80, s11, s22, $0xb8;
	[tilespmem:$0x1E0C0] =	vst v63  }
0x97: {  	_ = 	snop  }
0x98: {  	[tilespmem:s24], [sflag:$0x2] =	stream.indirect.gather [hbm4b:s4+s22], $0x80, s22, s22, $0xb8;
	[tilespmem:$0x1E0C0] =	vst v63  }
0x99: {  	_ =	swait.ge [sflag:s25], $0x4000  }
0x9a: {  	[sflag:s25] =	ssyncset.done $0x0  }
0x9b: {  	s13 =	simm.s32 $0x1400;
	[sflag:s25] =	ssyncadd.s32 $0xFFFFC000  }
0x9c: {  	[spmem:s1] =	stream.indirect.scatter.add.f32 [tilespmem:s23], [sflag:$0x3], $0x80, s13, s22, $0xb8;
	[tilespmem:$0x1E0C0] =	vst v63  }
0x9d: {  	_ =	swait.ge [sflag:s20], $0x4000  }
0x9e: {  	[sflag:s20] =	ssyncset.done $0x0  }
0x9f: {  	s12 =	simm.s32 $0x100;
	[sflag:s20] =	ssyncadd.s32 $0xFFFFC000  }
0xa0: {  	[tilespmem:s23], [sflag:$0x1] =	stream.indirect.gather [hbm4b:s5+s22], $0x80, s12, s22, $0xb8;
	[tilespmem:$0x1E0C0] =	vst v63  }
0xa1: {  	_ =	swait.ge [sflag:s26], $0x4000  }
0xa2: {  	[sflag:s26] =	ssyncset.done $0x0  }
0xa3: {  	s13 =	simm.s32 $0x1480;
	[sflag:s26] =	ssyncadd.s32 $0xFFFFC000  }
0xa4: {  	[spmem:s1] =	stream.indirect.scatter.add.f32 [tilespmem:s24], [sflag:$0x3], $0x80, s13, s22, $0xb8;
	[tilespmem:$0x1E0C0] =	vst v63  }
0xa5: {  	_ =	swait.ge [sflag:s20], $0x4000  }
0xa6: {  	[sflag:s20] =	ssyncset.done $0x0  }
0xa7: {  	s12 =	simm.s32 $0x180;
	[sflag:s20] =	ssyncadd.s32 $0xFFFFC000  }
0xa8: {  	[tilespmem:s24], [sflag:$0x2] =	stream.indirect.gather [hbm4b:s7+s22], $0x80, s12, s22, $0xb8;
	[tilespmem:$0x1E0C0] =	vst v63  }
0xa9: {  	_ =	swait.ge [sflag:s25], $0x4000  }
0xaa: {  	[sflag:s25] =	ssyncset.done $0x0  }
0xab: {  	s13 =	simm.s32 $0x1500;
	[sflag:s25] =	ssyncadd.s32 $0xFFFFC000  }
0xac: {  	[spmem:s1] =	stream.indirect.scatter.add.f32 [tilespmem:s23], [sflag:$0x3], $0x80, s13, s22, $0xb8;
	[tilespmem:$0x1E0C0] =	vst v63  }
0xad: {  	_ =	swait.ge [sflag:s20], $0x4000  }
0xae: {  	[sflag:s20] =	ssyncset.done $0x0  }
0xaf: {  	s12 =	simm.s32 $0x200;
	[sflag:s20] =	ssyncadd.s32 $0xFFFFC000  }
0xb0: {  	[tilespmem:s23], [sflag:$0x1] =	stream.indirect.gather [hbm4b:s3+s22], $0x80, s12, s22, $0xb8;
	[tilespmem:$0x1E0C0] =	vst v63  }
0xb1: {  	_ =	swait.ge [sflag:s26], $0x4000  }
0xb2: {  	[sflag:s26] =	ssyncset.done $0x0  }
0xb3: {  	s13 =	simm.s32 $0x1580;
	[sflag:s26] =	ssyncadd.s32 $0xFFFFC000  }
0xb4: {  	[spmem:s1] =	stream.indirect.scatter.add.f32 [tilespmem:s24], [sflag:$0x3], $0x80, s13, s22, $0xb8;
	[tilespmem:$0x1E0C0] =	vst v63  }
0xb5: {  	_ =	swait.ge [sflag:s20], $0x4000  }
0xb6: {  	[sflag:s20] =	ssyncset.done $0x0  }
0xb7: {  	s11 =	simm.s32 $0x800;
	s12 =	simm.s32 $0x280;
	[sflag:s20] =	ssyncadd.s32 $0xFFFFC000  }
.LBB2_4:
0xb8: {  	[tilespmem:s24], [sflag:$0x2] =	stream.indirect.gather [hbm4b:s4+s22], $0x80, s12, s22, $0xb8;
	[tilespmem:$0x1E0C0] =	vst v63  }
0xb9: {  	s12 =	smov.u32 s11  }
0xba: {  	p1 =	sne.s32 s11, $0x4000;
	s11 =	sadd.s32 $0x800, s11;
	_ =	swait.ge [sflag:s25], $0x4000  }
0xbb: {  	s12 =	sshra.s32 s12, $0x2;
	[sflag:s25] =	ssyncset.done $0x0  }
0xbc: {  	s13 =	sadd.s32 $0x1400, s12;
	[sflag:s25] =	ssyncadd.s32 $0xFFFFC000  }
0xbd: {  	[spmem:s1] =	stream.indirect.scatter.add.f32 [tilespmem:s23], [sflag:$0x3], $0x80, s13, s22, $0xb8;
	[tilespmem:$0x1E0C0] =	vst v63  }
0xbe: {  	_ =	swait.ge [sflag:s20], $0x4000  }
0xbf: {  	[sflag:s20] =	ssyncset.done $0x0  }
0xc0: {  	s13 =	sadd.s32 $0x100, s12;
	[sflag:s20] =	ssyncadd.s32 $0xFFFFC000  }
0xc1: {  	[tilespmem:s23], [sflag:$0x1] =	stream.indirect.gather [hbm4b:s5+s22], $0x80, s13, s22, $0xb8;
	[tilespmem:$0x1E0C0] =	vst v63  }
0xc2: {  	_ =	swait.ge [sflag:s26], $0x4000  }
0xc3: {  	[sflag:s26] =	ssyncset.done $0x0  }
0xc4: {  	s13 =	sadd.s32 $0x1480, s12;
	[sflag:s26] =	ssyncadd.s32 $0xFFFFC000  }
0xc5: {  	[spmem:s1] =	stream.indirect.scatter.add.f32 [tilespmem:s24], [sflag:$0x3], $0x80, s13, s22, $0xb8;
	[tilespmem:$0x1E0C0] =	vst v63  }
0xc6: {  	_ =	swait.ge [sflag:s20], $0x4000  }
0xc7: {  	[sflag:s20] =	ssyncset.done $0x0  }
0xc8: {  	s13 =	sadd.s32 $0x180, s12;
	[sflag:s20] =	ssyncadd.s32 $0xFFFFC000  }
0xc9: {  	[tilespmem:s24], [sflag:$0x2] =	stream.indirect.gather [hbm4b:s7+s22], $0x80, s13, s22, $0xb8;
	[tilespmem:$0x1E0C0] =	vst v63  }
0xca: {  	_ =	swait.ge [sflag:s25], $0x4000  }
0xcb: {  	[sflag:s25] =	ssyncset.done $0x0  }
0xcc: {  	s13 =	sadd.s32 $0x1500, s12;
	[sflag:s25] =	ssyncadd.s32 $0xFFFFC000  }
0xcd: {  	[spmem:s1] =	stream.indirect.scatter.add.f32 [tilespmem:s23], [sflag:$0x3], $0x80, s13, s22, $0xb8;
	[tilespmem:$0x1E0C0] =	vst v63  }
0xce: {  	_ =	swait.ge [sflag:s20], $0x4000  }
0xcf: {  	[sflag:s20] =	ssyncset.done $0x0  }
0xd0: {  	s13 =	sadd.s32 $0x200, s12;
	[sflag:s20] =	ssyncadd.s32 $0xFFFFC000  }
0xd1: {  	[tilespmem:s23], [sflag:$0x1] =	stream.indirect.gather [hbm4b:s3+s22], $0x80, s13, s22, $0xb8;
	[tilespmem:$0x1E0C0] =	vst v63  }
0xd2: {  	_ =	swait.ge [sflag:s26], $0x4000  }
0xd3: {  	[sflag:s26] =	ssyncset.done $0x0  }
.Ltmp1:
0xd4: {  	s13 =	sadd.s32 $0x1580, s12;
	[sflag:s26] =	ssyncadd.s32 $0xFFFFC000;
	(pc) =	sbr.rel @p1 .LBB2_4-.Ltmp1, $4  }
0xd5: {  	[spmem:s1] =	stream.indirect.scatter.add.f32 [tilespmem:s24], [sflag:$0x3], $0x80, s13, s22, $0xb8;
	[tilespmem:$0x1E0C0] =	vst v63  }
0xd6: {  	_ =	swait.ge [sflag:s20], $0x4000  }
0xd7: {  	[sflag:s20] =	ssyncset.done $0x0  }
0xd8: {  	s12 =	sadd.s32 $0x280, s12;
	[sflag:s20] =	ssyncadd.s32 $0xFFFFC000  }
0xd9: {  	[tilespmem:s24], [sflag:$0x2] =	stream.indirect.gather [hbm4b:s4+s22], $0x80, s12, s22, $0xb8;
	[tilespmem:$0x1E0C0] =	vst v63  }
0xda: {  	_ =	swait.ge [sflag:s25], $0x4000  }
0xdb: {  	[sflag:s25] =	ssyncset.done $0x0  }
0xdc: {  	[sflag:s25] =	ssyncadd.s32 $0xFFFFC000  }
0xdd: {  	[spmem:s1] =	stream.indirect.scatter.add.f32 [tilespmem:s23], [sflag:$0x3], $0x80, s28, s22, $0xb8;
	[tilespmem:$0x1E0C0] =	vst v63  }
0xde: {  	_ =	swait.ge [sflag:s20], $0x4000  }
0xdf: {  	[sflag:s20] =	ssyncset.done $0x0  }
0xe0: {  	[sflag:s20] =	ssyncadd.s32 $0xFFFFC000  }
0xe1: {  	[tilespmem:s23], [sflag:$0x1] =	stream.indirect.gather [hbm4b:s5+s22], $0x80, s29, s22, $0xb8;
	[tilespmem:$0x1E0C0] =	vst v63  }
0xe2: {  	_ =	swait.ge [sflag:s26], $0x4000  }
0xe3: {  	[sflag:s26] =	ssyncset.done $0x0  }
0xe4: {  	[sflag:s26] =	ssyncadd.s32 $0xFFFFC000  }
0xe5: {  	[spmem:s1] =	stream.indirect.scatter.add.f32 [tilespmem:s24], [sflag:$0x3], $0x80, s30, s22, $0xb8;
	[tilespmem:$0x1E0C0] =	vst v63  }
0xe6: {  	_ =	swait.ge [sflag:s20], $0x4000  }
0xe7: {  	[sflag:s20] =	ssyncset.done $0x0  }
0xe8: {  	[sflag:s20] =	ssyncadd.s32 $0xFFFFC000  }
0xe9: {  	[tilespmem:s24], [sflag:$0x2] =	stream.indirect.gather [hbm4b:s7+s22], $0x80, s31, s22, $0xb8;
	[tilespmem:$0x1E0C0] =	vst v63  }
0xea: {  	_ =	swait.ge [sflag:s25], $0x4000  }
0xeb: {  	[sflag:s25] =	ssyncset.done $0x0  }
0xec: {  	[sflag:s25] =	ssyncadd.s32 $0xFFFFC000  }
0xed: {  	[spmem:s1] =	stream.indirect.scatter.add.f32 [tilespmem:s23], [sflag:$0x3], $0x80, s0, s22, $0xb8;
	[tilespmem:$0x1E0C0] =	vst v63  }
0xee: {  	_ =	swait.ge [sflag:s20], $0x4000  }
0xef: {  	[sflag:s20] =	ssyncset.done $0x0  }
0xf0: {  	[sflag:s20] =	ssyncadd.s32 $0xFFFFC000  }
0xf1: {  	_ =	swait.ge [sflag:s26], $0x4000  }
0xf2: {  	[sflag:s26] =	ssyncset.done $0x0  }
0xf3: {  	[sflag:s26] =	ssyncadd.s32 $0xFFFFC000  }
0xf4: {  	[spmem:s1] =	stream.indirect.scatter.add.f32 [tilespmem:s24], [sflag:$0x3], $0x80, s6, s22, $0xb8;
	[tilespmem:$0x1E0C0] =	vst v63  }
0xf5: {  	_ =	swait.ge [sflag:s20], $0x4000  }
0xf6: {  	[sflag:s20] =	ssyncset.done $0x0  }
0xf7: {  	[sflag:s20] =	ssyncadd.s32 $0xFFFFC000  }
0xf8: {  	[bflag:$0x0] =	sbarrier.arrive $0xFFFF  }
0xf9: {  	[hbm:s16], [sflag:s10] =	dma.local [spmem:s19], $0x2700  }
0xfa: {  	_ =	swait.ge [sflag:s20], $0x2700  }
0xfb: {  	s8 =	sadd.s32 $0x1, s8;
	[sflag:s20] =	ssyncset.done $0x0  }
0xfc: {  	p1 =	sne.s32 s8, s18;
	[sflag:s20] =	ssyncadd.s32 $0xFFFFD900  }
0xfd: {  	[hbm:s17], [sflag:s10] =	dma.local @!p0 [spmem:s9], $0x100  }
.Ltmp2:
0xfe: {  	_ = 	snop;
	(pc) =	sbr.rel @p1 .LBB2_1-.Ltmp2, $4  }
0xff: {  	s9 =	simm.s32 @!p0 $0x3  }
0x100: {  	_ =	swait.ge @!p0 [sflag:s9], $0x100  }
0x101: {  	[sflag:s9] =	ssyncset.done @!p0 $0x0  }
0x102: {  	[sflag:s9] =	ssyncadd.s32 @!p0 $0xFFFFFF00  }
0x103: {  	_ =	sfence.sel $0x180000  }
0x104: {  	[bflag:$0x0] =	sbarrier.arrive $0xFFFF  }
0x105: {  	_ =	strace $0x9000004A  }
0x106: {  	s0 =	stileid.u32;
	[bflag:$0x2] =	sbarrier.arrive $0xFFFF  }
0x107: {  	p0 =	sne.s32 s0, $0x0;
	s0 =	rddreg [dreg:$0x2]  }
0x108: {  	s0 =	sadd.s32 @!p0 $0x100000, s0  }
0x109: {  	[sflag:s0] =	ssyncadd.tile.s32 @!p0 $0x1;
	_ =	shalt  }
.Lfunc_end2:
_tile_overlayer_lowered:
.L_overlay_start_2:
0x10a: {  	(tag) =	ssettag $0x2  }
0x10b: {  	s0 =	rddreg [dreg:$0x0];
	s2 =	stileid.u32  }
0x10c: {  	s1 =	rddreg [dreg:$0x1];
	p0 =	sne.s32 s2, $0x0  }
0x10d: {  	s3 =	rddreg [dreg:$0x2];
	[bflag:$0x3] =	sbarrier.arrive $0xFFFF;
	s2 =	simm.s32 @!p0 $0x1C03  }
0x10e: {  	[timem:s3], [sflag:s2] =	dma.local @!p0 [hbm:s0], s1  }
0x10f: {  	s0 =	simm.s32 @!p0 $0x3  }
0x110: {  	_ =	swait.ge @!p0 [sflag:s0], s1  }
0x111: {  	s1 =	ssub.s32 @!p0 $0x0, s1;
	[sflag:s0] =	ssyncset.done @!p0 $0x0  }
0x112: {  	[sflag:s0] =	ssyncadd.s32 @!p0 s1  }
0x113: {  	[bflag:$0x3] =	sbarrier.arrive $0xFFFF  }
0x114: {  	_ =	shalt  }

// kernel: kernel.16.cloned.1.call-start
scs
__scs_entry_jumppad:
0x0: {  	(pc) =	sbr.rel $0x88, $3  }
0x1: {  	(tag) =	ssettag $0x0;
	lr =	simm.s32 $0x1  }
0x2: {  	[smem:$0x3F90] =	sst lr;
	_ =	strace $0xD0000000  }
0x3: {  	_ = 	snop  }
0x4: {  	_ = 	snop  }
0x5: {  	_ = 	snop  }
0x6: {  	_ = 	snop  }
0x7: {  	_ = 	snop  }
__scs_overlays_trampoline_lowered:
0x8: {  	[smem:$0x3F9F] =	sst s0  }
0x9: {  	[smem:$0x3FA0] =	sst s1  }
0xa: {  	[smem:$0x3FA1] =	sst s2  }
0xb: {  	[smem:$0x3FA2] =	sst s3  }
0xc: {  	[smem:$0x3FA3] =	sst s4  }
0xd: {  	[smem:$0x3FA4] =	sst s5  }
0xe: {  	[smem:$0x3FA5] =	sst s6  }
0xf: {  	[smem:$0x3FA6] =	sst s7  }
0x10: {  	[smem:$0x3FA7] =	sst s8  }
0x11: {  	[smem:$0x3FA8] =	sst s9;
	s0 =	simm.s32 @!p0 $0x0  }
0x12: {  	s1 =	sld [smem:$0x3F8E];
	s0 =	simm.s32 @p0 $0x1  }
0x13: {  	[smem:$0x3FA9] =	sst s0;
	s0 =	simm.s32 @!p1 $0x0  }
0x14: {  	s2 =	sld [smem:$0x3F8D];
	s0 =	simm.s32 @p1 $0x1  }
0x15: {  	[smem:$0x3FAA] =	sst s0;
	s0 =	simm.s32 @!p2 $0x0  }
0x16: {  	s3 =	sld [smem:$0x3FDB];
	s0 =	simm.s32 @p2 $0x1  }
0x17: {  	s4 =	simm.s32 $0x1BF5;
	[smem:$0x3FAC] =	sst s0  }
0x18: {  	s0 =	sld [smem:$0x3F8F];
	_ =	swait.ge [sflag:s4], $0x0  }
0x19: {  	s7 =	sld [smem:$0x3F90]  }
0x1a: {  	s8 =	sadd.s32 $0xFFFFE003, lr  }
0x1b: {  	s9 =	sadd.s32 $0xFFFFFEF7, lr;
	s5 =	simm.s32 $0xFFFFFFFF;
	p2 =	slt.u32 s8, $0xFFFFF086  }
0x1c: {  	p1 =	slt.u32 s9, $0xF7A;
	s5 =	simm.s32 @!p2 $0x0  }
0x1d: {  	s5 =	simm.s32 @p1 $0x1;
	p0 =	seq.s32 s7, s2  }
0x1e: {  	s7 =	smul.u32 @!p0 $0xF7A, s2;
	p2 =	seq.s32 @!p0 s5, $0x0  }
0x1f: {  	s9 =	smul.u32 $0xF7A, s1;
	s8 =	simm.s32 @!p0 $0x1BF5;
	p2 =	por !p2, p0  }
0x20: {  	[sflag:s8] =	ssyncset.s32 @!p0 $0xFFFFF086;
	s6 =	sadd.s32 @!p0 s3, s7;
	s7 =	simm.s32 @!p0 $0x108  }
0x21: {  	s3 =	sadd.s32 s3, s9;
	s6 =	sadd.s32 @!p0 $0x88, s6;
	s7 =	simm.s32 @p2 $0x1082  }
0x22: {  	[simem:s7], [sflag:s8] =	dma.local @!p0 [hbm:s6], $0xF7A  }
0x23: {  	s9 =	sor.u32 $0xD0000000, s2;
	s6 =	simm.s32 $0x108;
	_ =	swait.ge @!p0 [sflag:s8], $0x0  }
0x24: {  	s3 =	sadd.s32 $0x88, s3;
	s6 =	simm.s32 @!p1 $0x1082;
	[sflag:s4] =	ssyncset.s32 $0xFFFFF086  }
0x25: {  	[simem:s6], [sflag:s4] =	dma.local [hbm:s3], $0xF7A  }
0x26: {  	[smem:$0x3F90] =	sst s1;
	(tag) =	ssettag s2;
	_ =	strace s9  }
0x27: {  	s1 =	sld [smem:$0x3FA0]  }
0x28: {  	s2 =	sld [smem:$0x3FA1]  }
0x29: {  	s4 =	sld [smem:$0x3FA3]  }
0x2a: {  	p0 =	seq.s32 s5, $0x0;
	s5 =	sld [smem:$0x3FA4]  }
0x2b: {  	s6 =	sld [smem:$0x3FA5]  }
0x2c: {  	s7 =	sld [smem:$0x3FA6]  }
0x2d: {  	s3 =	simm.s32 $0x108;
	s8 =	sld [smem:$0x3FA7]  }
0x2e: {  	s3 =	simm.s32 @!p0 $0x1082;
	s9 =	sld [smem:$0x3FA8]  }
0x2f: {  	lr =	sadd.s32 s0, s3;
	s0 =	sld [smem:$0x3F9F]  }
0x30: {  	s3 =	sld [smem:$0x3FA2]  }
0x31: {  	[smem:$0x3FAB] =	sst s10  }
0x32: {  	s10 =	sld [smem:$0x3FA9];
	_ =	sdelay $0x3  }
0x33: {  	p0 =	seq.s32 s10, $0x1;
	s10 =	sld [smem:$0x3FAB];
	_ =	sdelay $0x3  }
0x34: {  	[smem:$0x3FAB] =	sst s10  }
0x35: {  	s10 =	sld [smem:$0x3FAA];
	_ =	sdelay $0x3  }
0x36: {  	p1 =	seq.s32 s10, $0x1;
	s10 =	sld [smem:$0x3FAB];
	_ =	sdelay $0x3  }
0x37: {  	[smem:$0x3FAB] =	sst s10  }
0x38: {  	s10 =	sld [smem:$0x3FAC]  }
0x39: {  	_ = 	snop;
	(pc) =	sbr.ind lr, $3  }
0x3a: {  	_ = 	snop  }
0x3b: {  	_ = 	snop  }
0x3c: {  	p2 =	seq.s32 s10, $0x1;
	s10 =	sld [smem:$0x3FAB]  }
0x3d: {  	_ =	shalt  }
0x3e: {  	_ =	shalt  }
0x3f: {  	_ =	shalt  }
0x40: {  	_ =	shalt  }
0x41: {  	_ =	shalt  }
0x42: {  	_ =	shalt  }
0x43: {  	_ =	shalt  }
0x44: {  	_ =	shalt  }
0x45: {  	_ =	shalt  }
0x46: {  	_ =	shalt  }
0x47: {  	_ =	shalt  }
0x48: {  	_ =	shalt  }
0x49: {  	_ =	shalt  }
0x4a: {  	_ =	shalt  }
0x4b: {  	_ =	shalt  }
0x4c: {  	_ =	shalt  }
0x4d: {  	_ =	shalt  }
0x4e: {  	_ =	shalt  }
0x4f: {  	_ =	shalt  }
0x50: {  	_ =	shalt  }
0x51: {  	_ =	shalt  }
0x52: {  	_ =	shalt  }
0x53: {  	_ =	shalt  }
0x54: {  	_ =	shalt  }
0x55: {  	_ =	shalt  }
0x56: {  	_ =	shalt  }
0x57: {  	_ =	shalt  }
0x58: {  	_ =	shalt  }
0x59: {  	_ =	shalt  }
0x5a: {  	_ =	shalt  }
0x5b: {  	_ =	shalt  }
0x5c: {  	_ =	shalt  }
0x5d: {  	_ =	shalt  }
0x5e: {  	_ =	shalt  }
0x5f: {  	_ =	shalt  }
0x60: {  	_ =	shalt  }
0x61: {  	_ =	shalt  }
0x62: {  	_ =	shalt  }
0x63: {  	_ =	shalt  }
0x64: {  	_ =	shalt  }
0x65: {  	_ =	shalt  }
0x66: {  	_ =	shalt  }
0x67: {  	_ =	shalt  }
0x68: {  	_ =	shalt  }
0x69: {  	_ =	shalt  }
0x6a: {  	_ =	shalt  }
0x6b: {  	_ =	shalt  }
0x6c: {  	_ =	shalt  }
0x6d: {  	_ =	shalt  }
0x6e: {  	_ =	shalt  }
0x6f: {  	_ =	shalt  }
0x70: {  	_ =	shalt  }
0x71: {  	_ =	shalt  }
0x72: {  	_ =	shalt  }
0x73: {  	_ =	shalt  }
0x74: {  	_ =	shalt  }
0x75: {  	_ =	shalt  }
0x76: {  	_ =	shalt  }
0x77: {  	_ =	shalt  }
0x78: {  	_ =	shalt  }
0x79: {  	_ =	shalt  }
0x7a: {  	_ =	shalt  }
0x7b: {  	_ =	shalt  }
0x7c: {  	_ =	shalt  }
0x7d: {  	_ =	shalt  }
0x7e: {  	_ =	shalt  }
0x7f: {  	_ =	shalt  }
0x80: {  	_ =	shalt  }
0x81: {  	_ =	shalt  }
0x82: {  	_ =	shalt  }
0x83: {  	_ =	shalt  }
0x84: {  	_ =	shalt  }
0x85: {  	_ =	shalt  }
0x86: {  	_ =	shalt  }
0x87: {  	_ =	shalt  }
.Lfunc_end0:
.L_simem_size_0:
called_computation.2_lowered:
.L_overlay_start_0:
0x88: {  	s2 =	sld [smem:$0x3FD9]  }
0x89: {  	s3 =	sld [smem:$0x3FFE];
	_ =	sdelay $0x1  }
0x8a: {  	s1 =	srdreg.scid  }
0x8b: {  	s0 =	sand.u32 $0x1, s1  }
0x8c: {  	s16 =	sshll.u32 s0, $0xA;
	s2 =	sadd.s32 s3, s2  }
0x8d: {  	s2 =	sadd.s32 s2, s16  }
0x8e: {  	[smem:$0x3FB7] =	sst s2  }
0x8f: {  	_ = 	snop  }
0x90: {  	(tm) =	ssettm $0x1  }
0x91: {  	s17 =	sld [smem:$0x3FFB];
	_ =	sdelay $0x3  }
0x92: {  	_ =	strace s17  }
0x93: {  	s2 =	sld [smem:$0x3FFC];
	_ =	sdelay $0x3  }
0x94: {  	_ =	strace s2  }
0x95: {  	s2 =	sld [smem:$0x3FFD];
	_ =	sdelay $0x3  }
0x96: {  	_ =	strace s2  }
0x97: {  	_ =	strace $0x8FFFFFFF  }
0x98: {  	s18 =	sld [smem:$0x3FDB];
	_ =	sdelay $0x1  }
0x99: {  	s19 =	simm.s32 $_scs_section_size  }
0x9a: {  	s4 =	simm.s32 $_size__tile_overlayer_lowered;
	s5 =	simm.s32 $_tile_overlayer_lowered  }
0x9b: {  	s22 =	simm.s32 $0x1BFF;
	s21 =	sshll.u32 s5, $0x1;
	s2 =	sadd.s32 s19, s18  }
0x9c: {  	s6 =	simm.s32 $0x0;
	s20 =	sshll.u32 s4, $0x1;
	s4 =	sadd.s32 s21, s2  }
0x9d: {  	[timem:s6], [sflag:s22] =	dma.local [hbm:s4], s20  }
0x9e: {  	_ =	swait.ge [sflag:s22], s20  }
0x9f: {  	s3 =	ssub.s32 $0x0, s20;
	[sflag:s22] =	ssyncset.done $0x0  }
0xa0: {  	[sflag:s22] =	ssyncadd.s32 s3;
	_ =	sdelay $0x1  }
0xa1: {  	s23 =	simm.s32 $0x1B8B  }
0xa2: {  	_ =	swait.ge [sflag:s23], $0x1  }
0xa3: {  	[sflag:s23] =	ssyncset.done $0x0  }
0xa4: {  	s25 =	simm.s32 $0x1B8E;
	s24 =	sld [smem:$0x3FFE];
	[sflag:s23] =	ssyncadd.s32 $0xFFFFFFFF  }
0xa5: {  	s26 =	simm.s32 $execute0_lowered;
	[smem:$0x3FD2] =	sst s25  }
0xa6: {  	s4 =	sshll.u32 s26, $0x1;
	_ =	strace $0x8000004C;
	[dreg:$0x1] =	wrdreg $0xFFFFFFFF  }
0xa7: {  	s28 =	simm.s32 $_size_execute0_lowered;
	s2 =	sadd.s32 s2, s4;
	[dreg:$0x0] =	wrdreg $0x0  }
0xa8: {  	s4 =	sshll.u32 s28, $0x1;
	[dreg:$0x2] =	wrdreg s2  }
0xa9: {  	[dreg:$0x3] =	wrdreg s4  }
0xaa: {  	[dreg:$0x4] =	wrdreg $0xC0  }
0xab: {  	_ =	task [dreg:s6], $0x5FFFF  }
0xac: {  	[dreg:$0x1] =	wrdreg $0xFFFFFFFF  }
0xad: {  	[dreg:$0x0] =	wrdreg $0x60  }
0xae: {  	[dreg:$0x2] =	wrdreg s24  }
0xaf: {  	[dreg:$0x3] =	wrdreg $0xA8000  }
0xb0: {  	[dreg:$0x4] =	wrdreg $0x9  }
0xb1: {  	_ =	task.clear_ibuf [dreg:s6], $0x5FFFF;
	_ =	strace $0x9000004C  }
0xb2: {  	s29 =	simm.s32 $0x9;
	_ =	strace $0x8000004E  }
0xb3: {  	_ =	swait.ge [sflag:s29], $0x1  }
0xb4: {  	[sflag:s29] =	ssyncadd.s32 $0xFFFFFFFF  }
0xb5: {  	_ =	strace $0x9000004E  }
0xb6: {  	_ =	sfence  }
0xb7: {  	s30 =	sld [smem:$0x0];
	_ =	sdelay $0x2  }
0xb8: {  	s31 =	sshll.u32 s1, $0xD;
	s1 =	sshrl.u32 s1, $0x2  }
0xb9: {  	s3 =	sand.u32 $0x4000, s31;
	s1 =	sadd.s32 s1, s30  }
0xba: {  	s0 =	sor.u32 s3, s0;
	s1 =	sshll.u32 s1, $0x11  }
0xbb: {  	s0 =	sor.u32 s1, s0  }
0xbc: {  	s0 =	sadd.s32 $0x8F2B, s0  }
0xbd: {  	[sflag:s0] =	ssyncadd.remote.s32 $0x1  }
0xbe: {  	_ =	sfence.sel $0xFFFF  }
0xbf: {  	[dreg:$0x0] =	wrdreg $0xFFFFFFFF;
	(pc) =	sbr.abs _section_cstart, $3  }
0xc0: {  	[dreg:$0x1] =	wrdreg $0xFFFFFFFF  }
0xc1: {  	_ =	task.clear_ibuf [dreg:s6], $0x2FFFF;
	_ =	strace $0x9FFFFFFF  }
0xc2: {  	(tm) =	ssettm $0x7FFFFFFF  }
0xc3: {  	_ =	shalt  }
tec
execute0_lowered:
.L_overlay_start_1:
0x0: {  	(tag) =	ssettag $0x1  }
0x1: {  	s0 =	rddreg [dreg:$0x0]  }
0x2: {  	s1 =	rddreg [dreg:$0x1];
	s2 =	simm.s32 $0x0  }
0x3: {  	s9 =	srdreg.scid;
	s28 =	simm.s32 $0x2600;
	s29 =	simm.s32 $0x1300  }
0x4: {  	s30 =	simm.s32 $0x2680;
	s31 =	simm.s32 $0x1380;
	[smem:$0x7FF] =	sst s2  }
0x5: {  	s20 =	stileid.u32;
	s3 =	sadd.s32 $0x12BC00, s0;
	s4 =	sadd.s32 $0x152E00, s0  }
0x6: {  	s5 =	sadd.s32 $0x8F400, s0;
	s7 =	sadd.s32 $0xB6600, s0;
	s6 =	sadd.s32 $0x85400, s0  }
0x7: {  	s8 =	sadd.s32 $0x6000, s0;
	s16 =	sadd.s32 $0x10000, s0;
	s10 =	smul.u32 $0x4E000, s20  }
0x8: {  	s9 =	sand.u32 $0x1, s9;
	s14 =	smul.u32 $0x13800, s20;
	s0 =	sadd.s32 $0x1C8200, s0  }
0x9: {  	s21 =	sshll.u32 s20, $0x6;
	s22 =	sadd.s32 $0x138000, s1;
	p0 =	sne.s32 s20, $0xF  }
0xa: {  	_ =	strace $0x8000004D;
	s11 =	ssub.s32 $0x2, s9;
	[dreg:$0x3] =	wrdreg s16  }
0xb: {  	s12 =	sshll.u32 s9, $0x4;
	s9 =	smul.u32 $0x138800, s9;
	[dreg:$0x5] =	wrdreg s22  }
0xc: {  	s22 =	simm.s32 $0x80;
	s13 =	sshrl.u32 s11, $0x1;
	s12 =	sor.u32 s20, s12  }
0xd: {  	s10 =	sshrl.u32 s10, $0x2;
	s15 =	sshrl.u32 s14, $0x3;
	s20 =	simm.s32 $0x3  }
0xe: {  	s12 =	smul.u32 $0x2800, s12;
	s11 =	ssub.s32 s11, s13;
	s19 =	sadd.s32 s10, s1  }
0xf: {  	s18 =	sadd.s32 s16, s15;
	s10 =	sor.u32 $0x1C03, s21;
	s25 =	sadd.s32 s14, s9  }
0x10: {  	s9 =	sshrl.u32 s9, $0x3;
	s21 =	simm.s32 $0x1400;
	[dreg:$0x4] =	wrdreg s18  }
0x11: {  	s26 =	sshrl.u32 s25, $0x3;
	s18 =	smax.u32 s11, $0x1;
	s19 =	sshrl.u32 s19, $0x3  }
0x12: {  	s25 =	simm.s32 $0x1;
	s12 =	sshrl.u32 s12, $0x3;
	s16 =	sadd.s32 s0, s26  }
0x13: {  	s0 =	sadd.s32 s0, s9;
	s26 =	simm.s32 $0x2;
	s23 =	sadd.s32 s6, s12  }
0x14: {  	s24 =	sadd.s32 s8, s12;
	s12 =	sadd.s32 $0x280, s12;
	[dreg:$0x6] =	wrdreg s23  }
0x15: {  	s17 =	sadd.s32 $0x27000, s0;
	s0 =	simm.s32 $0x2700;
	[dreg:$0x7] =	wrdreg s24  }
0x16: {  	s14 =	sadd.s32 s6, s12;
	s15 =	sadd.s32 s8, s12;
	s23 =	simm.s32 $0x2800  }
0x17: {  	s24 =	simm.s32 $0x6800;
	s6 =	simm.s32 $0x2780;
	s8 =	simm.s32 $0x0  }
.LBB2_1:
0x18: {  	s9 =	rddreg [dreg:$0x4]  }
0x19: {  	[spmem:s19], [sflag:s10] =	dma.local [hbm:s9], $0x2700  }
0x1a: {  	_ =	swait.ge [sflag:s20], $0x2700  }
0x1b: {  	[sflag:s20] =	ssyncset.done $0x0;
	s9 =	rddreg [dreg:$0x5]  }
0x1c: {  	s11 =	rddreg [dreg:$0x3];
	[sflag:s20] =	ssyncadd.s32 $0xFFFFD900;
	s9 =	sshrl.u32 @!p0 s9, $0x3  }
0x1d: {  	[spmem:s9], [sflag:s10] =	dma.local @!p0 [hbm:s11], $0x180  }
0x1e: {  	s11 =	simm.s32 @!p0 $0x3  }
0x1f: {  	_ =	swait.ge @!p0 [sflag:s11], $0x180  }
0x20: {  	[sflag:s11] =	ssyncset.done @!p0 $0x0  }
0x21: {  	[sflag:s11] =	ssyncadd.s32 @!p0 $0xFFFFFE80  }
0x22: {  	[bflag:$0x0] =	sbarrier.arrive $0xFFFF  }
0x23: {  	s13 =	rddreg [dreg:$0x6]  }
0x24: {  	[tilespmem:s2], [sflag:$0x3] =	stream.linear.gather [hbm4b:s13+s2], $0x1400, $0x38;
	[tilespmem:$0x1E0C0] =	vst v63  }
0x25: {  	_ =	swait.ge [sflag:s20], $0x1400  }
0x26: {  	[sflag:s20] =	ssyncset.done $0x0  }
0x27: {  	s12 =	rddreg [dreg:$0x7];
	[sflag:s20] =	ssyncadd.s32 $0xFFFFEC00  }
0x28: {  	[tilespmem:s21], [sflag:$0x3] =	stream.linear.gather [hbm4b:s12+s2], $0x1400, $0x38;
	[tilespmem:$0x1E0C0] =	vst v63  }
0x29: {  	_ =	swait.ge [sflag:s20], $0x1400  }
0x2a: {  	[sflag:s20] =	ssyncset.done $0x0  }
0x2b: {  	[sflag:s20] =	ssyncadd.s32 $0xFFFFEC00  }
0x2c: {  	[tilespmem:s23], [sflag:$0x1] =	stream.indirect.gather [hbm4b:s3+s22], $0x80, s2, s22, $0xb8;
	[tilespmem:$0x1E0C0] =	vst v63  }
0x2d: {  	_ = 	snop  }
0x2e: {  	[tilespmem:s24], [sflag:$0x2] =	stream.indirect.gather [hbm4b:s4+s22], $0x80, s22, s22, $0xb8;
	[tilespmem:$0x1E0C0] =	vst v63  }
0x2f: {  	_ =	swait.ge [sflag:s25], $0x4000  }
0x30: {  	[sflag:s25] =	ssyncset.done $0x0  }
0x31: {  	s13 =	simm.s32 $0x1400;
	[sflag:s25] =	ssyncadd.s32 $0xFFFFC000  }
0x32: {  	[spmem:s1] =	stream.indirect.scatter.add.f32 [tilespmem:s23], [sflag:$0x3], $0x80, s13, s22, $0xb8;
	[tilespmem:$0x1E0C0] =	vst v63  }
0x33: {  	_ =	swait.ge [sflag:s20], $0x4000  }
0x34: {  	[sflag:s20] =	ssyncset.done $0x0  }
0x35: {  	s12 =	simm.s32 $0x100;
	[sflag:s20] =	ssyncadd.s32 $0xFFFFC000  }
0x36: {  	[tilespmem:s23], [sflag:$0x1] =	stream.indirect.gather [hbm4b:s5+s22], $0x80, s12, s22, $0xb8;
	[tilespmem:$0x1E0C0] =	vst v63  }
0x37: {  	_ =	swait.ge [sflag:s26], $0x4000  }
0x38: {  	[sflag:s26] =	ssyncset.done $0x0  }
0x39: {  	s13 =	simm.s32 $0x1480;
	[sflag:s26] =	ssyncadd.s32 $0xFFFFC000  }
0x3a: {  	[spmem:s1] =	stream.indirect.scatter.add.f32 [tilespmem:s24], [sflag:$0x3], $0x80, s13, s22, $0xb8;
	[tilespmem:$0x1E0C0] =	vst v63  }
0x3b: {  	_ =	swait.ge [sflag:s20], $0x4000  }
0x3c: {  	[sflag:s20] =	ssyncset.done $0x0  }
0x3d: {  	s12 =	simm.s32 $0x180;
	[sflag:s20] =	ssyncadd.s32 $0xFFFFC000  }
0x3e: {  	[tilespmem:s24], [sflag:$0x2] =	stream.indirect.gather [hbm4b:s7+s22], $0x80, s12, s22, $0xb8;
	[tilespmem:$0x1E0C0] =	vst v63  }
0x3f: {  	_ =	swait.ge [sflag:s25], $0x4000  }
0x40: {  	[sflag:s25] =	ssyncset.done $0x0  }
0x41: {  	s13 =	simm.s32 $0x1500;
	[sflag:s25] =	ssyncadd.s32 $0xFFFFC000  }
0x42: {  	[spmem:s1] =	stream.indirect.scatter.add.f32 [tilespmem:s23], [sflag:$0x3], $0x80, s13, s22, $0xb8;
	[tilespmem:$0x1E0C0] =	vst v63  }
0x43: {  	_ =	swait.ge [sflag:s20], $0x4000  }
0x44: {  	[sflag:s20] =	ssyncset.done $0x0  }
0x45: {  	s12 =	simm.s32 $0x200;
	[sflag:s20] =	ssyncadd.s32 $0xFFFFC000  }
0x46: {  	[tilespmem:s23], [sflag:$0x1] =	stream.indirect.gather [hbm4b:s3+s22], $0x80, s12, s22, $0xb8;
	[tilespmem:$0x1E0C0] =	vst v63  }
0x47: {  	_ =	swait.ge [sflag:s26], $0x4000  }
0x48: {  	[sflag:s26] =	ssyncset.done $0x0  }
0x49: {  	s13 =	simm.s32 $0x1580;
	[sflag:s26] =	ssyncadd.s32 $0xFFFFC000  }
0x4a: {  	[spmem:s1] =	stream.indirect.scatter.add.f32 [tilespmem:s24], [sflag:$0x3], $0x80, s13, s22, $0xb8;
	[tilespmem:$0x1E0C0] =	vst v63  }
0x4b: {  	_ =	swait.ge [sflag:s20], $0x4000  }
0x4c: {  	[sflag:s20] =	ssyncset.done $0x0  }
0x4d: {  	s11 =	simm.s32 $0x800;
	s12 =	simm.s32 $0x280;
	[sflag:s20] =	ssyncadd.s32 $0xFFFFC000  }
.LBB2_2:
0x4e: {  	[tilespmem:s24], [sflag:$0x2] =	stream.indirect.gather [hbm4b:s4+s22], $0x80, s12, s22, $0xb8;
	[tilespmem:$0x1E0C0] =	vst v63  }
0x4f: {  	s12 =	smov.u32 s11  }
0x50: {  	p1 =	sne.s32 s11, $0x4000;
	s11 =	sadd.s32 $0x800, s11;
	_ =	swait.ge [sflag:s25], $0x4000  }
0x51: {  	s12 =	sshra.s32 s12, $0x2;
	[sflag:s25] =	ssyncset.done $0x0  }
0x52: {  	s13 =	sadd.s32 $0x1400, s12;
	[sflag:s25] =	ssyncadd.s32 $0xFFFFC000  }
0x53: {  	[spmem:s1] =	stream.indirect.scatter.add.f32 [tilespmem:s23], [sflag:$0x3], $0x80, s13, s22, $0xb8;
	[tilespmem:$0x1E0C0] =	vst v63  }
0x54: {  	_ =	swait.ge [sflag:s20], $0x4000  }
0x55: {  	[sflag:s20] =	ssyncset.done $0x0  }
0x56: {  	s13 =	sadd.s32 $0x100, s12;
	[sflag:s20] =	ssyncadd.s32 $0xFFFFC000  }
0x57: {  	[tilespmem:s23], [sflag:$0x1] =	stream.indirect.gather [hbm4b:s5+s22], $0x80, s13, s22, $0xb8;
	[tilespmem:$0x1E0C0] =	vst v63  }
0x58: {  	_ =	swait.ge [sflag:s26], $0x4000  }
0x59: {  	[sflag:s26] =	ssyncset.done $0x0  }
0x5a: {  	s13 =	sadd.s32 $0x1480, s12;
	[sflag:s26] =	ssyncadd.s32 $0xFFFFC000  }
0x5b: {  	[spmem:s1] =	stream.indirect.scatter.add.f32 [tilespmem:s24], [sflag:$0x3], $0x80, s13, s22, $0xb8;
	[tilespmem:$0x1E0C0] =	vst v63  }
0x5c: {  	_ =	swait.ge [sflag:s20], $0x4000  }
0x5d: {  	[sflag:s20] =	ssyncset.done $0x0  }
0x5e: {  	s13 =	sadd.s32 $0x180, s12;
	[sflag:s20] =	ssyncadd.s32 $0xFFFFC000  }
0x5f: {  	[tilespmem:s24], [sflag:$0x2] =	stream.indirect.gather [hbm4b:s7+s22], $0x80, s13, s22, $0xb8;
	[tilespmem:$0x1E0C0] =	vst v63  }
0x60: {  	_ =	swait.ge [sflag:s25], $0x4000  }
0x61: {  	[sflag:s25] =	ssyncset.done $0x0  }
0x62: {  	s13 =	sadd.s32 $0x1500, s12;
	[sflag:s25] =	ssyncadd.s32 $0xFFFFC000  }
0x63: {  	[spmem:s1] =	stream.indirect.scatter.add.f32 [tilespmem:s23], [sflag:$0x3], $0x80, s13, s22, $0xb8;
	[tilespmem:$0x1E0C0] =	vst v63  }
0x64: {  	_ =	swait.ge [sflag:s20], $0x4000  }
0x65: {  	[sflag:s20] =	ssyncset.done $0x0  }
0x66: {  	s13 =	sadd.s32 $0x200, s12;
	[sflag:s20] =	ssyncadd.s32 $0xFFFFC000  }
0x67: {  	[tilespmem:s23], [sflag:$0x1] =	stream.indirect.gather [hbm4b:s3+s22], $0x80, s13, s22, $0xb8;
	[tilespmem:$0x1E0C0] =	vst v63  }
0x68: {  	_ =	swait.ge [sflag:s26], $0x4000  }
0x69: {  	[sflag:s26] =	ssyncset.done $0x0  }
.Ltmp0:
0x6a: {  	s13 =	sadd.s32 $0x1580, s12;
	[sflag:s26] =	ssyncadd.s32 $0xFFFFC000;
	(pc) =	sbr.rel @p1 .LBB2_2-.Ltmp0, $4  }
0x6b: {  	[spmem:s1] =	stream.indirect.scatter.add.f32 [tilespmem:s24], [sflag:$0x3], $0x80, s13, s22, $0xb8;
	[tilespmem:$0x1E0C0] =	vst v63  }
0x6c: {  	_ =	swait.ge [sflag:s20], $0x4000  }
0x6d: {  	[sflag:s20] =	ssyncset.done $0x0  }
0x6e: {  	s12 =	sadd.s32 $0x280, s12;
	[sflag:s20] =	ssyncadd.s32 $0xFFFFC000  }
0x6f: {  	[tilespmem:s24], [sflag:$0x2] =	stream.indirect.gather [hbm4b:s4+s22], $0x80, s12, s22, $0xb8;
	[tilespmem:$0x1E0C0] =	vst v63  }
0x70: {  	_ =	swait.ge [sflag:s25], $0x4000  }
0x71: {  	[sflag:s25] =	ssyncset.done $0x0  }
0x72: {  	[sflag:s25] =	ssyncadd.s32 $0xFFFFC000  }
0x73: {  	[spmem:s1] =	stream.indirect.scatter.add.f32 [tilespmem:s23], [sflag:$0x3], $0x80, s28, s22, $0xb8;
	[tilespmem:$0x1E0C0] =	vst v63  }
0x74: {  	_ =	swait.ge [sflag:s20], $0x4000  }
0x75: {  	[sflag:s20] =	ssyncset.done $0x0  }
0x76: {  	[sflag:s20] =	ssyncadd.s32 $0xFFFFC000  }
0x77: {  	[tilespmem:s23], [sflag:$0x1] =	stream.indirect.gather [hbm4b:s5+s22], $0x80, s29, s22, $0xb8;
	[tilespmem:$0x1E0C0] =	vst v63  }
0x78: {  	_ =	swait.ge [sflag:s26], $0x4000  }
0x79: {  	[sflag:s26] =	ssyncset.done $0x0  }
0x7a: {  	[sflag:s26] =	ssyncadd.s32 $0xFFFFC000  }
0x7b: {  	[spmem:s1] =	stream.indirect.scatter.add.f32 [tilespmem:s24], [sflag:$0x3], $0x80, s30, s22, $0xb8;
	[tilespmem:$0x1E0C0] =	vst v63  }
0x7c: {  	_ =	swait.ge [sflag:s20], $0x4000  }
0x7d: {  	[sflag:s20] =	ssyncset.done $0x0  }
0x7e: {  	[sflag:s20] =	ssyncadd.s32 $0xFFFFC000  }
0x7f: {  	[tilespmem:s24], [sflag:$0x2] =	stream.indirect.gather [hbm4b:s7+s22], $0x80, s31, s22, $0xb8;
	[tilespmem:$0x1E0C0] =	vst v63  }
0x80: {  	_ =	swait.ge [sflag:s25], $0x4000  }
0x81: {  	[sflag:s25] =	ssyncset.done $0x0  }
0x82: {  	[sflag:s25] =	ssyncadd.s32 $0xFFFFC000  }
0x83: {  	[spmem:s1] =	stream.indirect.scatter.add.f32 [tilespmem:s23], [sflag:$0x3], $0x80, s0, s22, $0xb8;
	[tilespmem:$0x1E0C0] =	vst v63  }
0x84: {  	_ =	swait.ge [sflag:s20], $0x4000  }
0x85: {  	[sflag:s20] =	ssyncset.done $0x0  }
0x86: {  	[sflag:s20] =	ssyncadd.s32 $0xFFFFC000  }
0x87: {  	_ =	swait.ge [sflag:s26], $0x4000  }
0x88: {  	[sflag:s26] =	ssyncset.done $0x0  }
0x89: {  	[sflag:s26] =	ssyncadd.s32 $0xFFFFC000  }
0x8a: {  	[spmem:s1] =	stream.indirect.scatter.add.f32 [tilespmem:s24], [sflag:$0x3], $0x80, s6, s22, $0xb8;
	[tilespmem:$0x1E0C0] =	vst v63  }
0x8b: {  	_ =	swait.ge [sflag:s20], $0x4000  }
0x8c: {  	[sflag:s20] =	ssyncset.done $0x0  }
0x8d: {  	s11 =	simm.s32 $0x0;
	[sflag:s20] =	ssyncadd.s32 $0xFFFFC000  }
0x8e: {  	[tilespmem:s11], [sflag:$0x3] =	stream.linear.gather [hbm4b:s14+s11], $0x1400, $0x38;
	[tilespmem:$0x1E0C0] =	vst v63  }
0x8f: {  	_ =	swait.ge [sflag:s20], $0x1400  }
0x90: {  	[sflag:s20] =	ssyncset.done $0x0  }
0x91: {  	[sflag:s20] =	ssyncadd.s32 $0xFFFFEC00  }
0x92: {  	[tilespmem:s21], [sflag:$0x3] =	stream.linear.gather [hbm4b:s15+s11], $0x1400, $0x38;
	[tilespmem:$0x1E0C0] =	vst v63  }
0x93: {  	_ =	swait.ge [sflag:s20], $0x1400  }
0x94: {  	[sflag:s20] =	ssyncset.done $0x0  }
0x95: {  	[sflag:s20] =	ssyncadd.s32 $0xFFFFEC00  }
0x96: {  	[tilespmem:s23], [sflag:$0x1] =	stream.indirect.gather [hbm4b:s3+s22], $0x80, s11, s22, $0xb8;
	[tilespmem:$0x1E0C0] =	vst v63  }
0x97: {  	_ = 	snop  }
0x98: {  	[tilespmem:s24], [sflag:$0x2] =	stream.indirect.gather [hbm4b:s4+s22], $0x80, s22, s22, $0xb8;
	[tilespmem:$0x1E0C0] =	vst v63  }
0x99: {  	_ =	swait.ge [sflag:s25], $0x4000  }
0x9a: {  	[sflag:s25] =	ssyncset.done $0x0  }
0x9b: {  	s13 =	simm.s32 $0x1400;
	[sflag:s25] =	ssyncadd.s32 $0xFFFFC000  }
0x9c: {  	[spmem:s1] =	stream.indirect.scatter.add.f32 [tilespmem:s23], [sflag:$0x3], $0x80, s13, s22, $0xb8;
	[tilespmem:$0x1E0C0] =	vst v63  }
0x9d: {  	_ =	swait.ge [sflag:s20], $0x4000  }
0x9e: {  	[sflag:s20] =	ssyncset.done $0x0  }
0x9f: {  	s12 =	simm.s32 $0x100;
	[sflag:s20] =	ssyncadd.s32 $0xFFFFC000  }
0xa0: {  	[tilespmem:s23], [sflag:$0x1] =	stream.indirect.gather [hbm4b:s5+s22], $0x80, s12, s22, $0xb8;
	[tilespmem:$0x1E0C0] =	vst v63  }
0xa1: {  	_ =	swait.ge [sflag:s26], $0x4000  }
0xa2: {  	[sflag:s26] =	ssyncset.done $0x0  }
0xa3: {  	s13 =	simm.s32 $0x1480;
	[sflag:s26] =	ssyncadd.s32 $0xFFFFC000  }
0xa4: {  	[spmem:s1] =	stream.indirect.scatter.add.f32 [tilespmem:s24], [sflag:$0x3], $0x80, s13, s22, $0xb8;
	[tilespmem:$0x1E0C0] =	vst v63  }
0xa5: {  	_ =	swait.ge [sflag:s20], $0x4000  }
0xa6: {  	[sflag:s20] =	ssyncset.done $0x0  }
0xa7: {  	s12 =	simm.s32 $0x180;
	[sflag:s20] =	ssyncadd.s32 $0xFFFFC000  }
0xa8: {  	[tilespmem:s24], [sflag:$0x2] =	stream.indirect.gather [hbm4b:s7+s22], $0x80, s12, s22, $0xb8;
	[tilespmem:$0x1E0C0] =	vst v63  }
0xa9: {  	_ =	swait.ge [sflag:s25], $0x4000  }
0xaa: {  	[sflag:s25] =	ssyncset.done $0x0  }
0xab: {  	s13 =	simm.s32 $0x1500;
	[sflag:s25] =	ssyncadd.s32 $0xFFFFC000  }
0xac: {  	[spmem:s1] =	stream.indirect.scatter.add.f32 [tilespmem:s23], [sflag:$0x3], $0x80, s13, s22, $0xb8;
	[tilespmem:$0x1E0C0] =	vst v63  }
0xad: {  	_ =	swait.ge [sflag:s20], $0x4000  }
0xae: {  	[sflag:s20] =	ssyncset.done $0x0  }
0xaf: {  	s12 =	simm.s32 $0x200;
	[sflag:s20] =	ssyncadd.s32 $0xFFFFC000  }
0xb0: {  	[tilespmem:s23], [sflag:$0x1] =	stream.indirect.gather [hbm4b:s3+s22], $0x80, s12, s22, $0xb8;
	[tilespmem:$0x1E0C0] =	vst v63  }
0xb1: {  	_ =	swait.ge [sflag:s26], $0x4000  }
0xb2: {  	[sflag:s26] =	ssyncset.done $0x0  }
0xb3: {  	s13 =	simm.s32 $0x1580;
	[sflag:s26] =	ssyncadd.s32 $0xFFFFC000  }
0xb4: {  	[spmem:s1] =	stream.indirect.scatter.add.f32 [tilespmem:s24], [sflag:$0x3], $0x80, s13, s22, $0xb8;
	[tilespmem:$0x1E0C0] =	vst v63  }
0xb5: {  	_ =	swait.ge [sflag:s20], $0x4000  }
0xb6: {  	[sflag:s20] =	ssyncset.done $0x0  }
0xb7: {  	s11 =	simm.s32 $0x800;
	s12 =	simm.s32 $0x280;
	[sflag:s20] =	ssyncadd.s32 $0xFFFFC000  }
.LBB2_4:
0xb8: {  	[tilespmem:s24], [sflag:$0x2] =	stream.indirect.gather [hbm4b:s4+s22], $0x80, s12, s22, $0xb8;
	[tilespmem:$0x1E0C0] =	vst v63  }
0xb9: {  	s12 =	smov.u32 s11  }
0xba: {  	p1 =	sne.s32 s11, $0x4000;
	s11 =	sadd.s32 $0x800, s11;
	_ =	swait.ge [sflag:s25], $0x4000  }
0xbb: {  	s12 =	sshra.s32 s12, $0x2;
	[sflag:s25] =	ssyncset.done $0x0  }
0xbc: {  	s13 =	sadd.s32 $0x1400, s12;
	[sflag:s25] =	ssyncadd.s32 $0xFFFFC000  }
0xbd: {  	[spmem:s1] =	stream.indirect.scatter.add.f32 [tilespmem:s23], [sflag:$0x3], $0x80, s13, s22, $0xb8;
	[tilespmem:$0x1E0C0] =	vst v63  }
0xbe: {  	_ =	swait.ge [sflag:s20], $0x4000  }
0xbf: {  	[sflag:s20] =	ssyncset.done $0x0  }
0xc0: {  	s13 =	sadd.s32 $0x100, s12;
	[sflag:s20] =	ssyncadd.s32 $0xFFFFC000  }
0xc1: {  	[tilespmem:s23], [sflag:$0x1] =	stream.indirect.gather [hbm4b:s5+s22], $0x80, s13, s22, $0xb8;
	[tilespmem:$0x1E0C0] =	vst v63  }
0xc2: {  	_ =	swait.ge [sflag:s26], $0x4000  }
0xc3: {  	[sflag:s26] =	ssyncset.done $0x0  }
0xc4: {  	s13 =	sadd.s32 $0x1480, s12;
	[sflag:s26] =	ssyncadd.s32 $0xFFFFC000  }
0xc5: {  	[spmem:s1] =	stream.indirect.scatter.add.f32 [tilespmem:s24], [sflag:$0x3], $0x80, s13, s22, $0xb8;
	[tilespmem:$0x1E0C0] =	vst v63  }
0xc6: {  	_ =	swait.ge [sflag:s20], $0x4000  }
0xc7: {  	[sflag:s20] =	ssyncset.done $0x0  }
0xc8: {  	s13 =	sadd.s32 $0x180, s12;
	[sflag:s20] =	ssyncadd.s32 $0xFFFFC000  }
0xc9: {  	[tilespmem:s24], [sflag:$0x2] =	stream.indirect.gather [hbm4b:s7+s22], $0x80, s13, s22, $0xb8;
	[tilespmem:$0x1E0C0] =	vst v63  }
0xca: {  	_ =	swait.ge [sflag:s25], $0x4000  }
0xcb: {  	[sflag:s25] =	ssyncset.done $0x0  }
0xcc: {  	s13 =	sadd.s32 $0x1500, s12;
	[sflag:s25] =	ssyncadd.s32 $0xFFFFC000  }
0xcd: {  	[spmem:s1] =	stream.indirect.scatter.add.f32 [tilespmem:s23], [sflag:$0x3], $0x80, s13, s22, $0xb8;
	[tilespmem:$0x1E0C0] =	vst v63  }
0xce: {  	_ =	swait.ge [sflag:s20], $0x4000  }
0xcf: {  	[sflag:s20] =	ssyncset.done $0x0  }
0xd0: {  	s13 =	sadd.s32 $0x200, s12;
	[sflag:s20] =	ssyncadd.s32 $0xFFFFC000  }
0xd1: {  	[tilespmem:s23], [sflag:$0x1] =	stream.indirect.gather [hbm4b:s3+s22], $0x80, s13, s22, $0xb8;
	[tilespmem:$0x1E0C0] =	vst v63  }
0xd2: {  	_ =	swait.ge [sflag:s26], $0x4000  }
0xd3: {  	[sflag:s26] =	ssyncset.done $0x0  }
.Ltmp1:
0xd4: {  	s13 =	sadd.s32 $0x1580, s12;
	[sflag:s26] =	ssyncadd.s32 $0xFFFFC000;
	(pc) =	sbr.rel @p1 .LBB2_4-.Ltmp1, $4  }
0xd5: {  	[spmem:s1] =	stream.indirect.scatter.add.f32 [tilespmem:s24], [sflag:$0x3], $0x80, s13, s22, $0xb8;
	[tilespmem:$0x1E0C0] =	vst v63  }
0xd6: {  	_ =	swait.ge [sflag:s20], $0x4000  }
0xd7: {  	[sflag:s20] =	ssyncset.done $0x0  }
0xd8: {  	s12 =	sadd.s32 $0x280, s12;
	[sflag:s20] =	ssyncadd.s32 $0xFFFFC000  }
0xd9: {  	[tilespmem:s24], [sflag:$0x2] =	stream.indirect.gather [hbm4b:s4+s22], $0x80, s12, s22, $0xb8;
	[tilespmem:$0x1E0C0] =	vst v63  }
0xda: {  	_ =	swait.ge [sflag:s25], $0x4000  }
0xdb: {  	[sflag:s25] =	ssyncset.done $0x0  }
0xdc: {  	[sflag:s25] =	ssyncadd.s32 $0xFFFFC000  }
0xdd: {  	[spmem:s1] =	stream.indirect.scatter.add.f32 [tilespmem:s23], [sflag:$0x3], $0x80, s28, s22, $0xb8;
	[tilespmem:$0x1E0C0] =	vst v63  }
0xde: {  	_ =	swait.ge [sflag:s20], $0x4000  }
0xdf: {  	[sflag:s20] =	ssyncset.done $0x0  }
0xe0: {  	[sflag:s20] =	ssyncadd.s32 $0xFFFFC000  }
0xe1: {  	[tilespmem:s23], [sflag:$0x1] =	stream.indirect.gather [hbm4b:s5+s22], $0x80, s29, s22, $0xb8;
	[tilespmem:$0x1E0C0] =	vst v63  }
0xe2: {  	_ =	swait.ge [sflag:s26], $0x4000  }
0xe3: {  	[sflag:s26] =	ssyncset.done $0x0  }
0xe4: {  	[sflag:s26] =	ssyncadd.s32 $0xFFFFC000  }
0xe5: {  	[spmem:s1] =	stream.indirect.scatter.add.f32 [tilespmem:s24], [sflag:$0x3], $0x80, s30, s22, $0xb8;
	[tilespmem:$0x1E0C0] =	vst v63  }
0xe6: {  	_ =	swait.ge [sflag:s20], $0x4000  }
0xe7: {  	[sflag:s20] =	ssyncset.done $0x0  }
0xe8: {  	[sflag:s20] =	ssyncadd.s32 $0xFFFFC000  }
0xe9: {  	[tilespmem:s24], [sflag:$0x2] =	stream.indirect.gather [hbm4b:s7+s22], $0x80, s31, s22, $0xb8;
	[tilespmem:$0x1E0C0] =	vst v63  }
0xea: {  	_ =	swait.ge [sflag:s25], $0x4000  }
0xeb: {  	[sflag:s25] =	ssyncset.done $0x0  }
0xec: {  	[sflag:s25] =	ssyncadd.s32 $0xFFFFC000  }
0xed: {  	[spmem:s1] =	stream.indirect.scatter.add.f32 [tilespmem:s23], [sflag:$0x3], $0x80, s0, s22, $0xb8;
	[tilespmem:$0x1E0C0] =	vst v63  }
0xee: {  	_ =	swait.ge [sflag:s20], $0x4000  }
0xef: {  	[sflag:s20] =	ssyncset.done $0x0  }
0xf0: {  	[sflag:s20] =	ssyncadd.s32 $0xFFFFC000  }
0xf1: {  	_ =	swait.ge [sflag:s26], $0x4000  }
0xf2: {  	[sflag:s26] =	ssyncset.done $0x0  }
0xf3: {  	[sflag:s26] =	ssyncadd.s32 $0xFFFFC000  }
0xf4: {  	[spmem:s1] =	stream.indirect.scatter.add.f32 [tilespmem:s24], [sflag:$0x3], $0x80, s6, s22, $0xb8;
	[tilespmem:$0x1E0C0] =	vst v63  }
0xf5: {  	_ =	swait.ge [sflag:s20], $0x4000  }
0xf6: {  	[sflag:s20] =	ssyncset.done $0x0  }
0xf7: {  	[sflag:s20] =	ssyncadd.s32 $0xFFFFC000  }
0xf8: {  	[bflag:$0x0] =	sbarrier.arrive $0xFFFF  }
0xf9: {  	[hbm:s16], [sflag:s10] =	dma.local [spmem:s19], $0x2700  }
0xfa: {  	_ =	swait.ge [sflag:s20], $0x2700  }
0xfb: {  	s8 =	sadd.s32 $0x1, s8;
	[sflag:s20] =	ssyncset.done $0x0  }
0xfc: {  	p1 =	sne.s32 s8, s18;
	[sflag:s20] =	ssyncadd.s32 $0xFFFFD900  }
0xfd: {  	[hbm:s17], [sflag:s10] =	dma.local @!p0 [spmem:s9], $0x100  }
.Ltmp2:
0xfe: {  	_ = 	snop;
	(pc) =	sbr.rel @p1 .LBB2_1-.Ltmp2, $4  }
0xff: {  	s9 =	simm.s32 @!p0 $0x3  }
0x100: {  	_ =	swait.ge @!p0 [sflag:s9], $0x100  }
0x101: {  	[sflag:s9] =	ssyncset.done @!p0 $0x0  }
0x102: {  	[sflag:s9] =	ssyncadd.s32 @!p0 $0xFFFFFF00  }
0x103: {  	_ =	sfence.sel $0x180000  }
0x104: {  	[bflag:$0x0] =	sbarrier.arrive $0xFFFF  }
0x105: {  	_ =	strace $0x9000004D  }
0x106: {  	s0 =	stileid.u32;
	[bflag:$0x2] =	sbarrier.arrive $0xFFFF  }
0x107: {  	p0 =	sne.s32 s0, $0x0;
	s0 =	rddreg [dreg:$0x2]  }
0x108: {  	s0 =	sadd.s32 @!p0 $0x100000, s0  }
0x109: {  	[sflag:s0] =	ssyncadd.tile.s32 @!p0 $0x1;
	_ =	shalt  }
.Lfunc_end2:
_tile_overlayer_lowered:
.L_overlay_start_2:
0x10a: {  	(tag) =	ssettag $0x2  }
0x10b: {  	s0 =	rddreg [dreg:$0x0];
	s2 =	stileid.u32  }
0x10c: {  	s1 =	rddreg [dreg:$0x1];
	p0 =	sne.s32 s2, $0x0  }
0x10d: {  	s3 =	rddreg [dreg:$0x2];
	[bflag:$0x3] =	sbarrier.arrive $0xFFFF;
	s2 =	simm.s32 @!p0 $0x1C03  }
0x10e: {  	[timem:s3], [sflag:s2] =	dma.local @!p0 [hbm:s0], s1  }
0x10f: {  	s0 =	simm.s32 @!p0 $0x3  }
0x110: {  	_ =	swait.ge @!p0 [sflag:s0], s1  }
0x111: {  	s1 =	ssub.s32 @!p0 $0x0, s1;
	[sflag:s0] =	ssyncset.done @!p0 $0x0  }
0x112: {  	[sflag:s0] =	ssyncadd.s32 @!p0 s1  }
0x113: {  	[bflag:$0x3] =	sbarrier.arrive $0xFFFF  }
0x114: {  	_ =	shalt  }

// kernel: kernel.19.cloned.1.call-start
scs
__scs_entry_jumppad:
0x0: {  	(pc) =	sbr.rel $0x88, $3  }
0x1: {  	(tag) =	ssettag $0x0;
	lr =	simm.s32 $0x1  }
0x2: {  	[smem:$0x3F90] =	sst lr;
	_ =	strace $0xD0000000  }
0x3: {  	_ = 	snop  }
0x4: {  	_ = 	snop  }
0x5: {  	_ = 	snop  }
0x6: {  	_ = 	snop  }
0x7: {  	_ = 	snop  }
__scs_overlays_trampoline_lowered:
0x8: {  	[smem:$0x3F9F] =	sst s0  }
0x9: {  	[smem:$0x3FA0] =	sst s1  }
0xa: {  	[smem:$0x3FA1] =	sst s2  }
0xb: {  	[smem:$0x3FA2] =	sst s3  }
0xc: {  	[smem:$0x3FA3] =	sst s4  }
0xd: {  	[smem:$0x3FA4] =	sst s5  }
0xe: {  	[smem:$0x3FA5] =	sst s6  }
0xf: {  	[smem:$0x3FA6] =	sst s7  }
0x10: {  	[smem:$0x3FA7] =	sst s8  }
0x11: {  	[smem:$0x3FA8] =	sst s9;
	s0 =	simm.s32 @!p0 $0x0  }
0x12: {  	s1 =	sld [smem:$0x3F8E];
	s0 =	simm.s32 @p0 $0x1  }
0x13: {  	[smem:$0x3FA9] =	sst s0;
	s0 =	simm.s32 @!p1 $0x0  }
0x14: {  	s2 =	sld [smem:$0x3F8D];
	s0 =	simm.s32 @p1 $0x1  }
0x15: {  	[smem:$0x3FAA] =	sst s0;
	s0 =	simm.s32 @!p2 $0x0  }
0x16: {  	s3 =	sld [smem:$0x3FDB];
	s0 =	simm.s32 @p2 $0x1  }
0x17: {  	s4 =	simm.s32 $0x1BF5;
	[smem:$0x3FAC] =	sst s0  }
0x18: {  	s0 =	sld [smem:$0x3F8F];
	_ =	swait.ge [sflag:s4], $0x0  }
0x19: {  	s7 =	sld [smem:$0x3F90]  }
0x1a: {  	s8 =	sadd.s32 $0xFFFFE003, lr  }
0x1b: {  	s9 =	sadd.s32 $0xFFFFFEF7, lr;
	s5 =	simm.s32 $0xFFFFFFFF;
	p2 =	slt.u32 s8, $0xFFFFF086  }
0x1c: {  	p1 =	slt.u32 s9, $0xF7A;
	s5 =	simm.s32 @!p2 $0x0  }
0x1d: {  	s5 =	simm.s32 @p1 $0x1;
	p0 =	seq.s32 s7, s2  }
0x1e: {  	s7 =	smul.u32 @!p0 $0xF7A, s2;
	p2 =	seq.s32 @!p0 s5, $0x0  }
0x1f: {  	s9 =	smul.u32 $0xF7A, s1;
	s8 =	simm.s32 @!p0 $0x1BF5;
	p2 =	por !p2, p0  }
0x20: {  	[sflag:s8] =	ssyncset.s32 @!p0 $0xFFFFF086;
	s6 =	sadd.s32 @!p0 s3, s7;
	s7 =	simm.s32 @!p0 $0x108  }
0x21: {  	s3 =	sadd.s32 s3, s9;
	s6 =	sadd.s32 @!p0 $0x88, s6;
	s7 =	simm.s32 @p2 $0x1082  }
0x22: {  	[simem:s7], [sflag:s8] =	dma.local @!p0 [hbm:s6], $0xF7A  }
0x23: {  	s9 =	sor.u32 $0xD0000000, s2;
	s6 =	simm.s32 $0x108;
	_ =	swait.ge @!p0 [sflag:s8], $0x0  }
0x24: {  	s3 =	sadd.s32 $0x88, s3;
	s6 =	simm.s32 @!p1 $0x1082;
	[sflag:s4] =	ssyncset.s32 $0xFFFFF086  }
0x25: {  	[simem:s6], [sflag:s4] =	dma.local [hbm:s3], $0xF7A  }
0x26: {  	[smem:$0x3F90] =	sst s1;
	(tag) =	ssettag s2;
	_ =	strace s9  }
0x27: {  	s1 =	sld [smem:$0x3FA0]  }
0x28: {  	s2 =	sld [smem:$0x3FA1]  }
0x29: {  	s4 =	sld [smem:$0x3FA3]  }
0x2a: {  	p0 =	seq.s32 s5, $0x0;
	s5 =	sld [smem:$0x3FA4]  }
0x2b: {  	s6 =	sld [smem:$0x3FA5]  }
0x2c: {  	s7 =	sld [smem:$0x3FA6]  }
0x2d: {  	s3 =	simm.s32 $0x108;
	s8 =	sld [smem:$0x3FA7]  }
0x2e: {  	s3 =	simm.s32 @!p0 $0x1082;
	s9 =	sld [smem:$0x3FA8]  }
0x2f: {  	lr =	sadd.s32 s0, s3;
	s0 =	sld [smem:$0x3F9F]  }
0x30: {  	s3 =	sld [smem:$0x3FA2]  }
0x31: {  	[smem:$0x3FAB] =	sst s10  }
0x32: {  	s10 =	sld [smem:$0x3FA9];
	_ =	sdelay $0x3  }
0x33: {  	p0 =	seq.s32 s10, $0x1;
	s10 =	sld [smem:$0x3FAB];
	_ =	sdelay $0x3  }
0x34: {  	[smem:$0x3FAB] =	sst s10  }
0x35: {  	s10 =	sld [smem:$0x3FAA];
	_ =	sdelay $0x3  }
0x36: {  	p1 =	seq.s32 s10, $0x1;
	s10 =	sld [smem:$0x3FAB];
	_ =	sdelay $0x3  }
0x37: {  	[smem:$0x3FAB] =	sst s10  }
0x38: {  	s10 =	sld [smem:$0x3FAC]  }
0x39: {  	_ = 	snop;
	(pc) =	sbr.ind lr, $3  }
0x3a: {  	_ = 	snop  }
0x3b: {  	_ = 	snop  }
0x3c: {  	p2 =	seq.s32 s10, $0x1;
	s10 =	sld [smem:$0x3FAB]  }
0x3d: {  	_ =	shalt  }
0x3e: {  	_ =	shalt  }
0x3f: {  	_ =	shalt  }
0x40: {  	_ =	shalt  }
0x41: {  	_ =	shalt  }
0x42: {  	_ =	shalt  }
0x43: {  	_ =	shalt  }
0x44: {  	_ =	shalt  }
0x45: {  	_ =	shalt  }
0x46: {  	_ =	shalt  }
0x47: {  	_ =	shalt  }
0x48: {  	_ =	shalt  }
0x49: {  	_ =	shalt  }
0x4a: {  	_ =	shalt  }
0x4b: {  	_ =	shalt  }
0x4c: {  	_ =	shalt  }
0x4d: {  	_ =	shalt  }
0x4e: {  	_ =	shalt  }
0x4f: {  	_ =	shalt  }
0x50: {  	_ =	shalt  }
0x51: {  	_ =	shalt  }
0x52: {  	_ =	shalt  }
0x53: {  	_ =	shalt  }
0x54: {  	_ =	shalt  }
0x55: {  	_ =	shalt  }
0x56: {  	_ =	shalt  }
0x57: {  	_ =	shalt  }
0x58: {  	_ =	shalt  }
0x59: {  	_ =	shalt  }
0x5a: {  	_ =	shalt  }
0x5b: {  	_ =	shalt  }
0x5c: {  	_ =	shalt  }
0x5d: {  	_ =	shalt  }
0x5e: {  	_ =	shalt  }
0x5f: {  	_ =	shalt  }
0x60: {  	_ =	shalt  }
0x61: {  	_ =	shalt  }
0x62: {  	_ =	shalt  }
0x63: {  	_ =	shalt  }
0x64: {  	_ =	shalt  }
0x65: {  	_ =	shalt  }
0x66: {  	_ =	shalt  }
0x67: {  	_ =	shalt  }
0x68: {  	_ =	shalt  }
0x69: {  	_ =	shalt  }
0x6a: {  	_ =	shalt  }
0x6b: {  	_ =	shalt  }
0x6c: {  	_ =	shalt  }
0x6d: {  	_ =	shalt  }
0x6e: {  	_ =	shalt  }
0x6f: {  	_ =	shalt  }
0x70: {  	_ =	shalt  }
0x71: {  	_ =	shalt  }
0x72: {  	_ =	shalt  }
0x73: {  	_ =	shalt  }
0x74: {  	_ =	shalt  }
0x75: {  	_ =	shalt  }
0x76: {  	_ =	shalt  }
0x77: {  	_ =	shalt  }
0x78: {  	_ =	shalt  }
0x79: {  	_ =	shalt  }
0x7a: {  	_ =	shalt  }
0x7b: {  	_ =	shalt  }
0x7c: {  	_ =	shalt  }
0x7d: {  	_ =	shalt  }
0x7e: {  	_ =	shalt  }
0x7f: {  	_ =	shalt  }
0x80: {  	_ =	shalt  }
0x81: {  	_ =	shalt  }
0x82: {  	_ =	shalt  }
0x83: {  	_ =	shalt  }
0x84: {  	_ =	shalt  }
0x85: {  	_ =	shalt  }
0x86: {  	_ =	shalt  }
0x87: {  	_ =	shalt  }
.Lfunc_end0:
.L_simem_size_0:
called_computation.3_lowered:
.L_overlay_start_0:
0x88: {  	s2 =	sld [smem:$0x3FD9]  }
0x89: {  	s3 =	sld [smem:$0x3FFE];
	_ =	sdelay $0x1  }
0x8a: {  	s1 =	srdreg.scid  }
0x8b: {  	s0 =	sand.u32 $0x1, s1  }
0x8c: {  	s17 =	sshll.u32 s0, $0xA;
	s2 =	sadd.s32 s3, s2  }
0x8d: {  	s2 =	sadd.s32 s2, s17  }
0x8e: {  	[smem:$0x3FB7] =	sst s2  }
0x8f: {  	_ = 	snop  }
0x90: {  	s2 =	sld [smem:$0x3FD0];
	(tm) =	ssettm $0x1  }
0x91: {  	s18 =	sld [smem:$0x3FFB];
	_ =	sdelay $0x3  }
0x92: {  	_ =	strace s18  }
0x93: {  	s3 =	sld [smem:$0x3FFC];
	_ =	sdelay $0x3  }
0x94: {  	_ =	strace s3  }
0x95: {  	s3 =	sld [smem:$0x3FFD];
	_ =	sdelay $0x3  }
0x96: {  	_ =	strace s3  }
0x97: {  	_ =	strace $0x8FFFFFFF  }
0x98: {  	s19 =	sld [smem:$0x3FDB];
	_ =	sdelay $0x1  }
0x99: {  	s4 =	simm.s32 $_scs_section_size  }
0x9a: {  	s5 =	simm.s32 $_size__tile_overlayer_lowered;
	s6 =	simm.s32 $_tile_overlayer_lowered  }
0x9b: {  	s22 =	simm.s32 $0x1BFF;
	s21 =	sshll.u32 s6, $0x1;
	s3 =	sadd.s32 s4, s19  }
0x9c: {  	s7 =	simm.s32 $0x0;
	s20 =	sshll.u32 s5, $0x1;
	s5 =	sadd.s32 s21, s3  }
0x9d: {  	[timem:s7], [sflag:s22] =	dma.local [hbm:s5], s20  }
0x9e: {  	_ =	swait.ge [sflag:s22], s20  }
0x9f: {  	s4 =	ssub.s32 $0x0, s20;
	[sflag:s22] =	ssyncset.done $0x0  }
0xa0: {  	[sflag:s22] =	ssyncadd.s32 s4;
	_ =	sdelay $0x1  }
0xa1: {  	s23 =	simm.s32 $0x1B8B  }
0xa2: {  	_ =	swait.ge [sflag:s23], $0x1  }
0xa3: {  	[sflag:s23] =	ssyncset.done $0x0  }
0xa4: {  	s25 =	simm.s32 $0x1B8E;
	s24 =	sld [smem:$0x3FFE];
	[sflag:s23] =	ssyncadd.s32 $0xFFFFFFFF  }
0xa5: {  	s26 =	simm.s32 $execute0_lowered;
	[smem:$0x3FD2] =	sst s25  }
0xa6: {  	s5 =	sshll.u32 s26, $0x1;
	_ =	strace $0x8000004F;
	[dreg:$0x1] =	wrdreg $0xFFFFFFFF  }
0xa7: {  	s28 =	simm.s32 $_size_execute0_lowered;
	s3 =	sadd.s32 s3, s5;
	[dreg:$0x0] =	wrdreg $0x0  }
0xa8: {  	s5 =	sshll.u32 s28, $0x1;
	[dreg:$0x2] =	wrdreg s3  }
0xa9: {  	[dreg:$0x3] =	wrdreg s5  }
0xaa: {  	[dreg:$0x4] =	wrdreg $0xC0  }
0xab: {  	_ =	task [dreg:s7], $0x5FFFF  }
0xac: {  	[dreg:$0x1] =	wrdreg $0xFFFFFFFF  }
0xad: {  	[dreg:$0x0] =	wrdreg $0x60  }
0xae: {  	[dreg:$0x2] =	wrdreg s2  }
0xaf: {  	[dreg:$0x3] =	wrdreg s24  }
0xb0: {  	[dreg:$0x4] =	wrdreg $0x68000  }
0xb1: {  	[dreg:$0x5] =	wrdreg $0x9  }
0xb2: {  	_ =	task.clear_ibuf [dreg:s7], $0x6FFFF;
	_ =	strace $0x9000004F  }
0xb3: {  	s29 =	simm.s32 $0x9;
	_ =	strace $0x80000051  }
0xb4: {  	_ =	swait.ge [sflag:s29], $0x1  }
0xb5: {  	[sflag:s29] =	ssyncadd.s32 $0xFFFFFFFF  }
0xb6: {  	_ =	strace $0x90000051  }
0xb7: {  	_ =	sfence  }
0xb8: {  	s30 =	sld [smem:$0x0];
	_ =	sdelay $0x2  }
0xb9: {  	s31 =	sshll.u32 s1, $0xD;
	s1 =	sshrl.u32 s1, $0x2  }
0xba: {  	s3 =	sand.u32 $0x4000, s31;
	s1 =	sadd.s32 s1, s30  }
0xbb: {  	s0 =	sor.u32 s3, s0;
	s1 =	sshll.u32 s1, $0x11  }
0xbc: {  	s0 =	sor.u32 s1, s0  }
0xbd: {  	s0 =	sadd.s32 $0x8F2B, s0  }
0xbe: {  	[sflag:s0] =	ssyncadd.remote.s32 $0x1  }
0xbf: {  	_ =	sfence.sel $0xFFFF  }
0xc0: {  	[dreg:$0x0] =	wrdreg $0xFFFFFFFF;
	(pc) =	sbr.abs _section_cstart, $3  }
0xc1: {  	[dreg:$0x1] =	wrdreg $0xFFFFFFFF  }
0xc2: {  	_ =	task.clear_ibuf [dreg:s7], $0x2FFFF;
	_ =	strace $0x9FFFFFFF  }
0xc3: {  	(tm) =	ssettm $0x7FFFFFFF  }
tec
execute0_lowered:
.L_overlay_start_1:
0x0: {  	(tag) =	ssettag $0x1  }
0x1: {  	s1 =	rddreg [dreg:$0x0]  }
0x2: {  	s0 =	rddreg [dreg:$0x1]  }
0x3: {  	s2 =	rddreg [dreg:$0x2];
	s3 =	simm.s32 $0x0  }
0x4: {  	s8 =	srdreg.scid;
	s20 =	stileid.u32;
	s28 =	simm.s32 $0x2600  }
0x5: {  	s29 =	simm.s32 $0x1300;
	s30 =	simm.s32 $0x2680;
	s31 =	simm.s32 $0x1380  }
0x6: {  	[smem:$0x7FF] =	sst s3;
	s4 =	sadd.s32 $0x8F400, s0;
	s5 =	sadd.s32 $0x10000, s0  }
0x7: {  	s7 =	sadd.s32 $0x17A000, s0;
	s6 =	sadd.s32 $0x85400, s0;
	s9 =	sadd.s32 $0x6000, s0  }
0x8: {  	s8 =	sand.u32 $0x1, s8;
	s15 =	sadd.s32 $0x5E400, s0;
	s11 =	smul.u32 $0x9C00, s20  }
0x9: {  	s0 =	sadd.s32 $0xA2E00, s0;
	s18 =	sshll.u32 s20, $0x6;
	s22 =	sadd.s32 $0x9C000, s2  }
0xa: {  	p0 =	sne.s32 s20, $0xF;
	_ =	strace $0x80000050;
	s10 =	sshll.u32 s8, $0x4  }
0xb: {  	s12 =	ssub.s32 $0x2, s8;
	[dreg:$0x4] =	wrdreg s15;
	s8 =	smul.u32 $0x9C400, s8  }
0xc: {  	[dreg:$0x6] =	wrdreg s22;
	s22 =	simm.s32 $0x80;
	s10 =	sor.u32 s20, s10  }
0xd: {  	s13 =	sshrl.u32 s12, $0x1;
	s14 =	sshrl.u32 s11, $0x3;
	s19 =	sadd.s32 s11, s2  }
0xe: {  	s20 =	simm.s32 $0x3;
	s10 =	smul.u32 $0x2800, s10;
	s12 =	ssub.s32 s12, s13  }
0xf: {  	s17 =	sadd.s32 s15, s14;
	s11 =	sadd.s32 s11, s8;
	s8 =	sshrl.u32 s8, $0x3  }
0x10: {  	s19 =	sshrl.u32 s19, $0x3;
	[dreg:$0x5] =	wrdreg s17;
	s26 =	sshrl.u32 s11, $0x3  }
0x11: {  	s21 =	sshrl.u32 s10, $0x3;
	s10 =	sor.u32 $0x1C03, s18;
	s16 =	sadd.s32 s0, s26  }
0x12: {  	s0 =	sadd.s32 s0, s8;
	s18 =	smax.u32 s12, $0x1;
	s26 =	simm.s32 $0x2  }
0x13: {  	s23 =	sadd.s32 s6, s21;
	s24 =	sadd.s32 s9, s21;
	s25 =	sadd.s32 $0x280, s21  }
0x14: {  	s17 =	sadd.s32 $0x13800, s0;
	s21 =	simm.s32 $0x1400;
	[dreg:$0x7] =	wrdreg s23  }
0x15: {  	s0 =	simm.s32 $0x2700;
	[dreg:$0x8] =	wrdreg s24;
	s14 =	sadd.s32 s6, s25  }
0x16: {  	s15 =	sadd.s32 s9, s25;
	s23 =	simm.s32 $0x2800;
	s24 =	simm.s32 $0x4800  }
0x17: {  	s25 =	simm.s32 $0x1;
	s6 =	simm.s32 $0x2780;
	s9 =	simm.s32 $0x0  }
.LBB2_1:
0x18: {  	s8 =	rddreg [dreg:$0x5]  }
0x19: {  	[spmem:s19], [sflag:s10] =	dma.local [hbm:s8], $0x1380  }
0x1a: {  	_ =	swait.ge [sflag:s20], $0x1380  }
0x1b: {  	[sflag:s20] =	ssyncset.done $0x0;
	s8 =	rddreg [dreg:$0x6]  }
0x1c: {  	s11 =	rddreg [dreg:$0x4];
	[sflag:s20] =	ssyncadd.s32 $0xFFFFEC80;
	s8 =	sshrl.u32 @!p0 s8, $0x3  }
0x1d: {  	[spmem:s8], [sflag:s10] =	dma.local @!p0 [hbm:s11], $0xC0  }
0x1e: {  	s11 =	simm.s32 @!p0 $0x3  }
0x1f: {  	_ =	swait.ge @!p0 [sflag:s11], $0xC0  }
0x20: {  	[sflag:s11] =	ssyncset.done @!p0 $0x0  }
0x21: {  	[sflag:s11] =	ssyncadd.s32 @!p0 $0xFFFFFF40  }
0x22: {  	[bflag:$0x0] =	sbarrier.arrive $0xFFFF  }
0x23: {  	s13 =	rddreg [dreg:$0x7]  }
0x24: {  	[tilespmem:s3], [sflag:$0x3] =	stream.linear.gather [hbm4b:s13+s3], $0x1400, $0x38;
	[tilespmem:$0x10460] =	vst v63  }
0x25: {  	_ =	swait.ge [sflag:s20], $0x1400  }
0x26: {  	[sflag:s20] =	ssyncset.done $0x0  }
0x27: {  	s12 =	rddreg [dreg:$0x8];
	[sflag:s20] =	ssyncadd.s32 $0xFFFFEC00  }
0x28: {  	[tilespmem:s21], [sflag:$0x3] =	stream.linear.gather [hbm4b:s12+s3], $0x1400, $0x38;
	[tilespmem:$0x10460] =	vst v63  }
0x29: {  	_ =	swait.ge [sflag:s20], $0x1400  }
0x2a: {  	[sflag:s20] =	ssyncset.done $0x0  }
0x2b: {  	[sflag:s20] =	ssyncadd.s32 $0xFFFFEC00  }
0x2c: {  	[tilespmem:s23], [sflag:$0x1] =	stream.indirect.gather [hbm4b:s1+s22], $0x40, s3, s22, $0xb8;
	[tilespmem:$0x10460] =	vst v63  }
0x2d: {  	_ = 	snop  }
0x2e: {  	[tilespmem:s24], [sflag:$0x2] =	stream.indirect.gather [hbm4b:s4+s22], $0x40, s22, s22, $0xb8;
	[tilespmem:$0x10460] =	vst v63  }
0x2f: {  	_ =	swait.ge [sflag:s25], $0x2000  }
0x30: {  	[sflag:s25] =	ssyncset.done $0x0  }
0x31: {  	s13 =	simm.s32 $0x1400;
	[sflag:s25] =	ssyncadd.s32 $0xFFFFE000  }
0x32: {  	[spmem:s2] =	stream.indirect.scatter.add.f32 [tilespmem:s23], [sflag:$0x3], $0x40, s13, s22, $0xb8;
	[tilespmem:$0x10460] =	vst v63  }
0x33: {  	_ =	swait.ge [sflag:s20], $0x2000  }
0x34: {  	[sflag:s20] =	ssyncset.done $0x0  }
0x35: {  	s12 =	simm.s32 $0x100;
	[sflag:s20] =	ssyncadd.s32 $0xFFFFE000  }
0x36: {  	[tilespmem:s23], [sflag:$0x1] =	stream.indirect.gather [hbm4b:s5+s22], $0x40, s12, s22, $0xb8;
	[tilespmem:$0x10460] =	vst v63  }
0x37: {  	_ =	swait.ge [sflag:s26], $0x2000  }
0x38: {  	[sflag:s26] =	ssyncset.done $0x0  }
0x39: {  	s13 =	simm.s32 $0x1480;
	[sflag:s26] =	ssyncadd.s32 $0xFFFFE000  }
0x3a: {  	[spmem:s2] =	stream.indirect.scatter.add.f32 [tilespmem:s24], [sflag:$0x3], $0x40, s13, s22, $0xb8;
	[tilespmem:$0x10460] =	vst v63  }
0x3b: {  	_ =	swait.ge [sflag:s20], $0x2000  }
0x3c: {  	[sflag:s20] =	ssyncset.done $0x0  }
0x3d: {  	s12 =	simm.s32 $0x180;
	[sflag:s20] =	ssyncadd.s32 $0xFFFFE000  }
0x3e: {  	[tilespmem:s24], [sflag:$0x2] =	stream.indirect.gather [hbm4b:s7+s22], $0x40, s12, s22, $0xb8;
	[tilespmem:$0x10460] =	vst v63  }
0x3f: {  	_ =	swait.ge [sflag:s25], $0x2000  }
0x40: {  	[sflag:s25] =	ssyncset.done $0x0  }
0x41: {  	s13 =	simm.s32 $0x1500;
	[sflag:s25] =	ssyncadd.s32 $0xFFFFE000  }
0x42: {  	[spmem:s2] =	stream.indirect.scatter.add.f32 [tilespmem:s23], [sflag:$0x3], $0x40, s13, s22, $0xb8;
	[tilespmem:$0x10460] =	vst v63  }
0x43: {  	_ =	swait.ge [sflag:s20], $0x2000  }
0x44: {  	[sflag:s20] =	ssyncset.done $0x0  }
0x45: {  	s12 =	simm.s32 $0x200;
	[sflag:s20] =	ssyncadd.s32 $0xFFFFE000  }
0x46: {  	[tilespmem:s23], [sflag:$0x1] =	stream.indirect.gather [hbm4b:s1+s22], $0x40, s12, s22, $0xb8;
	[tilespmem:$0x10460] =	vst v63  }
0x47: {  	_ =	swait.ge [sflag:s26], $0x2000  }
0x48: {  	[sflag:s26] =	ssyncset.done $0x0  }
0x49: {  	s13 =	simm.s32 $0x1580;
	[sflag:s26] =	ssyncadd.s32 $0xFFFFE000  }
0x4a: {  	[spmem:s2] =	stream.indirect.scatter.add.f32 [tilespmem:s24], [sflag:$0x3], $0x40, s13, s22, $0xb8;
	[tilespmem:$0x10460] =	vst v63  }
0x4b: {  	_ =	swait.ge [sflag:s20], $0x2000  }
0x4c: {  	[sflag:s20] =	ssyncset.done $0x0  }
0x4d: {  	s11 =	simm.s32 $0x800;
	s12 =	simm.s32 $0x280;
	[sflag:s20] =	ssyncadd.s32 $0xFFFFE000  }
.LBB2_2:
0x4e: {  	[tilespmem:s24], [sflag:$0x2] =	stream.indirect.gather [hbm4b:s4+s22], $0x40, s12, s22, $0xb8;
	[tilespmem:$0x10460] =	vst v63  }
0x4f: {  	s12 =	smov.u32 s11  }
0x50: {  	p1 =	sne.s32 s11, $0x4000;
	s11 =	sadd.s32 $0x800, s11;
	_ =	swait.ge [sflag:s25], $0x2000  }
0x51: {  	s12 =	sshra.s32 s12, $0x2;
	[sflag:s25] =	ssyncset.done $0x0  }
0x52: {  	s13 =	sadd.s32 $0x1400, s12;
	[sflag:s25] =	ssyncadd.s32 $0xFFFFE000  }
0x53: {  	[spmem:s2] =	stream.indirect.scatter.add.f32 [tilespmem:s23], [sflag:$0x3], $0x40, s13, s22, $0xb8;
	[tilespmem:$0x10460] =	vst v63  }
0x54: {  	_ =	swait.ge [sflag:s20], $0x2000  }
0x55: {  	[sflag:s20] =	ssyncset.done $0x0  }
0x56: {  	s13 =	sadd.s32 $0x100, s12;
	[sflag:s20] =	ssyncadd.s32 $0xFFFFE000  }
0x57: {  	[tilespmem:s23], [sflag:$0x1] =	stream.indirect.gather [hbm4b:s5+s22], $0x40, s13, s22, $0xb8;
	[tilespmem:$0x10460] =	vst v63  }
0x58: {  	_ =	swait.ge [sflag:s26], $0x2000  }
0x59: {  	[sflag:s26] =	ssyncset.done $0x0  }
0x5a: {  	s13 =	sadd.s32 $0x1480, s12;
	[sflag:s26] =	ssyncadd.s32 $0xFFFFE000  }
0x5b: {  	[spmem:s2] =	stream.indirect.scatter.add.f32 [tilespmem:s24], [sflag:$0x3], $0x40, s13, s22, $0xb8;
	[tilespmem:$0x10460] =	vst v63  }
0x5c: {  	_ =	swait.ge [sflag:s20], $0x2000  }
0x5d: {  	[sflag:s20] =	ssyncset.done $0x0  }
0x5e: {  	s13 =	sadd.s32 $0x180, s12;
	[sflag:s20] =	ssyncadd.s32 $0xFFFFE000  }
0x5f: {  	[tilespmem:s24], [sflag:$0x2] =	stream.indirect.gather [hbm4b:s7+s22], $0x40, s13, s22, $0xb8;
	[tilespmem:$0x10460] =	vst v63  }
0x60: {  	_ =	swait.ge [sflag:s25], $0x2000  }
0x61: {  	[sflag:s25] =	ssyncset.done $0x0  }
0x62: {  	s13 =	sadd.s32 $0x1500, s12;
	[sflag:s25] =	ssyncadd.s32 $0xFFFFE000  }
0x63: {  	[spmem:s2] =	stream.indirect.scatter.add.f32 [tilespmem:s23], [sflag:$0x3], $0x40, s13, s22, $0xb8;
	[tilespmem:$0x10460] =	vst v63  }
0x64: {  	_ =	swait.ge [sflag:s20], $0x2000  }
0x65: {  	[sflag:s20] =	ssyncset.done $0x0  }
0x66: {  	s13 =	sadd.s32 $0x200, s12;
	[sflag:s20] =	ssyncadd.s32 $0xFFFFE000  }
0x67: {  	[tilespmem:s23], [sflag:$0x1] =	stream.indirect.gather [hbm4b:s1+s22], $0x40, s13, s22, $0xb8;
	[tilespmem:$0x10460] =	vst v63  }
0x68: {  	_ =	swait.ge [sflag:s26], $0x2000  }
0x69: {  	[sflag:s26] =	ssyncset.done $0x0  }
.Ltmp0:
0x6a: {  	s13 =	sadd.s32 $0x1580, s12;
	[sflag:s26] =	ssyncadd.s32 $0xFFFFE000;
	(pc) =	sbr.rel @p1 .LBB2_2-.Ltmp0, $4  }
0x6b: {  	[spmem:s2] =	stream.indirect.scatter.add.f32 [tilespmem:s24], [sflag:$0x3], $0x40, s13, s22, $0xb8;
	[tilespmem:$0x10460] =	vst v63  }
0x6c: {  	_ =	swait.ge [sflag:s20], $0x2000  }
0x6d: {  	[sflag:s20] =	ssyncset.done $0x0  }
0x6e: {  	s12 =	sadd.s32 $0x280, s12;
	[sflag:s20] =	ssyncadd.s32 $0xFFFFE000  }
0x6f: {  	[tilespmem:s24], [sflag:$0x2] =	stream.indirect.gather [hbm4b:s4+s22], $0x40, s12, s22, $0xb8;
	[tilespmem:$0x10460] =	vst v63  }
0x70: {  	_ =	swait.ge [sflag:s25], $0x2000  }
0x71: {  	[sflag:s25] =	ssyncset.done $0x0  }
0x72: {  	[sflag:s25] =	ssyncadd.s32 $0xFFFFE000  }
0x73: {  	[spmem:s2] =	stream.indirect.scatter.add.f32 [tilespmem:s23], [sflag:$0x3], $0x40, s28, s22, $0xb8;
	[tilespmem:$0x10460] =	vst v63  }
0x74: {  	_ =	swait.ge [sflag:s20], $0x2000  }
0x75: {  	[sflag:s20] =	ssyncset.done $0x0  }
0x76: {  	[sflag:s20] =	ssyncadd.s32 $0xFFFFE000  }
0x77: {  	[tilespmem:s23], [sflag:$0x1] =	stream.indirect.gather [hbm4b:s5+s22], $0x40, s29, s22, $0xb8;
	[tilespmem:$0x10460] =	vst v63  }
0x78: {  	_ =	swait.ge [sflag:s26], $0x2000  }
0x79: {  	[sflag:s26] =	ssyncset.done $0x0  }
0x7a: {  	[sflag:s26] =	ssyncadd.s32 $0xFFFFE000  }
0x7b: {  	[spmem:s2] =	stream.indirect.scatter.add.f32 [tilespmem:s24], [sflag:$0x3], $0x40, s30, s22, $0xb8;
	[tilespmem:$0x10460] =	vst v63  }
0x7c: {  	_ =	swait.ge [sflag:s20], $0x2000  }
0x7d: {  	[sflag:s20] =	ssyncset.done $0x0  }
0x7e: {  	[sflag:s20] =	ssyncadd.s32 $0xFFFFE000  }
0x7f: {  	[tilespmem:s24], [sflag:$0x2] =	stream.indirect.gather [hbm4b:s7+s22], $0x40, s31, s22, $0xb8;
	[tilespmem:$0x10460] =	vst v63  }
0x80: {  	_ =	swait.ge [sflag:s25], $0x2000  }
0x81: {  	[sflag:s25] =	ssyncset.done $0x0  }
0x82: {  	[sflag:s25] =	ssyncadd.s32 $0xFFFFE000  }
0x83: {  	[spmem:s2] =	stream.indirect.scatter.add.f32 [tilespmem:s23], [sflag:$0x3], $0x40, s0, s22, $0xb8;
	[tilespmem:$0x10460] =	vst v63  }
0x84: {  	_ =	swait.ge [sflag:s20], $0x2000  }
0x85: {  	[sflag:s20] =	ssyncset.done $0x0  }
0x86: {  	[sflag:s20] =	ssyncadd.s32 $0xFFFFE000  }
0x87: {  	_ =	swait.ge [sflag:s26], $0x2000  }
0x88: {  	[sflag:s26] =	ssyncset.done $0x0  }
0x89: {  	[sflag:s26] =	ssyncadd.s32 $0xFFFFE000  }
0x8a: {  	[spmem:s2] =	stream.indirect.scatter.add.f32 [tilespmem:s24], [sflag:$0x3], $0x40, s6, s22, $0xb8;
	[tilespmem:$0x10460] =	vst v63  }
0x8b: {  	_ =	swait.ge [sflag:s20], $0x2000  }
0x8c: {  	[sflag:s20] =	ssyncset.done $0x0  }
0x8d: {  	s11 =	simm.s32 $0x0;
	[sflag:s20] =	ssyncadd.s32 $0xFFFFE000  }
0x8e: {  	[tilespmem:s11], [sflag:$0x3] =	stream.linear.gather [hbm4b:s14+s11], $0x1400, $0x38;
	[tilespmem:$0x10460] =	vst v63  }
0x8f: {  	_ =	swait.ge [sflag:s20], $0x1400  }
0x90: {  	[sflag:s20] =	ssyncset.done $0x0  }
0x91: {  	[sflag:s20] =	ssyncadd.s32 $0xFFFFEC00  }
0x92: {  	[tilespmem:s21], [sflag:$0x3] =	stream.linear.gather [hbm4b:s15+s11], $0x1400, $0x38;
	[tilespmem:$0x10460] =	vst v63  }
0x93: {  	_ =	swait.ge [sflag:s20], $0x1400  }
0x94: {  	[sflag:s20] =	ssyncset.done $0x0  }
0x95: {  	[sflag:s20] =	ssyncadd.s32 $0xFFFFEC00  }
0x96: {  	[tilespmem:s23], [sflag:$0x1] =	stream.indirect.gather [hbm4b:s1+s22], $0x40, s11, s22, $0xb8;
	[tilespmem:$0x10460] =	vst v63  }
0x97: {  	_ = 	snop  }
0x98: {  	[tilespmem:s24], [sflag:$0x2] =	stream.indirect.gather [hbm4b:s4+s22], $0x40, s22, s22, $0xb8;
	[tilespmem:$0x10460] =	vst v63  }
0x99: {  	_ =	swait.ge [sflag:s25], $0x2000  }
0x9a: {  	[sflag:s25] =	ssyncset.done $0x0  }
0x9b: {  	s13 =	simm.s32 $0x1400;
	[sflag:s25] =	ssyncadd.s32 $0xFFFFE000  }
0x9c: {  	[spmem:s2] =	stream.indirect.scatter.add.f32 [tilespmem:s23], [sflag:$0x3], $0x40, s13, s22, $0xb8;
	[tilespmem:$0x10460] =	vst v63  }
0x9d: {  	_ =	swait.ge [sflag:s20], $0x2000  }
0x9e: {  	[sflag:s20] =	ssyncset.done $0x0  }
0x9f: {  	s12 =	simm.s32 $0x100;
	[sflag:s20] =	ssyncadd.s32 $0xFFFFE000  }
0xa0: {  	[tilespmem:s23], [sflag:$0x1] =	stream.indirect.gather [hbm4b:s5+s22], $0x40, s12, s22, $0xb8;
	[tilespmem:$0x10460] =	vst v63  }
0xa1: {  	_ =	swait.ge [sflag:s26], $0x2000  }
0xa2: {  	[sflag:s26] =	ssyncset.done $0x0  }
0xa3: {  	s13 =	simm.s32 $0x1480;
	[sflag:s26] =	ssyncadd.s32 $0xFFFFE000  }
0xa4: {  	[spmem:s2] =	stream.indirect.scatter.add.f32 [tilespmem:s24], [sflag:$0x3], $0x40, s13, s22, $0xb8;
	[tilespmem:$0x10460] =	vst v63  }
0xa5: {  	_ =	swait.ge [sflag:s20], $0x2000  }
0xa6: {  	[sflag:s20] =	ssyncset.done $0x0  }
0xa7: {  	s12 =	simm.s32 $0x180;
	[sflag:s20] =	ssyncadd.s32 $0xFFFFE000  }
0xa8: {  	[tilespmem:s24], [sflag:$0x2] =	stream.indirect.gather [hbm4b:s7+s22], $0x40, s12, s22, $0xb8;
	[tilespmem:$0x10460] =	vst v63  }
0xa9: {  	_ =	swait.ge [sflag:s25], $0x2000  }
0xaa: {  	[sflag:s25] =	ssyncset.done $0x0  }
0xab: {  	s13 =	simm.s32 $0x1500;
	[sflag:s25] =	ssyncadd.s32 $0xFFFFE000  }
0xac: {  	[spmem:s2] =	stream.indirect.scatter.add.f32 [tilespmem:s23], [sflag:$0x3], $0x40, s13, s22, $0xb8;
	[tilespmem:$0x10460] =	vst v63  }
0xad: {  	_ =	swait.ge [sflag:s20], $0x2000  }
0xae: {  	[sflag:s20] =	ssyncset.done $0x0  }
0xaf: {  	s12 =	simm.s32 $0x200;
	[sflag:s20] =	ssyncadd.s32 $0xFFFFE000  }
0xb0: {  	[tilespmem:s23], [sflag:$0x1] =	stream.indirect.gather [hbm4b:s1+s22], $0x40, s12, s22, $0xb8;
	[tilespmem:$0x10460] =	vst v63  }
0xb1: {  	_ =	swait.ge [sflag:s26], $0x2000  }
0xb2: {  	[sflag:s26] =	ssyncset.done $0x0  }
0xb3: {  	s13 =	simm.s32 $0x1580;
	[sflag:s26] =	ssyncadd.s32 $0xFFFFE000  }
0xb4: {  	[spmem:s2] =	stream.indirect.scatter.add.f32 [tilespmem:s24], [sflag:$0x3], $0x40, s13, s22, $0xb8;
	[tilespmem:$0x10460] =	vst v63  }
0xb5: {  	_ =	swait.ge [sflag:s20], $0x2000  }
0xb6: {  	[sflag:s20] =	ssyncset.done $0x0  }
0xb7: {  	s11 =	simm.s32 $0x800;
	s12 =	simm.s32 $0x280;
	[sflag:s20] =	ssyncadd.s32 $0xFFFFE000  }
.LBB2_4:
0xb8: {  	[tilespmem:s24], [sflag:$0x2] =	stream.indirect.gather [hbm4b:s4+s22], $0x40, s12, s22, $0xb8;
	[tilespmem:$0x10460] =	vst v63  }
0xb9: {  	s12 =	smov.u32 s11  }
0xba: {  	p1 =	sne.s32 s11, $0x4000;
	s11 =	sadd.s32 $0x800, s11;
	_ =	swait.ge [sflag:s25], $0x2000  }
0xbb: {  	s12 =	sshra.s32 s12, $0x2;
	[sflag:s25] =	ssyncset.done $0x0  }
0xbc: {  	s13 =	sadd.s32 $0x1400, s12;
	[sflag:s25] =	ssyncadd.s32 $0xFFFFE000  }
0xbd: {  	[spmem:s2] =	stream.indirect.scatter.add.f32 [tilespmem:s23], [sflag:$0x3], $0x40, s13, s22, $0xb8;
	[tilespmem:$0x10460] =	vst v63  }
0xbe: {  	_ =	swait.ge [sflag:s20], $0x2000  }
0xbf: {  	[sflag:s20] =	ssyncset.done $0x0  }
0xc0: {  	s13 =	sadd.s32 $0x100, s12;
	[sflag:s20] =	ssyncadd.s32 $0xFFFFE000  }
0xc1: {  	[tilespmem:s23], [sflag:$0x1] =	stream.indirect.gather [hbm4b:s5+s22], $0x40, s13, s22, $0xb8;
	[tilespmem:$0x10460] =	vst v63  }
0xc2: {  	_ =	swait.ge [sflag:s26], $0x2000  }
0xc3: {  	[sflag:s26] =	ssyncset.done $0x0  }
0xc4: {  	s13 =	sadd.s32 $0x1480, s12;
	[sflag:s26] =	ssyncadd.s32 $0xFFFFE000  }
0xc5: {  	[spmem:s2] =	stream.indirect.scatter.add.f32 [tilespmem:s24], [sflag:$0x3], $0x40, s13, s22, $0xb8;
	[tilespmem:$0x10460] =	vst v63  }
0xc6: {  	_ =	swait.ge [sflag:s20], $0x2000  }
0xc7: {  	[sflag:s20] =	ssyncset.done $0x0  }
0xc8: {  	s13 =	sadd.s32 $0x180, s12;
	[sflag:s20] =	ssyncadd.s32 $0xFFFFE000  }
0xc9: {  	[tilespmem:s24], [sflag:$0x2] =	stream.indirect.gather [hbm4b:s7+s22], $0x40, s13, s22, $0xb8;
	[tilespmem:$0x10460] =	vst v63  }
0xca: {  	_ =	swait.ge [sflag:s25], $0x2000  }
0xcb: {  	[sflag:s25] =	ssyncset.done $0x0  }
0xcc: {  	s13 =	sadd.s32 $0x1500, s12;
	[sflag:s25] =	ssyncadd.s32 $0xFFFFE000  }
0xcd: {  	[spmem:s2] =	stream.indirect.scatter.add.f32 [tilespmem:s23], [sflag:$0x3], $0x40, s13, s22, $0xb8;
	[tilespmem:$0x10460] =	vst v63  }
0xce: {  	_ =	swait.ge [sflag:s20], $0x2000  }
0xcf: {  	[sflag:s20] =	ssyncset.done $0x0  }
0xd0: {  	s13 =	sadd.s32 $0x200, s12;
	[sflag:s20] =	ssyncadd.s32 $0xFFFFE000  }
0xd1: {  	[tilespmem:s23], [sflag:$0x1] =	stream.indirect.gather [hbm4b:s1+s22], $0x40, s13, s22, $0xb8;
	[tilespmem:$0x10460] =	vst v63  }
0xd2: {  	_ =	swait.ge [sflag:s26], $0x2000  }
0xd3: {  	[sflag:s26] =	ssyncset.done $0x0  }
.Ltmp1:
0xd4: {  	s13 =	sadd.s32 $0x1580, s12;
	[sflag:s26] =	ssyncadd.s32 $0xFFFFE000;
	(pc) =	sbr.rel @p1 .LBB2_4-.Ltmp1, $4  }
0xd5: {  	[spmem:s2] =	stream.indirect.scatter.add.f32 [tilespmem:s24], [sflag:$0x3], $0x40, s13, s22, $0xb8;
	[tilespmem:$0x10460] =	vst v63  }
0xd6: {  	_ =	swait.ge [sflag:s20], $0x2000  }
0xd7: {  	[sflag:s20] =	ssyncset.done $0x0  }
0xd8: {  	s12 =	sadd.s32 $0x280, s12;
	[sflag:s20] =	ssyncadd.s32 $0xFFFFE000  }
0xd9: {  	[tilespmem:s24], [sflag:$0x2] =	stream.indirect.gather [hbm4b:s4+s22], $0x40, s12, s22, $0xb8;
	[tilespmem:$0x10460] =	vst v63  }
0xda: {  	_ =	swait.ge [sflag:s25], $0x2000  }
0xdb: {  	[sflag:s25] =	ssyncset.done $0x0  }
0xdc: {  	[sflag:s25] =	ssyncadd.s32 $0xFFFFE000  }
0xdd: {  	[spmem:s2] =	stream.indirect.scatter.add.f32 [tilespmem:s23], [sflag:$0x3], $0x40, s28, s22, $0xb8;
	[tilespmem:$0x10460] =	vst v63  }
0xde: {  	_ =	swait.ge [sflag:s20], $0x2000  }
0xdf: {  	[sflag:s20] =	ssyncset.done $0x0  }
0xe0: {  	[sflag:s20] =	ssyncadd.s32 $0xFFFFE000  }
0xe1: {  	[tilespmem:s23], [sflag:$0x1] =	stream.indirect.gather [hbm4b:s5+s22], $0x40, s29, s22, $0xb8;
	[tilespmem:$0x10460] =	vst v63  }
0xe2: {  	_ =	swait.ge [sflag:s26], $0x2000  }
0xe3: {  	[sflag:s26] =	ssyncset.done $0x0  }
0xe4: {  	[sflag:s26] =	ssyncadd.s32 $0xFFFFE000  }
0xe5: {  	[spmem:s2] =	stream.indirect.scatter.add.f32 [tilespmem:s24], [sflag:$0x3], $0x40, s30, s22, $0xb8;
	[tilespmem:$0x10460] =	vst v63  }
0xe6: {  	_ =	swait.ge [sflag:s20], $0x2000  }
0xe7: {  	[sflag:s20] =	ssyncset.done $0x0  }
0xe8: {  	[sflag:s20] =	ssyncadd.s32 $0xFFFFE000  }
0xe9: {  	[tilespmem:s24], [sflag:$0x2] =	stream.indirect.gather [hbm4b:s7+s22], $0x40, s31, s22, $0xb8;
	[tilespmem:$0x10460] =	vst v63  }
0xea: {  	_ =	swait.ge [sflag:s25], $0x2000  }
0xeb: {  	[sflag:s25] =	ssyncset.done $0x0  }
0xec: {  	[sflag:s25] =	ssyncadd.s32 $0xFFFFE000  }
0xed: {  	[spmem:s2] =	stream.indirect.scatter.add.f32 [tilespmem:s23], [sflag:$0x3], $0x40, s0, s22, $0xb8;
	[tilespmem:$0x10460] =	vst v63  }
0xee: {  	_ =	swait.ge [sflag:s20], $0x2000  }
0xef: {  	[sflag:s20] =	ssyncset.done $0x0  }
0xf0: {  	[sflag:s20] =	ssyncadd.s32 $0xFFFFE000  }
0xf1: {  	_ =	swait.ge [sflag:s26], $0x2000  }
0xf2: {  	[sflag:s26] =	ssyncset.done $0x0  }
0xf3: {  	[sflag:s26] =	ssyncadd.s32 $0xFFFFE000  }
0xf4: {  	[spmem:s2] =	stream.indirect.scatter.add.f32 [tilespmem:s24], [sflag:$0x3], $0x40, s6, s22, $0xb8;
	[tilespmem:$0x10460] =	vst v63  }
0xf5: {  	_ =	swait.ge [sflag:s20], $0x2000  }
0xf6: {  	[sflag:s20] =	ssyncset.done $0x0  }
0xf7: {  	[sflag:s20] =	ssyncadd.s32 $0xFFFFE000  }
0xf8: {  	[bflag:$0x0] =	sbarrier.arrive $0xFFFF  }
0xf9: {  	[hbm:s16], [sflag:s10] =	dma.local [spmem:s19], $0x1380  }
0xfa: {  	_ =	swait.ge [sflag:s20], $0x1380  }
0xfb: {  	s9 =	sadd.s32 $0x1, s9;
	[sflag:s20] =	ssyncset.done $0x0  }
0xfc: {  	p1 =	sne.s32 s9, s18;
	[sflag:s20] =	ssyncadd.s32 $0xFFFFEC80  }
0xfd: {  	[hbm:s17], [sflag:s10] =	dma.local @!p0 [spmem:s8], $0x80  }
.Ltmp2:
0xfe: {  	_ = 	snop;
	(pc) =	sbr.rel @p1 .LBB2_1-.Ltmp2, $4  }
0xff: {  	s8 =	simm.s32 @!p0 $0x3  }
0x100: {  	_ =	swait.ge @!p0 [sflag:s8], $0x80  }
0x101: {  	[sflag:s8] =	ssyncset.done @!p0 $0x0  }
0x102: {  	[sflag:s8] =	ssyncadd.s32 @!p0 $0xFFFFFF80  }
0x103: {  	_ =	sfence.sel $0x180000  }
0x104: {  	[bflag:$0x0] =	sbarrier.arrive $0xFFFF  }
0x105: {  	_ =	strace $0x90000050  }
0x106: {  	s0 =	stileid.u32;
	[bflag:$0x2] =	sbarrier.arrive $0xFFFF  }
0x107: {  	p0 =	sne.s32 s0, $0x0;
	s0 =	rddreg [dreg:$0x3]  }
0x108: {  	s0 =	sadd.s32 @!p0 $0x100000, s0  }
0x109: {  	[sflag:s0] =	ssyncadd.tile.s32 @!p0 $0x1;
	_ =	shalt  }
.Lfunc_end2:
_tile_overlayer_lowered:
.L_overlay_start_2:
0x10a: {  	(tag) =	ssettag $0x2  }
0x10b: {  	s0 =	rddreg [dreg:$0x0];
	s2 =	stileid.u32  }
0x10c: {  	s1 =	rddreg [dreg:$0x1];
	p0 =	sne.s32 s2, $0x0  }
0x10d: {  	s3 =	rddreg [dreg:$0x2];
	[bflag:$0x3] =	sbarrier.arrive $0xFFFF;
	s2 =	simm.s32 @!p0 $0x1C03  }
0x10e: {  	[timem:s3], [sflag:s2] =	dma.local @!p0 [hbm:s0], s1  }
0x10f: {  	s0 =	simm.s32 @!p0 $0x3  }
0x110: {  	_ =	swait.ge @!p0 [sflag:s0], s1  }
0x111: {  	s1 =	ssub.s32 @!p0 $0x0, s1;
	[sflag:s0] =	ssyncset.done @!p0 $0x0  }
0x112: {  	[sflag:s0] =	ssyncadd.s32 @!p0 s1  }
0x113: {  	[bflag:$0x3] =	sbarrier.arrive $0xFFFF  }
0x114: {  	_ =	shalt  }

</sc_bundles>
